<compile_context>
chip_gen: v7x
topology: tpu7x:2x2x1
jax: 0.10.2.dev20260603
libtpu: 0.0.44.dev20260713+nightly
codegen_flags: <defaults>
</compile_context>

<pallas_src>
import functools

import jax
import jax.numpy as jnp
from jax import lax
from jax.experimental import pallas as pl
from jax.experimental.pallas import tpu as pltpu
from jax.experimental.pallas import tpu_sc as plsc

_B, _L, _T = 16, 32, 32
_D = 2048
_N = _B * _L * _T
_NC, _NS = 2, 16
_NW = _NC * _NS
_RPW = _N // _NW
_CH = 8
_NCHUNK = _RPW // _CH
_CPL = _T // _CH
_LPW = _RPW // _T
_LANES = 16
_NG = 4
_NS_BUF = 2


def _sc_embed(tokens_flat, emb_table, pos_table):
    mesh = plsc.VectorSubcoreMesh(core_axis_name="c", subcore_axis_name="s")

    @functools.partial(
        pl.kernel,
        out_type=jax.ShapeDtypeStruct((_N, _D), jnp.float32),
        mesh=mesh,
        scratch_types=[
            pltpu.VMEM((_RPW,), jnp.int32),
            pltpu.VMEM((_D,), jnp.float32),
            pltpu.VMEM((_D,), jnp.float32),
            pltpu.VMEM((_CH, _D), jnp.float32),
            pltpu.VMEM((_CH, _D), jnp.float32),
            pltpu.VMEM((_CH, _D), jnp.float32),
            pltpu.VMEM((_CH, _D), jnp.float32),
            pltpu.VMEM((_CH, _D), jnp.float32),
            pltpu.VMEM((_CH, _D), jnp.float32),
            pltpu.SemaphoreType.DMA,
            pltpu.SemaphoreType.DMA,
            pltpu.SemaphoreType.DMA,
            pltpu.SemaphoreType.DMA,
            pltpu.SemaphoreType.DMA,
            pltpu.SemaphoreType.DMA,
            pltpu.SemaphoreType.DMA,
            pltpu.SemaphoreType.DMA,
        ],
    )
    def k(tok_hbm, emb_hbm, pos_hbm, out_hbm, idx_v, posb0, posb1,
          gbuf0, gbuf1, gbuf2, gbuf3, sbuf0, sbuf1,
          psem0, psem1, gsem0, gsem1, gsem2, gsem3, ssem0, ssem1):
        posbs = (posb0, posb1)
        psems = (psem0, psem1)
        gbufs = (gbuf0, gbuf1, gbuf2, gbuf3)
        gsems = (gsem0, gsem1, gsem2, gsem3)
        sbufs = (sbuf0, sbuf1)
        ssems = (ssem0, ssem1)

        wid = lax.axis_index("s") * _NC + lax.axis_index("c")
        base = wid * _RPW
        l0 = (wid % 2) * _LPW
        pltpu.sync_copy(tok_hbm.at[pl.ds(base, _RPW)], idx_v)

        pltpu.async_copy(pos_hbm.at[l0], posbs[0], psems[0])
        for b in range(_NG):
            pltpu.async_copy(
                emb_hbm.at[idx_v.at[pl.ds(b * _CH, _CH)]], gbufs[b], gsems[b]
            )

        def lbody(i2, carry):
            for d in range(2):
                i = 2 * i2 + d
                pb = d

                pltpu.make_async_copy(
                    pos_hbm.at[l0], posbs[pb], psems[pb]
                ).wait()

                @pl.when(i + 1 < _LPW)
                def _():
                    pltpu.async_copy(
                        pos_hbm.at[l0 + i + 1], posbs[1 - pb], psems[1 - pb]
                    )

                for kk in range(_CPL):
                    c = i * _CPL + kk
                    gs = kk % _NG if d == 0 else (kk + _CPL) % _NG
                    ss = (kk + d * _CPL) % _NS_BUF

                    pltpu.make_async_copy(
                        emb_hbm.at[idx_v.at[pl.ds(0, _CH)]],
                        gbufs[gs], gsems[gs]
                    ).wait()

                    @pl.when(c >= _NS_BUF)
                    def _():
                        pltpu.make_async_copy(
                            sbufs[ss], out_hbm.at[pl.ds(base, _CH)], ssems[ss]
                        ).wait()

                    @plsc.parallel_loop(0, _D // _LANES, unroll=4)
                    def _(j):
                        sl = pl.ds(j * _LANES, _LANES)
                        pv = posbs[pb][sl]
                        for r in range(_CH):
                            sbufs[ss][r, sl] = gbufs[gs][r, sl] + pv

                    pltpu.async_copy(
                        sbufs[ss], out_hbm.at[pl.ds(base + c * _CH, _CH)],
                        ssems[ss],
                    )

                    @pl.when(c + _NG < _NCHUNK)
                    def _():
                        pltpu.async_copy(
                            emb_hbm.at[idx_v.at[pl.ds((c + _NG) * _CH, _CH)]],
                            gbufs[gs],
                            gsems[gs],
                        )

            return carry

        lax.fori_loop(0, _LPW // 2, lbody, 0)

        for ss in range(_NS_BUF):
            pltpu.make_async_copy(
                sbufs[ss], out_hbm.at[pl.ds(base, _CH)], ssems[ss]
            ).wait()

    return k(tokens_flat, emb_table, pos_table)


def kernel(observations_tokens, emb_table, pos_table):
    tokens_flat = observations_tokens.reshape(_N).astype(jnp.int32)
    out = _sc_embed(tokens_flat, emb_table, pos_table)
    return out.reshape(_B, _L, _T, _D)

# --- scband reference (transcript-rebuilt; emitter-appended) ---
"""Pipeline reference for scband-embeddings-54966991454368 (READ-ONLY COPY).

The authoritative reference and input builder live on the scoring server;
editing this copy changes nothing except your own understanding.
"""

import jax, jax.numpy as jnp
import numpy as np

B, L, T = 16, 32, 32
VOCAB = 32000
NB_BINS = 1024
EMB_DIM = 2048
MAX_OBS = 512
TABLE_ROWS = VOCAB + NB_BINS + 1  # 33025
POS_ROWS = MAX_OBS + 1            # 513


def setup_inputs(seed: int = 0) -> dict:
    key = jax.random.key(seed)
    k1, k2, k3 = jax.random.split(key, 3)
    observations_tokens = jax.random.randint(k1, (B, L, T), 0, TABLE_ROWS, dtype=jnp.int64) if jax.config.jax_enable_x64 else jax.random.randint(k1, (B, L, T), 0, TABLE_ROWS, dtype=jnp.int32)
    emb_table = jax.random.normal(k2, (TABLE_ROWS, EMB_DIM), dtype=jnp.float32) * 0.02
    pos_table = jax.random.normal(k3, (POS_ROWS, EMB_DIM), dtype=jnp.float32) * 0.02
    return {"observations_tokens": observations_tokens, "emb_table": emb_table, "pos_table": pos_table}


def reference(observations_tokens, emb_table, pos_table):
    # tokens = cat of tokenized observation keys along dim=2 (single key here)
    tokens = observations_tokens  # (B, L, T)
    # embeddings = self.embeddings(tokens)
    embeddings = jnp.take(emb_table, tokens, axis=0)  # (B, L, T, D)
    b, l, t, d = embeddings.shape
    # obs_pos_emb_idxs = arange(L) -> repeat over batch and token dims
    obs_pos_emb_idxs = jnp.arange(l)
    obs_pos_emb_idxs = jnp.broadcast_to(obs_pos_emb_idxs[None, :, None], (b, l, t))
    observation_pos_embeddings = jnp.take(pos_table, obs_pos_emb_idxs, axis=0)  # (B, L, T, D)
    return embeddings + observation_pos_embeddings

if __name__ == "__main__":
    import jax
    _d = setup_inputs()
    print(jax.jit(kernel)(*tuple(_d.values())))

</pallas_src>

<mosaic_0001>
#map = affine_map<(d0, d1) -> (0)>
#map1 = affine_map<(d0, d1) -> (0, 0)>
module attributes {stable_mosaic.version = 14 : i64} {
  func.func @k(%arg0: i32, %arg1: i32, %arg2: memref<16384xi32, #tpu.memory_space<hbm>>, %arg3: memref<33025x2048xf32, #tpu.memory_space<hbm>>, %arg4: memref<513x2048xf32, #tpu.memory_space<hbm>>, %arg5: memref<16384x2048xf32, #tpu.memory_space<hbm>>, %arg6: memref<512xi32, #tpu.memory_space<vmem>>, %arg7: memref<2048xf32, #tpu.memory_space<vmem>>, %arg8: memref<2048xf32, #tpu.memory_space<vmem>>, %arg9: memref<8x2048xf32, #tpu.memory_space<vmem>>, %arg10: memref<8x2048xf32, #tpu.memory_space<vmem>>, %arg11: memref<8x2048xf32, #tpu.memory_space<vmem>>, %arg12: memref<8x2048xf32, #tpu.memory_space<vmem>>, %arg13: memref<8x2048xf32, #tpu.memory_space<vmem>>, %arg14: memref<8x2048xf32, #tpu.memory_space<vmem>>, %arg15: memref<!tpu.dma_semaphore, #tpu.memory_space<semaphore_mem>>, %arg16: memref<!tpu.dma_semaphore, #tpu.memory_space<semaphore_mem>>, %arg17: memref<!tpu.dma_semaphore, #tpu.memory_space<semaphore_mem>>, %arg18: memref<!tpu.dma_semaphore, #tpu.memory_space<semaphore_mem>>, %arg19: memref<!tpu.dma_semaphore, #tpu.memory_space<semaphore_mem>>, %arg20: memref<!tpu.dma_semaphore, #tpu.memory_space<semaphore_mem>>, %arg21: memref<!tpu.dma_semaphore, #tpu.memory_space<semaphore_mem>>, %arg22: memref<!tpu.dma_semaphore, #tpu.memory_space<semaphore_mem>>) attributes {dimension_semantics = [#tpu.dimension_semantics<core_parallel>, #tpu.dimension_semantics<subcore_parallel>], iteration_bounds = array<i64: 2, 16>, scalar_prefetch = 0 : i64, scratch_operands = 17 : i64, tpu.core_type = #tpu.core_type<sc_vector_subcore>, window_params = [{transform_indices = #map}, {transform_indices = #map1}, {transform_indices = #map1}, {transform_indices = #map1}]} {
    %mul3A = arith.constant 2 : i32
    %mul3A_0 = arith.muli %arg1, %mul3A : i32
    %add3A = arith.addi %mul3A_0, %arg0 : i32
    %mul3A_1 = arith.constant 512 : i32
    %mul3A_2 = arith.muli %add3A, %mul3A_1 : i32
    %jit3A = arith.constant 2 : i32
    %eq3A = arith.constant 0 : i32
    %eq3A_3 = arith.cmpi eq, %jit3A, %eq3A : i32
    %jit3A_4 = arith.constant 1 : i32
    %select_n3A = arith.select %eq3A_3, %jit3A_4, %jit3A : i32
    %rem3A = arith.remsi %add3A, %select_n3A : i32
    %ne3A = arith.constant 0 : i32
    %ne3A_5 = arith.cmpi ne, %rem3A, %ne3A : i32
    %lt3A = arith.constant 0 : i32
    %lt3A_6 = arith.cmpi slt, %rem3A, %lt3A : i32
    %lt3A_7 = arith.constant 0 : i32
    %lt3A_8 = arith.cmpi slt, %select_n3A, %lt3A_7 : i32
    %ne3A_9 = arith.xori %lt3A_6, %lt3A_8 : i1
    %and3A = arith.andi %ne3A_9, %ne3A_5 : i1
    %add3A_10 = arith.addi %rem3A, %select_n3A : i32
    %select_n3A_11 = arith.select %and3A, %add3A_10, %rem3A : i32
    %mul3A_12 = arith.constant 16 : i32
    %mul3A_13 = arith.muli %select_n3A_11, %mul3A_12 : i32
    "tpu.region"() ({
      %run_scoped3A = tpu.sem_alloc : memref<!tpu.dma_semaphore, #tpu.memory_space<semaphore_mem>>
      %dma_start3A_51 = tpu.memref_slice %arg2[%mul3A_2] : memref<16384xi32, #tpu.memory_space<hbm>> -> memref<512xi32, #tpu.memory_space<hbm>>
      %dma_start3A_52 = tpu.memref_slice %arg2[%mul3A_2] : memref<16384xi32, #tpu.memory_space<hbm>> -> memref<512xi32, #tpu.memory_space<hbm>>
      tpu.enqueue_dma source(%dma_start3A_52 : memref<512xi32, #tpu.memory_space<hbm>>) target(%arg6 : memref<512xi32, #tpu.memory_space<vmem>>) target_semaphore(%run_scoped3A : memref<!tpu.dma_semaphore, #tpu.memory_space<semaphore_mem>>)
      %dma_wait3A_53 = tpu.memref_slice %arg2[%mul3A_2] : memref<16384xi32, #tpu.memory_space<hbm>> -> memref<512xi32, #tpu.memory_space<hbm>>
      %dma_wait3A_54 = tpu.memref_slice %arg2[%mul3A_2] : memref<16384xi32, #tpu.memory_space<hbm>> -> memref<512xi32, #tpu.memory_space<hbm>>
      tpu.wait_dma2 semaphore(%run_scoped3A : memref<!tpu.dma_semaphore, #tpu.memory_space<semaphore_mem>>) src(%dma_wait3A_54 : memref<512xi32, #tpu.memory_space<hbm>>) dst(%arg6 : memref<512xi32, #tpu.memory_space<vmem>>)
      tpu.yield
    }) : () -> ()
    %dma_start3A = arith.constant 0 : i32
    %dma_start3A_14 = tpu.memref_slice %arg4[%mul3A_13, %dma_start3A] : memref<513x2048xf32, #tpu.memory_space<hbm>> -> memref<1x2048xf32, #tpu.memory_space<hbm>>
    %dma_start3A_15 = tpu.memref_squeeze %dma_start3A_14 : memref<1x2048xf32, #tpu.memory_space<hbm>> -> memref<2048xf32, #tpu.memory_space<hbm>>
    %dma_start3A_16 = arith.constant 0 : i32
    %dma_start3A_17 = tpu.memref_slice %arg4[%mul3A_13, %dma_start3A_16] : memref<513x2048xf32, #tpu.memory_space<hbm>> -> memref<1x2048xf32, #tpu.memory_space<hbm>>
    %dma_start3A_18 = tpu.memref_squeeze %dma_start3A_17 : memref<1x2048xf32, #tpu.memory_space<hbm>> -> memref<2048xf32, #tpu.memory_space<hbm>>
    tpu.enqueue_dma source(%dma_start3A_18 : memref<2048xf32, #tpu.memory_space<hbm>>) target(%arg7 : memref<2048xf32, #tpu.memory_space<vmem>>) target_semaphore(%arg15 : memref<!tpu.dma_semaphore, #tpu.memory_space<semaphore_mem>>)
    %dma_start3A_19 = arith.constant 0 : i32
    %dma_start3A_20 = tpu.memref_slice %arg6[%dma_start3A_19] : memref<512xi32, #tpu.memory_space<vmem>> -> memref<8xi32, #tpu.memory_space<vmem>>
    %dma_start3A_21 = arith.constant 0 : i32
    %dma_start3A_22 = arith.constant 0 : i32
    %dma_start3A_23 = tpu.memref_slice %arg3[%dma_start3A_21, %dma_start3A_22] : memref<33025x2048xf32, #tpu.memory_space<hbm>> -> memref<33025x2048xf32, #tpu.memory_space<hbm>>
    tpu.enqueue_indirect_dma source(%dma_start3A_23 : memref<33025x2048xf32, #tpu.memory_space<hbm>>) target(%arg9 : memref<8x2048xf32, #tpu.memory_space<vmem>>) offsets(%dma_start3A_20 : memref<8xi32, #tpu.memory_space<vmem>>) semaphore(%arg17 : memref<!tpu.dma_semaphore, #tpu.memory_space<semaphore_mem>>)
    %dma_start3A_24 = arith.constant 8 : i32
    %dma_start3A_25 = tpu.memref_slice %arg6[%dma_start3A_24] : memref<512xi32, #tpu.memory_space<vmem>> -> memref<8xi32, #tpu.memory_space<vmem>>
    %dma_start3A_26 = arith.constant 0 : i32
    %dma_start3A_27 = arith.constant 0 : i32
    %dma_start3A_28 = tpu.memref_slice %arg3[%dma_start3A_26, %dma_start3A_27] : memref<33025x2048xf32, #tpu.memory_space<hbm>> -> memref<33025x2048xf32, #tpu.memory_space<hbm>>
    tpu.enqueue_indirect_dma source(%dma_start3A_28 : memref<33025x2048xf32, #tpu.memory_space<hbm>>) target(%arg10 : memref<8x2048xf32, #tpu.memory_space<vmem>>) offsets(%dma_start3A_25 : memref<8xi32, #tpu.memory_space<vmem>>) semaphore(%arg18 : memref<!tpu.dma_semaphore, #tpu.memory_space<semaphore_mem>>)
    %dma_start3A_29 = arith.constant 16 : i32
    %dma_start3A_30 = tpu.memref_slice %arg6[%dma_start3A_29] : memref<512xi32, #tpu.memory_space<vmem>> -> memref<8xi32, #tpu.memory_space<vmem>>
    %dma_start3A_31 = arith.constant 0 : i32
    %dma_start3A_32 = arith.constant 0 : i32
    %dma_start3A_33 = tpu.memref_slice %arg3[%dma_start3A_31, %dma_start3A_32] : memref<33025x2048xf32, #tpu.memory_space<hbm>> -> memref<33025x2048xf32, #tpu.memory_space<hbm>>
    tpu.enqueue_indirect_dma source(%dma_start3A_33 : memref<33025x2048xf32, #tpu.memory_space<hbm>>) target(%arg11 : memref<8x2048xf32, #tpu.memory_space<vmem>>) offsets(%dma_start3A_30 : memref<8xi32, #tpu.memory_space<vmem>>) semaphore(%arg19 : memref<!tpu.dma_semaphore, #tpu.memory_space<semaphore_mem>>)
    %dma_start3A_34 = arith.constant 24 : i32
    %dma_start3A_35 = tpu.memref_slice %arg6[%dma_start3A_34] : memref<512xi32, #tpu.memory_space<vmem>> -> memref<8xi32, #tpu.memory_space<vmem>>
    %dma_start3A_36 = arith.constant 0 : i32
    %dma_start3A_37 = arith.constant 0 : i32
    %dma_start3A_38 = tpu.memref_slice %arg3[%dma_start3A_36, %dma_start3A_37] : memref<33025x2048xf32, #tpu.memory_space<hbm>> -> memref<33025x2048xf32, #tpu.memory_space<hbm>>
    tpu.enqueue_indirect_dma source(%dma_start3A_38 : memref<33025x2048xf32, #tpu.memory_space<hbm>>) target(%arg12 : memref<8x2048xf32, #tpu.memory_space<vmem>>) offsets(%dma_start3A_35 : memref<8xi32, #tpu.memory_space<vmem>>) semaphore(%arg20 : memref<!tpu.dma_semaphore, #tpu.memory_space<semaphore_mem>>)
    %scan3A = arith.constant 0 : i32
    %scan3A_39 = arith.constant 0 : i32
    %scan3A_40 = arith.constant 8 : i32
    %scan3A_41 = arith.addi %scan3A_39, %scan3A_40 : i32
    %scan3A_42 = arith.constant 1 : i32
    scf.for %scan3A_51 = %scan3A_39 to %scan3A_41 step %scan3A_42  : i32 {
      %mul3A_52 = arith.constant 2 : i32
      %mul3A_53 = arith.muli %mul3A_52, %scan3A_51 : i32
      %add3A_54 = arith.constant 0 : i32
      %add3A_55 = arith.addi %mul3A_53, %add3A_54 : i32
      %dma_wait3A_56 = arith.constant 0 : i32
      %dma_wait3A_57 = tpu.memref_slice %arg4[%mul3A_13, %dma_wait3A_56] : memref<513x2048xf32, #tpu.memory_space<hbm>> -> memref<1x2048xf32, #tpu.memory_space<hbm>>
      %dma_wait3A_58 = tpu.memref_squeeze %dma_wait3A_57 : memref<1x2048xf32, #tpu.memory_space<hbm>> -> memref<2048xf32, #tpu.memory_space<hbm>>
      %dma_wait3A_59 = arith.constant 0 : i32
      %dma_wait3A_60 = tpu.memref_slice %arg4[%mul3A_13, %dma_wait3A_59] : memref<513x2048xf32, #tpu.memory_space<hbm>> -> memref<1x2048xf32, #tpu.memory_space<hbm>>
      %dma_wait3A_61 = tpu.memref_squeeze %dma_wait3A_60 : memref<1x2048xf32, #tpu.memory_space<hbm>> -> memref<2048xf32, #tpu.memory_space<hbm>>
      tpu.wait_dma2 semaphore(%arg15 : memref<!tpu.dma_semaphore, #tpu.memory_space<semaphore_mem>>) src(%dma_wait3A_61 : memref<2048xf32, #tpu.memory_space<hbm>>) dst(%arg7 : memref<2048xf32, #tpu.memory_space<vmem>>)
      %add3A_62 = arith.constant 1 : i32
      %add3A_63 = arith.addi %add3A_55, %add3A_62 : i32
      %lt3A_64 = arith.constant 16 : i32
      %lt3A_65 = arith.cmpi slt, %add3A_63, %lt3A_64 : i32
      %convert_element_type3A = arith.extui %lt3A_65 : i1 to i32
      %cond3A = arith.constant 0 : i32
      %cond3A_66 = arith.cmpi ne, %convert_element_type3A, %cond3A : i32
      scf.if %cond3A_66 {
        %add3A_330 = arith.addi %mul3A_13, %add3A_55 : i32
        %add3A_331 = arith.constant 1 : i32
        %add3A_332 = arith.addi %add3A_330, %add3A_331 : i32
        %dma_start3A_333 = arith.constant 0 : i32
        %dma_start3A_334 = tpu.memref_slice %arg4[%add3A_332, %dma_start3A_333] : memref<513x2048xf32, #tpu.memory_space<hbm>> -> memref<1x2048xf32, #tpu.memory_space<hbm>>
        %dma_start3A_335 = tpu.memref_squeeze %dma_start3A_334 : memref<1x2048xf32, #tpu.memory_space<hbm>> -> memref<2048xf32, #tpu.memory_space<hbm>>
        %dma_start3A_336 = arith.constant 0 : i32
        %dma_start3A_337 = tpu.memref_slice %arg4[%add3A_332, %dma_start3A_336] : memref<513x2048xf32, #tpu.memory_space<hbm>> -> memref<1x2048xf32, #tpu.memory_space<hbm>>
        %dma_start3A_338 = tpu.memref_squeeze %dma_start3A_337 : memref<1x2048xf32, #tpu.memory_space<hbm>> -> memref<2048xf32, #tpu.memory_space<hbm>>
        tpu.enqueue_dma source(%dma_start3A_338 : memref<2048xf32, #tpu.memory_space<hbm>>) target(%arg8 : memref<2048xf32, #tpu.memory_space<vmem>>) target_semaphore(%arg16 : memref<!tpu.dma_semaphore, #tpu.memory_space<semaphore_mem>>)
      } else {
      }
      %mul3A_67 = arith.constant 4 : i32
      %mul3A_68 = arith.muli %add3A_55, %mul3A_67 : i32
      %add3A_69 = arith.constant 0 : i32
      %add3A_70 = arith.addi %mul3A_68, %add3A_69 : i32
      %dma_wait3A_71 = arith.constant 0 : i32
      %dma_wait3A_72 = tpu.memref_slice %arg6[%dma_wait3A_71] : memref<512xi32, #tpu.memory_space<vmem>> -> memref<8xi32, #tpu.memory_space<vmem>>
      %dma_wait3A_73 = arith.constant 0 : i32
      %dma_wait3A_74 = arith.constant 0 : i32
      %dma_wait3A_75 = tpu.memref_slice %arg3[%dma_wait3A_73, %dma_wait3A_74] : memref<33025x2048xf32, #tpu.memory_space<hbm>> -> memref<33025x2048xf32, #tpu.memory_space<hbm>>
      tpu.wait_indirect_dma semaphore(%arg17 : memref<!tpu.dma_semaphore, #tpu.memory_space<semaphore_mem>>) src(%dma_wait3A_75 : memref<33025x2048xf32, #tpu.memory_space<hbm>>) dst(%arg9 : memref<8x2048xf32, #tpu.memory_space<vmem>>)
      %ge3A = arith.constant 2 : i32
      %ge3A_76 = arith.cmpi sge, %add3A_70, %ge3A : i32
      %convert_element_type3A_77 = arith.extui %ge3A_76 : i1 to i32
      %cond3A_78 = arith.constant 0 : i32
      %cond3A_79 = arith.cmpi ne, %convert_element_type3A_77, %cond3A_78 : i32
      scf.if %cond3A_79 {
        %dma_wait3A_330 = arith.constant 0 : i32
        %dma_wait3A_331 = tpu.memref_slice %arg5[%mul3A_2, %dma_wait3A_330] : memref<16384x2048xf32, #tpu.memory_space<hbm>> -> memref<8x2048xf32, #tpu.memory_space<hbm>>
        %dma_wait3A_332 = arith.constant 0 : i32
        %dma_wait3A_333 = tpu.memref_slice %arg5[%mul3A_2, %dma_wait3A_332] : memref<16384x2048xf32, #tpu.memory_space<hbm>> -> memref<8x2048xf32, #tpu.memory_space<hbm>>
        tpu.wait_dma2 semaphore(%arg21 : memref<!tpu.dma_semaphore, #tpu.memory_space<semaphore_mem>>) src(%arg13 : memref<8x2048xf32, #tpu.memory_space<vmem>>) dst(%dma_wait3A_333 : memref<8x2048xf32, #tpu.memory_space<hbm>>)
      } else {
      }
      %parallel_loop3A = arith.constant 0 : i32
      %parallel_loop3A_80 = arith.constant 128 : i32
      %parallel_loop3A_81 = arith.constant 1 : i32
      scf.for %parallel_loop3A_330 = %parallel_loop3A to %parallel_loop3A_80 step %parallel_loop3A_81  : i32 {
        %parallel_loop3A_331 = arith.constant 16 : i32
        %parallel_loop3A_332 = arith.muli %parallel_loop3A_330, %parallel_loop3A_331 : i32
        %parallel_loop3A_333 = arith.index_cast %parallel_loop3A_332 : i32 to index
        %parallel_loop3A_334 = tpu.vector_load %arg7[%parallel_loop3A_333] {strides = array<i32>} : memref<2048xf32, #tpu.memory_space<vmem>>, vector<16xf32>,
        %parallel_loop3A_335 = vector.shape_cast %parallel_loop3A_334 : vector<16xf32> to vector<16xf32>
        %parallel_loop3A_336 = arith.constant 0 : i32
        %parallel_loop3A_337 = arith.index_cast %parallel_loop3A_336 : i32 to index
        %parallel_loop3A_338 = arith.index_cast %parallel_loop3A_332 : i32 to index
        %parallel_loop3A_339 = tpu.vector_load %arg9[%parallel_loop3A_337, %parallel_loop3A_338] {strides = array<i32>} : memref<8x2048xf32, #tpu.memory_space<vmem>>, vector<1x16xf32>,
        %parallel_loop3A_340 = vector.shape_cast %parallel_loop3A_339 : vector<1x16xf32> to vector<16xf32>
        %parallel_loop3A_341 = arith.addf %parallel_loop3A_340, %parallel_loop3A_335 : vector<16xf32>
        %parallel_loop3A_342 = arith.constant 0 : i32
        %parallel_loop3A_343 = arith.index_cast %parallel_loop3A_342 : i32 to index
        %parallel_loop3A_344 = arith.index_cast %parallel_loop3A_332 : i32 to index
        %parallel_loop3A_345 = tpu.vector_load %arg13[%parallel_loop3A_343, %parallel_loop3A_344] {strides = array<i32>} : memref<8x2048xf32, #tpu.memory_space<vmem>>, vector<1x16xf32>,
        %parallel_loop3A_346 = vector.shape_cast %parallel_loop3A_345 : vector<1x16xf32> to vector<16xf32>
        %parallel_loop3A_347 = vector.shape_cast %parallel_loop3A_341 : vector<16xf32> to vector<1x16xf32>
        tpu.vector_store %arg13[%parallel_loop3A_343, %parallel_loop3A_344], %parallel_loop3A_347 {strides = array<i32>} : memref<8x2048xf32, #tpu.memory_space<vmem>>, vector<1x16xf32>,
        %parallel_loop3A_348 = arith.constant 1 : i32
        %parallel_loop3A_349 = arith.index_cast %parallel_loop3A_348 : i32 to index
        %parallel_loop3A_350 = arith.index_cast %parallel_loop3A_332 : i32 to index
        %parallel_loop3A_351 = tpu.vector_load %arg9[%parallel_loop3A_349, %parallel_loop3A_350] {strides = array<i32>} : memref<8x2048xf32, #tpu.memory_space<vmem>>, vector<1x16xf32>,
        %parallel_loop3A_352 = vector.shape_cast %parallel_loop3A_351 : vector<1x16xf32> to vector<16xf32>
        %parallel_loop3A_353 = arith.addf %parallel_loop3A_352, %parallel_loop3A_335 : vector<16xf32>
        %parallel_loop3A_354 = arith.constant 1 : i32
        %parallel_loop3A_355 = arith.index_cast %parallel_loop3A_354 : i32 to index
        %parallel_loop3A_356 = arith.index_cast %parallel_loop3A_332 : i32 to index
        %parallel_loop3A_357 = tpu.vector_load %arg13[%parallel_loop3A_355, %parallel_loop3A_356] {strides = array<i32>} : memref<8x2048xf32, #tpu.memory_space<vmem>>, vector<1x16xf32>,
        %parallel_loop3A_358 = vector.shape_cast %parallel_loop3A_357 : vector<1x16xf32> to vector<16xf32>
        %parallel_loop3A_359 = vector.shape_cast %parallel_loop3A_353 : vector<16xf32> to vector<1x16xf32>
        tpu.vector_store %arg13[%parallel_loop3A_355, %parallel_loop3A_356], %parallel_loop3A_359 {strides = array<i32>} : memref<8x2048xf32, #tpu.memory_space<vmem>>, vector<1x16xf32>,
        %parallel_loop3A_360 = arith.constant 2 : i32
        %parallel_loop3A_361 = arith.index_cast %parallel_loop3A_360 : i32 to index
        %parallel_loop3A_362 = arith.index_cast %parallel_loop3A_332 : i32 to index
        %parallel_loop3A_363 = tpu.vector_load %arg9[%parallel_loop3A_361, %parallel_loop3A_362] {strides = array<i32>} : memref<8x2048xf32, #tpu.memory_space<vmem>>, vector<1x16xf32>,
        %parallel_loop3A_364 = vector.shape_cast %parallel_loop3A_363 : vector<1x16xf32> to vector<16xf32>
        %parallel_loop3A_365 = arith.addf %parallel_loop3A_364, %parallel_loop3A_335 : vector<16xf32>
        %parallel_loop3A_366 = arith.constant 2 : i32
        %parallel_loop3A_367 = arith.index_cast %parallel_loop3A_366 : i32 to index
        %parallel_loop3A_368 = arith.index_cast %parallel_loop3A_332 : i32 to index
        %parallel_loop3A_369 = tpu.vector_load %arg13[%parallel_loop3A_367, %parallel_loop3A_368] {strides = array<i32>} : memref<8x2048xf32, #tpu.memory_space<vmem>>, vector<1x16xf32>,
        %parallel_loop3A_370 = vector.shape_cast %parallel_loop3A_369 : vector<1x16xf32> to vector<16xf32>
        %parallel_loop3A_371 = vector.shape_cast %parallel_loop3A_365 : vector<16xf32> to vector<1x16xf32>
        tpu.vector_store %arg13[%parallel_loop3A_367, %parallel_loop3A_368], %parallel_loop3A_371 {strides = array<i32>} : memref<8x2048xf32, #tpu.memory_space<vmem>>, vector<1x16xf32>,
        %parallel_loop3A_372 = arith.constant 3 : i32
        %parallel_loop3A_373 = arith.index_cast %parallel_loop3A_372 : i32 to index
        %parallel_loop3A_374 = arith.index_cast %parallel_loop3A_332 : i32 to index
        %parallel_loop3A_375 = tpu.vector_load %arg9[%parallel_loop3A_373, %parallel_loop3A_374] {strides = array<i32>} : memref<8x2048xf32, #tpu.memory_space<vmem>>, vector<1x16xf32>,
        %parallel_loop3A_376 = vector.shape_cast %parallel_loop3A_375 : vector<1x16xf32> to vector<16xf32>
        %parallel_loop3A_377 = arith.addf %parallel_loop3A_376, %parallel_loop3A_335 : vector<16xf32>
        %parallel_loop3A_378 = arith.constant 3 : i32
        %parallel_loop3A_379 = arith.index_cast %parallel_loop3A_378 : i32 to index
        %parallel_loop3A_380 = arith.index_cast %parallel_loop3A_332 : i32 to index
        %parallel_loop3A_381 = tpu.vector_load %arg13[%parallel_loop3A_379, %parallel_loop3A_380] {strides = array<i32>} : memref<8x2048xf32, #tpu.memory_space<vmem>>, vector<1x16xf32>,
        %parallel_loop3A_382 = vector.shape_cast %parallel_loop3A_381 : vector<1x16xf32> to vector<16xf32>
        %parallel_loop3A_383 = vector.shape_cast %parallel_loop3A_377 : vector<16xf32> to vector<1x16xf32>
        tpu.vector_store %arg13[%parallel_loop3A_379, %parallel_loop3A_380], %parallel_loop3A_383 {strides = array<i32>} : memref<8x2048xf32, #tpu.memory_space<vmem>>, vector<1x16xf32>,
        %parallel_loop3A_384 = arith.constant 4 : i32
        %parallel_loop3A_385 = arith.index_cast %parallel_loop3A_384 : i32 to index
        %parallel_loop3A_386 = arith.index_cast %parallel_loop3A_332 : i32 to index
        %parallel_loop3A_387 = tpu.vector_load %arg9[%parallel_loop3A_385, %parallel_loop3A_386] {strides = array<i32>} : memref<8x2048xf32, #tpu.memory_space<vmem>>, vector<1x16xf32>,
        %parallel_loop3A_388 = vector.shape_cast %parallel_loop3A_387 : vector<1x16xf32> to vector<16xf32>
        %parallel_loop3A_389 = arith.addf %parallel_loop3A_388, %parallel_loop3A_335 : vector<16xf32>
        %parallel_loop3A_390 = arith.constant 4 : i32
        %parallel_loop3A_391 = arith.index_cast %parallel_loop3A_390 : i32 to index
        %parallel_loop3A_392 = arith.index_cast %parallel_loop3A_332 : i32 to index
        %parallel_loop3A_393 = tpu.vector_load %arg13[%parallel_loop3A_391, %parallel_loop3A_392] {strides = array<i32>} : memref<8x2048xf32, #tpu.memory_space<vmem>>, vector<1x16xf32>,
        %parallel_loop3A_394 = vector.shape_cast %parallel_loop3A_393 : vector<1x16xf32> to vector<16xf32>
        %parallel_loop3A_395 = vector.shape_cast %parallel_loop3A_389 : vector<16xf32> to vector<1x16xf32>
        tpu.vector_store %arg13[%parallel_loop3A_391, %parallel_loop3A_392], %parallel_loop3A_395 {strides = array<i32>} : memref<8x2048xf32, #tpu.memory_space<vmem>>, vector<1x16xf32>,
        %parallel_loop3A_396 = arith.constant 5 : i32
        %parallel_loop3A_397 = arith.index_cast %parallel_loop3A_396 : i32 to index
        %parallel_loop3A_398 = arith.index_cast %parallel_loop3A_332 : i32 to index
        %parallel_loop3A_399 = tpu.vector_load %arg9[%parallel_loop3A_397, %parallel_loop3A_398] {strides = array<i32>} : memref<8x2048xf32, #tpu.memory_space<vmem>>, vector<1x16xf32>,
        %parallel_loop3A_400 = vector.shape_cast %parallel_loop3A_399 : vector<1x16xf32> to vector<16xf32>
        %parallel_loop3A_401 = arith.addf %parallel_loop3A_400, %parallel_loop3A_335 : vector<16xf32>
        %parallel_loop3A_402 = arith.constant 5 : i32
        %parallel_loop3A_403 = arith.index_cast %parallel_loop3A_402 : i32 to index
        %parallel_loop3A_404 = arith.index_cast %parallel_loop3A_332 : i32 to index
        %parallel_loop3A_405 = tpu.vector_load %arg13[%parallel_loop3A_403, %parallel_loop3A_404] {strides = array<i32>} : memref<8x2048xf32, #tpu.memory_space<vmem>>, vector<1x16xf32>,
        %parallel_loop3A_406 = vector.shape_cast %parallel_loop3A_405 : vector<1x16xf32> to vector<16xf32>
        %parallel_loop3A_407 = vector.shape_cast %parallel_loop3A_401 : vector<16xf32> to vector<1x16xf32>
        tpu.vector_store %arg13[%parallel_loop3A_403, %parallel_loop3A_404], %parallel_loop3A_407 {strides = array<i32>} : memref<8x2048xf32, #tpu.memory_space<vmem>>, vector<1x16xf32>,
        %parallel_loop3A_408 = arith.constant 6 : i32
        %parallel_loop3A_409 = arith.index_cast %parallel_loop3A_408 : i32 to index
        %parallel_loop3A_410 = arith.index_cast %parallel_loop3A_332 : i32 to index
        %parallel_loop3A_411 = tpu.vector_load %arg9[%parallel_loop3A_409, %parallel_loop3A_410] {strides = array<i32>} : memref<8x2048xf32, #tpu.memory_space<vmem>>, vector<1x16xf32>,
        %parallel_loop3A_412 = vector.shape_cast %parallel_loop3A_411 : vector<1x16xf32> to vector<16xf32>
        %parallel_loop3A_413 = arith.addf %parallel_loop3A_412, %parallel_loop3A_335 : vector<16xf32>
        %parallel_loop3A_414 = arith.constant 6 : i32
        %parallel_loop3A_415 = arith.index_cast %parallel_loop3A_414 : i32 to index
        %parallel_loop3A_416 = arith.index_cast %parallel_loop3A_332 : i32 to index
        %parallel_loop3A_417 = tpu.vector_load %arg13[%parallel_loop3A_415, %parallel_loop3A_416] {strides = array<i32>} : memref<8x2048xf32, #tpu.memory_space<vmem>>, vector<1x16xf32>,
        %parallel_loop3A_418 = vector.shape_cast %parallel_loop3A_417 : vector<1x16xf32> to vector<16xf32>
        %parallel_loop3A_419 = vector.shape_cast %parallel_loop3A_413 : vector<16xf32> to vector<1x16xf32>
        tpu.vector_store %arg13[%parallel_loop3A_415, %parallel_loop3A_416], %parallel_loop3A_419 {strides = array<i32>} : memref<8x2048xf32, #tpu.memory_space<vmem>>, vector<1x16xf32>,
        %parallel_loop3A_420 = arith.constant 7 : i32
        %parallel_loop3A_421 = arith.index_cast %parallel_loop3A_420 : i32 to index
        %parallel_loop3A_422 = arith.index_cast %parallel_loop3A_332 : i32 to index
        %parallel_loop3A_423 = tpu.vector_load %arg9[%parallel_loop3A_421, %parallel_loop3A_422] {strides = array<i32>} : memref<8x2048xf32, #tpu.memory_space<vmem>>, vector<1x16xf32>,
        %parallel_loop3A_424 = vector.shape_cast %parallel_loop3A_423 : vector<1x16xf32> to vector<16xf32>
        %parallel_loop3A_425 = arith.addf %parallel_loop3A_424, %parallel_loop3A_335 : vector<16xf32>
        %parallel_loop3A_426 = arith.constant 7 : i32
        %parallel_loop3A_427 = arith.index_cast %parallel_loop3A_426 : i32 to index
        %parallel_loop3A_428 = arith.index_cast %parallel_loop3A_332 : i32 to index
        %parallel_loop3A_429 = tpu.vector_load %arg13[%parallel_loop3A_427, %parallel_loop3A_428] {strides = array<i32>} : memref<8x2048xf32, #tpu.memory_space<vmem>>, vector<1x16xf32>,
        %parallel_loop3A_430 = vector.shape_cast %parallel_loop3A_429 : vector<1x16xf32> to vector<16xf32>
        %parallel_loop3A_431 = vector.shape_cast %parallel_loop3A_425 : vector<16xf32> to vector<1x16xf32>
        tpu.vector_store %arg13[%parallel_loop3A_427, %parallel_loop3A_428], %parallel_loop3A_431 {strides = array<i32>} : memref<8x2048xf32, #tpu.memory_space<vmem>>, vector<1x16xf32>,
      } {sc.loop_unroll_factor = 4 : i64, sc.parallel_access}
      %mul3A_82 = arith.constant 8 : i32
      %mul3A_83 = arith.muli %add3A_70, %mul3A_82 : i32
      %add3A_84 = arith.addi %mul3A_2, %mul3A_83 : i32
      %dma_start3A_85 = arith.constant 0 : i32
      %dma_start3A_86 = tpu.memref_slice %arg5[%add3A_84, %dma_start3A_85] : memref<16384x2048xf32, #tpu.memory_space<hbm>> -> memref<8x2048xf32, #tpu.memory_space<hbm>>
      %dma_start3A_87 = arith.constant 0 : i32
      %dma_start3A_88 = tpu.memref_slice %arg5[%add3A_84, %dma_start3A_87] : memref<16384x2048xf32, #tpu.memory_space<hbm>> -> memref<8x2048xf32, #tpu.memory_space<hbm>>
      tpu.enqueue_dma source(%arg13 : memref<8x2048xf32, #tpu.memory_space<vmem>>) target(%dma_start3A_88 : memref<8x2048xf32, #tpu.memory_space<hbm>>) target_semaphore(%arg21 : memref<!tpu.dma_semaphore, #tpu.memory_space<semaphore_mem>>)
      %add3A_89 = arith.constant 4 : i32
      %add3A_90 = arith.addi %add3A_70, %add3A_89 : i32
      %lt3A_91 = arith.constant 64 : i32
      %lt3A_92 = arith.cmpi slt, %add3A_90, %lt3A_91 : i32
      %convert_element_type3A_93 = arith.extui %lt3A_92 : i1 to i32
      %cond3A_94 = arith.constant 0 : i32
      %cond3A_95 = arith.cmpi ne, %convert_element_type3A_93, %cond3A_94 : i32
      scf.if %cond3A_95 {
        %add3A_330 = arith.constant 4 : i32
        %add3A_331 = arith.addi %add3A_70, %add3A_330 : i32
        %mul3A_332 = arith.constant 8 : i32
        %mul3A_333 = arith.muli %add3A_331, %mul3A_332 : i32
        %dma_start3A_334 = tpu.memref_slice %arg6[%mul3A_333] : memref<512xi32, #tpu.memory_space<vmem>> -> memref<8xi32, #tpu.memory_space<vmem>>
        %dma_start3A_335 = arith.constant 0 : i32
        %dma_start3A_336 = arith.constant 0 : i32
        %dma_start3A_337 = tpu.memref_slice %arg3[%dma_start3A_335, %dma_start3A_336] : memref<33025x2048xf32, #tpu.memory_space<hbm>> -> memref<33025x2048xf32, #tpu.memory_space<hbm>>
        tpu.enqueue_indirect_dma source(%dma_start3A_337 : memref<33025x2048xf32, #tpu.memory_space<hbm>>) target(%arg9 : memref<8x2048xf32, #tpu.memory_space<vmem>>) offsets(%dma_start3A_334 : memref<8xi32, #tpu.memory_space<vmem>>) semaphore(%arg17 : memref<!tpu.dma_semaphore, #tpu.memory_space<semaphore_mem>>)
      } else {
      }
      %mul3A_96 = arith.constant 4 : i32
      %mul3A_97 = arith.muli %add3A_55, %mul3A_96 : i32
      %add3A_98 = arith.constant 1 : i32
      %add3A_99 = arith.addi %mul3A_97, %add3A_98 : i32
      %dma_wait3A_100 = arith.constant 0 : i32
      %dma_wait3A_101 = tpu.memref_slice %arg6[%dma_wait3A_100] : memref<512xi32, #tpu.memory_space<vmem>> -> memref<8xi32, #tpu.memory_space<vmem>>
      %dma_wait3A_102 = arith.constant 0 : i32
      %dma_wait3A_103 = arith.constant 0 : i32
      %dma_wait3A_104 = tpu.memref_slice %arg3[%dma_wait3A_102, %dma_wait3A_103] : memref<33025x2048xf32, #tpu.memory_space<hbm>> -> memref<33025x2048xf32, #tpu.memory_space<hbm>>
      tpu.wait_indirect_dma semaphore(%arg18 : memref<!tpu.dma_semaphore, #tpu.memory_space<semaphore_mem>>) src(%dma_wait3A_104 : memref<33025x2048xf32, #tpu.memory_space<hbm>>) dst(%arg10 : memref<8x2048xf32, #tpu.memory_space<vmem>>)
      %ge3A_105 = arith.constant 2 : i32
      %ge3A_106 = arith.cmpi sge, %add3A_99, %ge3A_105 : i32
      %convert_element_type3A_107 = arith.extui %ge3A_106 : i1 to i32
      %cond3A_108 = arith.constant 0 : i32
      %cond3A_109 = arith.cmpi ne, %convert_element_type3A_107, %cond3A_108 : i32
      scf.if %cond3A_109 {
        %dma_wait3A_330 = arith.constant 0 : i32
        %dma_wait3A_331 = tpu.memref_slice %arg5[%mul3A_2, %dma_wait3A_330] : memref<16384x2048xf32, #tpu.memory_space<hbm>> -> memref<8x2048xf32, #tpu.memory_space<hbm>>
        %dma_wait3A_332 = arith.constant 0 : i32
        %dma_wait3A_333 = tpu.memref_slice %arg5[%mul3A_2, %dma_wait3A_332] : memref<16384x2048xf32, #tpu.memory_space<hbm>> -> memref<8x2048xf32, #tpu.memory_space<hbm>>
        tpu.wait_dma2 semaphore(%arg22 : memref<!tpu.dma_semaphore, #tpu.memory_space<semaphore_mem>>) src(%arg14 : memref<8x2048xf32, #tpu.memory_space<vmem>>) dst(%dma_wait3A_333 : memref<8x2048xf32, #tpu.memory_space<hbm>>)
      } else {
      }
      %parallel_loop3A_110 = arith.constant 0 : i32
      %parallel_loop3A_111 = arith.constant 128 : i32
      %parallel_loop3A_112 = arith.constant 1 : i32
      scf.for %parallel_loop3A_330 = %parallel_loop3A_110 to %parallel_loop3A_111 step %parallel_loop3A_112  : i32 {
        %parallel_loop3A_331 = arith.constant 16 : i32
        %parallel_loop3A_332 = arith.muli %parallel_loop3A_330, %parallel_loop3A_331 : i32
        %parallel_loop3A_333 = arith.index_cast %parallel_loop3A_332 : i32 to index
        %parallel_loop3A_334 = tpu.vector_load %arg7[%parallel_loop3A_333] {strides = array<i32>} : memref<2048xf32, #tpu.memory_space<vmem>>, vector<16xf32>,
        %parallel_loop3A_335 = vector.shape_cast %parallel_loop3A_334 : vector<16xf32> to vector<16xf32>
        %parallel_loop3A_336 = arith.constant 0 : i32
        %parallel_loop3A_337 = arith.index_cast %parallel_loop3A_336 : i32 to index
        %parallel_loop3A_338 = arith.index_cast %parallel_loop3A_332 : i32 to index
        %parallel_loop3A_339 = tpu.vector_load %arg10[%parallel_loop3A_337, %parallel_loop3A_338] {strides = array<i32>} : memref<8x2048xf32, #tpu.memory_space<vmem>>, vector<1x16xf32>,
        %parallel_loop3A_340 = vector.shape_cast %parallel_loop3A_339 : vector<1x16xf32> to vector<16xf32>
        %parallel_loop3A_341 = arith.addf %parallel_loop3A_340, %parallel_loop3A_335 : vector<16xf32>
        %parallel_loop3A_342 = arith.constant 0 : i32
        %parallel_loop3A_343 = arith.index_cast %parallel_loop3A_342 : i32 to index
        %parallel_loop3A_344 = arith.index_cast %parallel_loop3A_332 : i32 to index
        %parallel_loop3A_345 = tpu.vector_load %arg14[%parallel_loop3A_343, %parallel_loop3A_344] {strides = array<i32>} : memref<8x2048xf32, #tpu.memory_space<vmem>>, vector<1x16xf32>,
        %parallel_loop3A_346 = vector.shape_cast %parallel_loop3A_345 : vector<1x16xf32> to vector<16xf32>
        %parallel_loop3A_347 = vector.shape_cast %parallel_loop3A_341 : vector<16xf32> to vector<1x16xf32>
        tpu.vector_store %arg14[%parallel_loop3A_343, %parallel_loop3A_344], %parallel_loop3A_347 {strides = array<i32>} : memref<8x2048xf32, #tpu.memory_space<vmem>>, vector<1x16xf32>,
        %parallel_loop3A_348 = arith.constant 1 : i32
        %parallel_loop3A_349 = arith.index_cast %parallel_loop3A_348 : i32 to index
        %parallel_loop3A_350 = arith.index_cast %parallel_loop3A_332 : i32 to index
        %parallel_loop3A_351 = tpu.vector_load %arg10[%parallel_loop3A_349, %parallel_loop3A_350] {strides = array<i32>} : memref<8x2048xf32, #tpu.memory_space<vmem>>, vector<1x16xf32>,
        %parallel_loop3A_352 = vector.shape_cast %parallel_loop3A_351 : vector<1x16xf32> to vector<16xf32>
        %parallel_loop3A_353 = arith.addf %parallel_loop3A_352, %parallel_loop3A_335 : vector<16xf32>
        %parallel_loop3A_354 = arith.constant 1 : i32
        %parallel_loop3A_355 = arith.index_cast %parallel_loop3A_354 : i32 to index
        %parallel_loop3A_356 = arith.index_cast %parallel_loop3A_332 : i32 to index
        %parallel_loop3A_357 = tpu.vector_load %arg14[%parallel_loop3A_355, %parallel_loop3A_356] {strides = array<i32>} : memref<8x2048xf32, #tpu.memory_space<vmem>>, vector<1x16xf32>,
        %parallel_loop3A_358 = vector.shape_cast %parallel_loop3A_357 : vector<1x16xf32> to vector<16xf32>
        %parallel_loop3A_359 = vector.shape_cast %parallel_loop3A_353 : vector<16xf32> to vector<1x16xf32>
        tpu.vector_store %arg14[%parallel_loop3A_355, %parallel_loop3A_356], %parallel_loop3A_359 {strides = array<i32>} : memref<8x2048xf32, #tpu.memory_space<vmem>>, vector<1x16xf32>,
        %parallel_loop3A_360 = arith.constant 2 : i32
        %parallel_loop3A_361 = arith.index_cast %parallel_loop3A_360 : i32 to index
        %parallel_loop3A_362 = arith.index_cast %parallel_loop3A_332 : i32 to index
        %parallel_loop3A_363 = tpu.vector_load %arg10[%parallel_loop3A_361, %parallel_loop3A_362] {strides = array<i32>} : memref<8x2048xf32, #tpu.memory_space<vmem>>, vector<1x16xf32>,
        %parallel_loop3A_364 = vector.shape_cast %parallel_loop3A_363 : vector<1x16xf32> to vector<16xf32>
        %parallel_loop3A_365 = arith.addf %parallel_loop3A_364, %parallel_loop3A_335 : vector<16xf32>
        %parallel_loop3A_366 = arith.constant 2 : i32
        %parallel_loop3A_367 = arith.index_cast %parallel_loop3A_366 : i32 to index
        %parallel_loop3A_368 = arith.index_cast %parallel_loop3A_332 : i32 to index
        %parallel_loop3A_369 = tpu.vector_load %arg14[%parallel_loop3A_367, %parallel_loop3A_368] {strides = array<i32>} : memref<8x2048xf32, #tpu.memory_space<vmem>>, vector<1x16xf32>,
        %parallel_loop3A_370 = vector.shape_cast %parallel_loop3A_369 : vector<1x16xf32> to vector<16xf32>
        %parallel_loop3A_371 = vector.shape_cast %parallel_loop3A_365 : vector<16xf32> to vector<1x16xf32>
        tpu.vector_store %arg14[%parallel_loop3A_367, %parallel_loop3A_368], %parallel_loop3A_371 {strides = array<i32>} : memref<8x2048xf32, #tpu.memory_space<vmem>>, vector<1x16xf32>,
        %parallel_loop3A_372 = arith.constant 3 : i32
        %parallel_loop3A_373 = arith.index_cast %parallel_loop3A_372 : i32 to index
        %parallel_loop3A_374 = arith.index_cast %parallel_loop3A_332 : i32 to index
        %parallel_loop3A_375 = tpu.vector_load %arg10[%parallel_loop3A_373, %parallel_loop3A_374] {strides = array<i32>} : memref<8x2048xf32, #tpu.memory_space<vmem>>, vector<1x16xf32>,
        %parallel_loop3A_376 = vector.shape_cast %parallel_loop3A_375 : vector<1x16xf32> to vector<16xf32>
        %parallel_loop3A_377 = arith.addf %parallel_loop3A_376, %parallel_loop3A_335 : vector<16xf32>
        %parallel_loop3A_378 = arith.constant 3 : i32
        %parallel_loop3A_379 = arith.index_cast %parallel_loop3A_378 : i32 to index
        %parallel_loop3A_380 = arith.index_cast %parallel_loop3A_332 : i32 to index
        %parallel_loop3A_381 = tpu.vector_load %arg14[%parallel_loop3A_379, %parallel_loop3A_380] {strides = array<i32>} : memref<8x2048xf32, #tpu.memory_space<vmem>>, vector<1x16xf32>,
        %parallel_loop3A_382 = vector.shape_cast %parallel_loop3A_381 : vector<1x16xf32> to vector<16xf32>
        %parallel_loop3A_383 = vector.shape_cast %parallel_loop3A_377 : vector<16xf32> to vector<1x16xf32>
        tpu.vector_store %arg14[%parallel_loop3A_379, %parallel_loop3A_380], %parallel_loop3A_383 {strides = array<i32>} : memref<8x2048xf32, #tpu.memory_space<vmem>>, vector<1x16xf32>,
        %parallel_loop3A_384 = arith.constant 4 : i32
        %parallel_loop3A_385 = arith.index_cast %parallel_loop3A_384 : i32 to index
        %parallel_loop3A_386 = arith.index_cast %parallel_loop3A_332 : i32 to index
        %parallel_loop3A_387 = tpu.vector_load %arg10[%parallel_loop3A_385, %parallel_loop3A_386] {strides = array<i32>} : memref<8x2048xf32, #tpu.memory_space<vmem>>, vector<1x16xf32>,
        %parallel_loop3A_388 = vector.shape_cast %parallel_loop3A_387 : vector<1x16xf32> to vector<16xf32>
        %parallel_loop3A_389 = arith.addf %parallel_loop3A_388, %parallel_loop3A_335 : vector<16xf32>
        %parallel_loop3A_390 = arith.constant 4 : i32
        %parallel_loop3A_391 = arith.index_cast %parallel_loop3A_390 : i32 to index
        %parallel_loop3A_392 = arith.index_cast %parallel_loop3A_332 : i32 to index
        %parallel_loop3A_393 = tpu.vector_load %arg14[%parallel_loop3A_391, %parallel_loop3A_392] {strides = array<i32>} : memref<8x2048xf32, #tpu.memory_space<vmem>>, vector<1x16xf32>,
        %parallel_loop3A_394 = vector.shape_cast %parallel_loop3A_393 : vector<1x16xf32> to vector<16xf32>
        %parallel_loop3A_395 = vector.shape_cast %parallel_loop3A_389 : vector<16xf32> to vector<1x16xf32>
        tpu.vector_store %arg14[%parallel_loop3A_391, %parallel_loop3A_392], %parallel_loop3A_395 {strides = array<i32>} : memref<8x2048xf32, #tpu.memory_space<vmem>>, vector<1x16xf32>,
        %parallel_loop3A_396 = arith.constant 5 : i32
        %parallel_loop3A_397 = arith.index_cast %parallel_loop3A_396 : i32 to index
        %parallel_loop3A_398 = arith.index_cast %parallel_loop3A_332 : i32 to index
        %parallel_loop3A_399 = tpu.vector_load %arg10[%parallel_loop3A_397, %parallel_loop3A_398] {strides = array<i32>} : memref<8x2048xf32, #tpu.memory_space<vmem>>, vector<1x16xf32>,
        %parallel_loop3A_400 = vector.shape_cast %parallel_loop3A_399 : vector<1x16xf32> to vector<16xf32>
        %parallel_loop3A_401 = arith.addf %parallel_loop3A_400, %parallel_loop3A_335 : vector<16xf32>
        %parallel_loop3A_402 = arith.constant 5 : i32
        %parallel_loop3A_403 = arith.index_cast %parallel_loop3A_402 : i32 to index
        %parallel_loop3A_404 = arith.index_cast %parallel_loop3A_332 : i32 to index
        %parallel_loop3A_405 = tpu.vector_load %arg14[%parallel_loop3A_403, %parallel_loop3A_404] {strides = array<i32>} : memref<8x2048xf32, #tpu.memory_space<vmem>>, vector<1x16xf32>,
        %parallel_loop3A_406 = vector.shape_cast %parallel_loop3A_405 : vector<1x16xf32> to vector<16xf32>
        %parallel_loop3A_407 = vector.shape_cast %parallel_loop3A_401 : vector<16xf32> to vector<1x16xf32>
        tpu.vector_store %arg14[%parallel_loop3A_403, %parallel_loop3A_404], %parallel_loop3A_407 {strides = array<i32>} : memref<8x2048xf32, #tpu.memory_space<vmem>>, vector<1x16xf32>,
        %parallel_loop3A_408 = arith.constant 6 : i32
        %parallel_loop3A_409 = arith.index_cast %parallel_loop3A_408 : i32 to index
        %parallel_loop3A_410 = arith.index_cast %parallel_loop3A_332 : i32 to index
        %parallel_loop3A_411 = tpu.vector_load %arg10[%parallel_loop3A_409, %parallel_loop3A_410] {strides = array<i32>} : memref<8x2048xf32, #tpu.memory_space<vmem>>, vector<1x16xf32>,
        %parallel_loop3A_412 = vector.shape_cast %parallel_loop3A_411 : vector<1x16xf32> to vector<16xf32>
        %parallel_loop3A_413 = arith.addf %parallel_loop3A_412, %parallel_loop3A_335 : vector<16xf32>
        %parallel_loop3A_414 = arith.constant 6 : i32
        %parallel_loop3A_415 = arith.index_cast %parallel_loop3A_414 : i32 to index
        %parallel_loop3A_416 = arith.index_cast %parallel_loop3A_332 : i32 to index
        %parallel_loop3A_417 = tpu.vector_load %arg14[%parallel_loop3A_415, %parallel_loop3A_416] {strides = array<i32>} : memref<8x2048xf32, #tpu.memory_space<vmem>>, vector<1x16xf32>,
        %parallel_loop3A_418 = vector.shape_cast %parallel_loop3A_417 : vector<1x16xf32> to vector<16xf32>
        %parallel_loop3A_419 = vector.shape_cast %parallel_loop3A_413 : vector<16xf32> to vector<1x16xf32>
        tpu.vector_store %arg14[%parallel_loop3A_415, %parallel_loop3A_416], %parallel_loop3A_419 {strides = array<i32>} : memref<8x2048xf32, #tpu.memory_space<vmem>>, vector<1x16xf32>,
        %parallel_loop3A_420 = arith.constant 7 : i32
        %parallel_loop3A_421 = arith.index_cast %parallel_loop3A_420 : i32 to index
        %parallel_loop3A_422 = arith.index_cast %parallel_loop3A_332 : i32 to index
        %parallel_loop3A_423 = tpu.vector_load %arg10[%parallel_loop3A_421, %parallel_loop3A_422] {strides = array<i32>} : memref<8x2048xf32, #tpu.memory_space<vmem>>, vector<1x16xf32>,
        %parallel_loop3A_424 = vector.shape_cast %parallel_loop3A_423 : vector<1x16xf32> to vector<16xf32>
        %parallel_loop3A_425 = arith.addf %parallel_loop3A_424, %parallel_loop3A_335 : vector<16xf32>
        %parallel_loop3A_426 = arith.constant 7 : i32
        %parallel_loop3A_427 = arith.index_cast %parallel_loop3A_426 : i32 to index
        %parallel_loop3A_428 = arith.index_cast %parallel_loop3A_332 : i32 to index
        %parallel_loop3A_429 = tpu.vector_load %arg14[%parallel_loop3A_427, %parallel_loop3A_428] {strides = array<i32>} : memref<8x2048xf32, #tpu.memory_space<vmem>>, vector<1x16xf32>,
        %parallel_loop3A_430 = vector.shape_cast %parallel_loop3A_429 : vector<1x16xf32> to vector<16xf32>
        %parallel_loop3A_431 = vector.shape_cast %parallel_loop3A_425 : vector<16xf32> to vector<1x16xf32>
        tpu.vector_store %arg14[%parallel_loop3A_427, %parallel_loop3A_428], %parallel_loop3A_431 {strides = array<i32>} : memref<8x2048xf32, #tpu.memory_space<vmem>>, vector<1x16xf32>,
      } {sc.loop_unroll_factor = 4 : i64, sc.parallel_access}
      %mul3A_113 = arith.constant 8 : i32
      %mul3A_114 = arith.muli %add3A_99, %mul3A_113 : i32
      %add3A_115 = arith.addi %mul3A_2, %mul3A_114 : i32
      %dma_start3A_116 = arith.constant 0 : i32
      %dma_start3A_117 = tpu.memref_slice %arg5[%add3A_115, %dma_start3A_116] : memref<16384x2048xf32, #tpu.memory_space<hbm>> -> memref<8x2048xf32, #tpu.memory_space<hbm>>
      %dma_start3A_118 = arith.constant 0 : i32
      %dma_start3A_119 = tpu.memref_slice %arg5[%add3A_115, %dma_start3A_118] : memref<16384x2048xf32, #tpu.memory_space<hbm>> -> memref<8x2048xf32, #tpu.memory_space<hbm>>
      tpu.enqueue_dma source(%arg14 : memref<8x2048xf32, #tpu.memory_space<vmem>>) target(%dma_start3A_119 : memref<8x2048xf32, #tpu.memory_space<hbm>>) target_semaphore(%arg22 : memref<!tpu.dma_semaphore, #tpu.memory_space<semaphore_mem>>)
      %add3A_120 = arith.constant 4 : i32
      %add3A_121 = arith.addi %add3A_99, %add3A_120 : i32
      %lt3A_122 = arith.constant 64 : i32
      %lt3A_123 = arith.cmpi slt, %add3A_121, %lt3A_122 : i32
      %convert_element_type3A_124 = arith.extui %lt3A_123 : i1 to i32
      %cond3A_125 = arith.constant 0 : i32
      %cond3A_126 = arith.cmpi ne, %convert_element_type3A_124, %cond3A_125 : i32
      scf.if %cond3A_126 {
        %add3A_330 = arith.constant 4 : i32
        %add3A_331 = arith.addi %add3A_99, %add3A_330 : i32
        %mul3A_332 = arith.constant 8 : i32
        %mul3A_333 = arith.muli %add3A_331, %mul3A_332 : i32
        %dma_start3A_334 = tpu.memref_slice %arg6[%mul3A_333] : memref<512xi32, #tpu.memory_space<vmem>> -> memref<8xi32, #tpu.memory_space<vmem>>
        %dma_start3A_335 = arith.constant 0 : i32
        %dma_start3A_336 = arith.constant 0 : i32
        %dma_start3A_337 = tpu.memref_slice %arg3[%dma_start3A_335, %dma_start3A_336] : memref<33025x2048xf32, #tpu.memory_space<hbm>> -> memref<33025x2048xf32, #tpu.memory_space<hbm>>
        tpu.enqueue_indirect_dma source(%dma_start3A_337 : memref<33025x2048xf32, #tpu.memory_space<hbm>>) target(%arg10 : memref<8x2048xf32, #tpu.memory_space<vmem>>) offsets(%dma_start3A_334 : memref<8xi32, #tpu.memory_space<vmem>>) semaphore(%arg18 : memref<!tpu.dma_semaphore, #tpu.memory_space<semaphore_mem>>)
      } else {
      }
      %mul3A_127 = arith.constant 4 : i32
      %mul3A_128 = arith.muli %add3A_55, %mul3A_127 : i32
      %add3A_129 = arith.constant 2 : i32
      %add3A_130 = arith.addi %mul3A_128, %add3A_129 : i32
      %dma_wait3A_131 = arith.constant 0 : i32
      %dma_wait3A_132 = tpu.memref_slice %arg6[%dma_wait3A_131] : memref<512xi32, #tpu.memory_space<vmem>> -> memref<8xi32, #tpu.memory_space<vmem>>
      %dma_wait3A_133 = arith.constant 0 : i32
      %dma_wait3A_134 = arith.constant 0 : i32
      %dma_wait3A_135 = tpu.memref_slice %arg3[%dma_wait3A_133, %dma_wait3A_134] : memref<33025x2048xf32, #tpu.memory_space<hbm>> -> memref<33025x2048xf32, #tpu.memory_space<hbm>>
      tpu.wait_indirect_dma semaphore(%arg19 : memref<!tpu.dma_semaphore, #tpu.memory_space<semaphore_mem>>) src(%dma_wait3A_135 : memref<33025x2048xf32, #tpu.memory_space<hbm>>) dst(%arg11 : memref<8x2048xf32, #tpu.memory_space<vmem>>)
      %ge3A_136 = arith.constant 2 : i32
      %ge3A_137 = arith.cmpi sge, %add3A_130, %ge3A_136 : i32
      %convert_element_type3A_138 = arith.extui %ge3A_137 : i1 to i32
      %cond3A_139 = arith.constant 0 : i32
      %cond3A_140 = arith.cmpi ne, %convert_element_type3A_138, %cond3A_139 : i32
      scf.if %cond3A_140 {
        %dma_wait3A_330 = arith.constant 0 : i32
        %dma_wait3A_331 = tpu.memref_slice %arg5[%mul3A_2, %dma_wait3A_330] : memref<16384x2048xf32, #tpu.memory_space<hbm>> -> memref<8x2048xf32, #tpu.memory_space<hbm>>
        %dma_wait3A_332 = arith.constant 0 : i32
        %dma_wait3A_333 = tpu.memref_slice %arg5[%mul3A_2, %dma_wait3A_332] : memref<16384x2048xf32, #tpu.memory_space<hbm>> -> memref<8x2048xf32, #tpu.memory_space<hbm>>
        tpu.wait_dma2 semaphore(%arg21 : memref<!tpu.dma_semaphore, #tpu.memory_space<semaphore_mem>>) src(%arg13 : memref<8x2048xf32, #tpu.memory_space<vmem>>) dst(%dma_wait3A_333 : memref<8x2048xf32, #tpu.memory_space<hbm>>)
      } else {
      }
      %parallel_loop3A_141 = arith.constant 0 : i32
      %parallel_loop3A_142 = arith.constant 128 : i32
      %parallel_loop3A_143 = arith.constant 1 : i32
      scf.for %parallel_loop3A_330 = %parallel_loop3A_141 to %parallel_loop3A_142 step %parallel_loop3A_143  : i32 {
        %parallel_loop3A_331 = arith.constant 16 : i32
        %parallel_loop3A_332 = arith.muli %parallel_loop3A_330, %parallel_loop3A_331 : i32
        %parallel_loop3A_333 = arith.index_cast %parallel_loop3A_332 : i32 to index
        %parallel_loop3A_334 = tpu.vector_load %arg7[%parallel_loop3A_333] {strides = array<i32>} : memref<2048xf32, #tpu.memory_space<vmem>>, vector<16xf32>,
        %parallel_loop3A_335 = vector.shape_cast %parallel_loop3A_334 : vector<16xf32> to vector<16xf32>
        %parallel_loop3A_336 = arith.constant 0 : i32
        %parallel_loop3A_337 = arith.index_cast %parallel_loop3A_336 : i32 to index
        %parallel_loop3A_338 = arith.index_cast %parallel_loop3A_332 : i32 to index
        %parallel_loop3A_339 = tpu.vector_load %arg11[%parallel_loop3A_337, %parallel_loop3A_338] {strides = array<i32>} : memref<8x2048xf32, #tpu.memory_space<vmem>>, vector<1x16xf32>,
        %parallel_loop3A_340 = vector.shape_cast %parallel_loop3A_339 : vector<1x16xf32> to vector<16xf32>
        %parallel_loop3A_341 = arith.addf %parallel_loop3A_340, %parallel_loop3A_335 : vector<16xf32>
        %parallel_loop3A_342 = arith.constant 0 : i32
        %parallel_loop3A_343 = arith.index_cast %parallel_loop3A_342 : i32 to index
        %parallel_loop3A_344 = arith.index_cast %parallel_loop3A_332 : i32 to index
        %parallel_loop3A_345 = tpu.vector_load %arg13[%parallel_loop3A_343, %parallel_loop3A_344] {strides = array<i32>} : memref<8x2048xf32, #tpu.memory_space<vmem>>, vector<1x16xf32>,
        %parallel_loop3A_346 = vector.shape_cast %parallel_loop3A_345 : vector<1x16xf32> to vector<16xf32>
        %parallel_loop3A_347 = vector.shape_cast %parallel_loop3A_341 : vector<16xf32> to vector<1x16xf32>
        tpu.vector_store %arg13[%parallel_loop3A_343, %parallel_loop3A_344], %parallel_loop3A_347 {strides = array<i32>} : memref<8x2048xf32, #tpu.memory_space<vmem>>, vector<1x16xf32>,
        %parallel_loop3A_348 = arith.constant 1 : i32
        %parallel_loop3A_349 = arith.index_cast %parallel_loop3A_348 : i32 to index
        %parallel_loop3A_350 = arith.index_cast %parallel_loop3A_332 : i32 to index
        %parallel_loop3A_351 = tpu.vector_load %arg11[%parallel_loop3A_349, %parallel_loop3A_350] {strides = array<i32>} : memref<8x2048xf32, #tpu.memory_space<vmem>>, vector<1x16xf32>,
        %parallel_loop3A_352 = vector.shape_cast %parallel_loop3A_351 : vector<1x16xf32> to vector<16xf32>
        %parallel_loop3A_353 = arith.addf %parallel_loop3A_352, %parallel_loop3A_335 : vector<16xf32>
        %parallel_loop3A_354 = arith.constant 1 : i32
        %parallel_loop3A_355 = arith.index_cast %parallel_loop3A_354 : i32 to index
        %parallel_loop3A_356 = arith.index_cast %parallel_loop3A_332 : i32 to index
        %parallel_loop3A_357 = tpu.vector_load %arg13[%parallel_loop3A_355, %parallel_loop3A_356] {strides = array<i32>} : memref<8x2048xf32, #tpu.memory_space<vmem>>, vector<1x16xf32>,
        %parallel_loop3A_358 = vector.shape_cast %parallel_loop3A_357 : vector<1x16xf32> to vector<16xf32>
        %parallel_loop3A_359 = vector.shape_cast %parallel_loop3A_353 : vector<16xf32> to vector<1x16xf32>
        tpu.vector_store %arg13[%parallel_loop3A_355, %parallel_loop3A_356], %parallel_loop3A_359 {strides = array<i32>} : memref<8x2048xf32, #tpu.memory_space<vmem>>, vector<1x16xf32>,
        %parallel_loop3A_360 = arith.constant 2 : i32
        %parallel_loop3A_361 = arith.index_cast %parallel_loop3A_360 : i32 to index
        %parallel_loop3A_362 = arith.index_cast %parallel_loop3A_332 : i32 to index
        %parallel_loop3A_363 = tpu.vector_load %arg11[%parallel_loop3A_361, %parallel_loop3A_362] {strides = array<i32>} : memref<8x2048xf32, #tpu.memory_space<vmem>>, vector<1x16xf32>,
        %parallel_loop3A_364 = vector.shape_cast %parallel_loop3A_363 : vector<1x16xf32> to vector<16xf32>
        %parallel_loop3A_365 = arith.addf %parallel_loop3A_364, %parallel_loop3A_335 : vector<16xf32>
        %parallel_loop3A_366 = arith.constant 2 : i32
        %parallel_loop3A_367 = arith.index_cast %parallel_loop3A_366 : i32 to index
        %parallel_loop3A_368 = arith.index_cast %parallel_loop3A_332 : i32 to index
        %parallel_loop3A_369 = tpu.vector_load %arg13[%parallel_loop3A_367, %parallel_loop3A_368] {strides = array<i32>} : memref<8x2048xf32, #tpu.memory_space<vmem>>, vector<1x16xf32>,
        %parallel_loop3A_370 = vector.shape_cast %parallel_loop3A_369 : vector<1x16xf32> to vector<16xf32>
        %parallel_loop3A_371 = vector.shape_cast %parallel_loop3A_365 : vector<16xf32> to vector<1x16xf32>
        tpu.vector_store %arg13[%parallel_loop3A_367, %parallel_loop3A_368], %parallel_loop3A_371 {strides = array<i32>} : memref<8x2048xf32, #tpu.memory_space<vmem>>, vector<1x16xf32>,
        %parallel_loop3A_372 = arith.constant 3 : i32
        %parallel_loop3A_373 = arith.index_cast %parallel_loop3A_372 : i32 to index
        %parallel_loop3A_374 = arith.index_cast %parallel_loop3A_332 : i32 to index
        %parallel_loop3A_375 = tpu.vector_load %arg11[%parallel_loop3A_373, %parallel_loop3A_374] {strides = array<i32>} : memref<8x2048xf32, #tpu.memory_space<vmem>>, vector<1x16xf32>,
        %parallel_loop3A_376 = vector.shape_cast %parallel_loop3A_375 : vector<1x16xf32> to vector<16xf32>
        %parallel_loop3A_377 = arith.addf %parallel_loop3A_376, %parallel_loop3A_335 : vector<16xf32>
        %parallel_loop3A_378 = arith.constant 3 : i32
        %parallel_loop3A_379 = arith.index_cast %parallel_loop3A_378 : i32 to index
        %parallel_loop3A_380 = arith.index_cast %parallel_loop3A_332 : i32 to index
        %parallel_loop3A_381 = tpu.vector_load %arg13[%parallel_loop3A_379, %parallel_loop3A_380] {strides = array<i32>} : memref<8x2048xf32, #tpu.memory_space<vmem>>, vector<1x16xf32>,
        %parallel_loop3A_382 = vector.shape_cast %parallel_loop3A_381 : vector<1x16xf32> to vector<16xf32>
        %parallel_loop3A_383 = vector.shape_cast %parallel_loop3A_377 : vector<16xf32> to vector<1x16xf32>
        tpu.vector_store %arg13[%parallel_loop3A_379, %parallel_loop3A_380], %parallel_loop3A_383 {strides = array<i32>} : memref<8x2048xf32, #tpu.memory_space<vmem>>, vector<1x16xf32>,
        %parallel_loop3A_384 = arith.constant 4 : i32
        %parallel_loop3A_385 = arith.index_cast %parallel_loop3A_384 : i32 to index
        %parallel_loop3A_386 = arith.index_cast %parallel_loop3A_332 : i32 to index
        %parallel_loop3A_387 = tpu.vector_load %arg11[%parallel_loop3A_385, %parallel_loop3A_386] {strides = array<i32>} : memref<8x2048xf32, #tpu.memory_space<vmem>>, vector<1x16xf32>,
        %parallel_loop3A_388 = vector.shape_cast %parallel_loop3A_387 : vector<1x16xf32> to vector<16xf32>
        %parallel_loop3A_389 = arith.addf %parallel_loop3A_388, %parallel_loop3A_335 : vector<16xf32>
        %parallel_loop3A_390 = arith.constant 4 : i32
        %parallel_loop3A_391 = arith.index_cast %parallel_loop3A_390 : i32 to index
        %parallel_loop3A_392 = arith.index_cast %parallel_loop3A_332 : i32 to index
        %parallel_loop3A_393 = tpu.vector_load %arg13[%parallel_loop3A_391, %parallel_loop3A_392] {strides = array<i32>} : memref<8x2048xf32, #tpu.memory_space<vmem>>, vector<1x16xf32>,
        %parallel_loop3A_394 = vector.shape_cast %parallel_loop3A_393 : vector<1x16xf32> to vector<16xf32>
        %parallel_loop3A_395 = vector.shape_cast %parallel_loop3A_389 : vector<16xf32> to vector<1x16xf32>
        tpu.vector_store %arg13[%parallel_loop3A_391, %parallel_loop3A_392], %parallel_loop3A_395 {strides = array<i32>} : memref<8x2048xf32, #tpu.memory_space<vmem>>, vector<1x16xf32>,
        %parallel_loop3A_396 = arith.constant 5 : i32
        %parallel_loop3A_397 = arith.index_cast %parallel_loop3A_396 : i32 to index
        %parallel_loop3A_398 = arith.index_cast %parallel_loop3A_332 : i32 to index
        %parallel_loop3A_399 = tpu.vector_load %arg11[%parallel_loop3A_397, %parallel_loop3A_398] {strides = array<i32>} : memref<8x2048xf32, #tpu.memory_space<vmem>>, vector<1x16xf32>,
        %parallel_loop3A_400 = vector.shape_cast %parallel_loop3A_399 : vector<1x16xf32> to vector<16xf32>
        %parallel_loop3A_401 = arith.addf %parallel_loop3A_400, %parallel_loop3A_335 : vector<16xf32>
        %parallel_loop3A_402 = arith.constant 5 : i32
        %parallel_loop3A_403 = arith.index_cast %parallel_loop3A_402 : i32 to index
        %parallel_loop3A_404 = arith.index_cast %parallel_loop3A_332 : i32 to index
        %parallel_loop3A_405 = tpu.vector_load %arg13[%parallel_loop3A_403, %parallel_loop3A_404] {strides = array<i32>} : memref<8x2048xf32, #tpu.memory_space<vmem>>, vector<1x16xf32>,
        %parallel_loop3A_406 = vector.shape_cast %parallel_loop3A_405 : vector<1x16xf32> to vector<16xf32>
        %parallel_loop3A_407 = vector.shape_cast %parallel_loop3A_401 : vector<16xf32> to vector<1x16xf32>
        tpu.vector_store %arg13[%parallel_loop3A_403, %parallel_loop3A_404], %parallel_loop3A_407 {strides = array<i32>} : memref<8x2048xf32, #tpu.memory_space<vmem>>, vector<1x16xf32>,
        %parallel_loop3A_408 = arith.constant 6 : i32
        %parallel_loop3A_409 = arith.index_cast %parallel_loop3A_408 : i32 to index
        %parallel_loop3A_410 = arith.index_cast %parallel_loop3A_332 : i32 to index
        %parallel_loop3A_411 = tpu.vector_load %arg11[%parallel_loop3A_409, %parallel_loop3A_410] {strides = array<i32>} : memref<8x2048xf32, #tpu.memory_space<vmem>>, vector<1x16xf32>,
        %parallel_loop3A_412 = vector.shape_cast %parallel_loop3A_411 : vector<1x16xf32> to vector<16xf32>
        %parallel_loop3A_413 = arith.addf %parallel_loop3A_412, %parallel_loop3A_335 : vector<16xf32>
        %parallel_loop3A_414 = arith.constant 6 : i32
        %parallel_loop3A_415 = arith.index_cast %parallel_loop3A_414 : i32 to index
        %parallel_loop3A_416 = arith.index_cast %parallel_loop3A_332 : i32 to index
        %parallel_loop3A_417 = tpu.vector_load %arg13[%parallel_loop3A_415, %parallel_loop3A_416] {strides = array<i32>} : memref<8x2048xf32, #tpu.memory_space<vmem>>, vector<1x16xf32>,
        %parallel_loop3A_418 = vector.shape_cast %parallel_loop3A_417 : vector<1x16xf32> to vector<16xf32>
        %parallel_loop3A_419 = vector.shape_cast %parallel_loop3A_413 : vector<16xf32> to vector<1x16xf32>
        tpu.vector_store %arg13[%parallel_loop3A_415, %parallel_loop3A_416], %parallel_loop3A_419 {strides = array<i32>} : memref<8x2048xf32, #tpu.memory_space<vmem>>, vector<1x16xf32>,
        %parallel_loop3A_420 = arith.constant 7 : i32
        %parallel_loop3A_421 = arith.index_cast %parallel_loop3A_420 : i32 to index
        %parallel_loop3A_422 = arith.index_cast %parallel_loop3A_332 : i32 to index
        %parallel_loop3A_423 = tpu.vector_load %arg11[%parallel_loop3A_421, %parallel_loop3A_422] {strides = array<i32>} : memref<8x2048xf32, #tpu.memory_space<vmem>>, vector<1x16xf32>,
        %parallel_loop3A_424 = vector.shape_cast %parallel_loop3A_423 : vector<1x16xf32> to vector<16xf32>
        %parallel_loop3A_425 = arith.addf %parallel_loop3A_424, %parallel_loop3A_335 : vector<16xf32>
        %parallel_loop3A_426 = arith.constant 7 : i32
        %parallel_loop3A_427 = arith.index_cast %parallel_loop3A_426 : i32 to index
        %parallel_loop3A_428 = arith.index_cast %parallel_loop3A_332 : i32 to index
        %parallel_loop3A_429 = tpu.vector_load %arg13[%parallel_loop3A_427, %parallel_loop3A_428] {strides = array<i32>} : memref<8x2048xf32, #tpu.memory_space<vmem>>, vector<1x16xf32>,
        %parallel_loop3A_430 = vector.shape_cast %parallel_loop3A_429 : vector<1x16xf32> to vector<16xf32>
        %parallel_loop3A_431 = vector.shape_cast %parallel_loop3A_425 : vector<16xf32> to vector<1x16xf32>
        tpu.vector_store %arg13[%parallel_loop3A_427, %parallel_loop3A_428], %parallel_loop3A_431 {strides = array<i32>} : memref<8x2048xf32, #tpu.memory_space<vmem>>, vector<1x16xf32>,
      } {sc.loop_unroll_factor = 4 : i64, sc.parallel_access}
      %mul3A_144 = arith.constant 8 : i32
      %mul3A_145 = arith.muli %add3A_130, %mul3A_144 : i32
      %add3A_146 = arith.addi %mul3A_2, %mul3A_145 : i32
      %dma_start3A_147 = arith.constant 0 : i32
      %dma_start3A_148 = tpu.memref_slice %arg5[%add3A_146, %dma_start3A_147] : memref<16384x2048xf32, #tpu.memory_space<hbm>> -> memref<8x2048xf32, #tpu.memory_space<hbm>>
      %dma_start3A_149 = arith.constant 0 : i32
      %dma_start3A_150 = tpu.memref_slice %arg5[%add3A_146, %dma_start3A_149] : memref<16384x2048xf32, #tpu.memory_space<hbm>> -> memref<8x2048xf32, #tpu.memory_space<hbm>>
      tpu.enqueue_dma source(%arg13 : memref<8x2048xf32, #tpu.memory_space<vmem>>) target(%dma_start3A_150 : memref<8x2048xf32, #tpu.memory_space<hbm>>) target_semaphore(%arg21 : memref<!tpu.dma_semaphore, #tpu.memory_space<semaphore_mem>>)
      %add3A_151 = arith.constant 4 : i32
      %add3A_152 = arith.addi %add3A_130, %add3A_151 : i32
      %lt3A_153 = arith.constant 64 : i32
      %lt3A_154 = arith.cmpi slt, %add3A_152, %lt3A_153 : i32
      %convert_element_type3A_155 = arith.extui %lt3A_154 : i1 to i32
      %cond3A_156 = arith.constant 0 : i32
      %cond3A_157 = arith.cmpi ne, %convert_element_type3A_155, %cond3A_156 : i32
      scf.if %cond3A_157 {
        %add3A_330 = arith.constant 4 : i32
        %add3A_331 = arith.addi %add3A_130, %add3A_330 : i32
        %mul3A_332 = arith.constant 8 : i32
        %mul3A_333 = arith.muli %add3A_331, %mul3A_332 : i32
        %dma_start3A_334 = tpu.memref_slice %arg6[%mul3A_333] : memref<512xi32, #tpu.memory_space<vmem>> -> memref<8xi32, #tpu.memory_space<vmem>>
        %dma_start3A_335 = arith.constant 0 : i32
        %dma_start3A_336 = arith.constant 0 : i32
        %dma_start3A_337 = tpu.memref_slice %arg3[%dma_start3A_335, %dma_start3A_336] : memref<33025x2048xf32, #tpu.memory_space<hbm>> -> memref<33025x2048xf32, #tpu.memory_space<hbm>>
        tpu.enqueue_indirect_dma source(%dma_start3A_337 : memref<33025x2048xf32, #tpu.memory_space<hbm>>) target(%arg11 : memref<8x2048xf32, #tpu.memory_space<vmem>>) offsets(%dma_start3A_334 : memref<8xi32, #tpu.memory_space<vmem>>) semaphore(%arg19 : memref<!tpu.dma_semaphore, #tpu.memory_space<semaphore_mem>>)
      } else {
      }
      %mul3A_158 = arith.constant 4 : i32
      %mul3A_159 = arith.muli %add3A_55, %mul3A_158 : i32
      %add3A_160 = arith.constant 3 : i32
      %add3A_161 = arith.addi %mul3A_159, %add3A_160 : i32
      %dma_wait3A_162 = arith.constant 0 : i32
      %dma_wait3A_163 = tpu.memref_slice %arg6[%dma_wait3A_162] : memref<512xi32, #tpu.memory_space<vmem>> -> memref<8xi32, #tpu.memory_space<vmem>>
      %dma_wait3A_164 = arith.constant 0 : i32
      %dma_wait3A_165 = arith.constant 0 : i32
      %dma_wait3A_166 = tpu.memref_slice %arg3[%dma_wait3A_164, %dma_wait3A_165] : memref<33025x2048xf32, #tpu.memory_space<hbm>> -> memref<33025x2048xf32, #tpu.memory_space<hbm>>
      tpu.wait_indirect_dma semaphore(%arg20 : memref<!tpu.dma_semaphore, #tpu.memory_space<semaphore_mem>>) src(%dma_wait3A_166 : memref<33025x2048xf32, #tpu.memory_space<hbm>>) dst(%arg12 : memref<8x2048xf32, #tpu.memory_space<vmem>>)
      %ge3A_167 = arith.constant 2 : i32
      %ge3A_168 = arith.cmpi sge, %add3A_161, %ge3A_167 : i32
      %convert_element_type3A_169 = arith.extui %ge3A_168 : i1 to i32
      %cond3A_170 = arith.constant 0 : i32
      %cond3A_171 = arith.cmpi ne, %convert_element_type3A_169, %cond3A_170 : i32
      scf.if %cond3A_171 {
        %dma_wait3A_330 = arith.constant 0 : i32
        %dma_wait3A_331 = tpu.memref_slice %arg5[%mul3A_2, %dma_wait3A_330] : memref<16384x2048xf32, #tpu.memory_space<hbm>> -> memref<8x2048xf32, #tpu.memory_space<hbm>>
        %dma_wait3A_332 = arith.constant 0 : i32
        %dma_wait3A_333 = tpu.memref_slice %arg5[%mul3A_2, %dma_wait3A_332] : memref<16384x2048xf32, #tpu.memory_space<hbm>> -> memref<8x2048xf32, #tpu.memory_space<hbm>>
        tpu.wait_dma2 semaphore(%arg22 : memref<!tpu.dma_semaphore, #tpu.memory_space<semaphore_mem>>) src(%arg14 : memref<8x2048xf32, #tpu.memory_space<vmem>>) dst(%dma_wait3A_333 : memref<8x2048xf32, #tpu.memory_space<hbm>>)
      } else {
      }
      %parallel_loop3A_172 = arith.constant 0 : i32
      %parallel_loop3A_173 = arith.constant 128 : i32
      %parallel_loop3A_174 = arith.constant 1 : i32
      scf.for %parallel_loop3A_330 = %parallel_loop3A_172 to %parallel_loop3A_173 step %parallel_loop3A_174  : i32 {
        %parallel_loop3A_331 = arith.constant 16 : i32
        %parallel_loop3A_332 = arith.muli %parallel_loop3A_330, %parallel_loop3A_331 : i32
        %parallel_loop3A_333 = arith.index_cast %parallel_loop3A_332 : i32 to index
        %parallel_loop3A_334 = tpu.vector_load %arg7[%parallel_loop3A_333] {strides = array<i32>} : memref<2048xf32, #tpu.memory_space<vmem>>, vector<16xf32>,
        %parallel_loop3A_335 = vector.shape_cast %parallel_loop3A_334 : vector<16xf32> to vector<16xf32>
        %parallel_loop3A_336 = arith.constant 0 : i32
        %parallel_loop3A_337 = arith.index_cast %parallel_loop3A_336 : i32 to index
        %parallel_loop3A_338 = arith.index_cast %parallel_loop3A_332 : i32 to index
        %parallel_loop3A_339 = tpu.vector_load %arg12[%parallel_loop3A_337, %parallel_loop3A_338] {strides = array<i32>} : memref<8x2048xf32, #tpu.memory_space<vmem>>, vector<1x16xf32>,
        %parallel_loop3A_340 = vector.shape_cast %parallel_loop3A_339 : vector<1x16xf32> to vector<16xf32>
        %parallel_loop3A_341 = arith.addf %parallel_loop3A_340, %parallel_loop3A_335 : vector<16xf32>
        %parallel_loop3A_342 = arith.constant 0 : i32
        %parallel_loop3A_343 = arith.index_cast %parallel_loop3A_342 : i32 to index
        %parallel_loop3A_344 = arith.index_cast %parallel_loop3A_332 : i32 to index
        %parallel_loop3A_345 = tpu.vector_load %arg14[%parallel_loop3A_343, %parallel_loop3A_344] {strides = array<i32>} : memref<8x2048xf32, #tpu.memory_space<vmem>>, vector<1x16xf32>,
        %parallel_loop3A_346 = vector.shape_cast %parallel_loop3A_345 : vector<1x16xf32> to vector<16xf32>
        %parallel_loop3A_347 = vector.shape_cast %parallel_loop3A_341 : vector<16xf32> to vector<1x16xf32>
        tpu.vector_store %arg14[%parallel_loop3A_343, %parallel_loop3A_344], %parallel_loop3A_347 {strides = array<i32>} : memref<8x2048xf32, #tpu.memory_space<vmem>>, vector<1x16xf32>,
        %parallel_loop3A_348 = arith.constant 1 : i32
        %parallel_loop3A_349 = arith.index_cast %parallel_loop3A_348 : i32 to index
        %parallel_loop3A_350 = arith.index_cast %parallel_loop3A_332 : i32 to index
        %parallel_loop3A_351 = tpu.vector_load %arg12[%parallel_loop3A_349, %parallel_loop3A_350] {strides = array<i32>} : memref<8x2048xf32, #tpu.memory_space<vmem>>, vector<1x16xf32>,
        %parallel_loop3A_352 = vector.shape_cast %parallel_loop3A_351 : vector<1x16xf32> to vector<16xf32>
        %parallel_loop3A_353 = arith.addf %parallel_loop3A_352, %parallel_loop3A_335 : vector<16xf32>
        %parallel_loop3A_354 = arith.constant 1 : i32
        %parallel_loop3A_355 = arith.index_cast %parallel_loop3A_354 : i32 to index
        %parallel_loop3A_356 = arith.index_cast %parallel_loop3A_332 : i32 to index
        %parallel_loop3A_357 = tpu.vector_load %arg14[%parallel_loop3A_355, %parallel_loop3A_356] {strides = array<i32>} : memref<8x2048xf32, #tpu.memory_space<vmem>>, vector<1x16xf32>,
        %parallel_loop3A_358 = vector.shape_cast %parallel_loop3A_357 : vector<1x16xf32> to vector<16xf32>
        %parallel_loop3A_359 = vector.shape_cast %parallel_loop3A_353 : vector<16xf32> to vector<1x16xf32>
        tpu.vector_store %arg14[%parallel_loop3A_355, %parallel_loop3A_356], %parallel_loop3A_359 {strides = array<i32>} : memref<8x2048xf32, #tpu.memory_space<vmem>>, vector<1x16xf32>,
        %parallel_loop3A_360 = arith.constant 2 : i32
        %parallel_loop3A_361 = arith.index_cast %parallel_loop3A_360 : i32 to index
        %parallel_loop3A_362 = arith.index_cast %parallel_loop3A_332 : i32 to index
        %parallel_loop3A_363 = tpu.vector_load %arg12[%parallel_loop3A_361, %parallel_loop3A_362] {strides = array<i32>} : memref<8x2048xf32, #tpu.memory_space<vmem>>, vector<1x16xf32>,
        %parallel_loop3A_364 = vector.shape_cast %parallel_loop3A_363 : vector<1x16xf32> to vector<16xf32>
        %parallel_loop3A_365 = arith.addf %parallel_loop3A_364, %parallel_loop3A_335 : vector<16xf32>
        %parallel_loop3A_366 = arith.constant 2 : i32
        %parallel_loop3A_367 = arith.index_cast %parallel_loop3A_366 : i32 to index
        %parallel_loop3A_368 = arith.index_cast %parallel_loop3A_332 : i32 to index
        %parallel_loop3A_369 = tpu.vector_load %arg14[%parallel_loop3A_367, %parallel_loop3A_368] {strides = array<i32>} : memref<8x2048xf32, #tpu.memory_space<vmem>>, vector<1x16xf32>,
        %parallel_loop3A_370 = vector.shape_cast %parallel_loop3A_369 : vector<1x16xf32> to vector<16xf32>
        %parallel_loop3A_371 = vector.shape_cast %parallel_loop3A_365 : vector<16xf32> to vector<1x16xf32>
        tpu.vector_store %arg14[%parallel_loop3A_367, %parallel_loop3A_368], %parallel_loop3A_371 {strides = array<i32>} : memref<8x2048xf32, #tpu.memory_space<vmem>>, vector<1x16xf32>,
        %parallel_loop3A_372 = arith.constant 3 : i32
        %parallel_loop3A_373 = arith.index_cast %parallel_loop3A_372 : i32 to index
        %parallel_loop3A_374 = arith.index_cast %parallel_loop3A_332 : i32 to index
        %parallel_loop3A_375 = tpu.vector_load %arg12[%parallel_loop3A_373, %parallel_loop3A_374] {strides = array<i32>} : memref<8x2048xf32, #tpu.memory_space<vmem>>, vector<1x16xf32>,
        %parallel_loop3A_376 = vector.shape_cast %parallel_loop3A_375 : vector<1x16xf32> to vector<16xf32>
        %parallel_loop3A_377 = arith.addf %parallel_loop3A_376, %parallel_loop3A_335 : vector<16xf32>
        %parallel_loop3A_378 = arith.constant 3 : i32
        %parallel_loop3A_379 = arith.index_cast %parallel_loop3A_378 : i32 to index
        %parallel_loop3A_380 = arith.index_cast %parallel_loop3A_332 : i32 to index
        %parallel_loop3A_381 = tpu.vector_load %arg14[%parallel_loop3A_379, %parallel_loop3A_380] {strides = array<i32>} : memref<8x2048xf32, #tpu.memory_space<vmem>>, vector<1x16xf32>,
        %parallel_loop3A_382 = vector.shape_cast %parallel_loop3A_381 : vector<1x16xf32> to vector<16xf32>
        %parallel_loop3A_383 = vector.shape_cast %parallel_loop3A_377 : vector<16xf32> to vector<1x16xf32>
        tpu.vector_store %arg14[%parallel_loop3A_379, %parallel_loop3A_380], %parallel_loop3A_383 {strides = array<i32>} : memref<8x2048xf32, #tpu.memory_space<vmem>>, vector<1x16xf32>,
        %parallel_loop3A_384 = arith.constant 4 : i32
        %parallel_loop3A_385 = arith.index_cast %parallel_loop3A_384 : i32 to index
        %parallel_loop3A_386 = arith.index_cast %parallel_loop3A_332 : i32 to index
        %parallel_loop3A_387 = tpu.vector_load %arg12[%parallel_loop3A_385, %parallel_loop3A_386] {strides = array<i32>} : memref<8x2048xf32, #tpu.memory_space<vmem>>, vector<1x16xf32>,
        %parallel_loop3A_388 = vector.shape_cast %parallel_loop3A_387 : vector<1x16xf32> to vector<16xf32>
        %parallel_loop3A_389 = arith.addf %parallel_loop3A_388, %parallel_loop3A_335 : vector<16xf32>
        %parallel_loop3A_390 = arith.constant 4 : i32
        %parallel_loop3A_391 = arith.index_cast %parallel_loop3A_390 : i32 to index
        %parallel_loop3A_392 = arith.index_cast %parallel_loop3A_332 : i32 to index
        %parallel_loop3A_393 = tpu.vector_load %arg14[%parallel_loop3A_391, %parallel_loop3A_392] {strides = array<i32>} : memref<8x2048xf32, #tpu.memory_space<vmem>>, vector<1x16xf32>,
        %parallel_loop3A_394 = vector.shape_cast %parallel_loop3A_393 : vector<1x16xf32> to vector<16xf32>
        %parallel_loop3A_395 = vector.shape_cast %parallel_loop3A_389 : vector<16xf32> to vector<1x16xf32>
        tpu.vector_store %arg14[%parallel_loop3A_391, %parallel_loop3A_392], %parallel_loop3A_395 {strides = array<i32>} : memref<8x2048xf32, #tpu.memory_space<vmem>>, vector<1x16xf32>,
        %parallel_loop3A_396 = arith.constant 5 : i32
        %parallel_loop3A_397 = arith.index_cast %parallel_loop3A_396 : i32 to index
        %parallel_loop3A_398 = arith.index_cast %parallel_loop3A_332 : i32 to index
        %parallel_loop3A_399 = tpu.vector_load %arg12[%parallel_loop3A_397, %parallel_loop3A_398] {strides = array<i32>} : memref<8x2048xf32, #tpu.memory_space<vmem>>, vector<1x16xf32>,
        %parallel_loop3A_400 = vector.shape_cast %parallel_loop3A_399 : vector<1x16xf32> to vector<16xf32>
        %parallel_loop3A_401 = arith.addf %parallel_loop3A_400, %parallel_loop3A_335 : vector<16xf32>
        %parallel_loop3A_402 = arith.constant 5 : i32
        %parallel_loop3A_403 = arith.index_cast %parallel_loop3A_402 : i32 to index
        %parallel_loop3A_404 = arith.index_cast %parallel_loop3A_332 : i32 to index
        %parallel_loop3A_405 = tpu.vector_load %arg14[%parallel_loop3A_403, %parallel_loop3A_404] {strides = array<i32>} : memref<8x2048xf32, #tpu.memory_space<vmem>>, vector<1x16xf32>,
        %parallel_loop3A_406 = vector.shape_cast %parallel_loop3A_405 : vector<1x16xf32> to vector<16xf32>
        %parallel_loop3A_407 = vector.shape_cast %parallel_loop3A_401 : vector<16xf32> to vector<1x16xf32>
        tpu.vector_store %arg14[%parallel_loop3A_403, %parallel_loop3A_404], %parallel_loop3A_407 {strides = array<i32>} : memref<8x2048xf32, #tpu.memory_space<vmem>>, vector<1x16xf32>,
        %parallel_loop3A_408 = arith.constant 6 : i32
        %parallel_loop3A_409 = arith.index_cast %parallel_loop3A_408 : i32 to index
        %parallel_loop3A_410 = arith.index_cast %parallel_loop3A_332 : i32 to index
        %parallel_loop3A_411 = tpu.vector_load %arg12[%parallel_loop3A_409, %parallel_loop3A_410] {strides = array<i32>} : memref<8x2048xf32, #tpu.memory_space<vmem>>, vector<1x16xf32>,
        %parallel_loop3A_412 = vector.shape_cast %parallel_loop3A_411 : vector<1x16xf32> to vector<16xf32>
        %parallel_loop3A_413 = arith.addf %parallel_loop3A_412, %parallel_loop3A_335 : vector<16xf32>
        %parallel_loop3A_414 = arith.constant 6 : i32
        %parallel_loop3A_415 = arith.index_cast %parallel_loop3A_414 : i32 to index
        %parallel_loop3A_416 = arith.index_cast %parallel_loop3A_332 : i32 to index
        %parallel_loop3A_417 = tpu.vector_load %arg14[%parallel_loop3A_415, %parallel_loop3A_416] {strides = array<i32>} : memref<8x2048xf32, #tpu.memory_space<vmem>>, vector<1x16xf32>,
        %parallel_loop3A_418 = vector.shape_cast %parallel_loop3A_417 : vector<1x16xf32> to vector<16xf32>
        %parallel_loop3A_419 = vector.shape_cast %parallel_loop3A_413 : vector<16xf32> to vector<1x16xf32>
        tpu.vector_store %arg14[%parallel_loop3A_415, %parallel_loop3A_416], %parallel_loop3A_419 {strides = array<i32>} : memref<8x2048xf32, #tpu.memory_space<vmem>>, vector<1x16xf32>,
        %parallel_loop3A_420 = arith.constant 7 : i32
        %parallel_loop3A_421 = arith.index_cast %parallel_loop3A_420 : i32 to index
        %parallel_loop3A_422 = arith.index_cast %parallel_loop3A_332 : i32 to index
        %parallel_loop3A_423 = tpu.vector_load %arg12[%parallel_loop3A_421, %parallel_loop3A_422] {strides = array<i32>} : memref<8x2048xf32, #tpu.memory_space<vmem>>, vector<1x16xf32>,
        %parallel_loop3A_424 = vector.shape_cast %parallel_loop3A_423 : vector<1x16xf32> to vector<16xf32>
        %parallel_loop3A_425 = arith.addf %parallel_loop3A_424, %parallel_loop3A_335 : vector<16xf32>
        %parallel_loop3A_426 = arith.constant 7 : i32
        %parallel_loop3A_427 = arith.index_cast %parallel_loop3A_426 : i32 to index
        %parallel_loop3A_428 = arith.index_cast %parallel_loop3A_332 : i32 to index
        %parallel_loop3A_429 = tpu.vector_load %arg14[%parallel_loop3A_427, %parallel_loop3A_428] {strides = array<i32>} : memref<8x2048xf32, #tpu.memory_space<vmem>>, vector<1x16xf32>,
        %parallel_loop3A_430 = vector.shape_cast %parallel_loop3A_429 : vector<1x16xf32> to vector<16xf32>
        %parallel_loop3A_431 = vector.shape_cast %parallel_loop3A_425 : vector<16xf32> to vector<1x16xf32>
        tpu.vector_store %arg14[%parallel_loop3A_427, %parallel_loop3A_428], %parallel_loop3A_431 {strides = array<i32>} : memref<8x2048xf32, #tpu.memory_space<vmem>>, vector<1x16xf32>,
      } {sc.loop_unroll_factor = 4 : i64, sc.parallel_access}
      %mul3A_175 = arith.constant 8 : i32
      %mul3A_176 = arith.muli %add3A_161, %mul3A_175 : i32
      %add3A_177 = arith.addi %mul3A_2, %mul3A_176 : i32
      %dma_start3A_178 = arith.constant 0 : i32
      %dma_start3A_179 = tpu.memref_slice %arg5[%add3A_177, %dma_start3A_178] : memref<16384x2048xf32, #tpu.memory_space<hbm>> -> memref<8x2048xf32, #tpu.memory_space<hbm>>
      %dma_start3A_180 = arith.constant 0 : i32
      %dma_start3A_181 = tpu.memref_slice %arg5[%add3A_177, %dma_start3A_180] : memref<16384x2048xf32, #tpu.memory_space<hbm>> -> memref<8x2048xf32, #tpu.memory_space<hbm>>
      tpu.enqueue_dma source(%arg14 : memref<8x2048xf32, #tpu.memory_space<vmem>>) target(%dma_start3A_181 : memref<8x2048xf32, #tpu.memory_space<hbm>>) target_semaphore(%arg22 : memref<!tpu.dma_semaphore, #tpu.memory_space<semaphore_mem>>)
      %add3A_182 = arith.constant 4 : i32
      %add3A_183 = arith.addi %add3A_161, %add3A_182 : i32
      %lt3A_184 = arith.constant 64 : i32
      %lt3A_185 = arith.cmpi slt, %add3A_183, %lt3A_184 : i32
      %convert_element_type3A_186 = arith.extui %lt3A_185 : i1 to i32
      %cond3A_187 = arith.constant 0 : i32
      %cond3A_188 = arith.cmpi ne, %convert_element_type3A_186, %cond3A_187 : i32
      scf.if %cond3A_188 {
        %add3A_330 = arith.constant 4 : i32
        %add3A_331 = arith.addi %add3A_161, %add3A_330 : i32
        %mul3A_332 = arith.constant 8 : i32
        %mul3A_333 = arith.muli %add3A_331, %mul3A_332 : i32
        %dma_start3A_334 = tpu.memref_slice %arg6[%mul3A_333] : memref<512xi32, #tpu.memory_space<vmem>> -> memref<8xi32, #tpu.memory_space<vmem>>
        %dma_start3A_335 = arith.constant 0 : i32
        %dma_start3A_336 = arith.constant 0 : i32
        %dma_start3A_337 = tpu.memref_slice %arg3[%dma_start3A_335, %dma_start3A_336] : memref<33025x2048xf32, #tpu.memory_space<hbm>> -> memref<33025x2048xf32, #tpu.memory_space<hbm>>
        tpu.enqueue_indirect_dma source(%dma_start3A_337 : memref<33025x2048xf32, #tpu.memory_space<hbm>>) target(%arg12 : memref<8x2048xf32, #tpu.memory_space<vmem>>) offsets(%dma_start3A_334 : memref<8xi32, #tpu.memory_space<vmem>>) semaphore(%arg20 : memref<!tpu.dma_semaphore, #tpu.memory_space<semaphore_mem>>)
      } else {
      }
      %mul3A_189 = arith.constant 2 : i32
      %mul3A_190 = arith.muli %mul3A_189, %scan3A_51 : i32
      %add3A_191 = arith.constant 1 : i32
      %add3A_192 = arith.addi %mul3A_190, %add3A_191 : i32
      %dma_wait3A_193 = arith.constant 0 : i32
      %dma_wait3A_194 = tpu.memref_slice %arg4[%mul3A_13, %dma_wait3A_193] : memref<513x2048xf32, #tpu.memory_space<hbm>> -> memref<1x2048xf32, #tpu.memory_space<hbm>>
      %dma_wait3A_195 = tpu.memref_squeeze %dma_wait3A_194 : memref<1x2048xf32, #tpu.memory_space<hbm>> -> memref<2048xf32, #tpu.memory_space<hbm>>
      %dma_wait3A_196 = arith.constant 0 : i32
      %dma_wait3A_197 = tpu.memref_slice %arg4[%mul3A_13, %dma_wait3A_196] : memref<513x2048xf32, #tpu.memory_space<hbm>> -> memref<1x2048xf32, #tpu.memory_space<hbm>>
      %dma_wait3A_198 = tpu.memref_squeeze %dma_wait3A_197 : memref<1x2048xf32, #tpu.memory_space<hbm>> -> memref<2048xf32, #tpu.memory_space<hbm>>
      tpu.wait_dma2 semaphore(%arg16 : memref<!tpu.dma_semaphore, #tpu.memory_space<semaphore_mem>>) src(%dma_wait3A_198 : memref<2048xf32, #tpu.memory_space<hbm>>) dst(%arg8 : memref<2048xf32, #tpu.memory_space<vmem>>)
      %add3A_199 = arith.constant 1 : i32
      %add3A_200 = arith.addi %add3A_192, %add3A_199 : i32
      %lt3A_201 = arith.constant 16 : i32
      %lt3A_202 = arith.cmpi slt, %add3A_200, %lt3A_201 : i32
      %convert_element_type3A_203 = arith.extui %lt3A_202 : i1 to i32
      %cond3A_204 = arith.constant 0 : i32
      %cond3A_205 = arith.cmpi ne, %convert_element_type3A_203, %cond3A_204 : i32
      scf.if %cond3A_205 {
        %add3A_330 = arith.addi %mul3A_13, %add3A_192 : i32
        %add3A_331 = arith.constant 1 : i32
        %add3A_332 = arith.addi %add3A_330, %add3A_331 : i32
        %dma_start3A_333 = arith.constant 0 : i32
        %dma_start3A_334 = tpu.memref_slice %arg4[%add3A_332, %dma_start3A_333] : memref<513x2048xf32, #tpu.memory_space<hbm>> -> memref<1x2048xf32, #tpu.memory_space<hbm>>
        %dma_start3A_335 = tpu.memref_squeeze %dma_start3A_334 : memref<1x2048xf32, #tpu.memory_space<hbm>> -> memref<2048xf32, #tpu.memory_space<hbm>>
        %dma_start3A_336 = arith.constant 0 : i32
        %dma_start3A_337 = tpu.memref_slice %arg4[%add3A_332, %dma_start3A_336] : memref<513x2048xf32, #tpu.memory_space<hbm>> -> memref<1x2048xf32, #tpu.memory_space<hbm>>
        %dma_start3A_338 = tpu.memref_squeeze %dma_start3A_337 : memref<1x2048xf32, #tpu.memory_space<hbm>> -> memref<2048xf32, #tpu.memory_space<hbm>>
        tpu.enqueue_dma source(%dma_start3A_338 : memref<2048xf32, #tpu.memory_space<hbm>>) target(%arg7 : memref<2048xf32, #tpu.memory_space<vmem>>) target_semaphore(%arg15 : memref<!tpu.dma_semaphore, #tpu.memory_space<semaphore_mem>>)
      } else {
      }
      %mul3A_206 = arith.constant 4 : i32
      %mul3A_207 = arith.muli %add3A_192, %mul3A_206 : i32
      %add3A_208 = arith.constant 0 : i32
      %add3A_209 = arith.addi %mul3A_207, %add3A_208 : i32
      %dma_wait3A_210 = arith.constant 0 : i32
      %dma_wait3A_211 = tpu.memref_slice %arg6[%dma_wait3A_210] : memref<512xi32, #tpu.memory_space<vmem>> -> memref<8xi32, #tpu.memory_space<vmem>>
      %dma_wait3A_212 = arith.constant 0 : i32
      %dma_wait3A_213 = arith.constant 0 : i32
      %dma_wait3A_214 = tpu.memref_slice %arg3[%dma_wait3A_212, %dma_wait3A_213] : memref<33025x2048xf32, #tpu.memory_space<hbm>> -> memref<33025x2048xf32, #tpu.memory_space<hbm>>
      tpu.wait_indirect_dma semaphore(%arg17 : memref<!tpu.dma_semaphore, #tpu.memory_space<semaphore_mem>>) src(%dma_wait3A_214 : memref<33025x2048xf32, #tpu.memory_space<hbm>>) dst(%arg9 : memref<8x2048xf32, #tpu.memory_space<vmem>>)
      %ge3A_215 = arith.constant 2 : i32
      %ge3A_216 = arith.cmpi sge, %add3A_209, %ge3A_215 : i32
      %convert_element_type3A_217 = arith.extui %ge3A_216 : i1 to i32
      %cond3A_218 = arith.constant 0 : i32
      %cond3A_219 = arith.cmpi ne, %convert_element_type3A_217, %cond3A_218 : i32
      scf.if %cond3A_219 {
        %dma_wait3A_330 = arith.constant 0 : i32
        %dma_wait3A_331 = tpu.memref_slice %arg5[%mul3A_2, %dma_wait3A_330] : memref<16384x2048xf32, #tpu.memory_space<hbm>> -> memref<8x2048xf32, #tpu.memory_space<hbm>>
        %dma_wait3A_332 = arith.constant 0 : i32
        %dma_wait3A_333 = tpu.memref_slice %arg5[%mul3A_2, %dma_wait3A_332] : memref<16384x2048xf32, #tpu.memory_space<hbm>> -> memref<8x2048xf32, #tpu.memory_space<hbm>>
        tpu.wait_dma2 semaphore(%arg21 : memref<!tpu.dma_semaphore, #tpu.memory_space<semaphore_mem>>) src(%arg13 : memref<8x2048xf32, #tpu.memory_space<vmem>>) dst(%dma_wait3A_333 : memref<8x2048xf32, #tpu.memory_space<hbm>>)
      } else {
      }
      %parallel_loop3A_220 = arith.constant 0 : i32
      %parallel_loop3A_221 = arith.constant 128 : i32
      %parallel_loop3A_222 = arith.constant 1 : i32
      scf.for %parallel_loop3A_330 = %parallel_loop3A_220 to %parallel_loop3A_221 step %parallel_loop3A_222  : i32 {
        %parallel_loop3A_331 = arith.constant 16 : i32
        %parallel_loop3A_332 = arith.muli %parallel_loop3A_330, %parallel_loop3A_331 : i32
        %parallel_loop3A_333 = arith.index_cast %parallel_loop3A_332 : i32 to index
        %parallel_loop3A_334 = tpu.vector_load %arg8[%parallel_loop3A_333] {strides = array<i32>} : memref<2048xf32, #tpu.memory_space<vmem>>, vector<16xf32>,
        %parallel_loop3A_335 = vector.shape_cast %parallel_loop3A_334 : vector<16xf32> to vector<16xf32>
        %parallel_loop3A_336 = arith.constant 0 : i32
        %parallel_loop3A_337 = arith.index_cast %parallel_loop3A_336 : i32 to index
        %parallel_loop3A_338 = arith.index_cast %parallel_loop3A_332 : i32 to index
        %parallel_loop3A_339 = tpu.vector_load %arg9[%parallel_loop3A_337, %parallel_loop3A_338] {strides = array<i32>} : memref<8x2048xf32, #tpu.memory_space<vmem>>, vector<1x16xf32>,
        %parallel_loop3A_340 = vector.shape_cast %parallel_loop3A_339 : vector<1x16xf32> to vector<16xf32>
        %parallel_loop3A_341 = arith.addf %parallel_loop3A_340, %parallel_loop3A_335 : vector<16xf32>
        %parallel_loop3A_342 = arith.constant 0 : i32
        %parallel_loop3A_343 = arith.index_cast %parallel_loop3A_342 : i32 to index
        %parallel_loop3A_344 = arith.index_cast %parallel_loop3A_332 : i32 to index
        %parallel_loop3A_345 = tpu.vector_load %arg13[%parallel_loop3A_343, %parallel_loop3A_344] {strides = array<i32>} : memref<8x2048xf32, #tpu.memory_space<vmem>>, vector<1x16xf32>,
        %parallel_loop3A_346 = vector.shape_cast %parallel_loop3A_345 : vector<1x16xf32> to vector<16xf32>
        %parallel_loop3A_347 = vector.shape_cast %parallel_loop3A_341 : vector<16xf32> to vector<1x16xf32>
        tpu.vector_store %arg13[%parallel_loop3A_343, %parallel_loop3A_344], %parallel_loop3A_347 {strides = array<i32>} : memref<8x2048xf32, #tpu.memory_space<vmem>>, vector<1x16xf32>,
        %parallel_loop3A_348 = arith.constant 1 : i32
        %parallel_loop3A_349 = arith.index_cast %parallel_loop3A_348 : i32 to index
        %parallel_loop3A_350 = arith.index_cast %parallel_loop3A_332 : i32 to index
        %parallel_loop3A_351 = tpu.vector_load %arg9[%parallel_loop3A_349, %parallel_loop3A_350] {strides = array<i32>} : memref<8x2048xf32, #tpu.memory_space<vmem>>, vector<1x16xf32>,
        %parallel_loop3A_352 = vector.shape_cast %parallel_loop3A_351 : vector<1x16xf32> to vector<16xf32>
        %parallel_loop3A_353 = arith.addf %parallel_loop3A_352, %parallel_loop3A_335 : vector<16xf32>
        %parallel_loop3A_354 = arith.constant 1 : i32
        %parallel_loop3A_355 = arith.index_cast %parallel_loop3A_354 : i32 to index
        %parallel_loop3A_356 = arith.index_cast %parallel_loop3A_332 : i32 to index
        %parallel_loop3A_357 = tpu.vector_load %arg13[%parallel_loop3A_355, %parallel_loop3A_356] {strides = array<i32>} : memref<8x2048xf32, #tpu.memory_space<vmem>>, vector<1x16xf32>,
        %parallel_loop3A_358 = vector.shape_cast %parallel_loop3A_357 : vector<1x16xf32> to vector<16xf32>
        %parallel_loop3A_359 = vector.shape_cast %parallel_loop3A_353 : vector<16xf32> to vector<1x16xf32>
        tpu.vector_store %arg13[%parallel_loop3A_355, %parallel_loop3A_356], %parallel_loop3A_359 {strides = array<i32>} : memref<8x2048xf32, #tpu.memory_space<vmem>>, vector<1x16xf32>,
        %parallel_loop3A_360 = arith.constant 2 : i32
        %parallel_loop3A_361 = arith.index_cast %parallel_loop3A_360 : i32 to index
        %parallel_loop3A_362 = arith.index_cast %parallel_loop3A_332 : i32 to index
        %parallel_loop3A_363 = tpu.vector_load %arg9[%parallel_loop3A_361, %parallel_loop3A_362] {strides = array<i32>} : memref<8x2048xf32, #tpu.memory_space<vmem>>, vector<1x16xf32>,
        %parallel_loop3A_364 = vector.shape_cast %parallel_loop3A_363 : vector<1x16xf32> to vector<16xf32>
        %parallel_loop3A_365 = arith.addf %parallel_loop3A_364, %parallel_loop3A_335 : vector<16xf32>
        %parallel_loop3A_366 = arith.constant 2 : i32
        %parallel_loop3A_367 = arith.index_cast %parallel_loop3A_366 : i32 to index
        %parallel_loop3A_368 = arith.index_cast %parallel_loop3A_332 : i32 to index
        %parallel_loop3A_369 = tpu.vector_load %arg13[%parallel_loop3A_367, %parallel_loop3A_368] {strides = array<i32>} : memref<8x2048xf32, #tpu.memory_space<vmem>>, vector<1x16xf32>,
        %parallel_loop3A_370 = vector.shape_cast %parallel_loop3A_369 : vector<1x16xf32> to vector<16xf32>
        %parallel_loop3A_371 = vector.shape_cast %parallel_loop3A_365 : vector<16xf32> to vector<1x16xf32>
        tpu.vector_store %arg13[%parallel_loop3A_367, %parallel_loop3A_368], %parallel_loop3A_371 {strides = array<i32>} : memref<8x2048xf32, #tpu.memory_space<vmem>>, vector<1x16xf32>,
        %parallel_loop3A_372 = arith.constant 3 : i32
        %parallel_loop3A_373 = arith.index_cast %parallel_loop3A_372 : i32 to index
        %parallel_loop3A_374 = arith.index_cast %parallel_loop3A_332 : i32 to index
        %parallel_loop3A_375 = tpu.vector_load %arg9[%parallel_loop3A_373, %parallel_loop3A_374] {strides = array<i32>} : memref<8x2048xf32, #tpu.memory_space<vmem>>, vector<1x16xf32>,
        %parallel_loop3A_376 = vector.shape_cast %parallel_loop3A_375 : vector<1x16xf32> to vector<16xf32>
        %parallel_loop3A_377 = arith.addf %parallel_loop3A_376, %parallel_loop3A_335 : vector<16xf32>
        %parallel_loop3A_378 = arith.constant 3 : i32
        %parallel_loop3A_379 = arith.index_cast %parallel_loop3A_378 : i32 to index
        %parallel_loop3A_380 = arith.index_cast %parallel_loop3A_332 : i32 to index
        %parallel_loop3A_381 = tpu.vector_load %arg13[%parallel_loop3A_379, %parallel_loop3A_380] {strides = array<i32>} : memref<8x2048xf32, #tpu.memory_space<vmem>>, vector<1x16xf32>,
        %parallel_loop3A_382 = vector.shape_cast %parallel_loop3A_381 : vector<1x16xf32> to vector<16xf32>
        %parallel_loop3A_383 = vector.shape_cast %parallel_loop3A_377 : vector<16xf32> to vector<1x16xf32>
        tpu.vector_store %arg13[%parallel_loop3A_379, %parallel_loop3A_380], %parallel_loop3A_383 {strides = array<i32>} : memref<8x2048xf32, #tpu.memory_space<vmem>>, vector<1x16xf32>,
        %parallel_loop3A_384 = arith.constant 4 : i32
        %parallel_loop3A_385 = arith.index_cast %parallel_loop3A_384 : i32 to index
        %parallel_loop3A_386 = arith.index_cast %parallel_loop3A_332 : i32 to index
        %parallel_loop3A_387 = tpu.vector_load %arg9[%parallel_loop3A_385, %parallel_loop3A_386] {strides = array<i32>} : memref<8x2048xf32, #tpu.memory_space<vmem>>, vector<1x16xf32>,
        %parallel_loop3A_388 = vector.shape_cast %parallel_loop3A_387 : vector<1x16xf32> to vector<16xf32>
        %parallel_loop3A_389 = arith.addf %parallel_loop3A_388, %parallel_loop3A_335 : vector<16xf32>
        %parallel_loop3A_390 = arith.constant 4 : i32
        %parallel_loop3A_391 = arith.index_cast %parallel_loop3A_390 : i32 to index
        %parallel_loop3A_392 = arith.index_cast %parallel_loop3A_332 : i32 to index
        %parallel_loop3A_393 = tpu.vector_load %arg13[%parallel_loop3A_391, %parallel_loop3A_392] {strides = array<i32>} : memref<8x2048xf32, #tpu.memory_space<vmem>>, vector<1x16xf32>,
        %parallel_loop3A_394 = vector.shape_cast %parallel_loop3A_393 : vector<1x16xf32> to vector<16xf32>
        %parallel_loop3A_395 = vector.shape_cast %parallel_loop3A_389 : vector<16xf32> to vector<1x16xf32>
        tpu.vector_store %arg13[%parallel_loop3A_391, %parallel_loop3A_392], %parallel_loop3A_395 {strides = array<i32>} : memref<8x2048xf32, #tpu.memory_space<vmem>>, vector<1x16xf32>,
        %parallel_loop3A_396 = arith.constant 5 : i32
        %parallel_loop3A_397 = arith.index_cast %parallel_loop3A_396 : i32 to index
        %parallel_loop3A_398 = arith.index_cast %parallel_loop3A_332 : i32 to index
        %parallel_loop3A_399 = tpu.vector_load %arg9[%parallel_loop3A_397, %parallel_loop3A_398] {strides = array<i32>} : memref<8x2048xf32, #tpu.memory_space<vmem>>, vector<1x16xf32>,
        %parallel_loop3A_400 = vector.shape_cast %parallel_loop3A_399 : vector<1x16xf32> to vector<16xf32>
        %parallel_loop3A_401 = arith.addf %parallel_loop3A_400, %parallel_loop3A_335 : vector<16xf32>
        %parallel_loop3A_402 = arith.constant 5 : i32
        %parallel_loop3A_403 = arith.index_cast %parallel_loop3A_402 : i32 to index
        %parallel_loop3A_404 = arith.index_cast %parallel_loop3A_332 : i32 to index
        %parallel_loop3A_405 = tpu.vector_load %arg13[%parallel_loop3A_403, %parallel_loop3A_404] {strides = array<i32>} : memref<8x2048xf32, #tpu.memory_space<vmem>>, vector<1x16xf32>,
        %parallel_loop3A_406 = vector.shape_cast %parallel_loop3A_405 : vector<1x16xf32> to vector<16xf32>
        %parallel_loop3A_407 = vector.shape_cast %parallel_loop3A_401 : vector<16xf32> to vector<1x16xf32>
        tpu.vector_store %arg13[%parallel_loop3A_403, %parallel_loop3A_404], %parallel_loop3A_407 {strides = array<i32>} : memref<8x2048xf32, #tpu.memory_space<vmem>>, vector<1x16xf32>,
        %parallel_loop3A_408 = arith.constant 6 : i32
        %parallel_loop3A_409 = arith.index_cast %parallel_loop3A_408 : i32 to index
        %parallel_loop3A_410 = arith.index_cast %parallel_loop3A_332 : i32 to index
        %parallel_loop3A_411 = tpu.vector_load %arg9[%parallel_loop3A_409, %parallel_loop3A_410] {strides = array<i32>} : memref<8x2048xf32, #tpu.memory_space<vmem>>, vector<1x16xf32>,
        %parallel_loop3A_412 = vector.shape_cast %parallel_loop3A_411 : vector<1x16xf32> to vector<16xf32>
        %parallel_loop3A_413 = arith.addf %parallel_loop3A_412, %parallel_loop3A_335 : vector<16xf32>
        %parallel_loop3A_414 = arith.constant 6 : i32
        %parallel_loop3A_415 = arith.index_cast %parallel_loop3A_414 : i32 to index
        %parallel_loop3A_416 = arith.index_cast %parallel_loop3A_332 : i32 to index
        %parallel_loop3A_417 = tpu.vector_load %arg13[%parallel_loop3A_415, %parallel_loop3A_416] {strides = array<i32>} : memref<8x2048xf32, #tpu.memory_space<vmem>>, vector<1x16xf32>,
        %parallel_loop3A_418 = vector.shape_cast %parallel_loop3A_417 : vector<1x16xf32> to vector<16xf32>
        %parallel_loop3A_419 = vector.shape_cast %parallel_loop3A_413 : vector<16xf32> to vector<1x16xf32>
        tpu.vector_store %arg13[%parallel_loop3A_415, %parallel_loop3A_416], %parallel_loop3A_419 {strides = array<i32>} : memref<8x2048xf32, #tpu.memory_space<vmem>>, vector<1x16xf32>,
        %parallel_loop3A_420 = arith.constant 7 : i32
        %parallel_loop3A_421 = arith.index_cast %parallel_loop3A_420 : i32 to index
        %parallel_loop3A_422 = arith.index_cast %parallel_loop3A_332 : i32 to index
        %parallel_loop3A_423 = tpu.vector_load %arg9[%parallel_loop3A_421, %parallel_loop3A_422] {strides = array<i32>} : memref<8x2048xf32, #tpu.memory_space<vmem>>, vector<1x16xf32>,
        %parallel_loop3A_424 = vector.shape_cast %parallel_loop3A_423 : vector<1x16xf32> to vector<16xf32>
        %parallel_loop3A_425 = arith.addf %parallel_loop3A_424, %parallel_loop3A_335 : vector<16xf32>
        %parallel_loop3A_426 = arith.constant 7 : i32
        %parallel_loop3A_427 = arith.index_cast %parallel_loop3A_426 : i32 to index
        %parallel_loop3A_428 = arith.index_cast %parallel_loop3A_332 : i32 to index
        %parallel_loop3A_429 = tpu.vector_load %arg13[%parallel_loop3A_427, %parallel_loop3A_428] {strides = array<i32>} : memref<8x2048xf32, #tpu.memory_space<vmem>>, vector<1x16xf32>,
        %parallel_loop3A_430 = vector.shape_cast %parallel_loop3A_429 : vector<1x16xf32> to vector<16xf32>
        %parallel_loop3A_431 = vector.shape_cast %parallel_loop3A_425 : vector<16xf32> to vector<1x16xf32>
        tpu.vector_store %arg13[%parallel_loop3A_427, %parallel_loop3A_428], %parallel_loop3A_431 {strides = array<i32>} : memref<8x2048xf32, #tpu.memory_space<vmem>>, vector<1x16xf32>,
      } {sc.loop_unroll_factor = 4 : i64, sc.parallel_access}
      %mul3A_223 = arith.constant 8 : i32
      %mul3A_224 = arith.muli %add3A_209, %mul3A_223 : i32
      %add3A_225 = arith.addi %mul3A_2, %mul3A_224 : i32
      %dma_start3A_226 = arith.constant 0 : i32
      %dma_start3A_227 = tpu.memref_slice %arg5[%add3A_225, %dma_start3A_226] : memref<16384x2048xf32, #tpu.memory_space<hbm>> -> memref<8x2048xf32, #tpu.memory_space<hbm>>
      %dma_start3A_228 = arith.constant 0 : i32
      %dma_start3A_229 = tpu.memref_slice %arg5[%add3A_225, %dma_start3A_228] : memref<16384x2048xf32, #tpu.memory_space<hbm>> -> memref<8x2048xf32, #tpu.memory_space<hbm>>
      tpu.enqueue_dma source(%arg13 : memref<8x2048xf32, #tpu.memory_space<vmem>>) target(%dma_start3A_229 : memref<8x2048xf32, #tpu.memory_space<hbm>>) target_semaphore(%arg21 : memref<!tpu.dma_semaphore, #tpu.memory_space<semaphore_mem>>)
      %add3A_230 = arith.constant 4 : i32
      %add3A_231 = arith.addi %add3A_209, %add3A_230 : i32
      %lt3A_232 = arith.constant 64 : i32
      %lt3A_233 = arith.cmpi slt, %add3A_231, %lt3A_232 : i32
      %convert_element_type3A_234 = arith.extui %lt3A_233 : i1 to i32
      %cond3A_235 = arith.constant 0 : i32
      %cond3A_236 = arith.cmpi ne, %convert_element_type3A_234, %cond3A_235 : i32
      scf.if %cond3A_236 {
        %add3A_330 = arith.constant 4 : i32
        %add3A_331 = arith.addi %add3A_209, %add3A_330 : i32
        %mul3A_332 = arith.constant 8 : i32
        %mul3A_333 = arith.muli %add3A_331, %mul3A_332 : i32
        %dma_start3A_334 = tpu.memref_slice %arg6[%mul3A_333] : memref<512xi32, #tpu.memory_space<vmem>> -> memref<8xi32, #tpu.memory_space<vmem>>
        %dma_start3A_335 = arith.constant 0 : i32
        %dma_start3A_336 = arith.constant 0 : i32
        %dma_start3A_337 = tpu.memref_slice %arg3[%dma_start3A_335, %dma_start3A_336] : memref<33025x2048xf32, #tpu.memory_space<hbm>> -> memref<33025x2048xf32, #tpu.memory_space<hbm>>
        tpu.enqueue_indirect_dma source(%dma_start3A_337 : memref<33025x2048xf32, #tpu.memory_space<hbm>>) target(%arg9 : memref<8x2048xf32, #tpu.memory_space<vmem>>) offsets(%dma_start3A_334 : memref<8xi32, #tpu.memory_space<vmem>>) semaphore(%arg17 : memref<!tpu.dma_semaphore, #tpu.memory_space<semaphore_mem>>)
      } else {
      }
      %mul3A_237 = arith.constant 4 : i32
      %mul3A_238 = arith.muli %add3A_192, %mul3A_237 : i32
      %add3A_239 = arith.constant 1 : i32
      %add3A_240 = arith.addi %mul3A_238, %add3A_239 : i32
      %dma_wait3A_241 = arith.constant 0 : i32
      %dma_wait3A_242 = tpu.memref_slice %arg6[%dma_wait3A_241] : memref<512xi32, #tpu.memory_space<vmem>> -> memref<8xi32, #tpu.memory_space<vmem>>
      %dma_wait3A_243 = arith.constant 0 : i32
      %dma_wait3A_244 = arith.constant 0 : i32
      %dma_wait3A_245 = tpu.memref_slice %arg3[%dma_wait3A_243, %dma_wait3A_244] : memref<33025x2048xf32, #tpu.memory_space<hbm>> -> memref<33025x2048xf32, #tpu.memory_space<hbm>>
      tpu.wait_indirect_dma semaphore(%arg18 : memref<!tpu.dma_semaphore, #tpu.memory_space<semaphore_mem>>) src(%dma_wait3A_245 : memref<33025x2048xf32, #tpu.memory_space<hbm>>) dst(%arg10 : memref<8x2048xf32, #tpu.memory_space<vmem>>)
      %ge3A_246 = arith.constant 2 : i32
      %ge3A_247 = arith.cmpi sge, %add3A_240, %ge3A_246 : i32
      %convert_element_type3A_248 = arith.extui %ge3A_247 : i1 to i32
      %cond3A_249 = arith.constant 0 : i32
      %cond3A_250 = arith.cmpi ne, %convert_element_type3A_248, %cond3A_249 : i32
      scf.if %cond3A_250 {
        %dma_wait3A_330 = arith.constant 0 : i32
        %dma_wait3A_331 = tpu.memref_slice %arg5[%mul3A_2, %dma_wait3A_330] : memref<16384x2048xf32, #tpu.memory_space<hbm>> -> memref<8x2048xf32, #tpu.memory_space<hbm>>
        %dma_wait3A_332 = arith.constant 0 : i32
        %dma_wait3A_333 = tpu.memref_slice %arg5[%mul3A_2, %dma_wait3A_332] : memref<16384x2048xf32, #tpu.memory_space<hbm>> -> memref<8x2048xf32, #tpu.memory_space<hbm>>
        tpu.wait_dma2 semaphore(%arg22 : memref<!tpu.dma_semaphore, #tpu.memory_space<semaphore_mem>>) src(%arg14 : memref<8x2048xf32, #tpu.memory_space<vmem>>) dst(%dma_wait3A_333 : memref<8x2048xf32, #tpu.memory_space<hbm>>)
      } else {
      }
      %parallel_loop3A_251 = arith.constant 0 : i32
      %parallel_loop3A_252 = arith.constant 128 : i32
      %parallel_loop3A_253 = arith.constant 1 : i32
      scf.for %parallel_loop3A_330 = %parallel_loop3A_251 to %parallel_loop3A_252 step %parallel_loop3A_253  : i32 {
        %parallel_loop3A_331 = arith.constant 16 : i32
        %parallel_loop3A_332 = arith.muli %parallel_loop3A_330, %parallel_loop3A_331 : i32
        %parallel_loop3A_333 = arith.index_cast %parallel_loop3A_332 : i32 to index
        %parallel_loop3A_334 = tpu.vector_load %arg8[%parallel_loop3A_333] {strides = array<i32>} : memref<2048xf32, #tpu.memory_space<vmem>>, vector<16xf32>,
        %parallel_loop3A_335 = vector.shape_cast %parallel_loop3A_334 : vector<16xf32> to vector<16xf32>
        %parallel_loop3A_336 = arith.constant 0 : i32
        %parallel_loop3A_337 = arith.index_cast %parallel_loop3A_336 : i32 to index
        %parallel_loop3A_338 = arith.index_cast %parallel_loop3A_332 : i32 to index
        %parallel_loop3A_339 = tpu.vector_load %arg10[%parallel_loop3A_337, %parallel_loop3A_338] {strides = array<i32>} : memref<8x2048xf32, #tpu.memory_space<vmem>>, vector<1x16xf32>,
        %parallel_loop3A_340 = vector.shape_cast %parallel_loop3A_339 : vector<1x16xf32> to vector<16xf32>
        %parallel_loop3A_341 = arith.addf %parallel_loop3A_340, %parallel_loop3A_335 : vector<16xf32>
        %parallel_loop3A_342 = arith.constant 0 : i32
        %parallel_loop3A_343 = arith.index_cast %parallel_loop3A_342 : i32 to index
        %parallel_loop3A_344 = arith.index_cast %parallel_loop3A_332 : i32 to index
        %parallel_loop3A_345 = tpu.vector_load %arg14[%parallel_loop3A_343, %parallel_loop3A_344] {strides = array<i32>} : memref<8x2048xf32, #tpu.memory_space<vmem>>, vector<1x16xf32>,
        %parallel_loop3A_346 = vector.shape_cast %parallel_loop3A_345 : vector<1x16xf32> to vector<16xf32>
        %parallel_loop3A_347 = vector.shape_cast %parallel_loop3A_341 : vector<16xf32> to vector<1x16xf32>
        tpu.vector_store %arg14[%parallel_loop3A_343, %parallel_loop3A_344], %parallel_loop3A_347 {strides = array<i32>} : memref<8x2048xf32, #tpu.memory_space<vmem>>, vector<1x16xf32>,
        %parallel_loop3A_348 = arith.constant 1 : i32
        %parallel_loop3A_349 = arith.index_cast %parallel_loop3A_348 : i32 to index
        %parallel_loop3A_350 = arith.index_cast %parallel_loop3A_332 : i32 to index
        %parallel_loop3A_351 = tpu.vector_load %arg10[%parallel_loop3A_349, %parallel_loop3A_350] {strides = array<i32>} : memref<8x2048xf32, #tpu.memory_space<vmem>>, vector<1x16xf32>,
        %parallel_loop3A_352 = vector.shape_cast %parallel_loop3A_351 : vector<1x16xf32> to vector<16xf32>
        %parallel_loop3A_353 = arith.addf %parallel_loop3A_352, %parallel_loop3A_335 : vector<16xf32>
        %parallel_loop3A_354 = arith.constant 1 : i32
        %parallel_loop3A_355 = arith.index_cast %parallel_loop3A_354 : i32 to index
        %parallel_loop3A_356 = arith.index_cast %parallel_loop3A_332 : i32 to index
        %parallel_loop3A_357 = tpu.vector_load %arg14[%parallel_loop3A_355, %parallel_loop3A_356] {strides = array<i32>} : memref<8x2048xf32, #tpu.memory_space<vmem>>, vector<1x16xf32>,
        %parallel_loop3A_358 = vector.shape_cast %parallel_loop3A_357 : vector<1x16xf32> to vector<16xf32>
        %parallel_loop3A_359 = vector.shape_cast %parallel_loop3A_353 : vector<16xf32> to vector<1x16xf32>
        tpu.vector_store %arg14[%parallel_loop3A_355, %parallel_loop3A_356], %parallel_loop3A_359 {strides = array<i32>} : memref<8x2048xf32, #tpu.memory_space<vmem>>, vector<1x16xf32>,
        %parallel_loop3A_360 = arith.constant 2 : i32
        %parallel_loop3A_361 = arith.index_cast %parallel_loop3A_360 : i32 to index
        %parallel_loop3A_362 = arith.index_cast %parallel_loop3A_332 : i32 to index
        %parallel_loop3A_363 = tpu.vector_load %arg10[%parallel_loop3A_361, %parallel_loop3A_362] {strides = array<i32>} : memref<8x2048xf32, #tpu.memory_space<vmem>>, vector<1x16xf32>,
        %parallel_loop3A_364 = vector.shape_cast %parallel_loop3A_363 : vector<1x16xf32> to vector<16xf32>
        %parallel_loop3A_365 = arith.addf %parallel_loop3A_364, %parallel_loop3A_335 : vector<16xf32>
        %parallel_loop3A_366 = arith.constant 2 : i32
        %parallel_loop3A_367 = arith.index_cast %parallel_loop3A_366 : i32 to index
        %parallel_loop3A_368 = arith.index_cast %parallel_loop3A_332 : i32 to index
        %parallel_loop3A_369 = tpu.vector_load %arg14[%parallel_loop3A_367, %parallel_loop3A_368] {strides = array<i32>} : memref<8x2048xf32, #tpu.memory_space<vmem>>, vector<1x16xf32>,
        %parallel_loop3A_370 = vector.shape_cast %parallel_loop3A_369 : vector<1x16xf32> to vector<16xf32>
        %parallel_loop3A_371 = vector.shape_cast %parallel_loop3A_365 : vector<16xf32> to vector<1x16xf32>
        tpu.vector_store %arg14[%parallel_loop3A_367, %parallel_loop3A_368], %parallel_loop3A_371 {strides = array<i32>} : memref<8x2048xf32, #tpu.memory_space<vmem>>, vector<1x16xf32>,
        %parallel_loop3A_372 = arith.constant 3 : i32
        %parallel_loop3A_373 = arith.index_cast %parallel_loop3A_372 : i32 to index
        %parallel_loop3A_374 = arith.index_cast %parallel_loop3A_332 : i32 to index
        %parallel_loop3A_375 = tpu.vector_load %arg10[%parallel_loop3A_373, %parallel_loop3A_374] {strides = array<i32>} : memref<8x2048xf32, #tpu.memory_space<vmem>>, vector<1x16xf32>,
        %parallel_loop3A_376 = vector.shape_cast %parallel_loop3A_375 : vector<1x16xf32> to vector<16xf32>
        %parallel_loop3A_377 = arith.addf %parallel_loop3A_376, %parallel_loop3A_335 : vector<16xf32>
        %parallel_loop3A_378 = arith.constant 3 : i32
        %parallel_loop3A_379 = arith.index_cast %parallel_loop3A_378 : i32 to index
        %parallel_loop3A_380 = arith.index_cast %parallel_loop3A_332 : i32 to index
        %parallel_loop3A_381 = tpu.vector_load %arg14[%parallel_loop3A_379, %parallel_loop3A_380] {strides = array<i32>} : memref<8x2048xf32, #tpu.memory_space<vmem>>, vector<1x16xf32>,
        %parallel_loop3A_382 = vector.shape_cast %parallel_loop3A_381 : vector<1x16xf32> to vector<16xf32>
        %parallel_loop3A_383 = vector.shape_cast %parallel_loop3A_377 : vector<16xf32> to vector<1x16xf32>
        tpu.vector_store %arg14[%parallel_loop3A_379, %parallel_loop3A_380], %parallel_loop3A_383 {strides = array<i32>} : memref<8x2048xf32, #tpu.memory_space<vmem>>, vector<1x16xf32>,
        %parallel_loop3A_384 = arith.constant 4 : i32
        %parallel_loop3A_385 = arith.index_cast %parallel_loop3A_384 : i32 to index
        %parallel_loop3A_386 = arith.index_cast %parallel_loop3A_332 : i32 to index
        %parallel_loop3A_387 = tpu.vector_load %arg10[%parallel_loop3A_385, %parallel_loop3A_386] {strides = array<i32>} : memref<8x2048xf32, #tpu.memory_space<vmem>>, vector<1x16xf32>,
        %parallel_loop3A_388 = vector.shape_cast %parallel_loop3A_387 : vector<1x16xf32> to vector<16xf32>
        %parallel_loop3A_389 = arith.addf %parallel_loop3A_388, %parallel_loop3A_335 : vector<16xf32>
        %parallel_loop3A_390 = arith.constant 4 : i32
        %parallel_loop3A_391 = arith.index_cast %parallel_loop3A_390 : i32 to index
        %parallel_loop3A_392 = arith.index_cast %parallel_loop3A_332 : i32 to index
        %parallel_loop3A_393 = tpu.vector_load %arg14[%parallel_loop3A_391, %parallel_loop3A_392] {strides = array<i32>} : memref<8x2048xf32, #tpu.memory_space<vmem>>, vector<1x16xf32>,
        %parallel_loop3A_394 = vector.shape_cast %parallel_loop3A_393 : vector<1x16xf32> to vector<16xf32>
        %parallel_loop3A_395 = vector.shape_cast %parallel_loop3A_389 : vector<16xf32> to vector<1x16xf32>
        tpu.vector_store %arg14[%parallel_loop3A_391, %parallel_loop3A_392], %parallel_loop3A_395 {strides = array<i32>} : memref<8x2048xf32, #tpu.memory_space<vmem>>, vector<1x16xf32>,
        %parallel_loop3A_396 = arith.constant 5 : i32
        %parallel_loop3A_397 = arith.index_cast %parallel_loop3A_396 : i32 to index
        %parallel_loop3A_398 = arith.index_cast %parallel_loop3A_332 : i32 to index
        %parallel_loop3A_399 = tpu.vector_load %arg10[%parallel_loop3A_397, %parallel_loop3A_398] {strides = array<i32>} : memref<8x2048xf32, #tpu.memory_space<vmem>>, vector<1x16xf32>,
        %parallel_loop3A_400 = vector.shape_cast %parallel_loop3A_399 : vector<1x16xf32> to vector<16xf32>
        %parallel_loop3A_401 = arith.addf %parallel_loop3A_400, %parallel_loop3A_335 : vector<16xf32>
        %parallel_loop3A_402 = arith.constant 5 : i32
        %parallel_loop3A_403 = arith.index_cast %parallel_loop3A_402 : i32 to index
        %parallel_loop3A_404 = arith.index_cast %parallel_loop3A_332 : i32 to index
        %parallel_loop3A_405 = tpu.vector_load %arg14[%parallel_loop3A_403, %parallel_loop3A_404] {strides = array<i32>} : memref<8x2048xf32, #tpu.memory_space<vmem>>, vector<1x16xf32>,
        %parallel_loop3A_406 = vector.shape_cast %parallel_loop3A_405 : vector<1x16xf32> to vector<16xf32>
        %parallel_loop3A_407 = vector.shape_cast %parallel_loop3A_401 : vector<16xf32> to vector<1x16xf32>
        tpu.vector_store %arg14[%parallel_loop3A_403, %parallel_loop3A_404], %parallel_loop3A_407 {strides = array<i32>} : memref<8x2048xf32, #tpu.memory_space<vmem>>, vector<1x16xf32>,
        %parallel_loop3A_408 = arith.constant 6 : i32
        %parallel_loop3A_409 = arith.index_cast %parallel_loop3A_408 : i32 to index
        %parallel_loop3A_410 = arith.index_cast %parallel_loop3A_332 : i32 to index
        %parallel_loop3A_411 = tpu.vector_load %arg10[%parallel_loop3A_409, %parallel_loop3A_410] {strides = array<i32>} : memref<8x2048xf32, #tpu.memory_space<vmem>>, vector<1x16xf32>,
        %parallel_loop3A_412 = vector.shape_cast %parallel_loop3A_411 : vector<1x16xf32> to vector<16xf32>
        %parallel_loop3A_413 = arith.addf %parallel_loop3A_412, %parallel_loop3A_335 : vector<16xf32>
        %parallel_loop3A_414 = arith.constant 6 : i32
        %parallel_loop3A_415 = arith.index_cast %parallel_loop3A_414 : i32 to index
        %parallel_loop3A_416 = arith.index_cast %parallel_loop3A_332 : i32 to index
        %parallel_loop3A_417 = tpu.vector_load %arg14[%parallel_loop3A_415, %parallel_loop3A_416] {strides = array<i32>} : memref<8x2048xf32, #tpu.memory_space<vmem>>, vector<1x16xf32>,
        %parallel_loop3A_418 = vector.shape_cast %parallel_loop3A_417 : vector<1x16xf32> to vector<16xf32>
        %parallel_loop3A_419 = vector.shape_cast %parallel_loop3A_413 : vector<16xf32> to vector<1x16xf32>
        tpu.vector_store %arg14[%parallel_loop3A_415, %parallel_loop3A_416], %parallel_loop3A_419 {strides = array<i32>} : memref<8x2048xf32, #tpu.memory_space<vmem>>, vector<1x16xf32>,
        %parallel_loop3A_420 = arith.constant 7 : i32
        %parallel_loop3A_421 = arith.index_cast %parallel_loop3A_420 : i32 to index
        %parallel_loop3A_422 = arith.index_cast %parallel_loop3A_332 : i32 to index
        %parallel_loop3A_423 = tpu.vector_load %arg10[%parallel_loop3A_421, %parallel_loop3A_422] {strides = array<i32>} : memref<8x2048xf32, #tpu.memory_space<vmem>>, vector<1x16xf32>,
        %parallel_loop3A_424 = vector.shape_cast %parallel_loop3A_423 : vector<1x16xf32> to vector<16xf32>
        %parallel_loop3A_425 = arith.addf %parallel_loop3A_424, %parallel_loop3A_335 : vector<16xf32>
        %parallel_loop3A_426 = arith.constant 7 : i32
        %parallel_loop3A_427 = arith.index_cast %parallel_loop3A_426 : i32 to index
        %parallel_loop3A_428 = arith.index_cast %parallel_loop3A_332 : i32 to index
        %parallel_loop3A_429 = tpu.vector_load %arg14[%parallel_loop3A_427, %parallel_loop3A_428] {strides = array<i32>} : memref<8x2048xf32, #tpu.memory_space<vmem>>, vector<1x16xf32>,
        %parallel_loop3A_430 = vector.shape_cast %parallel_loop3A_429 : vector<1x16xf32> to vector<16xf32>
        %parallel_loop3A_431 = vector.shape_cast %parallel_loop3A_425 : vector<16xf32> to vector<1x16xf32>
        tpu.vector_store %arg14[%parallel_loop3A_427, %parallel_loop3A_428], %parallel_loop3A_431 {strides = array<i32>} : memref<8x2048xf32, #tpu.memory_space<vmem>>, vector<1x16xf32>,
      } {sc.loop_unroll_factor = 4 : i64, sc.parallel_access}
      %mul3A_254 = arith.constant 8 : i32
      %mul3A_255 = arith.muli %add3A_240, %mul3A_254 : i32
      %add3A_256 = arith.addi %mul3A_2, %mul3A_255 : i32
      %dma_start3A_257 = arith.constant 0 : i32
      %dma_start3A_258 = tpu.memref_slice %arg5[%add3A_256, %dma_start3A_257] : memref<16384x2048xf32, #tpu.memory_space<hbm>> -> memref<8x2048xf32, #tpu.memory_space<hbm>>
      %dma_start3A_259 = arith.constant 0 : i32
      %dma_start3A_260 = tpu.memref_slice %arg5[%add3A_256, %dma_start3A_259] : memref<16384x2048xf32, #tpu.memory_space<hbm>> -> memref<8x2048xf32, #tpu.memory_space<hbm>>
      tpu.enqueue_dma source(%arg14 : memref<8x2048xf32, #tpu.memory_space<vmem>>) target(%dma_start3A_260 : memref<8x2048xf32, #tpu.memory_space<hbm>>) target_semaphore(%arg22 : memref<!tpu.dma_semaphore, #tpu.memory_space<semaphore_mem>>)
      %add3A_261 = arith.constant 4 : i32
      %add3A_262 = arith.addi %add3A_240, %add3A_261 : i32
      %lt3A_263 = arith.constant 64 : i32
      %lt3A_264 = arith.cmpi slt, %add3A_262, %lt3A_263 : i32
      %convert_element_type3A_265 = arith.extui %lt3A_264 : i1 to i32
      %cond3A_266 = arith.constant 0 : i32
      %cond3A_267 = arith.cmpi ne, %convert_element_type3A_265, %cond3A_266 : i32
      scf.if %cond3A_267 {
        %add3A_330 = arith.constant 4 : i32
        %add3A_331 = arith.addi %add3A_240, %add3A_330 : i32
        %mul3A_332 = arith.constant 8 : i32
        %mul3A_333 = arith.muli %add3A_331, %mul3A_332 : i32
        %dma_start3A_334 = tpu.memref_slice %arg6[%mul3A_333] : memref<512xi32, #tpu.memory_space<vmem>> -> memref<8xi32, #tpu.memory_space<vmem>>
        %dma_start3A_335 = arith.constant 0 : i32
        %dma_start3A_336 = arith.constant 0 : i32
        %dma_start3A_337 = tpu.memref_slice %arg3[%dma_start3A_335, %dma_start3A_336] : memref<33025x2048xf32, #tpu.memory_space<hbm>> -> memref<33025x2048xf32, #tpu.memory_space<hbm>>
        tpu.enqueue_indirect_dma source(%dma_start3A_337 : memref<33025x2048xf32, #tpu.memory_space<hbm>>) target(%arg10 : memref<8x2048xf32, #tpu.memory_space<vmem>>) offsets(%dma_start3A_334 : memref<8xi32, #tpu.memory_space<vmem>>) semaphore(%arg18 : memref<!tpu.dma_semaphore, #tpu.memory_space<semaphore_mem>>)
      } else {
      }
      %mul3A_268 = arith.constant 4 : i32
      %mul3A_269 = arith.muli %add3A_192, %mul3A_268 : i32
      %add3A_270 = arith.constant 2 : i32
      %add3A_271 = arith.addi %mul3A_269, %add3A_270 : i32
      %dma_wait3A_272 = arith.constant 0 : i32
      %dma_wait3A_273 = tpu.memref_slice %arg6[%dma_wait3A_272] : memref<512xi32, #tpu.memory_space<vmem>> -> memref<8xi32, #tpu.memory_space<vmem>>
      %dma_wait3A_274 = arith.constant 0 : i32
      %dma_wait3A_275 = arith.constant 0 : i32
      %dma_wait3A_276 = tpu.memref_slice %arg3[%dma_wait3A_274, %dma_wait3A_275] : memref<33025x2048xf32, #tpu.memory_space<hbm>> -> memref<33025x2048xf32, #tpu.memory_space<hbm>>
      tpu.wait_indirect_dma semaphore(%arg19 : memref<!tpu.dma_semaphore, #tpu.memory_space<semaphore_mem>>) src(%dma_wait3A_276 : memref<33025x2048xf32, #tpu.memory_space<hbm>>) dst(%arg11 : memref<8x2048xf32, #tpu.memory_space<vmem>>)
      %ge3A_277 = arith.constant 2 : i32
      %ge3A_278 = arith.cmpi sge, %add3A_271, %ge3A_277 : i32
      %convert_element_type3A_279 = arith.extui %ge3A_278 : i1 to i32
      %cond3A_280 = arith.constant 0 : i32
      %cond3A_281 = arith.cmpi ne, %convert_element_type3A_279, %cond3A_280 : i32
      scf.if %cond3A_281 {
        %dma_wait3A_330 = arith.constant 0 : i32
        %dma_wait3A_331 = tpu.memref_slice %arg5[%mul3A_2, %dma_wait3A_330] : memref<16384x2048xf32, #tpu.memory_space<hbm>> -> memref<8x2048xf32, #tpu.memory_space<hbm>>
        %dma_wait3A_332 = arith.constant 0 : i32
        %dma_wait3A_333 = tpu.memref_slice %arg5[%mul3A_2, %dma_wait3A_332] : memref<16384x2048xf32, #tpu.memory_space<hbm>> -> memref<8x2048xf32, #tpu.memory_space<hbm>>
        tpu.wait_dma2 semaphore(%arg21 : memref<!tpu.dma_semaphore, #tpu.memory_space<semaphore_mem>>) src(%arg13 : memref<8x2048xf32, #tpu.memory_space<vmem>>) dst(%dma_wait3A_333 : memref<8x2048xf32, #tpu.memory_space<hbm>>)
      } else {
      }
      %parallel_loop3A_282 = arith.constant 0 : i32
      %parallel_loop3A_283 = arith.constant 128 : i32
      %parallel_loop3A_284 = arith.constant 1 : i32
      scf.for %parallel_loop3A_330 = %parallel_loop3A_282 to %parallel_loop3A_283 step %parallel_loop3A_284  : i32 {
        %parallel_loop3A_331 = arith.constant 16 : i32
        %parallel_loop3A_332 = arith.muli %parallel_loop3A_330, %parallel_loop3A_331 : i32
        %parallel_loop3A_333 = arith.index_cast %parallel_loop3A_332 : i32 to index
        %parallel_loop3A_334 = tpu.vector_load %arg8[%parallel_loop3A_333] {strides = array<i32>} : memref<2048xf32, #tpu.memory_space<vmem>>, vector<16xf32>,
        %parallel_loop3A_335 = vector.shape_cast %parallel_loop3A_334 : vector<16xf32> to vector<16xf32>
        %parallel_loop3A_336 = arith.constant 0 : i32
        %parallel_loop3A_337 = arith.index_cast %parallel_loop3A_336 : i32 to index
        %parallel_loop3A_338 = arith.index_cast %parallel_loop3A_332 : i32 to index
        %parallel_loop3A_339 = tpu.vector_load %arg11[%parallel_loop3A_337, %parallel_loop3A_338] {strides = array<i32>} : memref<8x2048xf32, #tpu.memory_space<vmem>>, vector<1x16xf32>,
        %parallel_loop3A_340 = vector.shape_cast %parallel_loop3A_339 : vector<1x16xf32> to vector<16xf32>
        %parallel_loop3A_341 = arith.addf %parallel_loop3A_340, %parallel_loop3A_335 : vector<16xf32>
        %parallel_loop3A_342 = arith.constant 0 : i32
        %parallel_loop3A_343 = arith.index_cast %parallel_loop3A_342 : i32 to index
        %parallel_loop3A_344 = arith.index_cast %parallel_loop3A_332 : i32 to index
        %parallel_loop3A_345 = tpu.vector_load %arg13[%parallel_loop3A_343, %parallel_loop3A_344] {strides = array<i32>} : memref<8x2048xf32, #tpu.memory_space<vmem>>, vector<1x16xf32>,
        %parallel_loop3A_346 = vector.shape_cast %parallel_loop3A_345 : vector<1x16xf32> to vector<16xf32>
        %parallel_loop3A_347 = vector.shape_cast %parallel_loop3A_341 : vector<16xf32> to vector<1x16xf32>
        tpu.vector_store %arg13[%parallel_loop3A_343, %parallel_loop3A_344], %parallel_loop3A_347 {strides = array<i32>} : memref<8x2048xf32, #tpu.memory_space<vmem>>, vector<1x16xf32>,
        %parallel_loop3A_348 = arith.constant 1 : i32
        %parallel_loop3A_349 = arith.index_cast %parallel_loop3A_348 : i32 to index
        %parallel_loop3A_350 = arith.index_cast %parallel_loop3A_332 : i32 to index
        %parallel_loop3A_351 = tpu.vector_load %arg11[%parallel_loop3A_349, %parallel_loop3A_350] {strides = array<i32>} : memref<8x2048xf32, #tpu.memory_space<vmem>>, vector<1x16xf32>,
        %parallel_loop3A_352 = vector.shape_cast %parallel_loop3A_351 : vector<1x16xf32> to vector<16xf32>
        %parallel_loop3A_353 = arith.addf %parallel_loop3A_352, %parallel_loop3A_335 : vector<16xf32>
        %parallel_loop3A_354 = arith.constant 1 : i32
        %parallel_loop3A_355 = arith.index_cast %parallel_loop3A_354 : i32 to index
        %parallel_loop3A_356 = arith.index_cast %parallel_loop3A_332 : i32 to index
        %parallel_loop3A_357 = tpu.vector_load %arg13[%parallel_loop3A_355, %parallel_loop3A_356] {strides = array<i32>} : memref<8x2048xf32, #tpu.memory_space<vmem>>, vector<1x16xf32>,
        %parallel_loop3A_358 = vector.shape_cast %parallel_loop3A_357 : vector<1x16xf32> to vector<16xf32>
        %parallel_loop3A_359 = vector.shape_cast %parallel_loop3A_353 : vector<16xf32> to vector<1x16xf32>
        tpu.vector_store %arg13[%parallel_loop3A_355, %parallel_loop3A_356], %parallel_loop3A_359 {strides = array<i32>} : memref<8x2048xf32, #tpu.memory_space<vmem>>, vector<1x16xf32>,
        %parallel_loop3A_360 = arith.constant 2 : i32
        %parallel_loop3A_361 = arith.index_cast %parallel_loop3A_360 : i32 to index
        %parallel_loop3A_362 = arith.index_cast %parallel_loop3A_332 : i32 to index
        %parallel_loop3A_363 = tpu.vector_load %arg11[%parallel_loop3A_361, %parallel_loop3A_362] {strides = array<i32>} : memref<8x2048xf32, #tpu.memory_space<vmem>>, vector<1x16xf32>,
        %parallel_loop3A_364 = vector.shape_cast %parallel_loop3A_363 : vector<1x16xf32> to vector<16xf32>
        %parallel_loop3A_365 = arith.addf %parallel_loop3A_364, %parallel_loop3A_335 : vector<16xf32>
        %parallel_loop3A_366 = arith.constant 2 : i32
        %parallel_loop3A_367 = arith.index_cast %parallel_loop3A_366 : i32 to index
        %parallel_loop3A_368 = arith.index_cast %parallel_loop3A_332 : i32 to index
        %parallel_loop3A_369 = tpu.vector_load %arg13[%parallel_loop3A_367, %parallel_loop3A_368] {strides = array<i32>} : memref<8x2048xf32, #tpu.memory_space<vmem>>, vector<1x16xf32>,
        %parallel_loop3A_370 = vector.shape_cast %parallel_loop3A_369 : vector<1x16xf32> to vector<16xf32>
        %parallel_loop3A_371 = vector.shape_cast %parallel_loop3A_365 : vector<16xf32> to vector<1x16xf32>
        tpu.vector_store %arg13[%parallel_loop3A_367, %parallel_loop3A_368], %parallel_loop3A_371 {strides = array<i32>} : memref<8x2048xf32, #tpu.memory_space<vmem>>, vector<1x16xf32>,
        %parallel_loop3A_372 = arith.constant 3 : i32
        %parallel_loop3A_373 = arith.index_cast %parallel_loop3A_372 : i32 to index
        %parallel_loop3A_374 = arith.index_cast %parallel_loop3A_332 : i32 to index
        %parallel_loop3A_375 = tpu.vector_load %arg11[%parallel_loop3A_373, %parallel_loop3A_374] {strides = array<i32>} : memref<8x2048xf32, #tpu.memory_space<vmem>>, vector<1x16xf32>,
        %parallel_loop3A_376 = vector.shape_cast %parallel_loop3A_375 : vector<1x16xf32> to vector<16xf32>
        %parallel_loop3A_377 = arith.addf %parallel_loop3A_376, %parallel_loop3A_335 : vector<16xf32>
        %parallel_loop3A_378 = arith.constant 3 : i32
        %parallel_loop3A_379 = arith.index_cast %parallel_loop3A_378 : i32 to index
        %parallel_loop3A_380 = arith.index_cast %parallel_loop3A_332 : i32 to index
        %parallel_loop3A_381 = tpu.vector_load %arg13[%parallel_loop3A_379, %parallel_loop3A_380] {strides = array<i32>} : memref<8x2048xf32, #tpu.memory_space<vmem>>, vector<1x16xf32>,
        %parallel_loop3A_382 = vector.shape_cast %parallel_loop3A_381 : vector<1x16xf32> to vector<16xf32>
        %parallel_loop3A_383 = vector.shape_cast %parallel_loop3A_377 : vector<16xf32> to vector<1x16xf32>
        tpu.vector_store %arg13[%parallel_loop3A_379, %parallel_loop3A_380], %parallel_loop3A_383 {strides = array<i32>} : memref<8x2048xf32, #tpu.memory_space<vmem>>, vector<1x16xf32>,
        %parallel_loop3A_384 = arith.constant 4 : i32
        %parallel_loop3A_385 = arith.index_cast %parallel_loop3A_384 : i32 to index
        %parallel_loop3A_386 = arith.index_cast %parallel_loop3A_332 : i32 to index
        %parallel_loop3A_387 = tpu.vector_load %arg11[%parallel_loop3A_385, %parallel_loop3A_386] {strides = array<i32>} : memref<8x2048xf32, #tpu.memory_space<vmem>>, vector<1x16xf32>,
        %parallel_loop3A_388 = vector.shape_cast %parallel_loop3A_387 : vector<1x16xf32> to vector<16xf32>
        %parallel_loop3A_389 = arith.addf %parallel_loop3A_388, %parallel_loop3A_335 : vector<16xf32>
        %parallel_loop3A_390 = arith.constant 4 : i32
        %parallel_loop3A_391 = arith.index_cast %parallel_loop3A_390 : i32 to index
        %parallel_loop3A_392 = arith.index_cast %parallel_loop3A_332 : i32 to index
        %parallel_loop3A_393 = tpu.vector_load %arg13[%parallel_loop3A_391, %parallel_loop3A_392] {strides = array<i32>} : memref<8x2048xf32, #tpu.memory_space<vmem>>, vector<1x16xf32>,
        %parallel_loop3A_394 = vector.shape_cast %parallel_loop3A_393 : vector<1x16xf32> to vector<16xf32>
        %parallel_loop3A_395 = vector.shape_cast %parallel_loop3A_389 : vector<16xf32> to vector<1x16xf32>
        tpu.vector_store %arg13[%parallel_loop3A_391, %parallel_loop3A_392], %parallel_loop3A_395 {strides = array<i32>} : memref<8x2048xf32, #tpu.memory_space<vmem>>, vector<1x16xf32>,
        %parallel_loop3A_396 = arith.constant 5 : i32
        %parallel_loop3A_397 = arith.index_cast %parallel_loop3A_396 : i32 to index
        %parallel_loop3A_398 = arith.index_cast %parallel_loop3A_332 : i32 to index
        %parallel_loop3A_399 = tpu.vector_load %arg11[%parallel_loop3A_397, %parallel_loop3A_398] {strides = array<i32>} : memref<8x2048xf32, #tpu.memory_space<vmem>>, vector<1x16xf32>,
        %parallel_loop3A_400 = vector.shape_cast %parallel_loop3A_399 : vector<1x16xf32> to vector<16xf32>
        %parallel_loop3A_401 = arith.addf %parallel_loop3A_400, %parallel_loop3A_335 : vector<16xf32>
        %parallel_loop3A_402 = arith.constant 5 : i32
        %parallel_loop3A_403 = arith.index_cast %parallel_loop3A_402 : i32 to index
        %parallel_loop3A_404 = arith.index_cast %parallel_loop3A_332 : i32 to index
        %parallel_loop3A_405 = tpu.vector_load %arg13[%parallel_loop3A_403, %parallel_loop3A_404] {strides = array<i32>} : memref<8x2048xf32, #tpu.memory_space<vmem>>, vector<1x16xf32>,
        %parallel_loop3A_406 = vector.shape_cast %parallel_loop3A_405 : vector<1x16xf32> to vector<16xf32>
        %parallel_loop3A_407 = vector.shape_cast %parallel_loop3A_401 : vector<16xf32> to vector<1x16xf32>
        tpu.vector_store %arg13[%parallel_loop3A_403, %parallel_loop3A_404], %parallel_loop3A_407 {strides = array<i32>} : memref<8x2048xf32, #tpu.memory_space<vmem>>, vector<1x16xf32>,
        %parallel_loop3A_408 = arith.constant 6 : i32
        %parallel_loop3A_409 = arith.index_cast %parallel_loop3A_408 : i32 to index
        %parallel_loop3A_410 = arith.index_cast %parallel_loop3A_332 : i32 to index
        %parallel_loop3A_411 = tpu.vector_load %arg11[%parallel_loop3A_409, %parallel_loop3A_410] {strides = array<i32>} : memref<8x2048xf32, #tpu.memory_space<vmem>>, vector<1x16xf32>,
        %parallel_loop3A_412 = vector.shape_cast %parallel_loop3A_411 : vector<1x16xf32> to vector<16xf32>
        %parallel_loop3A_413 = arith.addf %parallel_loop3A_412, %parallel_loop3A_335 : vector<16xf32>
        %parallel_loop3A_414 = arith.constant 6 : i32
        %parallel_loop3A_415 = arith.index_cast %parallel_loop3A_414 : i32 to index
        %parallel_loop3A_416 = arith.index_cast %parallel_loop3A_332 : i32 to index
        %parallel_loop3A_417 = tpu.vector_load %arg13[%parallel_loop3A_415, %parallel_loop3A_416] {strides = array<i32>} : memref<8x2048xf32, #tpu.memory_space<vmem>>, vector<1x16xf32>,
        %parallel_loop3A_418 = vector.shape_cast %parallel_loop3A_417 : vector<1x16xf32> to vector<16xf32>
        %parallel_loop3A_419 = vector.shape_cast %parallel_loop3A_413 : vector<16xf32> to vector<1x16xf32>
        tpu.vector_store %arg13[%parallel_loop3A_415, %parallel_loop3A_416], %parallel_loop3A_419 {strides = array<i32>} : memref<8x2048xf32, #tpu.memory_space<vmem>>, vector<1x16xf32>,
        %parallel_loop3A_420 = arith.constant 7 : i32
        %parallel_loop3A_421 = arith.index_cast %parallel_loop3A_420 : i32 to index
        %parallel_loop3A_422 = arith.index_cast %parallel_loop3A_332 : i32 to index
        %parallel_loop3A_423 = tpu.vector_load %arg11[%parallel_loop3A_421, %parallel_loop3A_422] {strides = array<i32>} : memref<8x2048xf32, #tpu.memory_space<vmem>>, vector<1x16xf32>,
        %parallel_loop3A_424 = vector.shape_cast %parallel_loop3A_423 : vector<1x16xf32> to vector<16xf32>
        %parallel_loop3A_425 = arith.addf %parallel_loop3A_424, %parallel_loop3A_335 : vector<16xf32>
        %parallel_loop3A_426 = arith.constant 7 : i32
        %parallel_loop3A_427 = arith.index_cast %parallel_loop3A_426 : i32 to index
        %parallel_loop3A_428 = arith.index_cast %parallel_loop3A_332 : i32 to index
        %parallel_loop3A_429 = tpu.vector_load %arg13[%parallel_loop3A_427, %parallel_loop3A_428] {strides = array<i32>} : memref<8x2048xf32, #tpu.memory_space<vmem>>, vector<1x16xf32>,
        %parallel_loop3A_430 = vector.shape_cast %parallel_loop3A_429 : vector<1x16xf32> to vector<16xf32>
        %parallel_loop3A_431 = vector.shape_cast %parallel_loop3A_425 : vector<16xf32> to vector<1x16xf32>
        tpu.vector_store %arg13[%parallel_loop3A_427, %parallel_loop3A_428], %parallel_loop3A_431 {strides = array<i32>} : memref<8x2048xf32, #tpu.memory_space<vmem>>, vector<1x16xf32>,
      } {sc.loop_unroll_factor = 4 : i64, sc.parallel_access}
      %mul3A_285 = arith.constant 8 : i32
      %mul3A_286 = arith.muli %add3A_271, %mul3A_285 : i32
      %add3A_287 = arith.addi %mul3A_2, %mul3A_286 : i32
      %dma_start3A_288 = arith.constant 0 : i32
      %dma_start3A_289 = tpu.memref_slice %arg5[%add3A_287, %dma_start3A_288] : memref<16384x2048xf32, #tpu.memory_space<hbm>> -> memref<8x2048xf32, #tpu.memory_space<hbm>>
      %dma_start3A_290 = arith.constant 0 : i32
      %dma_start3A_291 = tpu.memref_slice %arg5[%add3A_287, %dma_start3A_290] : memref<16384x2048xf32, #tpu.memory_space<hbm>> -> memref<8x2048xf32, #tpu.memory_space<hbm>>
      tpu.enqueue_dma source(%arg13 : memref<8x2048xf32, #tpu.memory_space<vmem>>) target(%dma_start3A_291 : memref<8x2048xf32, #tpu.memory_space<hbm>>) target_semaphore(%arg21 : memref<!tpu.dma_semaphore, #tpu.memory_space<semaphore_mem>>)
      %add3A_292 = arith.constant 4 : i32
      %add3A_293 = arith.addi %add3A_271, %add3A_292 : i32
      %lt3A_294 = arith.constant 64 : i32
      %lt3A_295 = arith.cmpi slt, %add3A_293, %lt3A_294 : i32
      %convert_element_type3A_296 = arith.extui %lt3A_295 : i1 to i32
      %cond3A_297 = arith.constant 0 : i32
      %cond3A_298 = arith.cmpi ne, %convert_element_type3A_296, %cond3A_297 : i32
      scf.if %cond3A_298 {
        %add3A_330 = arith.constant 4 : i32
        %add3A_331 = arith.addi %add3A_271, %add3A_330 : i32
        %mul3A_332 = arith.constant 8 : i32
        %mul3A_333 = arith.muli %add3A_331, %mul3A_332 : i32
        %dma_start3A_334 = tpu.memref_slice %arg6[%mul3A_333] : memref<512xi32, #tpu.memory_space<vmem>> -> memref<8xi32, #tpu.memory_space<vmem>>
        %dma_start3A_335 = arith.constant 0 : i32
        %dma_start3A_336 = arith.constant 0 : i32
        %dma_start3A_337 = tpu.memref_slice %arg3[%dma_start3A_335, %dma_start3A_336] : memref<33025x2048xf32, #tpu.memory_space<hbm>> -> memref<33025x2048xf32, #tpu.memory_space<hbm>>
        tpu.enqueue_indirect_dma source(%dma_start3A_337 : memref<33025x2048xf32, #tpu.memory_space<hbm>>) target(%arg11 : memref<8x2048xf32, #tpu.memory_space<vmem>>) offsets(%dma_start3A_334 : memref<8xi32, #tpu.memory_space<vmem>>) semaphore(%arg19 : memref<!tpu.dma_semaphore, #tpu.memory_space<semaphore_mem>>)
      } else {
      }
      %mul3A_299 = arith.constant 4 : i32
      %mul3A_300 = arith.muli %add3A_192, %mul3A_299 : i32
      %add3A_301 = arith.constant 3 : i32
      %add3A_302 = arith.addi %mul3A_300, %add3A_301 : i32
      %dma_wait3A_303 = arith.constant 0 : i32
      %dma_wait3A_304 = tpu.memref_slice %arg6[%dma_wait3A_303] : memref<512xi32, #tpu.memory_space<vmem>> -> memref<8xi32, #tpu.memory_space<vmem>>
      %dma_wait3A_305 = arith.constant 0 : i32
      %dma_wait3A_306 = arith.constant 0 : i32
      %dma_wait3A_307 = tpu.memref_slice %arg3[%dma_wait3A_305, %dma_wait3A_306] : memref<33025x2048xf32, #tpu.memory_space<hbm>> -> memref<33025x2048xf32, #tpu.memory_space<hbm>>
      tpu.wait_indirect_dma semaphore(%arg20 : memref<!tpu.dma_semaphore, #tpu.memory_space<semaphore_mem>>) src(%dma_wait3A_307 : memref<33025x2048xf32, #tpu.memory_space<hbm>>) dst(%arg12 : memref<8x2048xf32, #tpu.memory_space<vmem>>)
      %ge3A_308 = arith.constant 2 : i32
      %ge3A_309 = arith.cmpi sge, %add3A_302, %ge3A_308 : i32
      %convert_element_type3A_310 = arith.extui %ge3A_309 : i1 to i32
      %cond3A_311 = arith.constant 0 : i32
      %cond3A_312 = arith.cmpi ne, %convert_element_type3A_310, %cond3A_311 : i32
      scf.if %cond3A_312 {
        %dma_wait3A_330 = arith.constant 0 : i32
        %dma_wait3A_331 = tpu.memref_slice %arg5[%mul3A_2, %dma_wait3A_330] : memref<16384x2048xf32, #tpu.memory_space<hbm>> -> memref<8x2048xf32, #tpu.memory_space<hbm>>
        %dma_wait3A_332 = arith.constant 0 : i32
        %dma_wait3A_333 = tpu.memref_slice %arg5[%mul3A_2, %dma_wait3A_332] : memref<16384x2048xf32, #tpu.memory_space<hbm>> -> memref<8x2048xf32, #tpu.memory_space<hbm>>
        tpu.wait_dma2 semaphore(%arg22 : memref<!tpu.dma_semaphore, #tpu.memory_space<semaphore_mem>>) src(%arg14 : memref<8x2048xf32, #tpu.memory_space<vmem>>) dst(%dma_wait3A_333 : memref<8x2048xf32, #tpu.memory_space<hbm>>)
      } else {
      }
      %parallel_loop3A_313 = arith.constant 0 : i32
      %parallel_loop3A_314 = arith.constant 128 : i32
      %parallel_loop3A_315 = arith.constant 1 : i32
      scf.for %parallel_loop3A_330 = %parallel_loop3A_313 to %parallel_loop3A_314 step %parallel_loop3A_315  : i32 {
        %parallel_loop3A_331 = arith.constant 16 : i32
        %parallel_loop3A_332 = arith.muli %parallel_loop3A_330, %parallel_loop3A_331 : i32
        %parallel_loop3A_333 = arith.index_cast %parallel_loop3A_332 : i32 to index
        %parallel_loop3A_334 = tpu.vector_load %arg8[%parallel_loop3A_333] {strides = array<i32>} : memref<2048xf32, #tpu.memory_space<vmem>>, vector<16xf32>,
        %parallel_loop3A_335 = vector.shape_cast %parallel_loop3A_334 : vector<16xf32> to vector<16xf32>
        %parallel_loop3A_336 = arith.constant 0 : i32
        %parallel_loop3A_337 = arith.index_cast %parallel_loop3A_336 : i32 to index
        %parallel_loop3A_338 = arith.index_cast %parallel_loop3A_332 : i32 to index
        %parallel_loop3A_339 = tpu.vector_load %arg12[%parallel_loop3A_337, %parallel_loop3A_338] {strides = array<i32>} : memref<8x2048xf32, #tpu.memory_space<vmem>>, vector<1x16xf32>,
        %parallel_loop3A_340 = vector.shape_cast %parallel_loop3A_339 : vector<1x16xf32> to vector<16xf32>
        %parallel_loop3A_341 = arith.addf %parallel_loop3A_340, %parallel_loop3A_335 : vector<16xf32>
        %parallel_loop3A_342 = arith.constant 0 : i32
        %parallel_loop3A_343 = arith.index_cast %parallel_loop3A_342 : i32 to index
        %parallel_loop3A_344 = arith.index_cast %parallel_loop3A_332 : i32 to index
        %parallel_loop3A_345 = tpu.vector_load %arg14[%parallel_loop3A_343, %parallel_loop3A_344] {strides = array<i32>} : memref<8x2048xf32, #tpu.memory_space<vmem>>, vector<1x16xf32>,
        %parallel_loop3A_346 = vector.shape_cast %parallel_loop3A_345 : vector<1x16xf32> to vector<16xf32>
        %parallel_loop3A_347 = vector.shape_cast %parallel_loop3A_341 : vector<16xf32> to vector<1x16xf32>
        tpu.vector_store %arg14[%parallel_loop3A_343, %parallel_loop3A_344], %parallel_loop3A_347 {strides = array<i32>} : memref<8x2048xf32, #tpu.memory_space<vmem>>, vector<1x16xf32>,
        %parallel_loop3A_348 = arith.constant 1 : i32
        %parallel_loop3A_349 = arith.index_cast %parallel_loop3A_348 : i32 to index
        %parallel_loop3A_350 = arith.index_cast %parallel_loop3A_332 : i32 to index
        %parallel_loop3A_351 = tpu.vector_load %arg12[%parallel_loop3A_349, %parallel_loop3A_350] {strides = array<i32>} : memref<8x2048xf32, #tpu.memory_space<vmem>>, vector<1x16xf32>,
        %parallel_loop3A_352 = vector.shape_cast %parallel_loop3A_351 : vector<1x16xf32> to vector<16xf32>
        %parallel_loop3A_353 = arith.addf %parallel_loop3A_352, %parallel_loop3A_335 : vector<16xf32>
        %parallel_loop3A_354 = arith.constant 1 : i32
        %parallel_loop3A_355 = arith.index_cast %parallel_loop3A_354 : i32 to index
        %parallel_loop3A_356 = arith.index_cast %parallel_loop3A_332 : i32 to index
        %parallel_loop3A_357 = tpu.vector_load %arg14[%parallel_loop3A_355, %parallel_loop3A_356] {strides = array<i32>} : memref<8x2048xf32, #tpu.memory_space<vmem>>, vector<1x16xf32>,
        %parallel_loop3A_358 = vector.shape_cast %parallel_loop3A_357 : vector<1x16xf32> to vector<16xf32>
        %parallel_loop3A_359 = vector.shape_cast %parallel_loop3A_353 : vector<16xf32> to vector<1x16xf32>
        tpu.vector_store %arg14[%parallel_loop3A_355, %parallel_loop3A_356], %parallel_loop3A_359 {strides = array<i32>} : memref<8x2048xf32, #tpu.memory_space<vmem>>, vector<1x16xf32>,
        %parallel_loop3A_360 = arith.constant 2 : i32
        %parallel_loop3A_361 = arith.index_cast %parallel_loop3A_360 : i32 to index
        %parallel_loop3A_362 = arith.index_cast %parallel_loop3A_332 : i32 to index
        %parallel_loop3A_363 = tpu.vector_load %arg12[%parallel_loop3A_361, %parallel_loop3A_362] {strides = array<i32>} : memref<8x2048xf32, #tpu.memory_space<vmem>>, vector<1x16xf32>,
        %parallel_loop3A_364 = vector.shape_cast %parallel_loop3A_363 : vector<1x16xf32> to vector<16xf32>
        %parallel_loop3A_365 = arith.addf %parallel_loop3A_364, %parallel_loop3A_335 : vector<16xf32>
        %parallel_loop3A_366 = arith.constant 2 : i32
        %parallel_loop3A_367 = arith.index_cast %parallel_loop3A_366 : i32 to index
        %parallel_loop3A_368 = arith.index_cast %parallel_loop3A_332 : i32 to index
        %parallel_loop3A_369 = tpu.vector_load %arg14[%parallel_loop3A_367, %parallel_loop3A_368] {strides = array<i32>} : memref<8x2048xf32, #tpu.memory_space<vmem>>, vector<1x16xf32>,
        %parallel_loop3A_370 = vector.shape_cast %parallel_loop3A_369 : vector<1x16xf32> to vector<16xf32>
        %parallel_loop3A_371 = vector.shape_cast %parallel_loop3A_365 : vector<16xf32> to vector<1x16xf32>
        tpu.vector_store %arg14[%parallel_loop3A_367, %parallel_loop3A_368], %parallel_loop3A_371 {strides = array<i32>} : memref<8x2048xf32, #tpu.memory_space<vmem>>, vector<1x16xf32>,
        %parallel_loop3A_372 = arith.constant 3 : i32
        %parallel_loop3A_373 = arith.index_cast %parallel_loop3A_372 : i32 to index
        %parallel_loop3A_374 = arith.index_cast %parallel_loop3A_332 : i32 to index
        %parallel_loop3A_375 = tpu.vector_load %arg12[%parallel_loop3A_373, %parallel_loop3A_374] {strides = array<i32>} : memref<8x2048xf32, #tpu.memory_space<vmem>>, vector<1x16xf32>,
        %parallel_loop3A_376 = vector.shape_cast %parallel_loop3A_375 : vector<1x16xf32> to vector<16xf32>
        %parallel_loop3A_377 = arith.addf %parallel_loop3A_376, %parallel_loop3A_335 : vector<16xf32>
        %parallel_loop3A_378 = arith.constant 3 : i32
        %parallel_loop3A_379 = arith.index_cast %parallel_loop3A_378 : i32 to index
        %parallel_loop3A_380 = arith.index_cast %parallel_loop3A_332 : i32 to index
        %parallel_loop3A_381 = tpu.vector_load %arg14[%parallel_loop3A_379, %parallel_loop3A_380] {strides = array<i32>} : memref<8x2048xf32, #tpu.memory_space<vmem>>, vector<1x16xf32>,
        %parallel_loop3A_382 = vector.shape_cast %parallel_loop3A_381 : vector<1x16xf32> to vector<16xf32>
        %parallel_loop3A_383 = vector.shape_cast %parallel_loop3A_377 : vector<16xf32> to vector<1x16xf32>
        tpu.vector_store %arg14[%parallel_loop3A_379, %parallel_loop3A_380], %parallel_loop3A_383 {strides = array<i32>} : memref<8x2048xf32, #tpu.memory_space<vmem>>, vector<1x16xf32>,
        %parallel_loop3A_384 = arith.constant 4 : i32
        %parallel_loop3A_385 = arith.index_cast %parallel_loop3A_384 : i32 to index
        %parallel_loop3A_386 = arith.index_cast %parallel_loop3A_332 : i32 to index
        %parallel_loop3A_387 = tpu.vector_load %arg12[%parallel_loop3A_385, %parallel_loop3A_386] {strides = array<i32>} : memref<8x2048xf32, #tpu.memory_space<vmem>>, vector<1x16xf32>,
        %parallel_loop3A_388 = vector.shape_cast %parallel_loop3A_387 : vector<1x16xf32> to vector<16xf32>
        %parallel_loop3A_389 = arith.addf %parallel_loop3A_388, %parallel_loop3A_335 : vector<16xf32>
        %parallel_loop3A_390 = arith.constant 4 : i32
        %parallel_loop3A_391 = arith.index_cast %parallel_loop3A_390 : i32 to index
        %parallel_loop3A_392 = arith.index_cast %parallel_loop3A_332 : i32 to index
        %parallel_loop3A_393 = tpu.vector_load %arg14[%parallel_loop3A_391, %parallel_loop3A_392] {strides = array<i32>} : memref<8x2048xf32, #tpu.memory_space<vmem>>, vector<1x16xf32>,
        %parallel_loop3A_394 = vector.shape_cast %parallel_loop3A_393 : vector<1x16xf32> to vector<16xf32>
        %parallel_loop3A_395 = vector.shape_cast %parallel_loop3A_389 : vector<16xf32> to vector<1x16xf32>
        tpu.vector_store %arg14[%parallel_loop3A_391, %parallel_loop3A_392], %parallel_loop3A_395 {strides = array<i32>} : memref<8x2048xf32, #tpu.memory_space<vmem>>, vector<1x16xf32>,
        %parallel_loop3A_396 = arith.constant 5 : i32
        %parallel_loop3A_397 = arith.index_cast %parallel_loop3A_396 : i32 to index
        %parallel_loop3A_398 = arith.index_cast %parallel_loop3A_332 : i32 to index
        %parallel_loop3A_399 = tpu.vector_load %arg12[%parallel_loop3A_397, %parallel_loop3A_398] {strides = array<i32>} : memref<8x2048xf32, #tpu.memory_space<vmem>>, vector<1x16xf32>,
        %parallel_loop3A_400 = vector.shape_cast %parallel_loop3A_399 : vector<1x16xf32> to vector<16xf32>
        %parallel_loop3A_401 = arith.addf %parallel_loop3A_400, %parallel_loop3A_335 : vector<16xf32>
        %parallel_loop3A_402 = arith.constant 5 : i32
        %parallel_loop3A_403 = arith.index_cast %parallel_loop3A_402 : i32 to index
        %parallel_loop3A_404 = arith.index_cast %parallel_loop3A_332 : i32 to index
        %parallel_loop3A_405 = tpu.vector_load %arg14[%parallel_loop3A_403, %parallel_loop3A_404] {strides = array<i32>} : memref<8x2048xf32, #tpu.memory_space<vmem>>, vector<1x16xf32>,
        %parallel_loop3A_406 = vector.shape_cast %parallel_loop3A_405 : vector<1x16xf32> to vector<16xf32>
        %parallel_loop3A_407 = vector.shape_cast %parallel_loop3A_401 : vector<16xf32> to vector<1x16xf32>
        tpu.vector_store %arg14[%parallel_loop3A_403, %parallel_loop3A_404], %parallel_loop3A_407 {strides = array<i32>} : memref<8x2048xf32, #tpu.memory_space<vmem>>, vector<1x16xf32>,
        %parallel_loop3A_408 = arith.constant 6 : i32
        %parallel_loop3A_409 = arith.index_cast %parallel_loop3A_408 : i32 to index
        %parallel_loop3A_410 = arith.index_cast %parallel_loop3A_332 : i32 to index
        %parallel_loop3A_411 = tpu.vector_load %arg12[%parallel_loop3A_409, %parallel_loop3A_410] {strides = array<i32>} : memref<8x2048xf32, #tpu.memory_space<vmem>>, vector<1x16xf32>,
        %parallel_loop3A_412 = vector.shape_cast %parallel_loop3A_411 : vector<1x16xf32> to vector<16xf32>
        %parallel_loop3A_413 = arith.addf %parallel_loop3A_412, %parallel_loop3A_335 : vector<16xf32>
        %parallel_loop3A_414 = arith.constant 6 : i32
        %parallel_loop3A_415 = arith.index_cast %parallel_loop3A_414 : i32 to index
        %parallel_loop3A_416 = arith.index_cast %parallel_loop3A_332 : i32 to index
        %parallel_loop3A_417 = tpu.vector_load %arg14[%parallel_loop3A_415, %parallel_loop3A_416] {strides = array<i32>} : memref<8x2048xf32, #tpu.memory_space<vmem>>, vector<1x16xf32>,
        %parallel_loop3A_418 = vector.shape_cast %parallel_loop3A_417 : vector<1x16xf32> to vector<16xf32>
        %parallel_loop3A_419 = vector.shape_cast %parallel_loop3A_413 : vector<16xf32> to vector<1x16xf32>
        tpu.vector_store %arg14[%parallel_loop3A_415, %parallel_loop3A_416], %parallel_loop3A_419 {strides = array<i32>} : memref<8x2048xf32, #tpu.memory_space<vmem>>, vector<1x16xf32>,
        %parallel_loop3A_420 = arith.constant 7 : i32
        %parallel_loop3A_421 = arith.index_cast %parallel_loop3A_420 : i32 to index
        %parallel_loop3A_422 = arith.index_cast %parallel_loop3A_332 : i32 to index
        %parallel_loop3A_423 = tpu.vector_load %arg12[%parallel_loop3A_421, %parallel_loop3A_422] {strides = array<i32>} : memref<8x2048xf32, #tpu.memory_space<vmem>>, vector<1x16xf32>,
        %parallel_loop3A_424 = vector.shape_cast %parallel_loop3A_423 : vector<1x16xf32> to vector<16xf32>
        %parallel_loop3A_425 = arith.addf %parallel_loop3A_424, %parallel_loop3A_335 : vector<16xf32>
        %parallel_loop3A_426 = arith.constant 7 : i32
        %parallel_loop3A_427 = arith.index_cast %parallel_loop3A_426 : i32 to index
        %parallel_loop3A_428 = arith.index_cast %parallel_loop3A_332 : i32 to index
        %parallel_loop3A_429 = tpu.vector_load %arg14[%parallel_loop3A_427, %parallel_loop3A_428] {strides = array<i32>} : memref<8x2048xf32, #tpu.memory_space<vmem>>, vector<1x16xf32>,
        %parallel_loop3A_430 = vector.shape_cast %parallel_loop3A_429 : vector<1x16xf32> to vector<16xf32>
        %parallel_loop3A_431 = vector.shape_cast %parallel_loop3A_425 : vector<16xf32> to vector<1x16xf32>
        tpu.vector_store %arg14[%parallel_loop3A_427, %parallel_loop3A_428], %parallel_loop3A_431 {strides = array<i32>} : memref<8x2048xf32, #tpu.memory_space<vmem>>, vector<1x16xf32>,
      } {sc.loop_unroll_factor = 4 : i64, sc.parallel_access}
      %mul3A_316 = arith.constant 8 : i32
      %mul3A_317 = arith.muli %add3A_302, %mul3A_316 : i32
      %add3A_318 = arith.addi %mul3A_2, %mul3A_317 : i32
      %dma_start3A_319 = arith.constant 0 : i32
      %dma_start3A_320 = tpu.memref_slice %arg5[%add3A_318, %dma_start3A_319] : memref<16384x2048xf32, #tpu.memory_space<hbm>> -> memref<8x2048xf32, #tpu.memory_space<hbm>>
      %dma_start3A_321 = arith.constant 0 : i32
      %dma_start3A_322 = tpu.memref_slice %arg5[%add3A_318, %dma_start3A_321] : memref<16384x2048xf32, #tpu.memory_space<hbm>> -> memref<8x2048xf32, #tpu.memory_space<hbm>>
      tpu.enqueue_dma source(%arg14 : memref<8x2048xf32, #tpu.memory_space<vmem>>) target(%dma_start3A_322 : memref<8x2048xf32, #tpu.memory_space<hbm>>) target_semaphore(%arg22 : memref<!tpu.dma_semaphore, #tpu.memory_space<semaphore_mem>>)
      %add3A_323 = arith.constant 4 : i32
      %add3A_324 = arith.addi %add3A_302, %add3A_323 : i32
      %lt3A_325 = arith.constant 64 : i32
      %lt3A_326 = arith.cmpi slt, %add3A_324, %lt3A_325 : i32
      %convert_element_type3A_327 = arith.extui %lt3A_326 : i1 to i32
      %cond3A_328 = arith.constant 0 : i32
      %cond3A_329 = arith.cmpi ne, %convert_element_type3A_327, %cond3A_328 : i32
      scf.if %cond3A_329 {
        %add3A_330 = arith.constant 4 : i32
        %add3A_331 = arith.addi %add3A_302, %add3A_330 : i32
        %mul3A_332 = arith.constant 8 : i32
        %mul3A_333 = arith.muli %add3A_331, %mul3A_332 : i32
        %dma_start3A_334 = tpu.memref_slice %arg6[%mul3A_333] : memref<512xi32, #tpu.memory_space<vmem>> -> memref<8xi32, #tpu.memory_space<vmem>>
        %dma_start3A_335 = arith.constant 0 : i32
        %dma_start3A_336 = arith.constant 0 : i32
        %dma_start3A_337 = tpu.memref_slice %arg3[%dma_start3A_335, %dma_start3A_336] : memref<33025x2048xf32, #tpu.memory_space<hbm>> -> memref<33025x2048xf32, #tpu.memory_space<hbm>>
        tpu.enqueue_indirect_dma source(%dma_start3A_337 : memref<33025x2048xf32, #tpu.memory_space<hbm>>) target(%arg12 : memref<8x2048xf32, #tpu.memory_space<vmem>>) offsets(%dma_start3A_334 : memref<8xi32, #tpu.memory_space<vmem>>) semaphore(%arg20 : memref<!tpu.dma_semaphore, #tpu.memory_space<semaphore_mem>>)
      } else {
      }
    }
    %scan3A_43 = arith.constant 8 : i32
    %dma_wait3A = arith.constant 0 : i32
    %dma_wait3A_44 = tpu.memref_slice %arg5[%mul3A_2, %dma_wait3A] : memref<16384x2048xf32, #tpu.memory_space<hbm>> -> memref<8x2048xf32, #tpu.memory_space<hbm>>
    %dma_wait3A_45 = arith.constant 0 : i32
    %dma_wait3A_46 = tpu.memref_slice %arg5[%mul3A_2, %dma_wait3A_45] : memref<16384x2048xf32, #tpu.memory_space<hbm>> -> memref<8x2048xf32, #tpu.memory_space<hbm>>
    tpu.wait_dma2 semaphore(%arg21 : memref<!tpu.dma_semaphore, #tpu.memory_space<semaphore_mem>>) src(%arg13 : memref<8x2048xf32, #tpu.memory_space<vmem>>) dst(%dma_wait3A_46 : memref<8x2048xf32, #tpu.memory_space<hbm>>)
    %dma_wait3A_47 = arith.constant 0 : i32
    %dma_wait3A_48 = tpu.memref_slice %arg5[%mul3A_2, %dma_wait3A_47] : memref<16384x2048xf32, #tpu.memory_space<hbm>> -> memref<8x2048xf32, #tpu.memory_space<hbm>>
    %dma_wait3A_49 = arith.constant 0 : i32
    %dma_wait3A_50 = tpu.memref_slice %arg5[%mul3A_2, %dma_wait3A_49] : memref<16384x2048xf32, #tpu.memory_space<hbm>> -> memref<8x2048xf32, #tpu.memory_space<hbm>>
    tpu.wait_dma2 semaphore(%arg22 : memref<!tpu.dma_semaphore, #tpu.memory_space<semaphore_mem>>) src(%arg14 : memref<8x2048xf32, #tpu.memory_space<vmem>>) dst(%dma_wait3A_50 : memref<8x2048xf32, #tpu.memory_space<hbm>>)
    return
  }
}

</mosaic_0001>

<sc_bundles>
// kernel: kernel.3.cloned.1.call-start
scs
__scs_entry_jumppad:
0x0: {  	(pc) =	sbr.rel $0x88, $3  }
0x1: {  	(tag) =	ssettag $0x0;
	lr =	simm.s32 $0x1  }
0x2: {  	[smem:$0x3F9E] =	sst lr;
	_ =	strace $0xD0000000  }
0x3: {  	_ = 	snop  }
0x4: {  	_ = 	snop  }
0x5: {  	_ = 	snop  }
0x6: {  	_ = 	snop  }
0x7: {  	_ = 	snop  }
__scs_overlays_trampoline_lowered:
0x8: {  	[smem:$0x3FAD] =	sst s0  }
0x9: {  	[smem:$0x3FAE] =	sst s1  }
0xa: {  	[smem:$0x3FAF] =	sst s2  }
0xb: {  	[smem:$0x3FB0] =	sst s3  }
0xc: {  	[smem:$0x3FB1] =	sst s4  }
0xd: {  	[smem:$0x3FB2] =	sst s5  }
0xe: {  	[smem:$0x3FB3] =	sst s6  }
0xf: {  	[smem:$0x3FB4] =	sst s7  }
0x10: {  	[smem:$0x3FB5] =	sst s8  }
0x11: {  	[smem:$0x3FB6] =	sst s9;
	s0 =	simm.s32 @!p0 $0x0  }
0x12: {  	s1 =	sld [smem:$0x3F9C];
	s0 =	simm.s32 @p0 $0x1  }
0x13: {  	[smem:$0x3FB7] =	sst s0;
	s0 =	simm.s32 @!p1 $0x0  }
0x14: {  	s2 =	sld [smem:$0x3F9B];
	s0 =	simm.s32 @p1 $0x1  }
0x15: {  	[smem:$0x3FB8] =	sst s0;
	s0 =	simm.s32 @!p2 $0x0  }
0x16: {  	s3 =	sld [smem:$0x3FDB];
	s0 =	simm.s32 @p2 $0x1  }
0x17: {  	s4 =	simm.s32 $0x1BF5;
	[smem:$0x3FBA] =	sst s0  }
0x18: {  	s0 =	sld [smem:$0x3F9D];
	_ =	swait.ge [sflag:s4], $0x0  }
0x19: {  	s7 =	sld [smem:$0x3F9E]  }
0x1a: {  	s8 =	sadd.s32 $0xFFFFE003, lr  }
0x1b: {  	s9 =	sadd.s32 $0xFFFFFEF7, lr;
	s5 =	simm.s32 $0xFFFFFFFF;
	p2 =	slt.u32 s8, $0xFFFFF086  }
0x1c: {  	p1 =	slt.u32 s9, $0xF7A;
	s5 =	simm.s32 @!p2 $0x0  }
0x1d: {  	s5 =	simm.s32 @p1 $0x1;
	p0 =	seq.s32 s7, s2  }
0x1e: {  	s7 =	smul.u32 @!p0 $0xF7A, s2;
	p2 =	seq.s32 @!p0 s5, $0x0  }
0x1f: {  	s9 =	smul.u32 $0xF7A, s1;
	s8 =	simm.s32 @!p0 $0x1BF5;
	p2 =	por !p2, p0  }
0x20: {  	[sflag:s8] =	ssyncset.s32 @!p0 $0xFFFFF086;
	s6 =	sadd.s32 @!p0 s3, s7;
	s7 =	simm.s32 @!p0 $0x108  }
0x21: {  	s3 =	sadd.s32 s3, s9;
	s6 =	sadd.s32 @!p0 $0x88, s6;
	s7 =	simm.s32 @p2 $0x1082  }
0x22: {  	[simem:s7], [sflag:s8] =	dma.local @!p0 [hbm:s6], $0xF7A  }
0x23: {  	s9 =	sor.u32 $0xD0000000, s2;
	s6 =	simm.s32 $0x108;
	_ =	swait.ge @!p0 [sflag:s8], $0x0  }
0x24: {  	s3 =	sadd.s32 $0x88, s3;
	s6 =	simm.s32 @!p1 $0x1082;
	[sflag:s4] =	ssyncset.s32 $0xFFFFF086  }
0x25: {  	[simem:s6], [sflag:s4] =	dma.local [hbm:s3], $0xF7A  }
0x26: {  	[smem:$0x3F9E] =	sst s1;
	(tag) =	ssettag s2;
	_ =	strace s9  }
0x27: {  	s1 =	sld [smem:$0x3FAE]  }
0x28: {  	s2 =	sld [smem:$0x3FAF]  }
0x29: {  	s4 =	sld [smem:$0x3FB1]  }
0x2a: {  	p0 =	seq.s32 s5, $0x0;
	s5 =	sld [smem:$0x3FB2]  }
0x2b: {  	s6 =	sld [smem:$0x3FB3]  }
0x2c: {  	s7 =	sld [smem:$0x3FB4]  }
0x2d: {  	s3 =	simm.s32 $0x108;
	s8 =	sld [smem:$0x3FB5]  }
0x2e: {  	s3 =	simm.s32 @!p0 $0x1082;
	s9 =	sld [smem:$0x3FB6]  }
0x2f: {  	lr =	sadd.s32 s0, s3;
	s0 =	sld [smem:$0x3FAD]  }
0x30: {  	s3 =	sld [smem:$0x3FB0]  }
0x31: {  	[smem:$0x3FB9] =	sst s10  }
0x32: {  	s10 =	sld [smem:$0x3FB7];
	_ =	sdelay $0x3  }
0x33: {  	p0 =	seq.s32 s10, $0x1;
	s10 =	sld [smem:$0x3FB9];
	_ =	sdelay $0x3  }
0x34: {  	[smem:$0x3FB9] =	sst s10  }
0x35: {  	s10 =	sld [smem:$0x3FB8];
	_ =	sdelay $0x3  }
0x36: {  	p1 =	seq.s32 s10, $0x1;
	s10 =	sld [smem:$0x3FB9];
	_ =	sdelay $0x3  }
0x37: {  	[smem:$0x3FB9] =	sst s10  }
0x38: {  	s10 =	sld [smem:$0x3FBA]  }
0x39: {  	_ = 	snop;
	(pc) =	sbr.ind lr, $3  }
0x3a: {  	_ = 	snop  }
0x3b: {  	_ = 	snop  }
0x3c: {  	p2 =	seq.s32 s10, $0x1;
	s10 =	sld [smem:$0x3FB9]  }
0x3d: {  	_ =	shalt  }
0x3e: {  	_ =	shalt  }
0x3f: {  	_ =	shalt  }
0x40: {  	_ =	shalt  }
0x41: {  	_ =	shalt  }
0x42: {  	_ =	shalt  }
0x43: {  	_ =	shalt  }
0x44: {  	_ =	shalt  }
0x45: {  	_ =	shalt  }
0x46: {  	_ =	shalt  }
0x47: {  	_ =	shalt  }
0x48: {  	_ =	shalt  }
0x49: {  	_ =	shalt  }
0x4a: {  	_ =	shalt  }
0x4b: {  	_ =	shalt  }
0x4c: {  	_ =	shalt  }
0x4d: {  	_ =	shalt  }
0x4e: {  	_ =	shalt  }
0x4f: {  	_ =	shalt  }
0x50: {  	_ =	shalt  }
0x51: {  	_ =	shalt  }
0x52: {  	_ =	shalt  }
0x53: {  	_ =	shalt  }
0x54: {  	_ =	shalt  }
0x55: {  	_ =	shalt  }
0x56: {  	_ =	shalt  }
0x57: {  	_ =	shalt  }
0x58: {  	_ =	shalt  }
0x59: {  	_ =	shalt  }
0x5a: {  	_ =	shalt  }
0x5b: {  	_ =	shalt  }
0x5c: {  	_ =	shalt  }
0x5d: {  	_ =	shalt  }
0x5e: {  	_ =	shalt  }
0x5f: {  	_ =	shalt  }
0x60: {  	_ =	shalt  }
0x61: {  	_ =	shalt  }
0x62: {  	_ =	shalt  }
0x63: {  	_ =	shalt  }
0x64: {  	_ =	shalt  }
0x65: {  	_ =	shalt  }
0x66: {  	_ =	shalt  }
0x67: {  	_ =	shalt  }
0x68: {  	_ =	shalt  }
0x69: {  	_ =	shalt  }
0x6a: {  	_ =	shalt  }
0x6b: {  	_ =	shalt  }
0x6c: {  	_ =	shalt  }
0x6d: {  	_ =	shalt  }
0x6e: {  	_ =	shalt  }
0x6f: {  	_ =	shalt  }
0x70: {  	_ =	shalt  }
0x71: {  	_ =	shalt  }
0x72: {  	_ =	shalt  }
0x73: {  	_ =	shalt  }
0x74: {  	_ =	shalt  }
0x75: {  	_ =	shalt  }
0x76: {  	_ =	shalt  }
0x77: {  	_ =	shalt  }
0x78: {  	_ =	shalt  }
0x79: {  	_ =	shalt  }
0x7a: {  	_ =	shalt  }
0x7b: {  	_ =	shalt  }
0x7c: {  	_ =	shalt  }
0x7d: {  	_ =	shalt  }
0x7e: {  	_ =	shalt  }
0x7f: {  	_ =	shalt  }
0x80: {  	_ =	shalt  }
0x81: {  	_ =	shalt  }
0x82: {  	_ =	shalt  }
0x83: {  	_ =	shalt  }
0x84: {  	_ =	shalt  }
0x85: {  	_ =	shalt  }
0x86: {  	_ =	shalt  }
0x87: {  	_ =	shalt  }
.Lfunc_end0:
.L_simem_size_0:
called_computation_lowered:
.L_overlay_start_0:
0x88: {  	s2 =	sld [smem:$0x3FD9]  }
0x89: {  	s3 =	sld [smem:$0x3FFE];
	_ =	sdelay $0x1  }
0x8a: {  	s1 =	srdreg.scid  }
0x8b: {  	s0 =	sand.u32 $0x1, s1  }
0x8c: {  	s17 =	sshll.u32 s0, $0xA;
	s2 =	sadd.s32 s3, s2  }
0x8d: {  	s2 =	sadd.s32 s2, s17  }
0x8e: {  	[smem:$0x3FC5] =	sst s2  }
0x8f: {  	_ = 	snop  }
0x90: {  	s2 =	sld [smem:$0x3FC8]  }
0x91: {  	s18 =	sld [smem:$0x3FC7]  }
0x92: {  	s4 =	sld [smem:$0x3FD0];
	(tm) =	ssettm $0x1  }
0x93: {  	s5 =	sld [smem:$0x3FFB];
	_ =	sdelay $0x3  }
0x94: {  	_ =	strace s5  }
0x95: {  	s5 =	sld [smem:$0x3FFC];
	_ =	sdelay $0x3  }
0x96: {  	_ =	strace s5  }
0x97: {  	s5 =	sld [smem:$0x3FFD];
	_ =	sdelay $0x3  }
0x98: {  	_ =	strace s5  }
0x99: {  	_ =	strace $0x8FFFFFFF  }
0x9a: {  	s19 =	sld [smem:$0x3FDB];
	_ =	sdelay $0x1  }
0x9b: {  	s6 =	simm.s32 $_scs_section_size  }
0x9c: {  	s7 =	simm.s32 $_size__tile_overlayer_lowered;
	s8 =	simm.s32 $_tile_overlayer_lowered  }
0x9d: {  	s22 =	simm.s32 $0x1BFF;
	s21 =	sshll.u32 s8, $0x1;
	s5 =	sadd.s32 s6, s19  }
0x9e: {  	s9 =	simm.s32 $0x0;
	s20 =	sshll.u32 s7, $0x1;
	s7 =	sadd.s32 s21, s5  }
0x9f: {  	[timem:s9], [sflag:s22] =	dma.local [hbm:s7], s20  }
0xa0: {  	_ =	swait.ge [sflag:s22], s20  }
0xa1: {  	s6 =	ssub.s32 $0x0, s20;
	[sflag:s22] =	ssyncset.done $0x0  }
0xa2: {  	[sflag:s22] =	ssyncadd.s32 s6;
	_ =	sdelay $0x1  }
0xa3: {  	s23 =	simm.s32 $0x1B8B  }
0xa4: {  	_ =	swait.ge [sflag:s23], $0x1  }
0xa5: {  	[sflag:s23] =	ssyncset.done $0x0  }
0xa6: {  	s25 =	simm.s32 $0x1B8E;
	s24 =	sld [smem:$0x3FFE];
	[sflag:s23] =	ssyncadd.s32 $0xFFFFFFFF  }
0xa7: {  	s26 =	simm.s32 $execute0_lowered;
	[smem:$0x3FD2] =	sst s25  }
0xa8: {  	s7 =	sshll.u32 s26, $0x1;
	_ =	strace $0x80000046;
	[dreg:$0x1] =	wrdreg $0xFFFFFFFF  }
0xa9: {  	s28 =	simm.s32 $_size_execute0_lowered;
	s5 =	sadd.s32 s5, s7;
	[dreg:$0x0] =	wrdreg $0x0  }
0xaa: {  	s7 =	sshll.u32 s28, $0x1;
	[dreg:$0x2] =	wrdreg s5  }
0xab: {  	[dreg:$0x3] =	wrdreg s7  }
0xac: {  	[dreg:$0x4] =	wrdreg $0xC0  }
0xad: {  	_ =	task [dreg:s9], $0x5FFFF  }
0xae: {  	[dreg:$0x1] =	wrdreg $0xFFFFFFFF  }
0xaf: {  	[dreg:$0x0] =	wrdreg $0x60  }
0xb0: {  	[dreg:$0x2] =	wrdreg s24  }
0xb1: {  	[dreg:$0x3] =	wrdreg s2  }
0xb2: {  	[dreg:$0x4] =	wrdreg s18  }
0xb3: {  	[dreg:$0x5] =	wrdreg s4  }
0xb4: {  	[dreg:$0x6] =	wrdreg $0x9  }
0xb5: {  	_ =	task.clear_ibuf [dreg:s9], $0x7FFFF;
	_ =	strace $0x90000046  }
0xb6: {  	s29 =	simm.s32 $0x9;
	_ =	strace $0x80000048  }
0xb7: {  	_ =	swait.ge [sflag:s29], $0x1  }
0xb8: {  	[sflag:s29] =	ssyncadd.s32 $0xFFFFFFFF  }
0xb9: {  	_ =	strace $0x90000048  }
0xba: {  	_ =	sfence  }
0xbb: {  	s30 =	sld [smem:$0x0];
	_ =	sdelay $0x2  }
0xbc: {  	s31 =	sshll.u32 s1, $0xD;
	s1 =	sshrl.u32 s1, $0x2  }
0xbd: {  	s3 =	sand.u32 $0x4000, s31;
	s1 =	sadd.s32 s1, s30  }
0xbe: {  	s0 =	sor.u32 s3, s0;
	s1 =	sshll.u32 s1, $0x11  }
0xbf: {  	s0 =	sor.u32 s1, s0  }
0xc0: {  	s0 =	sadd.s32 $0x8F2B, s0  }
0xc1: {  	[sflag:s0] =	ssyncadd.remote.s32 $0x1  }
0xc2: {  	_ =	sfence.sel $0xFFFF  }
0xc3: {  	[dreg:$0x0] =	wrdreg $0xFFFFFFFF;
	(pc) =	sbr.abs _section_cstart, $3  }
0xc4: {  	[dreg:$0x1] =	wrdreg $0xFFFFFFFF  }
0xc5: {  	_ =	task.clear_ibuf [dreg:s9], $0x2FFFF;
	_ =	strace $0x9FFFFFFF  }
0xc6: {  	(tm) =	ssettm $0x7FFFFFFF  }
0xc7: {  	_ =	shalt  }
tec
execute0_lowered:
.L_overlay_start_1:
0x0: {  	(tag) =	ssettag $0x1  }
0x1: {  	s0 =	rddreg [dreg:$0x0]  }
0x2: {  	s4 =	rddreg [dreg:$0x1]  }
0x3: {  	s5 =	rddreg [dreg:$0x2]  }
0x4: {  	s1 =	srdreg.scid;
	s6 =	rddreg [dreg:$0x3];
	s7 =	simm.s32 $0x0  }
0x5: {  	s2 =	stileid.u32;
	[smem:$0x7FF] =	sst s7;
	s22 =	sadd.s32 $0x100, s4  }
0x6: {  	s23 =	sadd.s32 $0x200, s4;
	_ =	strace $0x80000047;
	[dreg:$0x9] =	wrdreg s22  }
0x7: {  	s1 =	sand.u32 $0x1, s1;
	s24 =	sadd.s32 $0x300, s4;
	[dreg:$0xa] =	wrdreg s23  }
0x8: {  	s2 =	sshll.u32 s2, $0xA;
	s25 =	sadd.s32 $0x400, s4;
	[dreg:$0xb] =	wrdreg s24  }
0x9: {  	s26 =	sadd.s32 $0x500, s4;
	s28 =	sadd.s32 $0x600, s4;
	[dreg:$0xc] =	wrdreg s25  }
0xa: {  	s30 =	sadd.s32 $0x700, s4;
	s3 =	sshll.u32 s1, $0x9;
	[dreg:$0xd] =	wrdreg s26  }
0xb: {  	s18 =	ssub.s32 $0x2, s1;
	s20 =	sshll.u32 s1, $0x4;
	[dreg:$0xe] =	wrdreg s28  }
0xc: {  	s1 =	sshll.u32 s1, $0xC;
	[dreg:$0xf] =	wrdreg s30;
	s8 =	sor.u32 s3, s2  }
0xd: {  	[dreg:$0x6] =	wrdreg s20;
	s21 =	sadd.s32 s5, s1;
	s2 =	sshrl.u32 s8, $0x3  }
0xe: {  	s19 =	sshrl.u32 s18, $0x1;
	[dreg:$0x8] =	wrdreg s21;
	s0 =	sadd.s32 s2, s0  }
0xf: {  	[dreg:$0x5] =	wrdreg s8;
	s2 =	ssub.s32 s18, s19;
	s0 =	sadd.s32 $0x400, s0  }
0x10: {  	v0 =	vlaneseq.u32;
	s29 =	sshll.u32 s8, $0x8;
	s31 =	smax.u32 s2, $0x1;
	[dreg:$0x7] =	wrdreg s0  }
0x11: {  	v1 =	vshrl.u32 v0, $0x3;
	s0 =	sadd.s32 s6, s29;
	[dreg:$0x11] =	wrdreg s31  }
0x12: {  	vm0 =	vmmov $0xffff;
	v0 =	vand.u32 $0x7, v0;
	v1 =	vmul.u32 $0x8, v1;
	s2 =	simm.s32 $0x0;
	[dreg:$0x10] =	wrdreg s0  }
.LBB2_1:
0x13: {  	[dreg:$0x12] =	wrdreg s2  }
0x14: {  	s1 =	simm.s32 $0x0;
	s0 =	rddreg [dreg:$0x7];
	s21 =	simm.s32 $0x9  }
0x15: {  	[tilespmem:s1], [sflag:$0x9] =	stream.linear.gather [hbm4b:s0+s1], $0x200, $0x38;
	[tilespmem:$0x19200] =	vst v63  }
0x16: {  	_ =	swait.ge [sflag:s21], $0x200  }
0x17: {  	s23 =	simm.s32 $0x80;
	s3 =	simm.s32 $0x400;
	[sflag:s21] =	ssyncset.done $0x0  }
0x18: {  	s4 =	simm.s32 $0x200;
	s22 =	rddreg [dreg:$0x8];
	[sflag:s21] =	ssyncadd.s32 $0xFFFFFE00  }
0x19: {  	[tilespmem:s4], [sflag:$0x1] =	stream.strided.gather [hbm4b:s22+s23], $0x800, s3, s23, $0x38;
	[tilespmem:$0x19200] =	vst v63  }
0x1a: {  	v2 =	vld.msk [tilespmem:$0x0], $0xff;
	_ =	sdelay $0x4  }
0x1b: {  	v3 =	vshll.u32 v2, $0x4  }
0x1c: {  	v2 =	vand.u32 $0x7, v2;
	v3 =	vand.u32 $0xFFFFFF80, v3  }
0x1d: {  	v2 =	vor.u32 v2, v3  }
0x1e: {  	v2 =	vperm.xlane v2, v0;
	_ =	sdelay $0x1  }
0x1f: {  	v2 =	vadd.s32 v1, v2;
	_ =	sdelay $0x3  }
0x20: {  	s24 =	simm.s32 $0x1200;
	s0 =	rddreg [dreg:$0x1]  }
0x21: {  	[tilespmem:s24], [sflag:$0x3] =	stream.indirect_vreg.gather [hbm4b:s0+s1], $0x80, v2, vm0, $0xb8;
	[tilespmem:$0x19200] =	vst v63  }
0x22: {  	s25 =	simm.s32 $0x1A00;
	s2 =	rddreg [dreg:$0x9]  }
0x23: {  	[tilespmem:s25], [sflag:$0x3] =	stream.indirect_vreg.gather [hbm4b:s2+s1], $0x80, v2, vm0, $0xb8;
	[tilespmem:$0x19200] =	vst v63  }
0x24: {  	s26 =	simm.s32 $0x2200;
	s3 =	rddreg [dreg:$0xa]  }
0x25: {  	[tilespmem:s26], [sflag:$0x3] =	stream.indirect_vreg.gather [hbm4b:s3+s1], $0x80, v2, vm0, $0xb8;
	[tilespmem:$0x19200] =	vst v63  }
0x26: {  	s5 =	simm.s32 $0x2A00;
	s28 =	rddreg [dreg:$0xb]  }
0x27: {  	[tilespmem:s5], [sflag:$0x3] =	stream.indirect_vreg.gather [hbm4b:s28+s1], $0x80, v2, vm0, $0xb8;
	[tilespmem:$0x19200] =	vst v63  }
0x28: {  	s6 =	simm.s32 $0x3200;
	s5 =	rddreg [dreg:$0xc]  }
0x29: {  	[tilespmem:s6], [sflag:$0x3] =	stream.indirect_vreg.gather [hbm4b:s5+s1], $0x80, v2, vm0, $0xb8;
	[tilespmem:$0x19200] =	vst v63  }
0x2a: {  	s7 =	simm.s32 $0x3A00;
	s6 =	rddreg [dreg:$0xd]  }
0x2b: {  	[tilespmem:s7], [sflag:$0x3] =	stream.indirect_vreg.gather [hbm4b:s6+s1], $0x80, v2, vm0, $0xb8;
	[tilespmem:$0x19200] =	vst v63  }
0x2c: {  	s8 =	simm.s32 $0x4200;
	s7 =	rddreg [dreg:$0xe]  }
0x2d: {  	[tilespmem:s8], [sflag:$0x3] =	stream.indirect_vreg.gather [hbm4b:s7+s1], $0x80, v2, vm0, $0xb8;
	[tilespmem:$0x19200] =	vst v63  }
0x2e: {  	s9 =	simm.s32 $0x4A00;
	s8 =	rddreg [dreg:$0xf]  }
0x2f: {  	[tilespmem:s9], [sflag:$0x3] =	stream.indirect_vreg.gather [hbm4b:s8+s1], $0x80, v2, vm0, $0xb8;
	[tilespmem:$0x19200] =	vst v63  }
0x30: {  	v2 =	vld.msk [tilespmem:$0x8], $0xff;
	_ =	sdelay $0x4  }
0x31: {  	v3 =	vshll.u32 v2, $0x4  }
0x32: {  	v2 =	vand.u32 $0x7, v2;
	v3 =	vand.u32 $0xFFFFFF80, v3  }
0x33: {  	v2 =	vor.u32 v2, v3  }
0x34: {  	v2 =	vperm.xlane v2, v0;
	_ =	sdelay $0x1  }
0x35: {  	v2 =	vadd.s32 v1, v2;
	_ =	sdelay $0x3  }
0x36: {  	s29 =	simm.s32 $0x5200  }
0x37: {  	[tilespmem:s29], [sflag:$0x4] =	stream.indirect_vreg.gather [hbm4b:s0+s1], $0x80, v2, vm0, $0xb8;
	[tilespmem:$0x19200] =	vst v63  }
0x38: {  	s30 =	simm.s32 $0x5A00  }
0x39: {  	[tilespmem:s30], [sflag:$0x4] =	stream.indirect_vreg.gather [hbm4b:s2+s1], $0x80, v2, vm0, $0xb8;
	[tilespmem:$0x19200] =	vst v63  }
0x3a: {  	s31 =	simm.s32 $0x6200  }
0x3b: {  	[tilespmem:s31], [sflag:$0x4] =	stream.indirect_vreg.gather [hbm4b:s3+s1], $0x80, v2, vm0, $0xb8;
	[tilespmem:$0x19200] =	vst v63  }
0x3c: {  	s10 =	simm.s32 $0x6A00  }
0x3d: {  	[tilespmem:s10], [sflag:$0x4] =	stream.indirect_vreg.gather [hbm4b:s28+s1], $0x80, v2, vm0, $0xb8;
	[tilespmem:$0x19200] =	vst v63  }
0x3e: {  	s11 =	simm.s32 $0x7200  }
0x3f: {  	[tilespmem:s11], [sflag:$0x4] =	stream.indirect_vreg.gather [hbm4b:s5+s1], $0x80, v2, vm0, $0xb8;
	[tilespmem:$0x19200] =	vst v63  }
0x40: {  	s12 =	simm.s32 $0x7A00  }
0x41: {  	[tilespmem:s12], [sflag:$0x4] =	stream.indirect_vreg.gather [hbm4b:s6+s1], $0x80, v2, vm0, $0xb8;
	[tilespmem:$0x19200] =	vst v63  }
0x42: {  	s13 =	simm.s32 $0x8200  }
0x43: {  	[tilespmem:s13], [sflag:$0x4] =	stream.indirect_vreg.gather [hbm4b:s7+s1], $0x80, v2, vm0, $0xb8;
	[tilespmem:$0x19200] =	vst v63  }
0x44: {  	s14 =	simm.s32 $0x8A00  }
0x45: {  	[tilespmem:s14], [sflag:$0x4] =	stream.indirect_vreg.gather [hbm4b:s8+s1], $0x80, v2, vm0, $0xb8;
	[tilespmem:$0x19200] =	vst v63  }
0x46: {  	v2 =	vld.msk [tilespmem:$0x10], $0xff;
	_ =	sdelay $0x4  }
0x47: {  	v3 =	vshll.u32 v2, $0x4  }
0x48: {  	v2 =	vand.u32 $0x7, v2;
	v3 =	vand.u32 $0xFFFFFF80, v3  }
0x49: {  	v2 =	vor.u32 v2, v3  }
0x4a: {  	v2 =	vperm.xlane v2, v0;
	_ =	sdelay $0x1  }
0x4b: {  	v2 =	vadd.s32 v1, v2;
	_ =	sdelay $0x3  }
0x4c: {  	s15 =	simm.s32 $0x9200  }
0x4d: {  	[tilespmem:s15], [sflag:$0x5] =	stream.indirect_vreg.gather [hbm4b:s0+s1], $0x80, v2, vm0, $0xb8;
	[tilespmem:$0x19200] =	vst v63  }
0x4e: {  	s16 =	simm.s32 $0x9A00  }
0x4f: {  	[tilespmem:s16], [sflag:$0x5] =	stream.indirect_vreg.gather [hbm4b:s2+s1], $0x80, v2, vm0, $0xb8;
	[tilespmem:$0x19200] =	vst v63  }
0x50: {  	s17 =	simm.s32 $0xA200  }
0x51: {  	[tilespmem:s17], [sflag:$0x5] =	stream.indirect_vreg.gather [hbm4b:s3+s1], $0x80, v2, vm0, $0xb8;
	[tilespmem:$0x19200] =	vst v63  }
0x52: {  	s18 =	simm.s32 $0xAA00  }
0x53: {  	[tilespmem:s18], [sflag:$0x5] =	stream.indirect_vreg.gather [hbm4b:s28+s1], $0x80, v2, vm0, $0xb8;
	[tilespmem:$0x19200] =	vst v63  }
0x54: {  	s19 =	simm.s32 $0xB200  }
0x55: {  	[tilespmem:s19], [sflag:$0x5] =	stream.indirect_vreg.gather [hbm4b:s5+s1], $0x80, v2, vm0, $0xb8;
	[tilespmem:$0x19200] =	vst v63  }
0x56: {  	s20 =	simm.s32 $0xBA00  }
0x57: {  	[tilespmem:s20], [sflag:$0x5] =	stream.indirect_vreg.gather [hbm4b:s6+s1], $0x80, v2, vm0, $0xb8;
	[tilespmem:$0x19200] =	vst v63  }
0x58: {  	s21 =	simm.s32 $0xC200  }
0x59: {  	[tilespmem:s21], [sflag:$0x5] =	stream.indirect_vreg.gather [hbm4b:s7+s1], $0x80, v2, vm0, $0xb8;
	[tilespmem:$0x19200] =	vst v63  }
0x5a: {  	s22 =	simm.s32 $0xCA00  }
0x5b: {  	[tilespmem:s22], [sflag:$0x5] =	stream.indirect_vreg.gather [hbm4b:s8+s1], $0x80, v2, vm0, $0xb8;
	[tilespmem:$0x19200] =	vst v63  }
0x5c: {  	v2 =	vld.msk [tilespmem:$0x18], $0xff;
	_ =	sdelay $0x4  }
0x5d: {  	v3 =	vshll.u32 v2, $0x4  }
0x5e: {  	v2 =	vand.u32 $0x7, v2;
	v3 =	vand.u32 $0xFFFFFF80, v3  }
0x5f: {  	v2 =	vor.u32 v2, v3  }
0x60: {  	v2 =	vperm.xlane v2, v0;
	_ =	sdelay $0x1  }
0x61: {  	v2 =	vadd.s32 v1, v2;
	_ =	sdelay $0x3  }
0x62: {  	s23 =	simm.s32 $0xD200  }
0x63: {  	[tilespmem:s23], [sflag:$0x6] =	stream.indirect_vreg.gather [hbm4b:s0+s1], $0x80, v2, vm0, $0xb8;
	[tilespmem:$0x19200] =	vst v63  }
0x64: {  	s24 =	simm.s32 $0xDA00  }
0x65: {  	[tilespmem:s24], [sflag:$0x6] =	stream.indirect_vreg.gather [hbm4b:s2+s1], $0x80, v2, vm0, $0xb8;
	[tilespmem:$0x19200] =	vst v63  }
0x66: {  	s25 =	simm.s32 $0xE200  }
0x67: {  	[tilespmem:s25], [sflag:$0x6] =	stream.indirect_vreg.gather [hbm4b:s3+s1], $0x80, v2, vm0, $0xb8;
	[tilespmem:$0x19200] =	vst v63  }
0x68: {  	s26 =	simm.s32 $0xEA00  }
0x69: {  	[tilespmem:s26], [sflag:$0x6] =	stream.indirect_vreg.gather [hbm4b:s28+s1], $0x80, v2, vm0, $0xb8;
	[tilespmem:$0x19200] =	vst v63  }
0x6a: {  	s28 =	simm.s32 $0xF200  }
0x6b: {  	[tilespmem:s28], [sflag:$0x6] =	stream.indirect_vreg.gather [hbm4b:s5+s1], $0x80, v2, vm0, $0xb8;
	[tilespmem:$0x19200] =	vst v63  }
0x6c: {  	s29 =	simm.s32 $0xFA00  }
0x6d: {  	[tilespmem:s29], [sflag:$0x6] =	stream.indirect_vreg.gather [hbm4b:s6+s1], $0x80, v2, vm0, $0xb8;
	[tilespmem:$0x19200] =	vst v63  }
0x6e: {  	s30 =	simm.s32 $0x10200  }
0x6f: {  	[tilespmem:s30], [sflag:$0x6] =	stream.indirect_vreg.gather [hbm4b:s7+s1], $0x80, v2, vm0, $0xb8;
	[tilespmem:$0x19200] =	vst v63  }
0x70: {  	s31 =	simm.s32 $0x10A00;
	s22 =	simm.s32 $0x0  }
0x71: {  	[tilespmem:s31], [sflag:$0x6] =	stream.indirect_vreg.gather [hbm4b:s8+s1], $0x80, v2, vm0, $0xb8;
	[tilespmem:$0x19200] =	vst v63  }
.LBB2_2:
0x72: {  	s0 =	sshll.u32 s22, $0x1;
	s1 =	rddreg [dreg:$0x6];
	s3 =	sshll.u32 s22, $0x5  }
0x73: {  	s0 =	sadd.s32 s1, s0;
	s1 =	sand.u32 $0x60, s3;
	s3 =	simm.s32 $0x1  }
0x74: {  	_ =	swait.ge [sflag:s3], $0x800  }
0x75: {  	s4 =	simm.s32 $0x80;
	s0 =	sshll.u32 s0, $0x8;
	s2 =	rddreg [dreg:$0x2]  }
0x76: {  	s5 =	simm.s32 $0x400;
	s0 =	sand.u32 $0x1800, s0;
	s1 =	sadd.s32 s1, s2  }
0x77: {  	s6 =	simm.s32 $0xA00;
	[sflag:s3] =	ssyncset.done $0x0;
	s0 =	sadd.s32 s0, s1  }
0x78: {  	s7 =	simm.s32 $0x3;
	[sflag:s3] =	ssyncadd.s32 $0xFFFFF800;
	s0 =	sadd.s32 $0x10, s0  }
0x79: {  	[tilespmem:s6], [sflag:$0x2] =	stream.strided.gather [hbm4b:s0+s4], $0x800, s5, s4, $0x38;
	[tilespmem:$0x19200] =	vst v63  }
0x7a: {  	_ =	swait.ge [sflag:s7], $0x4000  }
0x7b: {  	p0 =	seq.s32 s22, $0x0;
	[sflag:s7] =	ssyncset.done $0x0  }
0x7c: {  	s8 =	simm.s32 $0x0;
	s0 =	simm.s32 @!p0 $0x7;
	[sflag:s7] =	ssyncadd.s32 $0xFFFFC000  }
0x7d: {  	s9 =	sand.u32 $0x40, s8;
	s4 =	sand.u32 $0x780, s8;
	_ =	swait.ge @!p0 [sflag:s0], $0x4000  }
0x7e: {  	s5 =	sor.u32 $0x30, s9;
	s4 =	sadd.s32 $0x200, s4;
	[sflag:s0] =	ssyncset.done @!p0 $0x0  }
0x7f: {  	s1 =	sand.u32 $0x3C00, s8;
	s10 =	sor.u32 s5, s4;
	[sflag:s0] =	ssyncadd.s32 @!p0 $0xFFFFC000  }
0x80: {  	s5 =	sor.u32 s1, s5;
	v10 =	vld [tilespmem:s10+$0x0]  }
0x81: {  	v2 =	vld [tilespmem:s5+$0x1200]  }
0x82: {  	v3 =	vld [tilespmem:s5+$0x1280]  }
0x83: {  	s11 =	sor.u32 $0x10, s9;
	v4 =	vld [tilespmem:s5+$0x1300]  }
0x84: {  	s6 =	sor.u32 s11, s4;
	v5 =	vld [tilespmem:s5+$0x1380]  }
0x85: {  	s7 =	sor.u32 s1, s11;
	v7 =	vld [tilespmem:s6+$0x0]  }
0x86: {  	s21 =	simm.s32 $0x40;
	s12 =	sor.u32 $0x20, s9;
	v6 =	vld [tilespmem:s7+$0x1200]  }
0x87: {  	p1 =	por $0x0, $0x0;
	s23 =	sand.u32 $0x40, s21;
	s8 =	sor.u32 s1, s12;
	v8 =	vld [tilespmem:s7+$0x1280]  }
0x88: {  	s4 =	sor.u32 s12, s4;
	s12 =	simm.s32 $0x200;
	s0 =	simm.s32 $0x1;
	v11 =	vld [tilespmem:s7+$0x1300];
	v2 =	vadd.f32 v2, v10  }
0x89: {  	s12 =	sand.u32 $0x3C00, s12;
	s0 =	simm.s32 @!p1 $0x0;
	v9 =	vld [tilespmem:s4+$0x0];
	s10 =	sor.u32 $0x30, s23;
	v3 =	vadd.f32 v3, v10  }
0x8a: {  	v12 =	vld [tilespmem:s8+$0x1280];
	s0 =	sshll.u32 s0, $0x6;
	s26 =	sor.u32 s12, s10;
	[tilespmem:s5+$0x11200] =	vst v2;
	v2 =	vadd.f32 v4, v10  }
0x8b: {  	s18 =	sadd.s32 $0x0, s0;
	v13 =	vld [tilespmem:s26+$0x1200];
	[tilespmem:s5+$0x11280] =	vst v3;
	v3 =	vadd.f32 v5, v10  }
0x8c: {  	s0 =	sadd.s32 $0x30, s18;
	v4 =	vld [tilespmem:s7+$0x1380];
	[tilespmem:s5+$0x11300] =	vst v2  }
0x8d: {  	s13 =	sor.u32 $0x200, s0;
	v2 =	vld [tilespmem:s8+$0x1200];
	[tilespmem:s5+$0x11380] =	vst v3  }
0x8e: {  	s14 =	simm.s32 $0x200;
	v3 =	vadd.f32 v6, v7;
	v5 =	vld [tilespmem:s13+$0x1200]  }
0x8f: {  	v6 =	vadd.f32 v8, v7;
	v8 =	vld [tilespmem:s14+$0x0]  }
0x90: {  	[tilespmem:s7+$0x11200] =	vst v3;
	v3 =	vadd.f32 v11, v7;
	v11 =	vld [tilespmem:s8+$0x1300]  }
0x91: {  	s1 =	sor.u32 s9, s1;
	[tilespmem:s7+$0x11280] =	vst v6;
	v6 =	vld [tilespmem:s8+$0x1380];
	v4 =	vadd.f32 v4, v7  }
0x92: {  	[tilespmem:s7+$0x11300] =	vst v3;
	v3 =	vld [tilespmem:s1+$0x1200];
	v2 =	vadd.f32 v2, v9  }
0x93: {  	[tilespmem:s7+$0x11380] =	vst v4;
	v4 =	vadd.f32 v5, v10;
	v5 =	vld [tilespmem:s1+$0x1280]  }
0x94: {  	[tilespmem:s8+$0x11200] =	vst v2;
	v2 =	vadd.f32 v12, v9;
	v12 =	vld [tilespmem:s1+$0x1300]  }
0x95: {  	s4 =	sadd.s32 $0x10, s18;
	s15 =	sor.u32 $0x280, s0;
	v11 =	vadd.f32 v11, v9;
	[tilespmem:s13+$0x11200] =	vst v4;
	v4 =	vld [tilespmem:s1+$0x1380]  }
0x96: {  	s16 =	sor.u32 $0x200, s4;
	[tilespmem:s8+$0x11280] =	vst v2;
	v2 =	vadd.f32 v6, v9;
	v6 =	vld [tilespmem:s15+$0x1200]  }
0x97: {  	s6 =	sadd.s32 $0x20, s18;
	[tilespmem:s8+$0x11300] =	vst v11;
	v3 =	vadd.f32 v3, v8;
	v11 =	vld [tilespmem:s16+$0x1200]  }
0x98: {  	v14 =	vld [tilespmem:s26+$0x1280];
	s17 =	sor.u32 $0x200, s6;
	[tilespmem:s8+$0x11380] =	vst v2;
	v2 =	vadd.f32 v5, v8  }
0x99: {  	s3 =	sand.u32 $0x780, s21;
	[tilespmem:s1+$0x11200] =	vst v3;
	v5 =	vld [tilespmem:s17+$0x1200];
	v3 =	vadd.f32 v12, v8  }
0x9a: {  	s3 =	sadd.s32 $0x200, s3;
	v15 =	vld [tilespmem:s26+$0x1300];
	[tilespmem:s1+$0x11280] =	vst v2;
	v2 =	vadd.f32 v4, v8  }
0x9b: {  	s25 =	sor.u32 s10, s3;
	v16 =	vld [tilespmem:s26+$0x1380];
	[tilespmem:s1+$0x11300] =	vst v3;
	v3 =	vadd.f32 v6, v10  }
0x9c: {  	s19 =	sor.u32 $0x200, s18;
	[tilespmem:s1+$0x11380] =	vst v2;
	v2 =	vadd.f32 v11, v7;
	v11 =	vld [tilespmem:s25+$0x0]  }
0x9d: {  	s2 =	sor.u32 $0x10, s23;
	s20 =	sor.u32 $0x300, s0;
	v4 =	vld [tilespmem:s19+$0x1200];
	[tilespmem:s15+$0x11200] =	vst v3  }
0x9e: {  	s14 =	sor.u32 s12, s2;
	v3 =	vadd.f32 v5, v9;
	v5 =	vld [tilespmem:s20+$0x1200]  }
0x9f: {  	v17 =	vld [tilespmem:s14+$0x1200]  }
0xa0: {  	s24 =	simm.s32 $0x240;
	v18 =	vld [tilespmem:s14+$0x1380]  }
0xa1: {  	s9 =	sor.u32 $0x280, s4;
	[tilespmem:s16+$0x11200] =	vst v2;
	v2 =	vld [tilespmem:s24+$0x0];
	v15 =	vadd.f32 v15, v11  }
0xa2: {  	s11 =	sor.u32 $0x280, s6;
	v6 =	vld [tilespmem:s9+$0x1200];
	[tilespmem:s17+$0x11200] =	vst v3;
	v4 =	vadd.f32 v4, v8  }
0xa3: {  	p1 =	por !p1, !p1;
	s13 =	sor.u32 s2, s3;
	s8 =	simm.s32 $0x1;
	v12 =	vld [tilespmem:s11+$0x1200];
	v5 =	vadd.f32 v5, v10;
	[tilespmem:s26+$0x11300] =	vst v15  }
0xa4: {  	s8 =	simm.s32 @!p1 $0x0;
	v3 =	vld [tilespmem:s13+$0x0];
	[tilespmem:s19+$0x11200] =	vst v4;
	v4 =	vadd.f32 v13, v11;
	v13 =	vadd.f32 v14, v11  }
0xa5: {  	s8 =	sshll.u32 s8, $0x6;
	s13 =	sor.u32 $0x20, s23;
	[tilespmem:s20+$0x11200] =	vst v5;
	v5 =	vld [tilespmem:s14+$0x1280]  }
0xa6: {  	s15 =	sor.u32 s13, s3;
	s3 =	sadd.s32 $0x200, s8;
	s16 =	sor.u32 s12, s13;
	v14 =	vld [tilespmem:s14+$0x1300];
	[tilespmem:s26+$0x11280] =	vst v13;
	v13 =	vadd.f32 v16, v11  }
0xa7: {  	s10 =	sadd.s32 $0x30, s3;
	v15 =	vld [tilespmem:s16+$0x1200];
	v6 =	vadd.f32 v6, v7;
	[tilespmem:s26+$0x11200] =	vst v4  }
0xa8: {  	s17 =	sor.u32 $0x200, s10;
	v4 =	vld [tilespmem:s15+$0x0];
	v12 =	vadd.f32 v12, v9;
	[tilespmem:s26+$0x11380] =	vst v13  }
0xa9: {  	[tilespmem:s9+$0x11200] =	vst v6;
	v6 =	vadd.f32 v17, v3;
	v13 =	vld [tilespmem:s17+$0x1200]  }
0xaa: {  	[tilespmem:s11+$0x11200] =	vst v12;
	v12 =	vld [tilespmem:s16+$0x1280];
	v5 =	vadd.f32 v5, v3  }
0xab: {  	[tilespmem:s14+$0x11200] =	vst v6;
	v6 =	vadd.f32 v14, v3;
	v14 =	vld [tilespmem:s16+$0x1300]  }
0xac: {  	s5 =	sor.u32 s23, s12;
	v16 =	vld [tilespmem:s16+$0x1380];
	[tilespmem:s14+$0x11280] =	vst v5;
	v5 =	vadd.f32 v18, v3  }
0xad: {  	[tilespmem:s14+$0x11300] =	vst v6;
	v6 =	vld [tilespmem:s5+$0x1200];
	v15 =	vadd.f32 v15, v4  }
0xae: {  	[tilespmem:s14+$0x11380] =	vst v5;
	v5 =	vld [tilespmem:s5+$0x1280];
	v13 =	vadd.f32 v13, v11  }
0xaf: {  	v17 =	vld [tilespmem:s5+$0x1300];
	[tilespmem:s16+$0x11200] =	vst v15;
	v12 =	vadd.f32 v12, v4  }
0xb0: {  	s7 =	sadd.s32 $0x10, s3;
	s19 =	sor.u32 $0x280, s10;
	v15 =	vld [tilespmem:s5+$0x1380];
	v14 =	vadd.f32 v14, v4;
	[tilespmem:s17+$0x11200] =	vst v13  }
0xb1: {  	s20 =	sor.u32 $0x200, s7;
	[tilespmem:s16+$0x11280] =	vst v12;
	v12 =	vadd.f32 v16, v4;
	v13 =	vld [tilespmem:s19+$0x1200]  }
0xb2: {  	s21 =	sor.u32 $0x280, s18;
	s1 =	sadd.s32 $0x20, s3;
	v16 =	vld [tilespmem:s20+$0x1200];
	v6 =	vadd.f32 v6, v2;
	[tilespmem:s16+$0x11300] =	vst v14  }
0xb3: {  	s23 =	sor.u32 $0x200, s1;
	[tilespmem:s16+$0x11380] =	vst v12;
	v12 =	vld [tilespmem:s21+$0x1200];
	v5 =	vadd.f32 v5, v2  }
0xb4: {  	s15 =	sor.u32 $0x380, s0;
	[tilespmem:s5+$0x11200] =	vst v6;
	v6 =	vadd.f32 v17, v2;
	v14 =	vld [tilespmem:s23+$0x1200]  }
0xb5: {  	s24 =	sor.u32 $0x300, s4;
	v17 =	vld [tilespmem:s15+$0x1200];
	[tilespmem:s5+$0x11280] =	vst v5;
	v5 =	vadd.f32 v15, v2  }
0xb6: {  	s25 =	sor.u32 $0x300, s6;
	[tilespmem:s5+$0x11300] =	vst v6;
	v15 =	vld [tilespmem:s24+$0x1200];
	v6 =	vadd.f32 v13, v11  }
0xb7: {  	s16 =	sor.u32 $0x200, s3;
	v13 =	vld [tilespmem:s25+$0x1200];
	[tilespmem:s5+$0x11380] =	vst v5;
	v5 =	vadd.f32 v16, v3  }
0xb8: {  	s13 =	simm.s32 $0x80;
	s17 =	sor.u32 $0x300, s10;
	v16 =	vld [tilespmem:s16+$0x1200];
	[tilespmem:s19+$0x11200] =	vst v6;
	v6 =	vadd.f32 v12, v8  }
0xb9: {  	s2 =	sor.u32 $0x280, s1;
	s0 =	sand.u32 $0x40, s13;
	s19 =	sor.u32 $0x280, s7;
	[tilespmem:s20+$0x11200] =	vst v5;
	v5 =	vadd.f32 v14, v4;
	v12 =	vld [tilespmem:s17+$0x1200]  }
0xba: {  	s9 =	simm.s32 $0x400;
	s26 =	sor.u32 $0x300, s18;
	s20 =	sand.u32 $0x780, s13;
	v14 =	vld [tilespmem:s19+$0x1200];
	[tilespmem:s21+$0x11200] =	vst v6  }
0xbb: {  	s5 =	sor.u32 $0x380, s6;
	v6 =	vadd.f32 v15, v7;
	s6 =	sadd.s32 $0x200, s20;
	s21 =	sor.u32 $0x30, s0;
	[tilespmem:s23+$0x11200] =	vst v5;
	v15 =	vld [tilespmem:s26+$0x1200]  }
0xbc: {  	s20 =	sand.u32 $0x3C00, s9;
	v5 =	vadd.f32 v13, v9;
	s23 =	sor.u32 s21, s6;
	v13 =	vld [tilespmem:s2+$0x1200]  }
0xbd: {  	s13 =	sor.u32 s20, s21;
	[tilespmem:s24+$0x11200] =	vst v6;
	v6 =	vld [tilespmem:s23+$0x0]  }
0xbe: {  	s4 =	sor.u32 $0x380, s4;
	v10 =	vadd.f32 v17, v10;
	v17 =	vld [tilespmem:s13+$0x1200]  }
0xbf: {  	s8 =	simm.s32 $0x280;
	v18 =	vld [tilespmem:s4+$0x1200]  }
0xc0: {  	[tilespmem:s25+$0x11200] =	vst v5;
	v5 =	vld [tilespmem:s8+$0x0];
	v16 =	vadd.f32 v16, v2  }
0xc1: {  	[tilespmem:s15+$0x11200] =	vst v10;
	v12 =	vadd.f32 v12, v11;
	v19 =	vld [tilespmem:s5+$0x1200]  }
0xc2: {  	v10 =	vadd.f32 v14, v3;
	v14 =	vld [tilespmem:s13+$0x1280];
	[tilespmem:s16+$0x11200] =	vst v16  }
0xc3: {  	s10 =	sor.u32 $0x380, s10;
	v16 =	vld [tilespmem:s13+$0x1300];
	[tilespmem:s17+$0x11200] =	vst v12  }
0xc4: {  	s24 =	sor.u32 $0x10, s0;
	v15 =	vadd.f32 v15, v8;
	v12 =	vld [tilespmem:s10+$0x1200]  }
0xc5: {  	s25 =	sor.u32 s24, s6;
	[tilespmem:s19+$0x11200] =	vst v10;
	v10 =	vadd.f32 v13, v4;
	v13 =	vld [tilespmem:s13+$0x1380]  }
0xc6: {  	s14 =	sor.u32 s20, s24;
	v17 =	vadd.f32 v17, v6;
	[tilespmem:s26+$0x11200] =	vst v15;
	v15 =	vadd.f32 v18, v7;
	v7 =	vld [tilespmem:s25+$0x0]  }
0xc7: {  	[tilespmem:s2+$0x11200] =	vst v10;
	v10 =	vld [tilespmem:s14+$0x1200]  }
0xc8: {  	s26 =	sor.u32 $0x20, s0;
	[tilespmem:s13+$0x11200] =	vst v17;
	v17 =	vld [tilespmem:s14+$0x1300];
	v18 =	vadd.f32 v19, v9  }
0xc9: {  	p1 =	por !p1, !p1;
	s11 =	simm.s32 $0x1;
	s6 =	sor.u32 s26, s6;
	[tilespmem:s4+$0x11200] =	vst v15;
	v15 =	vld [tilespmem:s14+$0x1280];
	v14 =	vadd.f32 v14, v6  }
0xca: {  	s11 =	simm.s32 @!p1 $0x0;
	v16 =	vadd.f32 v16, v6;
	v9 =	vld [tilespmem:s6+$0x0];
	[tilespmem:s5+$0x11200] =	vst v18  }
0xcb: {  	s11 =	sshll.u32 s11, $0x6;
	s2 =	sor.u32 s20, s26;
	[tilespmem:s13+$0x11280] =	vst v14;
	v14 =	vld [tilespmem:s14+$0x1380];
	v13 =	vadd.f32 v13, v6  }
0xcc: {  	s11 =	sadd.s32 $0x400, s11;
	[tilespmem:s13+$0x11300] =	vst v16;
	v11 =	vadd.f32 v12, v11;
	v12 =	vld [tilespmem:s2+$0x1200]  }
0xcd: {  	s4 =	sadd.s32 $0x30, s11;
	v16 =	vld [tilespmem:s2+$0x1300];
	[tilespmem:s13+$0x11380] =	vst v13;
	v10 =	vadd.f32 v10, v7  }
0xce: {  	s13 =	sor.u32 $0x200, s4;
	[tilespmem:s10+$0x11200] =	vst v11;
	v11 =	vadd.f32 v15, v7;
	v15 =	vld [tilespmem:s2+$0x1280]  }
0xcf: {  	v13 =	vld [tilespmem:s13+$0x1200];
	[tilespmem:s14+$0x11200] =	vst v10;
	v10 =	vadd.f32 v17, v7  }
0xd0: {  	s0 =	sor.u32 s0, s20;
	[tilespmem:s14+$0x11280] =	vst v11;
	v11 =	vadd.f32 v14, v7;
	v14 =	vld [tilespmem:s2+$0x1380]  }
0xd1: {  	v12 =	vadd.f32 v12, v9;
	[tilespmem:s14+$0x11300] =	vst v10;
	v10 =	vld [tilespmem:s0+$0x1200]  }
0xd2: {  	v16 =	vadd.f32 v16, v9;
	[tilespmem:s14+$0x11380] =	vst v11;
	v11 =	vld [tilespmem:s0+$0x1280]  }
0xd3: {  	[tilespmem:s2+$0x11200] =	vst v12;
	v12 =	vadd.f32 v15, v9  }
0xd4: {  	v17 =	vld [tilespmem:s0+$0x1300];
	[tilespmem:s2+$0x11300] =	vst v16;
	v13 =	vadd.f32 v13, v6  }
0xd5: {  	s24 =	sor.u32 $0x280, s3;
	v15 =	vld [tilespmem:s0+$0x1380];
	[tilespmem:s2+$0x11280] =	vst v12;
	v12 =	vadd.f32 v14, v9  }
0xd6: {  	s5 =	sadd.s32 $0x10, s11;
	s14 =	sor.u32 $0x280, s4;
	v16 =	vld [tilespmem:s24+$0x1200];
	[tilespmem:s13+$0x11200] =	vst v13;
	v10 =	vadd.f32 v10, v5  }
0xd7: {  	s16 =	sadd.s32 $0x20, s11;
	s15 =	sor.u32 $0x200, s5;
	v13 =	vld [tilespmem:s14+$0x1200];
	v11 =	vadd.f32 v11, v5;
	[tilespmem:s2+$0x11380] =	vst v12  }
0xd8: {  	s21 =	sor.u32 $0x200, s16;
	v14 =	vld [tilespmem:s15+$0x1200];
	[tilespmem:s0+$0x11200] =	vst v10  }
0xd9: {  	s25 =	sor.u32 $0x300, s7;
	s26 =	sshllo.u32 s22, $0x1;
	v10 =	vadd.f32 v17, v5;
	v17 =	vld [tilespmem:s21+$0x1200];
	[tilespmem:s0+$0x11280] =	vst v11  }
0xda: {  	v11 =	vadd.f32 v15, v5;
	v15 =	vld [tilespmem:s25+$0x1200];
	[dreg:$0x14] =	wrdreg s26  }
0xdb: {  	s23 =	sor.u32 $0x300, s1;
	[tilespmem:s0+$0x11300] =	vst v10  }
0xdc: {  	s6 =	sor.u32 $0x380, s18;
	v10 =	vadd.f32 v13, v6;
	v18 =	vld [tilespmem:s23+$0x1200];
	[dreg:$0x13] =	wrdreg s22  }
0xdd: {  	s17 =	simm.s32 $0x8;
	s28 =	sor.u32 $0x280, s16;
	s10 =	sor.u32 $0x200, s11;
	[tilespmem:s0+$0x11380] =	vst v11;
	v11 =	vadd.f32 v14, v7;
	v14 =	vld [tilespmem:s6+$0x1200]  }
0xde: {  	s29 =	sor.u32 $0x300, s16;
	s19 =	sor.u32 $0x380, s1;
	s12 =	sor.u32 $0x300, s4;
	v16 =	vadd.f32 v16, v2;
	[tilespmem:s14+$0x11200] =	vst v10;
	v12 =	vld [tilespmem:s10+$0x1200]  }
0xdf: {  	s1 =	sor.u32 $0x300, s11;
	s20 =	sor.u32 $0x300, s3;
	s30 =	sor.u32 $0x280, s5;
	v10 =	vld [tilespmem:s12+$0x1200];
	[tilespmem:s15+$0x11200] =	vst v11;
	v11 =	vadd.f32 v17, v9  }
0xe0: {  	s3 =	sor.u32 $0x380, s3;
	s18 =	sshll.u32 s22, $0x8;
	s31 =	sor.u32 $0x300, s5;
	[tilespmem:s24+$0x11200] =	vst v16;
	v17 =	vadd.f32 v15, v3;
	v13 =	vld [tilespmem:s30+$0x1200]  }
0xe1: {  	s26 =	sor.u32 $0x380, s11;
	s22 =	sor.u32 $0x380, s7;
	s7 =	sor.u32 $0x280, s11;
	v16 =	vadd.f32 v18, v4;
	[tilespmem:s21+$0x11200] =	vst v11;
	v11 =	vld [tilespmem:s20+$0x1200]  }
0xe2: {  	s24 =	sor.u32 $0x380, s5;
	s21 =	sor.u32 $0x380, s16;
	[tilespmem:s25+$0x11200] =	vst v17;
	s25 =	simm.s32 $0xC0;
	v15 =	vld [tilespmem:s28+$0x1200];
	v14 =	vadd.f32 v14, v8  }
.LBB2_3:
0xe3: {  	s5 =	sand.u32 $0x40, s25;
	s0 =	sand.u32 $0x780, s25;
	v12 =	vadd.f32 v12, v5;
	s8 =	sadd.s32 $0x40, s8;
	v17 =	vld [tilespmem:s22+$0x1200];
	[tilespmem:s23+$0x11200] =	vst v16  }
0xe4: {  	s11 =	sor.u32 $0x10, s5;
	s0 =	sadd.s32 $0x200, s0;
	s14 =	sor.u32 $0x30, s5;
	v10 =	vadd.f32 v10, v6;
	v16 =	vld [tilespmem:s19+$0x1200];
	[tilespmem:s6+$0x11200] =	vst v14  }
0xe5: {  	s9 =	sadd.s32 $0x200, s9;
	s6 =	sor.u32 $0x20, s5;
	v8 =	vld [tilespmem:s8+$0x0];
	s13 =	sor.u32 s14, s0;
	[tilespmem:s10+$0x11200] =	vst v12;
	v12 =	vadd.f32 v13, v7  }
0xe6: {  	s4 =	sor.u32 $0x380, s4;
	s10 =	sand.u32 $0x3C00, s9;
	s15 =	sor.u32 s11, s0;
	v13 =	vld [tilespmem:s13+$0x0];
	[tilespmem:s12+$0x11200] =	vst v10;
	v10 =	vadd.f32 v11, v2  }
0xe7: {  	s16 =	sor.u32 s6, s0;
	s13 =	sor.u32 s10, s11;
	s0 =	sor.u32 s10, s14;
	[tilespmem:s30+$0x11200] =	vst v12;
	v11 =	vadd.f32 v15, v9;
	v12 =	vld [tilespmem:s4+$0x1200]  }
0xe8: {  	s17 =	sadd.s32 $0x4, s17;
	s11 =	sor.u32 s5, s10;
	s12 =	sor.u32 s10, s6;
	v14 =	vld [tilespmem:s0+$0x1200];
	[tilespmem:s20+$0x11200] =	vst v10;
	v10 =	vadd.f32 v17, v3;
	v3 =	vmov v7  }
0xe9: {  	s23 =	smov.u32 s29;
	p2 =	slt.u32 s17, $0x7C;
	s20 =	smov.u32 s1;
	v15 =	vld [tilespmem:s0+$0x1280];
	[tilespmem:s28+$0x11200] =	vst v11;
	v7 =	vadd.f32 v16, v4;
	v4 =	vmov v9  }
0xea: {  	s6 =	smov.u32 s3;
	s3 =	smov.u32 s26;
	v9 =	vld [tilespmem:s0+$0x1300];
	[tilespmem:s22+$0x11200] =	vst v10;
	s22 =	smov.u32 s24  }
0xeb: {  	v10 =	vld [tilespmem:s0+$0x1380];
	[tilespmem:s19+$0x11200] =	vst v7;
	s19 =	smov.u32 s21  }
0xec: {  	v7 =	vld [tilespmem:s15+$0x0];
	v11 =	vadd.f32 v12, v6;
	v6 =	vmov v13  }
0xed: {  	p1 =	por !p1, !p1;
	s1 =	simm.s32 $0x1;
	v12 =	vld [tilespmem:s13+$0x1200];
	v13 =	vadd.f32 v14, v6  }
0xee: {  	s1 =	simm.s32 @!p1 $0x0;
	v14 =	vld [tilespmem:s13+$0x1280];
	v15 =	vadd.f32 v15, v6;
	[tilespmem:s4+$0x11200] =	vst v11  }
0xef: {  	s1 =	sshll.u32 s1, $0x6;
	v11 =	vld [tilespmem:s13+$0x1300];
	[tilespmem:s0+$0x11200] =	vst v13;
	v13 =	vadd.f32 v9, v6  }
0xf0: {  	s5 =	sadd.s32 s1, s9;
	v16 =	vld [tilespmem:s13+$0x1380];
	[tilespmem:s0+$0x11280] =	vst v15;
	v10 =	vadd.f32 v10, v6  }
0xf1: {  	s21 =	sadd.s32 $0x10, s5;
	s26 =	sadd.s32 $0x20, s5;
	s4 =	sadd.s32 $0x30, s5;
	v9 =	vld [tilespmem:s16+$0x0];
	[tilespmem:s0+$0x11300] =	vst v13  }
0xf2: {  	s14 =	sor.u32 $0x200, s26;
	s2 =	sor.u32 $0x200, s4;
	s16 =	sor.u32 $0x200, s21;
	v12 =	vadd.f32 v12, v7;
	v13 =	vld [tilespmem:s12+$0x1200];
	[tilespmem:s0+$0x11380] =	vst v10  }
0xf3: {  	s10 =	sor.u32 $0x200, s5;
	s30 =	sor.u32 $0x280, s21;
	s28 =	sor.u32 $0x280, s26;
	v10 =	vadd.f32 v14, v7;
	v14 =	vld [tilespmem:s2+$0x1200]  }
0xf4: {  	s15 =	sor.u32 $0x300, s21;
	s29 =	sor.u32 $0x300, s26;
	s0 =	sor.u32 $0x280, s5;
	[tilespmem:s13+$0x11200] =	vst v12;
	v11 =	vadd.f32 v11, v7;
	v12 =	vld [tilespmem:s12+$0x1280]  }
0xf5: {  	s1 =	sor.u32 $0x300, s5;
	s24 =	sor.u32 $0x380, s21;
	s21 =	sor.u32 $0x380, s26;
	[tilespmem:s13+$0x11280] =	vst v10;
	v10 =	vadd.f32 v16, v7;
	v15 =	vld [tilespmem:s12+$0x1300]  }
0xf6: {  	s26 =	sor.u32 $0x380, s5;
	[tilespmem:s13+$0x11300] =	vst v11;
	v11 =	vld [tilespmem:s12+$0x1380]  }
0xf7: {  	v16 =	vld [tilespmem:s11+$0x1200];
	[tilespmem:s13+$0x11380] =	vst v10;
	v10 =	vadd.f32 v13, v9  }
0xf8: {  	v13 =	vld [tilespmem:s11+$0x1280];
	v14 =	vadd.f32 v14, v6  }
0xf9: {  	v17 =	vld [tilespmem:s11+$0x1300];
	[tilespmem:s12+$0x11200] =	vst v10;
	v10 =	vadd.f32 v12, v9  }
0xfa: {  	v12 =	vld [tilespmem:s11+$0x1380];
	v15 =	vadd.f32 v15, v9;
	[tilespmem:s2+$0x11200] =	vst v14;
	s2 =	sor.u32 $0x280, s4  }
0xfb: {  	[tilespmem:s12+$0x11280] =	vst v10;
	v10 =	vadd.f32 v11, v9;
	v11 =	vld [tilespmem:s2+$0x1200]  }
0xfc: {  	v14 =	vadd.f32 v16, v8;
	v16 =	vld [tilespmem:s16+$0x1200];
	[tilespmem:s12+$0x11300] =	vst v15  }
0xfd: {  	v13 =	vadd.f32 v13, v8;
	[tilespmem:s12+$0x11380] =	vst v10;
	v10 =	vld [tilespmem:s7+$0x1200]  }
0xfe: {  	[tilespmem:s11+$0x11200] =	vst v14;
	v14 =	vadd.f32 v17, v8;
	v15 =	vld [tilespmem:s14+$0x1200]  }
0xff: {  	[tilespmem:s11+$0x11280] =	vst v13;
	v12 =	vadd.f32 v12, v8;
	v17 =	vld [tilespmem:s31+$0x1200]  }
0x100: {  	[tilespmem:s11+$0x11300] =	vst v14;
	v11 =	vadd.f32 v11, v6;
	v14 =	vld [tilespmem:s23+$0x1200]  }
0x101: {  	[tilespmem:s11+$0x11380] =	vst v12;
	v13 =	vadd.f32 v16, v7;
	v18 =	vld [tilespmem:s6+$0x1200]  }
.Ltmp0:
0x102: {  	s12 =	sor.u32 $0x300, s4;
	v12 =	vld [tilespmem:s10+$0x1200];
	[tilespmem:s2+$0x11200] =	vst v11;
	v11 =	vadd.f32 v10, v5;
	(pc) =	sbr.rel @p2 .LBB2_3-.Ltmp0, $4  }
0x103: {  	[tilespmem:s16+$0x11200] =	vst v13;
	v15 =	vadd.f32 v15, v9;
	v10 =	vld [tilespmem:s12+$0x1200]  }
0x104: {  	v13 =	vld [tilespmem:s30+$0x1200];
	[tilespmem:s7+$0x11200] =	vst v11;
	v17 =	vadd.f32 v17, v3;
	s7 =	smov.u32 s0  }
0x105: {  	[tilespmem:s14+$0x11200] =	vst v15;
	v11 =	vld [tilespmem:s20+$0x1200];
	v16 =	vadd.f32 v14, v4  }
0x106: {  	s25 =	sadd.s32 $0x40, s25;
	v15 =	vld [tilespmem:s28+$0x1200];
	[tilespmem:s31+$0x11200] =	vst v17;
	v14 =	vadd.f32 v18, v2;
	v2 =	vmov v5;
	v5 =	vmov v8;
	s31 =	smov.u32 s15  }
0x107: {  	v8 =	vadd.f32 v12, v5;
	_ =	sdelay $0x1  }
0x108: {  	[tilespmem:s10+$0x11200] =	vst v8  }
0x109: {  	v8 =	vld [tilespmem:s7+$0x1200];
	_ =	sdelay $0x2  }
0x10a: {  	v12 =	vadd.f32 v13, v7  }
0x10b: {  	v13 =	vadd.f32 v15, v9  }
0x10c: {  	[tilespmem:s30+$0x11200] =	vst v12;
	v8 =	vadd.f32 v8, v5  }
0x10d: {  	v12 =	vld [tilespmem:s31+$0x1200];
	[tilespmem:s28+$0x11200] =	vst v13  }
0x10e: {  	v13 =	vld [tilespmem:s29+$0x1200];
	[tilespmem:s7+$0x11200] =	vst v8  }
0x10f: {  	v8 =	vld [tilespmem:s1+$0x1200]  }
0x110: {  	v10 =	vadd.f32 v10, v6  }
0x111: {  	[tilespmem:s23+$0x11200] =	vst v16;
	v11 =	vadd.f32 v11, v2;
	v15 =	vld [tilespmem:s22+$0x1200]  }
0x112: {  	s0 =	sor.u32 $0x380, s4;
	v16 =	vld [tilespmem:s19+$0x1200];
	[tilespmem:s12+$0x11200] =	vst v10;
	v10 =	vadd.f32 v12, v7  }
0x113: {  	[tilespmem:s20+$0x11200] =	vst v11;
	v12 =	vld [tilespmem:s0+$0x1200];
	v11 =	vadd.f32 v13, v9  }
0x114: {  	v13 =	vld [tilespmem:s3+$0x1200];
	[tilespmem:s31+$0x11200] =	vst v10;
	v8 =	vadd.f32 v8, v5  }
0x115: {  	v10 =	vld [tilespmem:s24+$0x1200];
	[tilespmem:s29+$0x11200] =	vst v11  }
0x116: {  	v3 =	vadd.f32 v15, v3;
	v11 =	vld [tilespmem:s21+$0x1200];
	[tilespmem:s1+$0x11200] =	vst v8  }
0x117: {  	[tilespmem:s6+$0x11200] =	vst v14;
	v4 =	vadd.f32 v16, v4;
	v8 =	vld [tilespmem:s26+$0x1200]  }
0x118: {  	[tilespmem:s22+$0x11200] =	vst v3;
	v3 =	vadd.f32 v12, v6  }
0x119: {  	[tilespmem:s19+$0x11200] =	vst v4;
	v2 =	vadd.f32 v13, v2  }
0x11a: {  	[tilespmem:s0+$0x11200] =	vst v3;
	v3 =	vadd.f32 v10, v7  }
0x11b: {  	[tilespmem:s3+$0x11200] =	vst v2;
	v2 =	vadd.f32 v11, v9  }
0x11c: {  	[tilespmem:s24+$0x11200] =	vst v3;
	v3 =	vadd.f32 v8, v5  }
0x11d: {  	[tilespmem:s21+$0x11200] =	vst v2  }
0x11e: {  	s0 =	rddreg [dreg:$0x13];
	[tilespmem:s26+$0x11200] =	vst v3  }
0x11f: {  	s2 =	simm.s32 $0x11200;
	s0 =	sshll.u32 s0, $0xE;
	s1 =	rddreg [dreg:$0x10]  }
0x120: {  	s6 =	simm.s32 $0x0;
	s7 =	sshrl.u32 s18, $0x2;
	s0 =	sadd.s32 s0, s1  }
0x121: {  	[hbm4b:s0+s6] =	stream.linear.scatter [tilespmem:s2], [sflag:$0x7], $0x4000, $0x38;
	[tilespmem:$0x19200] =	vst v63  }
0x122: {  	v2 =	vld.msk [tilespmem:s7+$0x20], $0xff;
	_ =	sdelay $0x4  }
0x123: {  	v3 =	vshll.u32 v2, $0x4  }
0x124: {  	v2 =	vand.u32 $0x7, v2;
	v3 =	vand.u32 $0xFFFFFF80, v3  }
0x125: {  	v2 =	vor.u32 v2, v3  }
0x126: {  	v2 =	vperm.xlane v2, v0;
	_ =	sdelay $0x1  }
0x127: {  	v2 =	vadd.s32 v1, v2;
	_ =	sdelay $0x2  }
0x128: {  	s8 =	rddreg [dreg:$0x1]  }
0x129: {  	s9 =	simm.s32 $0x1200;
	[dreg:$0x16] =	wrdreg s7  }
0x12a: {  	[tilespmem:s9], [sflag:$0x3] =	stream.indirect_vreg.gather [hbm4b:s8+s6], $0x80, v2, vm0, $0xb8;
	[tilespmem:$0x19200] =	vst v63  }
0x12b: {  	s11 =	simm.s32 $0x1A00;
	s10 =	rddreg [dreg:$0x9]  }
0x12c: {  	[tilespmem:s11], [sflag:$0x3] =	stream.indirect_vreg.gather [hbm4b:s10+s6], $0x80, v2, vm0, $0xb8;
	[tilespmem:$0x19200] =	vst v63  }
0x12d: {  	s13 =	simm.s32 $0x2200;
	s12 =	rddreg [dreg:$0xa]  }
0x12e: {  	[tilespmem:s13], [sflag:$0x3] =	stream.indirect_vreg.gather [hbm4b:s12+s6], $0x80, v2, vm0, $0xb8;
	[tilespmem:$0x19200] =	vst v63  }
0x12f: {  	s15 =	simm.s32 $0x2A00;
	s14 =	rddreg [dreg:$0xb]  }
0x130: {  	[tilespmem:s15], [sflag:$0x3] =	stream.indirect_vreg.gather [hbm4b:s14+s6], $0x80, v2, vm0, $0xb8;
	[tilespmem:$0x19200] =	vst v63  }
0x131: {  	s17 =	simm.s32 $0x3200;
	s16 =	rddreg [dreg:$0xc]  }
0x132: {  	[tilespmem:s17], [sflag:$0x3] =	stream.indirect_vreg.gather [hbm4b:s16+s6], $0x80, v2, vm0, $0xb8;
	[tilespmem:$0x19200] =	vst v63  }
0x133: {  	s19 =	simm.s32 $0x3A00;
	s18 =	rddreg [dreg:$0xd]  }
0x134: {  	[tilespmem:s19], [sflag:$0x3] =	stream.indirect_vreg.gather [hbm4b:s18+s6], $0x80, v2, vm0, $0xb8;
	[tilespmem:$0x19200] =	vst v63  }
0x135: {  	s21 =	simm.s32 $0x4200;
	s20 =	rddreg [dreg:$0xe]  }
0x136: {  	[tilespmem:s21], [sflag:$0x3] =	stream.indirect_vreg.gather [hbm4b:s20+s6], $0x80, v2, vm0, $0xb8;
	[tilespmem:$0x19200] =	vst v63  }
0x137: {  	s23 =	simm.s32 $0x4A00;
	s24 =	simm.s32 $0x4;
	s22 =	rddreg [dreg:$0xf]  }
0x138: {  	[tilespmem:s23], [sflag:$0x3] =	stream.indirect_vreg.gather [hbm4b:s22+s6], $0x80, v2, vm0, $0xb8;
	[tilespmem:$0x19200] =	vst v63  }
0x139: {  	_ =	swait.ge [sflag:s24], $0x4000  }
0x13a: {  	[sflag:s24] =	ssyncset.done $0x0  }
0x13b: {  	s25 =	simm.s32 $0x0;
	s0 =	simm.s32 @!p0 $0x8;
	[sflag:s24] =	ssyncadd.s32 $0xFFFFC000  }
0x13c: {  	s5 =	sand.u32 $0x780, s25;
	s26 =	sand.u32 $0x40, s25;
	_ =	swait.ge @!p0 [sflag:s0], $0x4000  }
0x13d: {  	s3 =	sadd.s32 $0x200, s5;
	s6 =	sor.u32 $0x30, s26;
	[sflag:s0] =	ssyncset.done @!p0 $0x0  }
0x13e: {  	s1 =	sand.u32 $0x3C00, s25;
	s7 =	sor.u32 s6, s3;
	[sflag:s0] =	ssyncadd.s32 @!p0 $0xFFFFC000  }
0x13f: {  	s8 =	sor.u32 s1, s6;
	v10 =	vld [tilespmem:s7+$0x0]  }
0x140: {  	v2 =	vld [tilespmem:s8+$0x5200]  }
0x141: {  	v3 =	vld [tilespmem:s8+$0x5280]  }
0x142: {  	s9 =	sor.u32 $0x10, s26;
	v4 =	vld [tilespmem:s8+$0x5300]  }
0x143: {  	s5 =	sor.u32 s9, s3;
	v5 =	vld [tilespmem:s8+$0x5380]  }
0x144: {  	s10 =	sor.u32 s1, s9;
	v7 =	vld [tilespmem:s5+$0x0]  }
0x145: {  	s11 =	sor.u32 $0x20, s26;
	s21 =	simm.s32 $0x40;
	v6 =	vld [tilespmem:s10+$0x5200]  }
0x146: {  	s4 =	simm.s32 $0x1;
	s22 =	sand.u32 $0x40, s21;
	s3 =	sor.u32 s11, s3;
	v8 =	vld [tilespmem:s10+$0x5280]  }
0x147: {  	p0 =	por $0x0, $0x0;
	v11 =	vld [tilespmem:s10+$0x5300];
	s5 =	sor.u32 s1, s11;
	s11 =	simm.s32 $0x200;
	v2 =	vadd.f32 v2, v10  }
0x148: {  	s24 =	sor.u32 $0x30, s22;
	s4 =	simm.s32 @!p0 $0x0;
	v9 =	vld [tilespmem:s3+$0x0];
	s11 =	sand.u32 $0x3C00, s11;
	v3 =	vadd.f32 v3, v10  }
0x149: {  	s1 =	sor.u32 s26, s1;
	s4 =	sshll.u32 s4, $0x6;
	v12 =	vld [tilespmem:s5+$0x5280];
	s26 =	sor.u32 s11, s24;
	[tilespmem:s8+$0x15200] =	vst v2;
	v2 =	vadd.f32 v4, v10  }
0x14a: {  	s18 =	sadd.s32 $0x0, s4;
	v13 =	vld [tilespmem:s26+$0x5200];
	[tilespmem:s8+$0x15280] =	vst v3;
	v3 =	vadd.f32 v5, v10  }
0x14b: {  	s4 =	sadd.s32 $0x30, s18;
	v4 =	vld [tilespmem:s10+$0x5380];
	[tilespmem:s8+$0x15300] =	vst v2  }
0x14c: {  	s12 =	sor.u32 $0x200, s4;
	v2 =	vld [tilespmem:s5+$0x5200];
	[tilespmem:s8+$0x15380] =	vst v3  }
0x14d: {  	s13 =	simm.s32 $0x200;
	v3 =	vadd.f32 v6, v7;
	v5 =	vld [tilespmem:s12+$0x5200]  }
0x14e: {  	v6 =	vadd.f32 v8, v7;
	v8 =	vld [tilespmem:s13+$0x0]  }
0x14f: {  	[tilespmem:s10+$0x15200] =	vst v3;
	v3 =	vadd.f32 v11, v7;
	v11 =	vld [tilespmem:s5+$0x5300]  }
0x150: {  	[tilespmem:s10+$0x15280] =	vst v6;
	v6 =	vld [tilespmem:s5+$0x5380];
	v4 =	vadd.f32 v4, v7  }
0x151: {  	[tilespmem:s10+$0x15300] =	vst v3;
	v3 =	vld [tilespmem:s1+$0x5200];
	v2 =	vadd.f32 v2, v9  }
0x152: {  	[tilespmem:s10+$0x15380] =	vst v4;
	v4 =	vadd.f32 v5, v10;
	v5 =	vld [tilespmem:s1+$0x5280]  }
0x153: {  	[tilespmem:s5+$0x15200] =	vst v2;
	v2 =	vadd.f32 v12, v9;
	v12 =	vld [tilespmem:s1+$0x5300]  }
0x154: {  	s6 =	sadd.s32 $0x10, s18;
	s14 =	sor.u32 $0x280, s4;
	v11 =	vadd.f32 v11, v9;
	[tilespmem:s12+$0x15200] =	vst v4;
	v4 =	vld [tilespmem:s1+$0x5380]  }
0x155: {  	s15 =	sor.u32 $0x200, s6;
	[tilespmem:s5+$0x15280] =	vst v2;
	v2 =	vadd.f32 v6, v9;
	v6 =	vld [tilespmem:s14+$0x5200]  }
0x156: {  	s8 =	sadd.s32 $0x20, s18;
	[tilespmem:s5+$0x15300] =	vst v11;
	v3 =	vadd.f32 v3, v8;
	v11 =	vld [tilespmem:s15+$0x5200]  }
0x157: {  	v14 =	vld [tilespmem:s26+$0x5280];
	s16 =	sor.u32 $0x200, s8;
	[tilespmem:s5+$0x15380] =	vst v2;
	v2 =	vadd.f32 v5, v8  }
0x158: {  	s2 =	sand.u32 $0x780, s21;
	[tilespmem:s1+$0x15200] =	vst v3;
	v5 =	vld [tilespmem:s16+$0x5200];
	v3 =	vadd.f32 v12, v8  }
0x159: {  	s2 =	sadd.s32 $0x200, s2;
	v15 =	vld [tilespmem:s26+$0x5300];
	[tilespmem:s1+$0x15280] =	vst v2;
	v2 =	vadd.f32 v4, v8  }
0x15a: {  	s25 =	sor.u32 s24, s2;
	v16 =	vld [tilespmem:s26+$0x5380];
	[tilespmem:s1+$0x15300] =	vst v3;
	v3 =	vadd.f32 v6, v10  }
0x15b: {  	s17 =	sor.u32 $0x200, s18;
	[tilespmem:s1+$0x15380] =	vst v2;
	v2 =	vadd.f32 v11, v7;
	v11 =	vld [tilespmem:s25+$0x0]  }
0x15c: {  	s19 =	sor.u32 $0x300, s4;
	v4 =	vld [tilespmem:s17+$0x5200];
	[tilespmem:s14+$0x15200] =	vst v3  }
0x15d: {  	s23 =	simm.s32 $0x240;
	v3 =	vadd.f32 v5, v9;
	v5 =	vld [tilespmem:s19+$0x5200]  }
0x15e: {  	s20 =	sor.u32 $0x280, s6;
	s14 =	sor.u32 $0x10, s22;
	[tilespmem:s15+$0x15200] =	vst v2;
	v2 =	vld [tilespmem:s23+$0x0]  }
0x15f: {  	s13 =	sor.u32 s11, s14;
	v6 =	vld [tilespmem:s20+$0x5200]  }
0x160: {  	v17 =	vld [tilespmem:s13+$0x5200];
	v15 =	vadd.f32 v15, v11  }
0x161: {  	s9 =	sor.u32 $0x280, s8;
	v18 =	vld [tilespmem:s13+$0x5380];
	[tilespmem:s16+$0x15200] =	vst v3;
	v4 =	vadd.f32 v4, v8  }
0x162: {  	p0 =	por !p0, !p0;
	s5 =	simm.s32 $0x1;
	s15 =	sor.u32 s14, s2;
	v12 =	vld [tilespmem:s9+$0x5200];
	v5 =	vadd.f32 v5, v10;
	[tilespmem:s26+$0x15300] =	vst v15  }
0x163: {  	s5 =	simm.s32 @!p0 $0x0;
	v3 =	vld [tilespmem:s15+$0x0];
	[tilespmem:s17+$0x15200] =	vst v4;
	v4 =	vadd.f32 v13, v11;
	v13 =	vadd.f32 v14, v11  }
0x164: {  	s5 =	sshll.u32 s5, $0x6;
	s16 =	sor.u32 $0x20, s22;
	[tilespmem:s19+$0x15200] =	vst v5;
	v5 =	vld [tilespmem:s13+$0x5280]  }
0x165: {  	s7 =	sadd.s32 $0x200, s5;
	s0 =	sor.u32 s11, s16;
	v14 =	vld [tilespmem:s13+$0x5300];
	[tilespmem:s26+$0x15280] =	vst v13;
	v13 =	vadd.f32 v16, v11  }
0x166: {  	s10 =	sadd.s32 $0x30, s7;
	s2 =	sor.u32 s16, s2;
	v15 =	vld [tilespmem:s0+$0x5200];
	v6 =	vadd.f32 v6, v7;
	[tilespmem:s26+$0x15200] =	vst v4  }
0x167: {  	s17 =	sor.u32 $0x200, s10;
	v4 =	vld [tilespmem:s2+$0x0];
	v12 =	vadd.f32 v12, v9;
	[tilespmem:s26+$0x15380] =	vst v13  }
0x168: {  	[tilespmem:s20+$0x15200] =	vst v6;
	v6 =	vadd.f32 v17, v3;
	v13 =	vld [tilespmem:s17+$0x5200]  }
0x169: {  	[tilespmem:s9+$0x15200] =	vst v12;
	v12 =	vld [tilespmem:s0+$0x5280];
	v5 =	vadd.f32 v5, v3  }
0x16a: {  	[tilespmem:s13+$0x15200] =	vst v6;
	v6 =	vadd.f32 v14, v3;
	v14 =	vld [tilespmem:s0+$0x5300]  }
0x16b: {  	s19 =	sor.u32 s22, s11;
	v16 =	vld [tilespmem:s0+$0x5380];
	[tilespmem:s13+$0x15280] =	vst v5;
	v5 =	vadd.f32 v18, v3  }
0x16c: {  	[tilespmem:s13+$0x15300] =	vst v6;
	v6 =	vld [tilespmem:s19+$0x5200];
	v15 =	vadd.f32 v15, v4  }
0x16d: {  	[tilespmem:s13+$0x15380] =	vst v5;
	v5 =	vld [tilespmem:s19+$0x5280];
	v13 =	vadd.f32 v13, v11  }
0x16e: {  	v17 =	vld [tilespmem:s19+$0x5300];
	[tilespmem:s0+$0x15200] =	vst v15;
	v12 =	vadd.f32 v12, v4  }
0x16f: {  	s3 =	sadd.s32 $0x10, s7;
	s20 =	sor.u32 $0x280, s10;
	v15 =	vld [tilespmem:s19+$0x5380];
	v14 =	vadd.f32 v14, v4;
	[tilespmem:s17+$0x15200] =	vst v13  }
0x170: {  	s21 =	sor.u32 $0x200, s3;
	[tilespmem:s0+$0x15280] =	vst v12;
	v12 =	vadd.f32 v16, v4;
	v13 =	vld [tilespmem:s20+$0x5200]  }
0x171: {  	s1 =	sadd.s32 $0x20, s7;
	s22 =	sor.u32 $0x280, s18;
	v16 =	vld [tilespmem:s21+$0x5200];
	v6 =	vadd.f32 v6, v2;
	[tilespmem:s0+$0x15300] =	vst v14  }
0x172: {  	s23 =	sor.u32 $0x200, s1;
	[tilespmem:s0+$0x15380] =	vst v12;
	v12 =	vld [tilespmem:s22+$0x5200];
	v5 =	vadd.f32 v5, v2  }
0x173: {  	s24 =	sor.u32 $0x300, s6;
	[tilespmem:s19+$0x15200] =	vst v6;
	v6 =	vadd.f32 v17, v2;
	v14 =	vld [tilespmem:s23+$0x5200]  }
0x174: {  	s14 =	sor.u32 $0x380, s4;
	[tilespmem:s19+$0x15280] =	vst v5;
	v5 =	vadd.f32 v15, v2;
	v15 =	vld [tilespmem:s24+$0x5200]  }
0x175: {  	s25 =	sor.u32 $0x300, s8;
	v17 =	vld [tilespmem:s14+$0x5200];
	[tilespmem:s19+$0x15300] =	vst v6;
	v6 =	vadd.f32 v13, v11  }
0x176: {  	s15 =	sor.u32 $0x200, s7;
	v13 =	vld [tilespmem:s25+$0x5200];
	[tilespmem:s19+$0x15380] =	vst v5;
	v5 =	vadd.f32 v16, v3  }
0x177: {  	s5 =	sor.u32 $0x300, s10;
	v16 =	vld [tilespmem:s15+$0x5200];
	[tilespmem:s20+$0x15200] =	vst v6;
	v6 =	vadd.f32 v12, v8  }
0x178: {  	s20 =	sor.u32 $0x280, s3;
	[tilespmem:s21+$0x15200] =	vst v5;
	v5 =	vadd.f32 v14, v4;
	v12 =	vld [tilespmem:s5+$0x5200]  }
0x179: {  	s16 =	sor.u32 $0x300, s18;
	v14 =	vld [tilespmem:s20+$0x5200];
	[tilespmem:s22+$0x15200] =	vst v6;
	v6 =	vadd.f32 v15, v7  }
0x17a: {  	s6 =	sor.u32 $0x380, s6;
	s26 =	simm.s32 $0x80;
	s21 =	sor.u32 $0x280, s1;
	[tilespmem:s23+$0x15200] =	vst v5;
	v15 =	vld [tilespmem:s16+$0x5200]  }
0x17b: {  	s9 =	sand.u32 $0x780, s26;
	s0 =	sor.u32 $0x380, s8;
	s19 =	sand.u32 $0x40, s26;
	v5 =	vadd.f32 v13, v9;
	v13 =	vld [tilespmem:s21+$0x5200];
	[tilespmem:s24+$0x15200] =	vst v6  }
0x17c: {  	s8 =	simm.s32 $0x280;
	s22 =	sadd.s32 $0x200, s9;
	s23 =	sor.u32 $0x30, s19;
	v18 =	vld [tilespmem:s6+$0x5200]  }
0x17d: {  	s9 =	simm.s32 $0x400;
	s17 =	sor.u32 s23, s22;
	[tilespmem:s25+$0x15200] =	vst v5;
	v5 =	vld [tilespmem:s8+$0x0]  }
0x17e: {  	v10 =	vadd.f32 v17, v10;
	s24 =	sand.u32 $0x3C00, s9;
	v6 =	vld [tilespmem:s17+$0x0]  }
0x17f: {  	s26 =	sor.u32 s24, s23;
	v16 =	vadd.f32 v16, v2;
	v19 =	vld [tilespmem:s0+$0x5200]  }
0x180: {  	[tilespmem:s14+$0x15200] =	vst v10;
	v12 =	vadd.f32 v12, v11;
	v17 =	vld [tilespmem:s26+$0x5200]  }
0x181: {  	v10 =	vadd.f32 v14, v3;
	v14 =	vld [tilespmem:s26+$0x5280];
	[tilespmem:s15+$0x15200] =	vst v16  }
0x182: {  	s25 =	sor.u32 $0x380, s10;
	v16 =	vld [tilespmem:s26+$0x5300];
	[tilespmem:s5+$0x15200] =	vst v12  }
0x183: {  	s14 =	sor.u32 $0x10, s19;
	v15 =	vadd.f32 v15, v8;
	v12 =	vld [tilespmem:s25+$0x5200]  }
0x184: {  	s15 =	sor.u32 s14, s22;
	[tilespmem:s20+$0x15200] =	vst v10;
	v10 =	vadd.f32 v13, v4;
	v13 =	vld [tilespmem:s26+$0x5380]  }
0x185: {  	s17 =	sor.u32 s24, s14;
	[tilespmem:s16+$0x15200] =	vst v15;
	v15 =	vadd.f32 v18, v7;
	v7 =	vld [tilespmem:s15+$0x0]  }
0x186: {  	p0 =	por !p0, !p0;
	s11 =	simm.s32 $0x1;
	[tilespmem:s21+$0x15200] =	vst v10;
	v10 =	vld [tilespmem:s17+$0x5200];
	v17 =	vadd.f32 v17, v6  }
0x187: {  	s11 =	simm.s32 @!p0 $0x0;
	s21 =	sor.u32 $0x20, s19;
	[tilespmem:s6+$0x15200] =	vst v15;
	v15 =	vld [tilespmem:s17+$0x5280];
	v14 =	vadd.f32 v14, v6  }
0x188: {  	s11 =	sshll.u32 s11, $0x6;
	v16 =	vadd.f32 v16, v6;
	s22 =	sor.u32 s21, s22;
	[tilespmem:s26+$0x15200] =	vst v17;
	v17 =	vld [tilespmem:s17+$0x5300]  }
0x189: {  	s12 =	sadd.s32 $0x400, s11;
	v18 =	vadd.f32 v19, v9;
	v9 =	vld [tilespmem:s22+$0x0];
	[tilespmem:s26+$0x15280] =	vst v14;
	v13 =	vadd.f32 v13, v6  }
0x18a: {  	s20 =	sadd.s32 $0x30, s12;
	s6 =	sor.u32 s24, s21;
	v14 =	vld [tilespmem:s17+$0x5380];
	[tilespmem:s26+$0x15300] =	vst v16  }
0x18b: {  	s23 =	sor.u32 $0x200, s20;
	v11 =	vadd.f32 v12, v11;
	v12 =	vld [tilespmem:s6+$0x5200];
	[tilespmem:s26+$0x15380] =	vst v13  }
0x18c: {  	[tilespmem:s0+$0x15200] =	vst v18;
	v10 =	vadd.f32 v10, v7;
	v13 =	vld [tilespmem:s23+$0x5200]  }
0x18d: {  	[tilespmem:s25+$0x15200] =	vst v11;
	v11 =	vadd.f32 v15, v7;
	v15 =	vld [tilespmem:s6+$0x5280]  }
0x18e: {  	v16 =	vld [tilespmem:s6+$0x5300];
	[tilespmem:s17+$0x15200] =	vst v10;
	v10 =	vadd.f32 v17, v7  }
0x18f: {  	s0 =	sor.u32 s19, s24;
	[tilespmem:s17+$0x15280] =	vst v11;
	v11 =	vadd.f32 v14, v7;
	v14 =	vld [tilespmem:s6+$0x5380]  }
0x190: {  	v12 =	vadd.f32 v12, v9;
	[tilespmem:s17+$0x15300] =	vst v10;
	v10 =	vld [tilespmem:s0+$0x5200]  }
0x191: {  	[tilespmem:s17+$0x15380] =	vst v11;
	v11 =	vld [tilespmem:s0+$0x5280];
	v13 =	vadd.f32 v13, v6  }
0x192: {  	v17 =	vld [tilespmem:s0+$0x5300];
	[tilespmem:s6+$0x15200] =	vst v12;
	v12 =	vadd.f32 v15, v9  }
0x193: {  	s15 =	sor.u32 $0x280, s20;
	s24 =	sadd.s32 $0x10, s12;
	v16 =	vadd.f32 v16, v9;
	v15 =	vld [tilespmem:s0+$0x5380];
	[tilespmem:s23+$0x15200] =	vst v13  }
0x194: {  	s16 =	sor.u32 $0x200, s24;
	[tilespmem:s6+$0x15280] =	vst v12;
	v12 =	vadd.f32 v14, v9;
	v13 =	vld [tilespmem:s15+$0x5200]  }
0x195: {  	s21 =	sor.u32 $0x280, s7;
	s22 =	sadd.s32 $0x20, s12;
	[tilespmem:s6+$0x15300] =	vst v16;
	v14 =	vld [tilespmem:s16+$0x5200];
	v10 =	vadd.f32 v10, v5  }
0x196: {  	s26 =	sor.u32 $0x200, s22;
	v16 =	vld [tilespmem:s21+$0x5200];
	v11 =	vadd.f32 v11, v5;
	[tilespmem:s6+$0x15380] =	vst v12  }
0x197: {  	s25 =	sor.u32 $0x300, s3;
	[tilespmem:s0+$0x15200] =	vst v10;
	v10 =	vadd.f32 v17, v5;
	v17 =	vld [tilespmem:s26+$0x5200]  }
0x198: {  	s23 =	sor.u32 $0x300, s1;
	[tilespmem:s0+$0x15280] =	vst v11;
	v11 =	vadd.f32 v15, v5;
	v15 =	vld [tilespmem:s25+$0x5200]  }
0x199: {  	v18 =	vld [tilespmem:s23+$0x5200];
	s6 =	sor.u32 $0x380, s18;
	[tilespmem:s0+$0x15300] =	vst v10;
	v10 =	vadd.f32 v13, v6  }
0x19a: {  	s4 =	sor.u32 $0x300, s7;
	s10 =	sor.u32 $0x200, s12;
	[tilespmem:s0+$0x15380] =	vst v11;
	v11 =	vadd.f32 v14, v7;
	v14 =	vld [tilespmem:s6+$0x5200]  }
0x19b: {  	s29 =	sor.u32 $0x300, s12;
	s11 =	sor.u32 $0x300, s20;
	s19 =	sor.u32 $0x380, s7;
	v16 =	vadd.f32 v16, v2;
	v12 =	vld [tilespmem:s10+$0x5200];
	[tilespmem:s15+$0x15200] =	vst v10  }
0x19c: {  	s7 =	sor.u32 $0x280, s12;
	s30 =	sor.u32 $0x280, s24;
	s28 =	sor.u32 $0x280, s22;
	[tilespmem:s16+$0x15200] =	vst v11;
	v11 =	vadd.f32 v17, v9;
	v10 =	vld [tilespmem:s11+$0x5200]  }
0x19d: {  	s31 =	sor.u32 $0x300, s24;
	s24 =	sor.u32 $0x380, s24;
	s3 =	sor.u32 $0x380, s3;
	[tilespmem:s21+$0x15200] =	vst v16;
	v13 =	vld [tilespmem:s30+$0x5200];
	v17 =	vadd.f32 v15, v3  }
0x19e: {  	s17 =	simm.s32 $0x8;
	s18 =	sor.u32 $0x380, s1;
	s1 =	sor.u32 $0x300, s22;
	v16 =	vadd.f32 v18, v4;
	[tilespmem:s26+$0x15200] =	vst v11;
	v11 =	vld [tilespmem:s4+$0x5200]  }
0x19f: {  	s21 =	sor.u32 $0x380, s22;
	s26 =	sor.u32 $0x380, s12;
	v15 =	vld [tilespmem:s28+$0x5200];
	[tilespmem:s25+$0x15200] =	vst v17;
	s25 =	simm.s32 $0xC0;
	v14 =	vadd.f32 v14, v8  }
.LBB2_5:
0x1a0: {  	s2 =	sand.u32 $0x40, s25;
	s0 =	sand.u32 $0x780, s25;
	v12 =	vadd.f32 v12, v5;
	s8 =	sadd.s32 $0x40, s8;
	v17 =	vld [tilespmem:s3+$0x5200];
	[tilespmem:s23+$0x15200] =	vst v16  }
0x1a1: {  	s5 =	sor.u32 $0x10, s2;
	s0 =	sadd.s32 $0x200, s0;
	s12 =	sor.u32 $0x30, s2;
	v10 =	vadd.f32 v10, v6;
	v16 =	vld [tilespmem:s18+$0x5200];
	[tilespmem:s6+$0x15200] =	vst v14  }
0x1a2: {  	s9 =	sadd.s32 $0x200, s9;
	s6 =	sor.u32 $0x20, s2;
	v8 =	vld [tilespmem:s8+$0x0];
	s13 =	sor.u32 s12, s0;
	[tilespmem:s10+$0x15200] =	vst v12;
	v12 =	vadd.f32 v13, v7  }
0x1a3: {  	s15 =	sor.u32 $0x380, s20;
	s10 =	sand.u32 $0x3C00, s9;
	s14 =	sor.u32 s5, s0;
	v13 =	vld [tilespmem:s13+$0x0];
	[tilespmem:s11+$0x15200] =	vst v10;
	v10 =	vadd.f32 v11, v2  }
0x1a4: {  	s13 =	sor.u32 s10, s5;
	s5 =	sor.u32 s6, s0;
	s0 =	sor.u32 s10, s12;
	[tilespmem:s30+$0x15200] =	vst v12;
	v11 =	vadd.f32 v15, v9;
	v12 =	vld [tilespmem:s15+$0x5200]  }
0x1a5: {  	s17 =	sadd.s32 $0x4, s17;
	s11 =	sor.u32 s2, s10;
	s12 =	sor.u32 s10, s6;
	v14 =	vld [tilespmem:s0+$0x5200];
	[tilespmem:s4+$0x15200] =	vst v10;
	v10 =	vadd.f32 v17, v3;
	v3 =	vmov v7  }
0x1a6: {  	s23 =	smov.u32 s1;
	p1 =	slt.u32 s17, $0x7C;
	s4 =	smov.u32 s29;
	v15 =	vld [tilespmem:s0+$0x5280];
	[tilespmem:s28+$0x15200] =	vst v11;
	v7 =	vadd.f32 v16, v4;
	v4 =	vmov v9  }
0x1a7: {  	s6 =	smov.u32 s19;
	s19 =	smov.u32 s26;
	v9 =	vld [tilespmem:s0+$0x5300];
	[tilespmem:s3+$0x15200] =	vst v10;
	s3 =	smov.u32 s24  }
0x1a8: {  	v10 =	vld [tilespmem:s0+$0x5380];
	[tilespmem:s18+$0x15200] =	vst v7;
	s18 =	smov.u32 s21  }
0x1a9: {  	v7 =	vld [tilespmem:s14+$0x0];
	v11 =	vadd.f32 v12, v6;
	v6 =	vmov v13  }
0x1aa: {  	p0 =	por !p0, !p0;
	s1 =	simm.s32 $0x1;
	v12 =	vld [tilespmem:s13+$0x5200];
	v13 =	vadd.f32 v14, v6  }
0x1ab: {  	s1 =	simm.s32 @!p0 $0x0;
	v14 =	vld [tilespmem:s13+$0x5280];
	v15 =	vadd.f32 v15, v6;
	[tilespmem:s15+$0x15200] =	vst v11  }
0x1ac: {  	s1 =	sshll.u32 s1, $0x6;
	v11 =	vld [tilespmem:s13+$0x5300];
	[tilespmem:s0+$0x15200] =	vst v13;
	v13 =	vadd.f32 v9, v6  }
0x1ad: {  	s2 =	sadd.s32 s1, s9;
	v16 =	vld [tilespmem:s13+$0x5380];
	[tilespmem:s0+$0x15280] =	vst v15;
	v10 =	vadd.f32 v10, v6  }
0x1ae: {  	s20 =	sadd.s32 $0x30, s2;
	s21 =	sadd.s32 $0x10, s2;
	v9 =	vld [tilespmem:s5+$0x0];
	s5 =	sadd.s32 $0x20, s2;
	[tilespmem:s0+$0x15300] =	vst v13  }
0x1af: {  	s22 =	sor.u32 $0x200, s20;
	s16 =	sor.u32 $0x200, s21;
	v12 =	vadd.f32 v12, v7;
	v13 =	vld [tilespmem:s12+$0x5200];
	s14 =	sor.u32 $0x200, s5;
	[tilespmem:s0+$0x15380] =	vst v10  }
0x1b0: {  	s10 =	sor.u32 $0x200, s2;
	s30 =	sor.u32 $0x280, s21;
	s28 =	sor.u32 $0x280, s5;
	v10 =	vadd.f32 v14, v7;
	v14 =	vld [tilespmem:s22+$0x5200]  }
0x1b1: {  	s15 =	sor.u32 $0x300, s21;
	s0 =	sor.u32 $0x280, s2;
	s1 =	sor.u32 $0x300, s5;
	[tilespmem:s13+$0x15200] =	vst v12;
	v11 =	vadd.f32 v11, v7;
	v12 =	vld [tilespmem:s12+$0x5280]  }
0x1b2: {  	s29 =	sor.u32 $0x300, s2;
	s24 =	sor.u32 $0x380, s21;
	s21 =	sor.u32 $0x380, s5;
	[tilespmem:s13+$0x15280] =	vst v10;
	v10 =	vadd.f32 v16, v7;
	v15 =	vld [tilespmem:s12+$0x5300]  }
0x1b3: {  	s26 =	sor.u32 $0x380, s2;
	[tilespmem:s13+$0x15300] =	vst v11;
	v11 =	vld [tilespmem:s12+$0x5380]  }
0x1b4: {  	v16 =	vld [tilespmem:s11+$0x5200];
	[tilespmem:s13+$0x15380] =	vst v10;
	v10 =	vadd.f32 v13, v9  }
0x1b5: {  	v13 =	vld [tilespmem:s11+$0x5280];
	v14 =	vadd.f32 v14, v6  }
0x1b6: {  	v17 =	vld [tilespmem:s11+$0x5300];
	[tilespmem:s12+$0x15200] =	vst v10;
	v10 =	vadd.f32 v12, v9  }
0x1b7: {  	s2 =	sor.u32 $0x280, s20;
	v12 =	vld [tilespmem:s11+$0x5380];
	v15 =	vadd.f32 v15, v9;
	[tilespmem:s22+$0x15200] =	vst v14  }
0x1b8: {  	[tilespmem:s12+$0x15280] =	vst v10;
	v10 =	vadd.f32 v11, v9;
	v11 =	vld [tilespmem:s2+$0x5200]  }
0x1b9: {  	v14 =	vadd.f32 v16, v8;
	v16 =	vld [tilespmem:s16+$0x5200];
	[tilespmem:s12+$0x15300] =	vst v15  }
0x1ba: {  	v13 =	vadd.f32 v13, v8;
	[tilespmem:s12+$0x15380] =	vst v10;
	v10 =	vld [tilespmem:s7+$0x5200]  }
0x1bb: {  	[tilespmem:s11+$0x15200] =	vst v14;
	v14 =	vadd.f32 v17, v8;
	v15 =	vld [tilespmem:s14+$0x5200]  }
0x1bc: {  	[tilespmem:s11+$0x15280] =	vst v13;
	v12 =	vadd.f32 v12, v8;
	v17 =	vld [tilespmem:s31+$0x5200]  }
0x1bd: {  	[tilespmem:s11+$0x15300] =	vst v14;
	v11 =	vadd.f32 v11, v6;
	v14 =	vld [tilespmem:s23+$0x5200]  }
0x1be: {  	[tilespmem:s11+$0x15380] =	vst v12;
	v13 =	vadd.f32 v16, v7;
	v18 =	vld [tilespmem:s6+$0x5200]  }
.Ltmp1:
0x1bf: {  	s11 =	sor.u32 $0x300, s20;
	v12 =	vld [tilespmem:s10+$0x5200];
	[tilespmem:s2+$0x15200] =	vst v11;
	v11 =	vadd.f32 v10, v5;
	(pc) =	sbr.rel @p1 .LBB2_5-.Ltmp1, $4  }
0x1c0: {  	[tilespmem:s16+$0x15200] =	vst v13;
	v15 =	vadd.f32 v15, v9;
	v10 =	vld [tilespmem:s11+$0x5200]  }
0x1c1: {  	v13 =	vld [tilespmem:s30+$0x5200];
	[tilespmem:s7+$0x15200] =	vst v11;
	v17 =	vadd.f32 v17, v3;
	s7 =	smov.u32 s0  }
0x1c2: {  	[tilespmem:s14+$0x15200] =	vst v15;
	v11 =	vld [tilespmem:s4+$0x5200];
	v16 =	vadd.f32 v14, v4  }
0x1c3: {  	s25 =	sadd.s32 $0x40, s25;
	v15 =	vld [tilespmem:s28+$0x5200];
	[tilespmem:s31+$0x15200] =	vst v17;
	v14 =	vadd.f32 v18, v2;
	v2 =	vmov v5;
	v5 =	vmov v8;
	s31 =	smov.u32 s15  }
0x1c4: {  	v8 =	vadd.f32 v12, v5;
	_ =	sdelay $0x1  }
0x1c5: {  	[tilespmem:s10+$0x15200] =	vst v8  }
0x1c6: {  	v8 =	vld [tilespmem:s7+$0x5200];
	_ =	sdelay $0x2  }
0x1c7: {  	v12 =	vadd.f32 v13, v7  }
0x1c8: {  	v13 =	vadd.f32 v15, v9  }
0x1c9: {  	[tilespmem:s30+$0x15200] =	vst v12;
	v8 =	vadd.f32 v8, v5  }
0x1ca: {  	v12 =	vld [tilespmem:s31+$0x5200];
	[tilespmem:s28+$0x15200] =	vst v13  }
0x1cb: {  	v13 =	vld [tilespmem:s1+$0x5200];
	[tilespmem:s7+$0x15200] =	vst v8  }
0x1cc: {  	v10 =	vadd.f32 v10, v6;
	v8 =	vld [tilespmem:s29+$0x5200]  }
0x1cd: {  	[tilespmem:s23+$0x15200] =	vst v16;
	v11 =	vadd.f32 v11, v2;
	v15 =	vld [tilespmem:s3+$0x5200]  }
0x1ce: {  	s0 =	sor.u32 $0x380, s20;
	v16 =	vld [tilespmem:s18+$0x5200];
	[tilespmem:s11+$0x15200] =	vst v10  }
0x1cf: {  	[tilespmem:s4+$0x15200] =	vst v11;
	v10 =	vadd.f32 v12, v7;
	v12 =	vld [tilespmem:s0+$0x5200]  }
0x1d0: {  	[tilespmem:s6+$0x15200] =	vst v14;
	v11 =	vadd.f32 v13, v9;
	v13 =	vld [tilespmem:s19+$0x5200]  }
0x1d1: {  	[tilespmem:s31+$0x15200] =	vst v10;
	v8 =	vadd.f32 v8, v5  }
0x1d2: {  	v3 =	vadd.f32 v15, v3;
	v10 =	vld [tilespmem:s24+$0x5200];
	[tilespmem:s1+$0x15200] =	vst v11  }
0x1d3: {  	v4 =	vadd.f32 v16, v4;
	v11 =	vld [tilespmem:s21+$0x5200];
	[tilespmem:s29+$0x15200] =	vst v8  }
0x1d4: {  	[tilespmem:s3+$0x15200] =	vst v3;
	v3 =	vadd.f32 v12, v6;
	v8 =	vld [tilespmem:s26+$0x5200]  }
0x1d5: {  	[tilespmem:s18+$0x15200] =	vst v4;
	v2 =	vadd.f32 v13, v2  }
0x1d6: {  	[tilespmem:s0+$0x15200] =	vst v3  }
0x1d7: {  	v3 =	vadd.f32 v10, v7;
	s0 =	rddreg [dreg:$0x13];
	[tilespmem:s19+$0x15200] =	vst v2  }
0x1d8: {  	s0 =	sshll.u32 s0, $0x6;
	v2 =	vadd.f32 v11, v9;
	s1 =	rddreg [dreg:$0x5]  }
0x1d9: {  	[tilespmem:s24+$0x15200] =	vst v3;
	s0 =	sadd.s32 s0, s1;
	v3 =	vadd.f32 v8, v5  }
0x1da: {  	s10 =	rddreg [dreg:$0x3];
	s0 =	sshll.u32 s0, $0x8;
	[tilespmem:s21+$0x15200] =	vst v2  }
0x1db: {  	s0 =	sadd.s32 s10, s0;
	[tilespmem:s26+$0x15200] =	vst v3  }
0x1dc: {  	s2 =	simm.s32 $0x15200;
	[dreg:$0x18] =	wrdreg s0  }
0x1dd: {  	s11 =	simm.s32 $0x0;
	s0 =	sadd.s32 $0x800, s0;
	s12 =	rddreg [dreg:$0x16]  }
0x1de: {  	[hbm4b:s0+s11] =	stream.linear.scatter [tilespmem:s2], [sflag:$0x8], $0x4000, $0x38;
	[tilespmem:$0x19200] =	vst v63  }
0x1df: {  	v2 =	vld.msk [tilespmem:s12+$0x28], $0xff;
	_ =	sdelay $0x4  }
0x1e0: {  	v3 =	vshll.u32 v2, $0x4  }
0x1e1: {  	v2 =	vand.u32 $0x7, v2;
	v3 =	vand.u32 $0xFFFFFF80, v3  }
0x1e2: {  	v2 =	vor.u32 v2, v3  }
0x1e3: {  	v2 =	vperm.xlane v2, v0;
	_ =	sdelay $0x1  }
0x1e4: {  	v2 =	vadd.s32 v1, v2;
	_ =	sdelay $0x3  }
0x1e5: {  	s13 =	rddreg [dreg:$0x1];
	s14 =	simm.s32 $0x5200  }
0x1e6: {  	[tilespmem:s14], [sflag:$0x4] =	stream.indirect_vreg.gather [hbm4b:s13+s11], $0x80, v2, vm0, $0xb8;
	[tilespmem:$0x19200] =	vst v63  }
0x1e7: {  	s16 =	simm.s32 $0x5A00;
	s15 =	rddreg [dreg:$0x9]  }
0x1e8: {  	[tilespmem:s16], [sflag:$0x4] =	stream.indirect_vreg.gather [hbm4b:s15+s11], $0x80, v2, vm0, $0xb8;
	[tilespmem:$0x19200] =	vst v63  }
0x1e9: {  	s18 =	simm.s32 $0x6200;
	s17 =	rddreg [dreg:$0xa]  }
0x1ea: {  	[tilespmem:s18], [sflag:$0x4] =	stream.indirect_vreg.gather [hbm4b:s17+s11], $0x80, v2, vm0, $0xb8;
	[tilespmem:$0x19200] =	vst v63  }
0x1eb: {  	s20 =	simm.s32 $0x6A00;
	s19 =	rddreg [dreg:$0xb]  }
0x1ec: {  	[tilespmem:s20], [sflag:$0x4] =	stream.indirect_vreg.gather [hbm4b:s19+s11], $0x80, v2, vm0, $0xb8;
	[tilespmem:$0x19200] =	vst v63  }
0x1ed: {  	s22 =	simm.s32 $0x7200;
	s21 =	rddreg [dreg:$0xc]  }
0x1ee: {  	[tilespmem:s22], [sflag:$0x4] =	stream.indirect_vreg.gather [hbm4b:s21+s11], $0x80, v2, vm0, $0xb8;
	[tilespmem:$0x19200] =	vst v63  }
0x1ef: {  	s24 =	simm.s32 $0x7A00;
	s23 =	rddreg [dreg:$0xd]  }
0x1f0: {  	[tilespmem:s24], [sflag:$0x4] =	stream.indirect_vreg.gather [hbm4b:s23+s11], $0x80, v2, vm0, $0xb8;
	[tilespmem:$0x19200] =	vst v63  }
0x1f1: {  	s26 =	simm.s32 $0x8200;
	s25 =	rddreg [dreg:$0xe]  }
0x1f2: {  	[tilespmem:s26], [sflag:$0x4] =	stream.indirect_vreg.gather [hbm4b:s25+s11], $0x80, v2, vm0, $0xb8;
	[tilespmem:$0x19200] =	vst v63  }
0x1f3: {  	s5 =	simm.s32 $0x5;
	s4 =	simm.s32 $0x8A00;
	s3 =	rddreg [dreg:$0xf]  }
0x1f4: {  	[tilespmem:s4], [sflag:$0x4] =	stream.indirect_vreg.gather [hbm4b:s3+s11], $0x80, v2, vm0, $0xb8;
	[tilespmem:$0x19200] =	vst v63  }
0x1f5: {  	_ =	swait.ge [sflag:s5], $0x4000  }
0x1f6: {  	[sflag:s5] =	ssyncset.done $0x0  }
0x1f7: {  	s6 =	simm.s32 $0x7;
	[sflag:s5] =	ssyncadd.s32 $0xFFFFC000  }
0x1f8: {  	s8 =	sand.u32 $0x780, s11;
	s7 =	sand.u32 $0x40, s11;
	_ =	swait.ge [sflag:s6], $0x4000  }
0x1f9: {  	s9 =	sor.u32 $0x30, s7;
	s2 =	sadd.s32 $0x200, s8;
	[sflag:s6] =	ssyncset.done $0x0  }
0x1fa: {  	s1 =	sand.u32 $0x3C00, s11;
	s10 =	sor.u32 s9, s2;
	[sflag:s6] =	ssyncadd.s32 $0xFFFFC000  }
0x1fb: {  	s3 =	sor.u32 s1, s9;
	v10 =	vld [tilespmem:s10+$0x0]  }
0x1fc: {  	v2 =	vld [tilespmem:s3+$0x9200]  }
0x1fd: {  	v3 =	vld [tilespmem:s3+$0x9280]  }
0x1fe: {  	s11 =	sor.u32 $0x10, s7;
	v4 =	vld [tilespmem:s3+$0x9300]  }
0x1ff: {  	s5 =	sor.u32 s11, s2;
	v5 =	vld [tilespmem:s3+$0x9380]  }
0x200: {  	s4 =	sor.u32 s1, s11;
	v7 =	vld [tilespmem:s5+$0x0]  }
0x201: {  	s12 =	sor.u32 $0x20, s7;
	s24 =	simm.s32 $0x40;
	v6 =	vld [tilespmem:s4+$0x9200]  }
0x202: {  	p0 =	por $0x0, $0x0;
	s13 =	sor.u32 s1, s12;
	s25 =	sand.u32 $0x40, s24;
	v8 =	vld [tilespmem:s4+$0x9280]  }
0x203: {  	s2 =	sor.u32 s12, s2;
	s12 =	simm.s32 $0x200;
	s5 =	simm.s32 $0x1;
	v11 =	vld [tilespmem:s4+$0x9300];
	v2 =	vadd.f32 v2, v10  }
0x204: {  	s8 =	sor.u32 $0x30, s25;
	s12 =	sand.u32 $0x3C00, s12;
	v9 =	vld [tilespmem:s2+$0x0];
	s5 =	simm.s32 @!p0 $0x0;
	v3 =	vadd.f32 v3, v10  }
0x205: {  	s11 =	sor.u32 s12, s8;
	v12 =	vld [tilespmem:s13+$0x9280];
	s5 =	sshll.u32 s5, $0x6;
	[tilespmem:s3+$0x11200] =	vst v2;
	v2 =	vadd.f32 v4, v10  }
0x206: {  	v13 =	vld [tilespmem:s11+$0x9200];
	s19 =	sadd.s32 $0x0, s5;
	[tilespmem:s3+$0x11280] =	vst v3;
	v3 =	vadd.f32 v5, v10  }
0x207: {  	s6 =	sadd.s32 $0x30, s19;
	v4 =	vld [tilespmem:s4+$0x9380];
	[tilespmem:s3+$0x11300] =	vst v2  }
0x208: {  	s14 =	sor.u32 $0x200, s6;
	v2 =	vld [tilespmem:s13+$0x9200];
	[tilespmem:s3+$0x11380] =	vst v3  }
0x209: {  	s15 =	simm.s32 $0x200;
	v3 =	vadd.f32 v6, v7;
	v5 =	vld [tilespmem:s14+$0x9200]  }
0x20a: {  	v6 =	vadd.f32 v8, v7;
	v8 =	vld [tilespmem:s15+$0x0]  }
0x20b: {  	[tilespmem:s4+$0x11200] =	vst v3;
	v3 =	vadd.f32 v11, v7;
	v11 =	vld [tilespmem:s13+$0x9300]  }
0x20c: {  	s0 =	sor.u32 s7, s1;
	[tilespmem:s4+$0x11280] =	vst v6;
	v6 =	vld [tilespmem:s13+$0x9380];
	v4 =	vadd.f32 v4, v7  }
0x20d: {  	[tilespmem:s4+$0x11300] =	vst v3;
	v3 =	vld [tilespmem:s0+$0x9200];
	v2 =	vadd.f32 v2, v9  }
0x20e: {  	[tilespmem:s4+$0x11380] =	vst v4;
	v4 =	vadd.f32 v5, v10;
	v5 =	vld [tilespmem:s0+$0x9280]  }
0x20f: {  	[tilespmem:s13+$0x11200] =	vst v2;
	v2 =	vadd.f32 v12, v9;
	v12 =	vld [tilespmem:s0+$0x9300]  }
0x210: {  	s7 =	sadd.s32 $0x10, s19;
	s16 =	sor.u32 $0x280, s6;
	v11 =	vadd.f32 v11, v9;
	[tilespmem:s14+$0x11200] =	vst v4;
	v4 =	vld [tilespmem:s0+$0x9380]  }
0x211: {  	s17 =	sor.u32 $0x200, s7;
	[tilespmem:s13+$0x11280] =	vst v2;
	v2 =	vadd.f32 v6, v9;
	v6 =	vld [tilespmem:s16+$0x9200]  }
0x212: {  	s9 =	sadd.s32 $0x20, s19;
	[tilespmem:s13+$0x11300] =	vst v11;
	v3 =	vadd.f32 v3, v8;
	v11 =	vld [tilespmem:s17+$0x9200]  }
0x213: {  	v14 =	vld [tilespmem:s11+$0x9280];
	s18 =	sor.u32 $0x200, s9;
	[tilespmem:s13+$0x11380] =	vst v2;
	v2 =	vadd.f32 v5, v8  }
0x214: {  	s2 =	sand.u32 $0x780, s24;
	[tilespmem:s0+$0x11200] =	vst v3;
	v5 =	vld [tilespmem:s18+$0x9200];
	v3 =	vadd.f32 v12, v8  }
0x215: {  	v15 =	vld [tilespmem:s11+$0x9300];
	s2 =	sadd.s32 $0x200, s2;
	[tilespmem:s0+$0x11280] =	vst v2;
	v2 =	vadd.f32 v4, v8  }
0x216: {  	v16 =	vld [tilespmem:s11+$0x9380];
	s13 =	sor.u32 s8, s2;
	[tilespmem:s0+$0x11300] =	vst v3;
	v3 =	vadd.f32 v6, v10  }
0x217: {  	s20 =	sor.u32 $0x200, s19;
	[tilespmem:s0+$0x11380] =	vst v2;
	v2 =	vadd.f32 v11, v7;
	v11 =	vld [tilespmem:s13+$0x0]  }
0x218: {  	s21 =	sor.u32 $0x300, s6;
	s14 =	sor.u32 $0x10, s25;
	v4 =	vld [tilespmem:s20+$0x9200];
	[tilespmem:s16+$0x11200] =	vst v3  }
0x219: {  	s13 =	sor.u32 s14, s2;
	s14 =	sor.u32 s12, s14;
	v3 =	vadd.f32 v5, v9;
	v5 =	vld [tilespmem:s21+$0x9200]  }
0x21a: {  	v17 =	vld [tilespmem:s14+$0x9200]  }
0x21b: {  	s26 =	simm.s32 $0x240;
	v18 =	vld [tilespmem:s14+$0x9380]  }
0x21c: {  	s22 =	sor.u32 $0x280, s7;
	[tilespmem:s17+$0x11200] =	vst v2;
	v2 =	vld [tilespmem:s26+$0x0];
	v15 =	vadd.f32 v15, v11  }
0x21d: {  	s23 =	sor.u32 $0x280, s9;
	v6 =	vld [tilespmem:s22+$0x9200];
	[tilespmem:s18+$0x11200] =	vst v3;
	v4 =	vadd.f32 v4, v8  }
0x21e: {  	p0 =	por !p0, !p0;
	s4 =	simm.s32 $0x1;
	v12 =	vld [tilespmem:s23+$0x9200];
	v5 =	vadd.f32 v5, v10;
	[tilespmem:s11+$0x11300] =	vst v15  }
0x21f: {  	s4 =	simm.s32 @!p0 $0x0;
	v3 =	vld [tilespmem:s13+$0x0];
	[tilespmem:s20+$0x11200] =	vst v4;
	v4 =	vadd.f32 v13, v11;
	v13 =	vadd.f32 v14, v11  }
0x220: {  	s15 =	sor.u32 $0x20, s25;
	s4 =	sshll.u32 s4, $0x6;
	[tilespmem:s21+$0x11200] =	vst v5;
	v5 =	vld [tilespmem:s14+$0x9280]  }
0x221: {  	s4 =	sadd.s32 $0x200, s4;
	s0 =	sor.u32 s12, s15;
	v14 =	vld [tilespmem:s14+$0x9300];
	[tilespmem:s11+$0x11280] =	vst v13;
	v13 =	vadd.f32 v16, v11  }
0x222: {  	s10 =	sadd.s32 $0x30, s4;
	s2 =	sor.u32 s15, s2;
	v15 =	vld [tilespmem:s0+$0x9200];
	v6 =	vadd.f32 v6, v7;
	[tilespmem:s11+$0x11200] =	vst v4  }
0x223: {  	s16 =	sor.u32 $0x200, s10;
	v4 =	vld [tilespmem:s2+$0x0];
	v12 =	vadd.f32 v12, v9;
	[tilespmem:s11+$0x11380] =	vst v13  }
0x224: {  	[tilespmem:s22+$0x11200] =	vst v6;
	v6 =	vadd.f32 v17, v3;
	v13 =	vld [tilespmem:s16+$0x9200]  }
0x225: {  	[tilespmem:s23+$0x11200] =	vst v12;
	v12 =	vld [tilespmem:s0+$0x9280];
	v5 =	vadd.f32 v5, v3  }
0x226: {  	[tilespmem:s14+$0x11200] =	vst v6;
	v6 =	vadd.f32 v14, v3;
	v14 =	vld [tilespmem:s0+$0x9300]  }
0x227: {  	s17 =	sor.u32 s25, s12;
	v16 =	vld [tilespmem:s0+$0x9380];
	[tilespmem:s14+$0x11280] =	vst v5;
	v5 =	vadd.f32 v18, v3  }
0x228: {  	[tilespmem:s14+$0x11300] =	vst v6;
	v6 =	vld [tilespmem:s17+$0x9200];
	v15 =	vadd.f32 v15, v4  }
0x229: {  	[tilespmem:s14+$0x11380] =	vst v5;
	v5 =	vld [tilespmem:s17+$0x9280];
	v13 =	vadd.f32 v13, v11  }
0x22a: {  	v17 =	vld [tilespmem:s17+$0x9300];
	[tilespmem:s0+$0x11200] =	vst v15;
	v12 =	vadd.f32 v12, v4  }
0x22b: {  	s3 =	sadd.s32 $0x10, s4;
	s18 =	sor.u32 $0x280, s10;
	v15 =	vld [tilespmem:s17+$0x9380];
	v14 =	vadd.f32 v14, v4;
	[tilespmem:s16+$0x11200] =	vst v13  }
0x22c: {  	s20 =	sor.u32 $0x200, s3;
	[tilespmem:s0+$0x11280] =	vst v12;
	v12 =	vadd.f32 v16, v4;
	v13 =	vld [tilespmem:s18+$0x9200]  }
0x22d: {  	s1 =	sadd.s32 $0x20, s4;
	s21 =	sor.u32 $0x280, s19;
	v16 =	vld [tilespmem:s20+$0x9200];
	v6 =	vadd.f32 v6, v2;
	[tilespmem:s0+$0x11300] =	vst v14  }
0x22e: {  	s22 =	sor.u32 $0x200, s1;
	[tilespmem:s0+$0x11380] =	vst v12;
	v12 =	vld [tilespmem:s21+$0x9200];
	v5 =	vadd.f32 v5, v2  }
0x22f: {  	s6 =	sor.u32 $0x380, s6;
	[tilespmem:s17+$0x11200] =	vst v6;
	v6 =	vadd.f32 v17, v2;
	v14 =	vld [tilespmem:s22+$0x9200]  }
0x230: {  	s23 =	sor.u32 $0x300, s7;
	v17 =	vld [tilespmem:s6+$0x9200];
	[tilespmem:s17+$0x11280] =	vst v5;
	v5 =	vadd.f32 v15, v2  }
0x231: {  	s24 =	sor.u32 $0x300, s9;
	[tilespmem:s17+$0x11300] =	vst v6;
	v15 =	vld [tilespmem:s23+$0x9200];
	v6 =	vadd.f32 v13, v11  }
0x232: {  	s15 =	sor.u32 $0x200, s4;
	v13 =	vld [tilespmem:s24+$0x9200];
	[tilespmem:s17+$0x11380] =	vst v5;
	v5 =	vadd.f32 v16, v3  }
0x233: {  	s25 =	sor.u32 $0x300, s10;
	v16 =	vld [tilespmem:s15+$0x9200];
	[tilespmem:s18+$0x11200] =	vst v6;
	v6 =	vadd.f32 v12, v8  }
0x234: {  	s16 =	sor.u32 $0x280, s3;
	s18 =	simm.s32 $0x80;
	[tilespmem:s20+$0x11200] =	vst v5;
	v5 =	vadd.f32 v14, v4;
	v12 =	vld [tilespmem:s25+$0x9200]  }
0x235: {  	s26 =	sor.u32 $0x300, s19;
	s0 =	sand.u32 $0x40, s18;
	s13 =	sand.u32 $0x780, s18;
	v14 =	vld [tilespmem:s16+$0x9200];
	[tilespmem:s21+$0x11200] =	vst v6  }
0x236: {  	s8 =	sor.u32 $0x280, s1;
	v6 =	vadd.f32 v15, v7;
	s13 =	sadd.s32 $0x200, s13;
	s20 =	sor.u32 $0x30, s0;
	[tilespmem:s22+$0x11200] =	vst v5;
	v15 =	vld [tilespmem:s26+$0x9200]  }
0x237: {  	v5 =	vadd.f32 v13, v9;
	s17 =	sor.u32 s20, s13;
	v13 =	vld [tilespmem:s8+$0x9200]  }
0x238: {  	s7 =	sor.u32 $0x380, s7;
	s18 =	simm.s32 $0x400;
	[tilespmem:s23+$0x11200] =	vst v6;
	v6 =	vld [tilespmem:s17+$0x0]  }
0x239: {  	s5 =	sor.u32 $0x380, s9;
	s9 =	simm.s32 $0x280;
	s21 =	sand.u32 $0x3C00, s18;
	v18 =	vld [tilespmem:s7+$0x9200]  }
0x23a: {  	v10 =	vadd.f32 v17, v10;
	s23 =	sor.u32 s21, s20;
	[tilespmem:s24+$0x11200] =	vst v5;
	v5 =	vld [tilespmem:s9+$0x0]  }
0x23b: {  	v16 =	vadd.f32 v16, v2;
	v17 =	vld [tilespmem:s23+$0x9200]  }
0x23c: {  	[tilespmem:s6+$0x11200] =	vst v10;
	v12 =	vadd.f32 v12, v11;
	v19 =	vld [tilespmem:s5+$0x9200]  }
0x23d: {  	v10 =	vadd.f32 v14, v3;
	v14 =	vld [tilespmem:s23+$0x9280];
	[tilespmem:s15+$0x11200] =	vst v16  }
0x23e: {  	s22 =	sor.u32 $0x380, s10;
	v16 =	vld [tilespmem:s23+$0x9300];
	[tilespmem:s25+$0x11200] =	vst v12  }
0x23f: {  	s24 =	sor.u32 $0x10, s0;
	v15 =	vadd.f32 v15, v8;
	v12 =	vld [tilespmem:s22+$0x9200]  }
0x240: {  	s25 =	sor.u32 s24, s13;
	[tilespmem:s16+$0x11200] =	vst v10;
	v10 =	vadd.f32 v13, v4;
	v13 =	vld [tilespmem:s23+$0x9380]  }
0x241: {  	s6 =	sor.u32 s21, s24;
	[tilespmem:s26+$0x11200] =	vst v15;
	v15 =	vadd.f32 v18, v7;
	v7 =	vld [tilespmem:s25+$0x0]  }
0x242: {  	p0 =	por !p0, !p0;
	s11 =	simm.s32 $0x1;
	v17 =	vadd.f32 v17, v6;
	[tilespmem:s8+$0x11200] =	vst v10;
	v10 =	vld [tilespmem:s6+$0x9200]  }
0x243: {  	s11 =	simm.s32 @!p0 $0x0;
	s26 =	sor.u32 $0x20, s0;
	[tilespmem:s7+$0x11200] =	vst v15;
	v15 =	vld [tilespmem:s6+$0x9280];
	v14 =	vadd.f32 v14, v6  }
0x244: {  	s11 =	sshll.u32 s11, $0x6;
	s8 =	sor.u32 s26, s13;
	[tilespmem:s23+$0x11200] =	vst v17;
	v17 =	vld [tilespmem:s6+$0x9300];
	v16 =	vadd.f32 v16, v6  }
0x245: {  	s13 =	sadd.s32 $0x400, s11;
	v18 =	vadd.f32 v19, v9;
	v9 =	vld [tilespmem:s8+$0x0];
	[tilespmem:s23+$0x11280] =	vst v14;
	v13 =	vadd.f32 v13, v6  }
0x246: {  	s7 =	sor.u32 s21, s26;
	s31 =	sadd.s32 $0x30, s13;
	v14 =	vld [tilespmem:s6+$0x9380];
	[tilespmem:s23+$0x11300] =	vst v16  }
0x247: {  	s14 =	sor.u32 $0x200, s31;
	v11 =	vadd.f32 v12, v11;
	v12 =	vld [tilespmem:s7+$0x9200];
	[tilespmem:s23+$0x11380] =	vst v13  }
0x248: {  	[tilespmem:s5+$0x11200] =	vst v18;
	v10 =	vadd.f32 v10, v7;
	v13 =	vld [tilespmem:s14+$0x9200]  }
0x249: {  	[tilespmem:s22+$0x11200] =	vst v11;
	v11 =	vadd.f32 v15, v7;
	v15 =	vld [tilespmem:s7+$0x9280]  }
0x24a: {  	v16 =	vld [tilespmem:s7+$0x9300];
	[tilespmem:s6+$0x11200] =	vst v10;
	v10 =	vadd.f32 v17, v7  }
0x24b: {  	s0 =	sor.u32 s0, s21;
	[tilespmem:s6+$0x11280] =	vst v11;
	v11 =	vadd.f32 v14, v7;
	v14 =	vld [tilespmem:s7+$0x9380]  }
0x24c: {  	v12 =	vadd.f32 v12, v9;
	[tilespmem:s6+$0x11300] =	vst v10;
	v10 =	vld [tilespmem:s0+$0x9200]  }
0x24d: {  	[tilespmem:s6+$0x11380] =	vst v11;
	v11 =	vld [tilespmem:s0+$0x9280];
	v13 =	vadd.f32 v13, v6  }
0x24e: {  	v17 =	vld [tilespmem:s0+$0x9300];
	[tilespmem:s7+$0x11200] =	vst v12;
	v12 =	vadd.f32 v15, v9  }
0x24f: {  	s15 =	sadd.s32 $0x10, s13;
	s23 =	sor.u32 $0x280, s31;
	v16 =	vadd.f32 v16, v9;
	v15 =	vld [tilespmem:s0+$0x9380];
	[tilespmem:s14+$0x11200] =	vst v13  }
0x250: {  	s24 =	sor.u32 $0x200, s15;
	[tilespmem:s7+$0x11280] =	vst v12;
	v12 =	vadd.f32 v14, v9;
	v13 =	vld [tilespmem:s23+$0x9200]  }
0x251: {  	s26 =	sor.u32 $0x280, s4;
	s8 =	sadd.s32 $0x20, s13;
	[tilespmem:s7+$0x11300] =	vst v16;
	v14 =	vld [tilespmem:s24+$0x9200];
	v10 =	vadd.f32 v10, v5  }
0x252: {  	s21 =	sor.u32 $0x200, s8;
	v16 =	vld [tilespmem:s26+$0x9200];
	v11 =	vadd.f32 v11, v5;
	[tilespmem:s7+$0x11380] =	vst v12  }
0x253: {  	s22 =	sor.u32 $0x300, s3;
	[tilespmem:s0+$0x11200] =	vst v10;
	v10 =	vadd.f32 v17, v5;
	v17 =	vld [tilespmem:s21+$0x9200]  }
0x254: {  	s25 =	sor.u32 $0x300, s1;
	[tilespmem:s0+$0x11280] =	vst v11;
	v11 =	vadd.f32 v15, v5;
	v15 =	vld [tilespmem:s22+$0x9200]  }
0x255: {  	v18 =	vld [tilespmem:s25+$0x9200];
	s7 =	sor.u32 $0x380, s19;
	[tilespmem:s0+$0x11300] =	vst v10;
	v10 =	vadd.f32 v13, v6  }
0x256: {  	s20 =	sor.u32 $0x300, s4;
	s11 =	sor.u32 $0x200, s13;
	[tilespmem:s0+$0x11380] =	vst v11;
	v11 =	vadd.f32 v14, v7;
	v14 =	vld [tilespmem:s7+$0x9200]  }
0x257: {  	s4 =	sor.u32 $0x380, s4;
	s17 =	sor.u32 $0x280, s13;
	s12 =	sor.u32 $0x300, s31;
	v16 =	vadd.f32 v16, v2;
	v12 =	vld [tilespmem:s11+$0x9200];
	[tilespmem:s23+$0x11200] =	vst v10  }
0x258: {  	s28 =	sor.u32 $0x300, s13;
	s29 =	sor.u32 $0x380, s13;
	s10 =	sor.u32 $0x280, s15;
	[tilespmem:s24+$0x11200] =	vst v11;
	v11 =	vadd.f32 v17, v9;
	v10 =	vld [tilespmem:s12+$0x9200]  }
0x259: {  	s30 =	sor.u32 $0x280, s8;
	s3 =	sor.u32 $0x380, s3;
	s6 =	sor.u32 $0x300, s15;
	[tilespmem:s26+$0x11200] =	vst v16;
	v13 =	vld [tilespmem:s10+$0x9200];
	v17 =	vadd.f32 v15, v3  }
0x25a: {  	s19 =	sor.u32 $0x380, s1;
	s1 =	sor.u32 $0x300, s8;
	s26 =	sor.u32 $0x380, s15;
	v16 =	vadd.f32 v18, v4;
	[tilespmem:s21+$0x11200] =	vst v11;
	v11 =	vld [tilespmem:s20+$0x9200]  }
0x25b: {  	s23 =	simm.s32 $0x8;
	s24 =	sor.u32 $0x380, s8;
	s21 =	simm.s32 $0xC0;
	v15 =	vld [tilespmem:s30+$0x9200];
	[tilespmem:s22+$0x11200] =	vst v17;
	v14 =	vadd.f32 v14, v8  }
.LBB2_7:
0x25c: {  	s0 =	sand.u32 $0x40, s21;
	s2 =	sand.u32 $0x780, s21;
	v12 =	vadd.f32 v12, v5;
	s9 =	sadd.s32 $0x40, s9;
	v17 =	vld [tilespmem:s3+$0x9200];
	[tilespmem:s25+$0x11200] =	vst v16  }
0x25d: {  	s5 =	sor.u32 $0x10, s0;
	s2 =	sadd.s32 $0x200, s2;
	s13 =	sor.u32 $0x30, s0;
	v10 =	vadd.f32 v10, v6;
	v16 =	vld [tilespmem:s19+$0x9200];
	[tilespmem:s7+$0x11200] =	vst v14  }
0x25e: {  	s18 =	sadd.s32 $0x200, s18;
	s7 =	sor.u32 $0x20, s0;
	v8 =	vld [tilespmem:s9+$0x0];
	s14 =	sor.u32 s13, s2;
	[tilespmem:s11+$0x11200] =	vst v12;
	v12 =	vadd.f32 v13, v7  }
0x25f: {  	s16 =	sor.u32 $0x380, s31;
	s11 =	sand.u32 $0x3C00, s18;
	s15 =	sor.u32 s5, s2;
	v13 =	vld [tilespmem:s14+$0x0];
	[tilespmem:s12+$0x11200] =	vst v10;
	v10 =	vadd.f32 v11, v2  }
0x260: {  	s2 =	sor.u32 s7, s2;
	s14 =	sor.u32 s11, s5;
	s5 =	sor.u32 s11, s13;
	[tilespmem:s10+$0x11200] =	vst v12;
	v11 =	vadd.f32 v15, v9;
	v12 =	vld [tilespmem:s16+$0x9200]  }
0x261: {  	s23 =	sadd.s32 $0x4, s23;
	s12 =	sor.u32 s0, s11;
	s13 =	sor.u32 s11, s7;
	v14 =	vld [tilespmem:s5+$0x9200];
	[tilespmem:s20+$0x11200] =	vst v10;
	v10 =	vadd.f32 v17, v3;
	v3 =	vmov v7  }
0x262: {  	s25 =	smov.u32 s1;
	p1 =	slt.u32 s23, $0x7C;
	s20 =	smov.u32 s28;
	v15 =	vld [tilespmem:s5+$0x9280];
	[tilespmem:s30+$0x11200] =	vst v11;
	v7 =	vadd.f32 v16, v4;
	v4 =	vmov v9  }
0x263: {  	s7 =	smov.u32 s4;
	s4 =	smov.u32 s29;
	v9 =	vld [tilespmem:s5+$0x9300];
	[tilespmem:s3+$0x11200] =	vst v10;
	s3 =	smov.u32 s26  }
0x264: {  	v10 =	vld [tilespmem:s5+$0x9380];
	[tilespmem:s19+$0x11200] =	vst v7;
	s19 =	smov.u32 s24  }
0x265: {  	v7 =	vld [tilespmem:s15+$0x0];
	v11 =	vadd.f32 v12, v6;
	v6 =	vmov v13  }
0x266: {  	p0 =	por !p0, !p0;
	s0 =	simm.s32 $0x1;
	v12 =	vld [tilespmem:s14+$0x9200];
	v13 =	vadd.f32 v14, v6  }
0x267: {  	s0 =	simm.s32 @!p0 $0x0;
	v14 =	vld [tilespmem:s14+$0x9280];
	v15 =	vadd.f32 v15, v6;
	[tilespmem:s16+$0x11200] =	vst v11  }
0x268: {  	s0 =	sshll.u32 s0, $0x6;
	v11 =	vld [tilespmem:s14+$0x9300];
	[tilespmem:s5+$0x11200] =	vst v13;
	v13 =	vadd.f32 v9, v6  }
0x269: {  	s22 =	sadd.s32 s0, s18;
	v16 =	vld [tilespmem:s14+$0x9380];
	[tilespmem:s5+$0x11280] =	vst v15;
	v10 =	vadd.f32 v10, v6  }
0x26a: {  	s31 =	sadd.s32 $0x30, s22;
	s24 =	sadd.s32 $0x10, s22;
	v9 =	vld [tilespmem:s2+$0x0];
	s2 =	sadd.s32 $0x20, s22;
	[tilespmem:s5+$0x11300] =	vst v13  }
0x26b: {  	s8 =	sor.u32 $0x200, s31;
	s0 =	sor.u32 $0x200, s24;
	v12 =	vadd.f32 v12, v7;
	v13 =	vld [tilespmem:s13+$0x9200];
	s15 =	sor.u32 $0x200, s2;
	[tilespmem:s5+$0x11380] =	vst v10  }
0x26c: {  	s11 =	sor.u32 $0x200, s22;
	s10 =	sor.u32 $0x280, s24;
	s30 =	sor.u32 $0x280, s2;
	v10 =	vadd.f32 v14, v7;
	v14 =	vld [tilespmem:s8+$0x9200]  }
0x26d: {  	s16 =	sor.u32 $0x300, s24;
	s5 =	sor.u32 $0x280, s22;
	s1 =	sor.u32 $0x300, s2;
	[tilespmem:s14+$0x11200] =	vst v12;
	v11 =	vadd.f32 v11, v7;
	v12 =	vld [tilespmem:s13+$0x9280]  }
0x26e: {  	s28 =	sor.u32 $0x300, s22;
	s26 =	sor.u32 $0x380, s24;
	s24 =	sor.u32 $0x380, s2;
	[tilespmem:s14+$0x11280] =	vst v10;
	v10 =	vadd.f32 v16, v7;
	v15 =	vld [tilespmem:s13+$0x9300]  }
0x26f: {  	s29 =	sor.u32 $0x380, s22;
	[tilespmem:s14+$0x11300] =	vst v11;
	v11 =	vld [tilespmem:s13+$0x9380]  }
0x270: {  	v16 =	vld [tilespmem:s12+$0x9200];
	[tilespmem:s14+$0x11380] =	vst v10;
	v10 =	vadd.f32 v13, v9  }
0x271: {  	v13 =	vld [tilespmem:s12+$0x9280];
	v14 =	vadd.f32 v14, v6  }
0x272: {  	v17 =	vld [tilespmem:s12+$0x9300];
	[tilespmem:s13+$0x11200] =	vst v10;
	v10 =	vadd.f32 v12, v9  }
0x273: {  	s2 =	sor.u32 $0x280, s31;
	v12 =	vld [tilespmem:s12+$0x9380];
	v15 =	vadd.f32 v15, v9;
	[tilespmem:s8+$0x11200] =	vst v14  }
0x274: {  	[tilespmem:s13+$0x11280] =	vst v10;
	v10 =	vadd.f32 v11, v9;
	v11 =	vld [tilespmem:s2+$0x9200]  }
0x275: {  	v14 =	vadd.f32 v16, v8;
	v16 =	vld [tilespmem:s0+$0x9200];
	[tilespmem:s13+$0x11300] =	vst v15  }
0x276: {  	v13 =	vadd.f32 v13, v8;
	[tilespmem:s13+$0x11380] =	vst v10;
	v10 =	vld [tilespmem:s17+$0x9200]  }
0x277: {  	[tilespmem:s12+$0x11200] =	vst v14;
	v14 =	vadd.f32 v17, v8;
	v15 =	vld [tilespmem:s15+$0x9200]  }
0x278: {  	[tilespmem:s12+$0x11280] =	vst v13;
	v12 =	vadd.f32 v12, v8;
	v17 =	vld [tilespmem:s6+$0x9200]  }
0x279: {  	[tilespmem:s12+$0x11300] =	vst v14;
	v11 =	vadd.f32 v11, v6;
	v14 =	vld [tilespmem:s25+$0x9200]  }
0x27a: {  	[tilespmem:s12+$0x11380] =	vst v12;
	v13 =	vadd.f32 v16, v7;
	v18 =	vld [tilespmem:s7+$0x9200]  }
.Ltmp2:
0x27b: {  	s12 =	sor.u32 $0x300, s31;
	v12 =	vld [tilespmem:s11+$0x9200];
	[tilespmem:s2+$0x11200] =	vst v11;
	v11 =	vadd.f32 v10, v5;
	(pc) =	sbr.rel @p1 .LBB2_7-.Ltmp2, $4  }
0x27c: {  	[tilespmem:s0+$0x11200] =	vst v13;
	v15 =	vadd.f32 v15, v9;
	v10 =	vld [tilespmem:s12+$0x9200]  }
0x27d: {  	v13 =	vld [tilespmem:s10+$0x9200];
	[tilespmem:s17+$0x11200] =	vst v11;
	v17 =	vadd.f32 v17, v3;
	s17 =	smov.u32 s5  }
0x27e: {  	[tilespmem:s15+$0x11200] =	vst v15;
	v11 =	vld [tilespmem:s20+$0x9200];
	v16 =	vadd.f32 v14, v4  }
0x27f: {  	s21 =	sadd.s32 $0x40, s21;
	v15 =	vld [tilespmem:s30+$0x9200];
	[tilespmem:s6+$0x11200] =	vst v17;
	v14 =	vadd.f32 v18, v2;
	v2 =	vmov v5;
	v5 =	vmov v8;
	s6 =	smov.u32 s16  }
0x280: {  	v8 =	vadd.f32 v12, v5;
	_ =	sdelay $0x1  }
0x281: {  	[tilespmem:s11+$0x11200] =	vst v8  }
0x282: {  	v8 =	vld [tilespmem:s17+$0x9200];
	_ =	sdelay $0x2  }
0x283: {  	v12 =	vadd.f32 v13, v7  }
0x284: {  	v13 =	vadd.f32 v15, v9  }
0x285: {  	[tilespmem:s10+$0x11200] =	vst v12;
	v8 =	vadd.f32 v8, v5  }
0x286: {  	v12 =	vld [tilespmem:s6+$0x9200];
	[tilespmem:s30+$0x11200] =	vst v13  }
0x287: {  	v13 =	vld [tilespmem:s1+$0x9200];
	[tilespmem:s17+$0x11200] =	vst v8  }
0x288: {  	v8 =	vld [tilespmem:s28+$0x9200]  }
0x289: {  	v10 =	vadd.f32 v10, v6  }
0x28a: {  	[tilespmem:s25+$0x11200] =	vst v16;
	v11 =	vadd.f32 v11, v2;
	v15 =	vld [tilespmem:s3+$0x9200]  }
0x28b: {  	s0 =	sor.u32 $0x380, s31;
	v16 =	vld [tilespmem:s19+$0x9200];
	[tilespmem:s12+$0x11200] =	vst v10;
	v10 =	vadd.f32 v12, v7  }
0x28c: {  	[tilespmem:s20+$0x11200] =	vst v11;
	v12 =	vld [tilespmem:s0+$0x9200];
	v11 =	vadd.f32 v13, v9  }
0x28d: {  	v13 =	vld [tilespmem:s4+$0x9200];
	[tilespmem:s6+$0x11200] =	vst v10;
	v8 =	vadd.f32 v8, v5  }
0x28e: {  	v10 =	vld [tilespmem:s26+$0x9200];
	[tilespmem:s1+$0x11200] =	vst v11  }
0x28f: {  	v3 =	vadd.f32 v15, v3;
	v11 =	vld [tilespmem:s24+$0x9200];
	[tilespmem:s28+$0x11200] =	vst v8  }
0x290: {  	[tilespmem:s7+$0x11200] =	vst v14;
	v4 =	vadd.f32 v16, v4;
	v8 =	vld [tilespmem:s29+$0x9200]  }
0x291: {  	[tilespmem:s3+$0x11200] =	vst v3;
	v3 =	vadd.f32 v12, v6  }
0x292: {  	[tilespmem:s19+$0x11200] =	vst v4;
	v2 =	vadd.f32 v13, v2  }
0x293: {  	[tilespmem:s0+$0x11200] =	vst v3;
	v3 =	vadd.f32 v10, v7  }
0x294: {  	[tilespmem:s4+$0x11200] =	vst v2;
	v2 =	vadd.f32 v11, v9  }
0x295: {  	[tilespmem:s26+$0x11200] =	vst v3;
	v3 =	vadd.f32 v8, v5  }
0x296: {  	[tilespmem:s24+$0x11200] =	vst v2  }
0x297: {  	[tilespmem:s29+$0x11200] =	vst v3  }
0x298: {  	s23 =	simm.s32 $0x0;
	s0 =	rddreg [dreg:$0x18]  }
0x299: {  	s2 =	simm.s32 $0x11200;
	s24 =	rddreg [dreg:$0x16];
	s0 =	sadd.s32 $0x1000, s0  }
0x29a: {  	[hbm4b:s0+s23] =	stream.linear.scatter [tilespmem:s2], [sflag:$0x7], $0x4000, $0x38;
	[tilespmem:$0x19200] =	vst v63  }
0x29b: {  	v2 =	vld.msk [tilespmem:s24+$0x30], $0xff;
	_ =	sdelay $0x4  }
0x29c: {  	v3 =	vshll.u32 v2, $0x4  }
0x29d: {  	v2 =	vand.u32 $0x7, v2;
	v3 =	vand.u32 $0xFFFFFF80, v3  }
0x29e: {  	v2 =	vor.u32 v2, v3  }
0x29f: {  	v2 =	vperm.xlane v2, v0;
	_ =	sdelay $0x1  }
0x2a0: {  	v2 =	vadd.s32 v1, v2;
	_ =	sdelay $0x3  }
0x2a1: {  	s25 =	rddreg [dreg:$0x1];
	s26 =	simm.s32 $0x9200  }
0x2a2: {  	[tilespmem:s26], [sflag:$0x5] =	stream.indirect_vreg.gather [hbm4b:s25+s23], $0x80, v2, vm0, $0xb8;
	[tilespmem:$0x19200] =	vst v63  }
0x2a3: {  	s3 =	simm.s32 $0x9A00;
	s2 =	rddreg [dreg:$0x9]  }
0x2a4: {  	[tilespmem:s3], [sflag:$0x5] =	stream.indirect_vreg.gather [hbm4b:s2+s23], $0x80, v2, vm0, $0xb8;
	[tilespmem:$0x19200] =	vst v63  }
0x2a5: {  	s5 =	simm.s32 $0xA200;
	s4 =	rddreg [dreg:$0xa]  }
0x2a6: {  	[tilespmem:s5], [sflag:$0x5] =	stream.indirect_vreg.gather [hbm4b:s4+s23], $0x80, v2, vm0, $0xb8;
	[tilespmem:$0x19200] =	vst v63  }
0x2a7: {  	s7 =	simm.s32 $0xAA00;
	s6 =	rddreg [dreg:$0xb]  }
0x2a8: {  	[tilespmem:s7], [sflag:$0x5] =	stream.indirect_vreg.gather [hbm4b:s6+s23], $0x80, v2, vm0, $0xb8;
	[tilespmem:$0x19200] =	vst v63  }
0x2a9: {  	s9 =	simm.s32 $0xB200;
	s8 =	rddreg [dreg:$0xc]  }
0x2aa: {  	[tilespmem:s9], [sflag:$0x5] =	stream.indirect_vreg.gather [hbm4b:s8+s23], $0x80, v2, vm0, $0xb8;
	[tilespmem:$0x19200] =	vst v63  }
0x2ab: {  	s11 =	simm.s32 $0xBA00;
	s10 =	rddreg [dreg:$0xd]  }
0x2ac: {  	[tilespmem:s11], [sflag:$0x5] =	stream.indirect_vreg.gather [hbm4b:s10+s23], $0x80, v2, vm0, $0xb8;
	[tilespmem:$0x19200] =	vst v63  }
0x2ad: {  	s13 =	simm.s32 $0xC200;
	s12 =	rddreg [dreg:$0xe]  }
0x2ae: {  	[tilespmem:s13], [sflag:$0x5] =	stream.indirect_vreg.gather [hbm4b:s12+s23], $0x80, v2, vm0, $0xb8;
	[tilespmem:$0x19200] =	vst v63  }
0x2af: {  	s15 =	simm.s32 $0xCA00;
	s16 =	simm.s32 $0x6;
	s14 =	rddreg [dreg:$0xf]  }
0x2b0: {  	[tilespmem:s15], [sflag:$0x5] =	stream.indirect_vreg.gather [hbm4b:s14+s23], $0x80, v2, vm0, $0xb8;
	[tilespmem:$0x19200] =	vst v63  }
0x2b1: {  	_ =	swait.ge [sflag:s16], $0x4000  }
0x2b2: {  	[sflag:s16] =	ssyncset.done $0x0  }
0x2b3: {  	s17 =	simm.s32 $0x8;
	[sflag:s16] =	ssyncadd.s32 $0xFFFFC000  }
0x2b4: {  	s18 =	sand.u32 $0x40, s23;
	s19 =	sand.u32 $0x780, s23;
	_ =	swait.ge [sflag:s17], $0x4000  }
0x2b5: {  	s20 =	sor.u32 $0x30, s18;
	s2 =	sadd.s32 $0x200, s19;
	[sflag:s17] =	ssyncset.done $0x0  }
0x2b6: {  	s1 =	sand.u32 $0x3C00, s23;
	s21 =	sor.u32 s20, s2;
	[sflag:s17] =	ssyncadd.s32 $0xFFFFC000  }
0x2b7: {  	s3 =	sor.u32 s1, s20;
	v10 =	vld [tilespmem:s21+$0x0]  }
0x2b8: {  	v2 =	vld [tilespmem:s3+$0xD200]  }
0x2b9: {  	v3 =	vld [tilespmem:s3+$0xD280]  }
0x2ba: {  	s22 =	sor.u32 $0x10, s18;
	v4 =	vld [tilespmem:s3+$0xD300]  }
0x2bb: {  	s5 =	sor.u32 s22, s2;
	v5 =	vld [tilespmem:s3+$0xD380]  }
0x2bc: {  	s4 =	sor.u32 s1, s22;
	v7 =	vld [tilespmem:s5+$0x0]  }
0x2bd: {  	v6 =	vld [tilespmem:s4+$0xD200]  }
0x2be: {  	p0 =	por $0x0, $0x0;
	s23 =	sor.u32 $0x20, s18;
	s5 =	simm.s32 $0x1;
	v8 =	vld [tilespmem:s4+$0xD280];
	v2 =	vadd.f32 v2, v10  }
0x2bf: {  	s2 =	sor.u32 s23, s2;
	v11 =	vld [tilespmem:s4+$0xD300];
	s5 =	simm.s32 @!p0 $0x0;
	v3 =	vadd.f32 v3, v10  }
0x2c0: {  	s24 =	sor.u32 s1, s23;
	v9 =	vld [tilespmem:s2+$0x0];
	s5 =	sshll.u32 s5, $0x6;
	[tilespmem:s3+$0x15200] =	vst v2;
	v2 =	vadd.f32 v4, v10  }
0x2c1: {  	v12 =	vld [tilespmem:s24+$0xD280];
	s19 =	sadd.s32 $0x0, s5;
	[tilespmem:s3+$0x15280] =	vst v3;
	v3 =	vadd.f32 v5, v10  }
0x2c2: {  	s6 =	sadd.s32 $0x30, s19;
	v4 =	vld [tilespmem:s4+$0xD380];
	[tilespmem:s3+$0x15300] =	vst v2  }
0x2c3: {  	s25 =	sor.u32 $0x200, s6;
	v2 =	vld [tilespmem:s24+$0xD200];
	[tilespmem:s3+$0x15380] =	vst v3  }
0x2c4: {  	s26 =	simm.s32 $0x200;
	v3 =	vadd.f32 v6, v7;
	v5 =	vld [tilespmem:s25+$0xD200]  }
0x2c5: {  	v6 =	vadd.f32 v8, v7;
	v8 =	vld [tilespmem:s26+$0x0]  }
0x2c6: {  	[tilespmem:s4+$0x15200] =	vst v3;
	v3 =	vadd.f32 v11, v7;
	v11 =	vld [tilespmem:s24+$0xD300]  }
0x2c7: {  	s0 =	sor.u32 s18, s1;
	[tilespmem:s4+$0x15280] =	vst v6;
	v6 =	vld [tilespmem:s24+$0xD380];
	v4 =	vadd.f32 v4, v7  }
0x2c8: {  	[tilespmem:s4+$0x15300] =	vst v3;
	v3 =	vld [tilespmem:s0+$0xD200];
	v2 =	vadd.f32 v2, v9  }
0x2c9: {  	[tilespmem:s4+$0x15380] =	vst v4;
	v4 =	vadd.f32 v5, v10;
	v5 =	vld [tilespmem:s0+$0xD280]  }
0x2ca: {  	s17 =	simm.s32 $0x40;
	[tilespmem:s24+$0x15200] =	vst v2;
	v2 =	vadd.f32 v12, v9;
	v12 =	vld [tilespmem:s0+$0xD300]  }
0x2cb: {  	s18 =	sand.u32 $0x40, s17;
	s21 =	simm.s32 $0x200;
	s2 =	sor.u32 $0x280, s6;
	v11 =	vadd.f32 v11, v9;
	[tilespmem:s25+$0x15200] =	vst v4;
	v4 =	vld [tilespmem:s0+$0xD380]  }
0x2cc: {  	s20 =	sor.u32 $0x30, s18;
	s11 =	sand.u32 $0x3C00, s21;
	[tilespmem:s24+$0x15280] =	vst v2;
	v2 =	vadd.f32 v6, v9;
	v6 =	vld [tilespmem:s2+$0xD200]  }
0x2cd: {  	s23 =	sor.u32 s11, s20;
	[tilespmem:s24+$0x15300] =	vst v11;
	v3 =	vadd.f32 v3, v8  }
0x2ce: {  	v13 =	vld [tilespmem:s23+$0xD200];
	s9 =	sadd.s32 $0x20, s19;
	[tilespmem:s24+$0x15380] =	vst v2;
	v2 =	vadd.f32 v5, v8  }
0x2cf: {  	v14 =	vld [tilespmem:s23+$0xD280];
	s7 =	sadd.s32 $0x10, s19;
	s4 =	sor.u32 $0x200, s9;
	[tilespmem:s0+$0x15200] =	vst v3;
	v3 =	vadd.f32 v12, v8  }
0x2d0: {  	s3 =	sor.u32 $0x200, s7;
	v5 =	vld [tilespmem:s4+$0xD200];
	[tilespmem:s0+$0x15280] =	vst v2;
	v2 =	vadd.f32 v4, v8  }
0x2d1: {  	v11 =	vld [tilespmem:s3+$0xD200];
	[tilespmem:s0+$0x15300] =	vst v3;
	v3 =	vadd.f32 v6, v10  }
0x2d2: {  	v15 =	vld [tilespmem:s23+$0xD300];
	[tilespmem:s0+$0x15380] =	vst v2  }
0x2d3: {  	v16 =	vld [tilespmem:s23+$0xD380];
	s5 =	sor.u32 $0x200, s19;
	[tilespmem:s2+$0x15200] =	vst v3;
	s2 =	sand.u32 $0x780, s17  }
0x2d4: {  	s14 =	sor.u32 $0x300, s6;
	v4 =	vld [tilespmem:s5+$0xD200];
	s2 =	sadd.s32 $0x200, s2  }
0x2d5: {  	s24 =	sor.u32 $0x10, s18;
	v3 =	vadd.f32 v5, v9;
	v5 =	vld [tilespmem:s14+$0xD200];
	s22 =	sor.u32 s20, s2  }
0x2d6: {  	s13 =	sor.u32 s11, s24;
	v2 =	vadd.f32 v11, v7;
	v11 =	vld [tilespmem:s22+$0x0]  }
0x2d7: {  	v17 =	vld [tilespmem:s13+$0xD200]  }
0x2d8: {  	s8 =	simm.s32 $0x240;
	v18 =	vld [tilespmem:s13+$0xD380]  }
0x2d9: {  	s15 =	sor.u32 $0x280, s7;
	[tilespmem:s3+$0x15200] =	vst v2;
	v2 =	vld [tilespmem:s8+$0x0];
	v4 =	vadd.f32 v4, v8  }
0x2da: {  	s16 =	sor.u32 $0x280, s9;
	v6 =	vld [tilespmem:s15+$0xD200];
	[tilespmem:s4+$0x15200] =	vst v3;
	v5 =	vadd.f32 v5, v10  }
0x2db: {  	p0 =	por !p0, !p0;
	s25 =	sor.u32 s24, s2;
	s4 =	simm.s32 $0x1;
	v12 =	vld [tilespmem:s16+$0xD200];
	[tilespmem:s5+$0x15200] =	vst v4;
	v4 =	vadd.f32 v13, v11  }
0x2dc: {  	v3 =	vld [tilespmem:s25+$0x0];
	s4 =	simm.s32 @!p0 $0x0;
	[tilespmem:s14+$0x15200] =	vst v5;
	v13 =	vadd.f32 v14, v11  }
0x2dd: {  	s26 =	sor.u32 $0x20, s18;
	s4 =	sshll.u32 s4, $0x6;
	v5 =	vld [tilespmem:s13+$0xD280];
	v15 =	vadd.f32 v15, v11;
	[tilespmem:s23+$0x15200] =	vst v4  }
0x2de: {  	s2 =	sor.u32 s26, s2;
	s4 =	sadd.s32 $0x200, s4;
	v14 =	vld [tilespmem:s13+$0xD300];
	[tilespmem:s23+$0x15280] =	vst v13;
	v13 =	vadd.f32 v16, v11  }
0x2df: {  	s0 =	sor.u32 s11, s26;
	v6 =	vadd.f32 v6, v7;
	s10 =	sadd.s32 $0x30, s4;
	v4 =	vld [tilespmem:s2+$0x0];
	[tilespmem:s23+$0x15300] =	vst v15  }
0x2e0: {  	s8 =	sor.u32 $0x200, s10;
	v12 =	vadd.f32 v12, v9;
	v15 =	vld [tilespmem:s0+$0xD200];
	[tilespmem:s23+$0x15380] =	vst v13  }
0x2e1: {  	[tilespmem:s15+$0x15200] =	vst v6;
	v6 =	vadd.f32 v17, v3;
	v13 =	vld [tilespmem:s8+$0xD200]  }
0x2e2: {  	[tilespmem:s16+$0x15200] =	vst v12;
	v12 =	vld [tilespmem:s0+$0xD280];
	v5 =	vadd.f32 v5, v3  }
0x2e3: {  	[tilespmem:s13+$0x15200] =	vst v6;
	v6 =	vadd.f32 v14, v3;
	v14 =	vld [tilespmem:s0+$0xD300]  }
0x2e4: {  	s12 =	sor.u32 s18, s11;
	v16 =	vld [tilespmem:s0+$0xD380];
	[tilespmem:s13+$0x15280] =	vst v5;
	v5 =	vadd.f32 v18, v3  }
0x2e5: {  	[tilespmem:s13+$0x15300] =	vst v6;
	v6 =	vld [tilespmem:s12+$0xD200];
	v15 =	vadd.f32 v15, v4  }
0x2e6: {  	[tilespmem:s13+$0x15380] =	vst v5;
	v5 =	vld [tilespmem:s12+$0xD280];
	v13 =	vadd.f32 v13, v11  }
0x2e7: {  	v17 =	vld [tilespmem:s12+$0xD300];
	v12 =	vadd.f32 v12, v4;
	[tilespmem:s0+$0x15200] =	vst v15  }
0x2e8: {  	s3 =	sadd.s32 $0x10, s4;
	s15 =	sor.u32 $0x280, s10;
	v15 =	vld [tilespmem:s12+$0xD380];
	v14 =	vadd.f32 v14, v4;
	[tilespmem:s8+$0x15200] =	vst v13  }
0x2e9: {  	s16 =	sor.u32 $0x200, s3;
	[tilespmem:s0+$0x15280] =	vst v12;
	v12 =	vadd.f32 v16, v4;
	v13 =	vld [tilespmem:s15+$0xD200]  }
0x2ea: {  	s17 =	sor.u32 $0x280, s19;
	s1 =	sadd.s32 $0x20, s4;
	v16 =	vld [tilespmem:s16+$0xD200];
	v6 =	vadd.f32 v6, v2;
	[tilespmem:s0+$0x15300] =	vst v14  }
0x2eb: {  	s18 =	sor.u32 $0x200, s1;
	[tilespmem:s0+$0x15380] =	vst v12;
	v12 =	vld [tilespmem:s17+$0xD200];
	v5 =	vadd.f32 v5, v2  }
0x2ec: {  	s20 =	sor.u32 $0x300, s7;
	v14 =	vld [tilespmem:s18+$0xD200];
	[tilespmem:s12+$0x15200] =	vst v6;
	v6 =	vadd.f32 v17, v2  }
0x2ed: {  	s6 =	sor.u32 $0x380, s6;
	[tilespmem:s12+$0x15280] =	vst v5;
	v5 =	vadd.f32 v15, v2;
	v15 =	vld [tilespmem:s20+$0xD200]  }
0x2ee: {  	s21 =	sor.u32 $0x300, s9;
	v17 =	vld [tilespmem:s6+$0xD200];
	[tilespmem:s12+$0x15300] =	vst v6;
	v6 =	vadd.f32 v13, v11  }
0x2ef: {  	s14 =	sor.u32 $0x200, s4;
	v13 =	vld [tilespmem:s21+$0xD200];
	[tilespmem:s12+$0x15380] =	vst v5;
	v5 =	vadd.f32 v16, v3  }
0x2f0: {  	s22 =	sor.u32 $0x300, s10;
	v16 =	vld [tilespmem:s14+$0xD200];
	[tilespmem:s15+$0x15200] =	vst v6;
	v6 =	vadd.f32 v12, v8  }
0x2f1: {  	s15 =	sor.u32 $0x280, s3;
	[tilespmem:s16+$0x15200] =	vst v5;
	v5 =	vadd.f32 v14, v4;
	v12 =	vld [tilespmem:s22+$0xD200]  }
0x2f2: {  	s7 =	sor.u32 $0x380, s7;
	s23 =	sor.u32 $0x300, s19;
	v14 =	vld [tilespmem:s15+$0xD200];
	[tilespmem:s17+$0x15200] =	vst v6;
	v6 =	vadd.f32 v15, v7  }
0x2f3: {  	s26 =	simm.s32 $0x80;
	s24 =	sor.u32 $0x280, s1;
	s0 =	sor.u32 $0x380, s9;
	[tilespmem:s18+$0x15200] =	vst v5;
	v15 =	vld [tilespmem:s23+$0xD200]  }
0x2f4: {  	s9 =	simm.s32 $0x280;
	s12 =	sand.u32 $0x780, s26;
	s17 =	sand.u32 $0x40, s26;
	v5 =	vadd.f32 v13, v9;
	v13 =	vld [tilespmem:s24+$0xD200];
	[tilespmem:s20+$0x15200] =	vst v6  }
0x2f5: {  	s12 =	sadd.s32 $0x200, s12;
	s18 =	simm.s32 $0x400;
	s25 =	sor.u32 $0x30, s17;
	v18 =	vld [tilespmem:s7+$0xD200]  }
0x2f6: {  	s26 =	sand.u32 $0x3C00, s18;
	s16 =	sor.u32 s25, s12;
	[tilespmem:s21+$0x15200] =	vst v5;
	v5 =	vld [tilespmem:s9+$0x0]  }
0x2f7: {  	v10 =	vadd.f32 v17, v10;
	s20 =	sor.u32 s26, s25;
	v6 =	vld [tilespmem:s16+$0x0]  }
0x2f8: {  	v16 =	vadd.f32 v16, v2;
	v17 =	vld [tilespmem:s20+$0xD200]  }
0x2f9: {  	[tilespmem:s6+$0x15200] =	vst v10;
	v12 =	vadd.f32 v12, v11;
	v19 =	vld [tilespmem:s0+$0xD200]  }
0x2fa: {  	v10 =	vadd.f32 v14, v3;
	v14 =	vld [tilespmem:s20+$0xD280];
	[tilespmem:s14+$0x15200] =	vst v16  }
0x2fb: {  	v16 =	vld [tilespmem:s20+$0xD300];
	[tilespmem:s22+$0x15200] =	vst v12  }
0x2fc: {  	s16 =	sor.u32 $0x380, s10;
	s21 =	sor.u32 $0x10, s17;
	v15 =	vadd.f32 v15, v8;
	[tilespmem:s15+$0x15200] =	vst v10;
	v10 =	vadd.f32 v13, v4;
	v13 =	vld [tilespmem:s20+$0xD380]  }
0x2fd: {  	s22 =	sor.u32 s21, s12;
	v12 =	vld [tilespmem:s16+$0xD200]  }
0x2fe: {  	s6 =	sor.u32 s26, s21;
	[tilespmem:s23+$0x15200] =	vst v15;
	v15 =	vadd.f32 v18, v7;
	v7 =	vld [tilespmem:s22+$0x0]  }
0x2ff: {  	p0 =	por !p0, !p0;
	s8 =	simm.s32 $0x1;
	[tilespmem:s24+$0x15200] =	vst v10;
	v10 =	vld [tilespmem:s6+$0xD200];
	v17 =	vadd.f32 v17, v6  }
0x300: {  	s8 =	simm.s32 @!p0 $0x0;
	s23 =	sor.u32 $0x20, s17;
	v14 =	vadd.f32 v14, v6;
	[tilespmem:s7+$0x15200] =	vst v15;
	v15 =	vld [tilespmem:s6+$0xD280]  }
0x301: {  	s8 =	sshll.u32 s8, $0x6;
	v16 =	vadd.f32 v16, v6;
	s24 =	sor.u32 s23, s12;
	[tilespmem:s20+$0x15200] =	vst v17;
	v17 =	vld [tilespmem:s6+$0xD300]  }
0x302: {  	s13 =	sadd.s32 $0x400, s8;
	v18 =	vadd.f32 v19, v9;
	v9 =	vld [tilespmem:s24+$0x0];
	[tilespmem:s20+$0x15280] =	vst v14;
	v13 =	vadd.f32 v13, v6  }
0x303: {  	s31 =	sadd.s32 $0x30, s13;
	s7 =	sor.u32 s26, s23;
	v14 =	vld [tilespmem:s6+$0xD380];
	[tilespmem:s20+$0x15300] =	vst v16  }
0x304: {  	s25 =	sor.u32 $0x200, s31;
	v11 =	vadd.f32 v12, v11;
	v12 =	vld [tilespmem:s7+$0xD200];
	[tilespmem:s20+$0x15380] =	vst v13  }
0x305: {  	[tilespmem:s0+$0x15200] =	vst v18;
	v10 =	vadd.f32 v10, v7;
	v13 =	vld [tilespmem:s25+$0xD200]  }
0x306: {  	[tilespmem:s16+$0x15200] =	vst v11;
	v11 =	vadd.f32 v15, v7;
	v15 =	vld [tilespmem:s7+$0xD280]  }
0x307: {  	v16 =	vld [tilespmem:s7+$0xD300];
	[tilespmem:s6+$0x15200] =	vst v10;
	v10 =	vadd.f32 v17, v7  }
0x308: {  	s0 =	sor.u32 s17, s26;
	[tilespmem:s6+$0x15280] =	vst v11;
	v11 =	vadd.f32 v14, v7;
	v14 =	vld [tilespmem:s7+$0xD380]  }
0x309: {  	[tilespmem:s6+$0x15300] =	vst v10;
	v10 =	vld [tilespmem:s0+$0xD200];
	v12 =	vadd.f32 v12, v9  }
0x30a: {  	[tilespmem:s6+$0x15380] =	vst v11;
	v11 =	vld [tilespmem:s0+$0xD280];
	v13 =	vadd.f32 v13, v6  }
0x30b: {  	v17 =	vld [tilespmem:s0+$0xD300];
	[tilespmem:s7+$0x15200] =	vst v12;
	v12 =	vadd.f32 v15, v9  }
0x30c: {  	s12 =	sor.u32 $0x280, s31;
	s26 =	sadd.s32 $0x10, s13;
	v16 =	vadd.f32 v16, v9;
	v15 =	vld [tilespmem:s0+$0xD380];
	[tilespmem:s25+$0x15200] =	vst v13  }
0x30d: {  	s14 =	sor.u32 $0x200, s26;
	[tilespmem:s7+$0x15280] =	vst v12;
	v12 =	vadd.f32 v14, v9;
	v13 =	vld [tilespmem:s12+$0xD200]  }
0x30e: {  	s15 =	sor.u32 $0x280, s4;
	s24 =	sadd.s32 $0x20, s13;
	[tilespmem:s7+$0x15300] =	vst v16;
	v10 =	vadd.f32 v10, v5;
	v14 =	vld [tilespmem:s14+$0xD200]  }
0x30f: {  	s16 =	sor.u32 $0x200, s24;
	v16 =	vld [tilespmem:s15+$0xD200];
	v11 =	vadd.f32 v11, v5;
	[tilespmem:s7+$0x15380] =	vst v12  }
0x310: {  	s21 =	sor.u32 $0x300, s3;
	[tilespmem:s0+$0x15200] =	vst v10;
	v10 =	vadd.f32 v17, v5;
	v17 =	vld [tilespmem:s16+$0xD200]  }
0x311: {  	s25 =	sor.u32 $0x300, s1;
	[tilespmem:s0+$0x15280] =	vst v11;
	v11 =	vadd.f32 v15, v5;
	v15 =	vld [tilespmem:s21+$0xD200]  }
0x312: {  	v18 =	vld [tilespmem:s25+$0xD200];
	s7 =	sor.u32 $0x380, s19;
	[tilespmem:s0+$0x15300] =	vst v10;
	v10 =	vadd.f32 v13, v6  }
0x313: {  	s11 =	sor.u32 $0x200, s13;
	s28 =	sor.u32 $0x300, s13;
	[tilespmem:s0+$0x15380] =	vst v11;
	v11 =	vadd.f32 v14, v7;
	v14 =	vld [tilespmem:s7+$0xD200]  }
0x314: {  	s29 =	sor.u32 $0x380, s13;
	s3 =	sor.u32 $0x380, s3;
	v16 =	vadd.f32 v16, v2;
	v12 =	vld [tilespmem:s11+$0xD200];
	[tilespmem:s12+$0x15200] =	vst v10;
	s12 =	sor.u32 $0x300, s31  }
0x315: {  	s22 =	sor.u32 $0x380, s1;
	s23 =	simm.s32 $0x8;
	s10 =	sor.u32 $0x280, s26;
	[tilespmem:s14+$0x15200] =	vst v11;
	v11 =	vadd.f32 v17, v9;
	v10 =	vld [tilespmem:s12+$0xD200]  }
0x316: {  	s30 =	sor.u32 $0x280, s24;
	s17 =	sor.u32 $0x280, s13;
	s20 =	sor.u32 $0x300, s4;
	[tilespmem:s15+$0x15200] =	vst v16;
	v13 =	vld [tilespmem:s10+$0xD200];
	v17 =	vadd.f32 v15, v3  }
0x317: {  	s6 =	sor.u32 $0x300, s26;
	s26 =	sor.u32 $0x380, s26;
	s1 =	sor.u32 $0x300, s24;
	v16 =	vadd.f32 v18, v4;
	[tilespmem:s16+$0x15200] =	vst v11;
	v11 =	vld [tilespmem:s20+$0xD200]  }
0x318: {  	s24 =	sor.u32 $0x380, s24;
	s19 =	sor.u32 $0x380, s4;
	v15 =	vld [tilespmem:s30+$0xD200];
	[tilespmem:s21+$0x15200] =	vst v17;
	s21 =	simm.s32 $0xC0;
	v14 =	vadd.f32 v14, v8  }
.LBB2_9:
0x319: {  	s0 =	sand.u32 $0x40, s21;
	s2 =	sand.u32 $0x780, s21;
	v12 =	vadd.f32 v12, v5;
	s9 =	sadd.s32 $0x40, s9;
	v17 =	vld [tilespmem:s3+$0xD200];
	[tilespmem:s25+$0x15200] =	vst v16  }
0x31a: {  	s5 =	sor.u32 $0x10, s0;
	s2 =	sadd.s32 $0x200, s2;
	s8 =	sor.u32 $0x30, s0;
	v10 =	vadd.f32 v10, v6;
	v16 =	vld [tilespmem:s22+$0xD200];
	[tilespmem:s7+$0x15200] =	vst v14  }
0x31b: {  	s18 =	sadd.s32 $0x200, s18;
	s7 =	sor.u32 $0x20, s0;
	v8 =	vld [tilespmem:s9+$0x0];
	s13 =	sor.u32 s8, s2;
	[tilespmem:s11+$0x15200] =	vst v12;
	v12 =	vadd.f32 v13, v7  }
0x31c: {  	s16 =	sor.u32 $0x380, s31;
	s11 =	sand.u32 $0x3C00, s18;
	s15 =	sor.u32 s5, s2;
	v13 =	vld [tilespmem:s13+$0x0];
	[tilespmem:s12+$0x15200] =	vst v10;
	v10 =	vadd.f32 v11, v2  }
0x31d: {  	s2 =	sor.u32 s7, s2;
	s14 =	sor.u32 s11, s5;
	s5 =	sor.u32 s11, s8;
	[tilespmem:s10+$0x15200] =	vst v12;
	v11 =	vadd.f32 v15, v9;
	v12 =	vld [tilespmem:s16+$0xD200]  }
0x31e: {  	s23 =	sadd.s32 $0x4, s23;
	s12 =	sor.u32 s0, s11;
	s13 =	sor.u32 s11, s7;
	v14 =	vld [tilespmem:s5+$0xD200];
	[tilespmem:s20+$0x15200] =	vst v10;
	v10 =	vadd.f32 v17, v3;
	v3 =	vmov v7  }
0x31f: {  	s25 =	smov.u32 s1;
	p1 =	slt.u32 s23, $0x7C;
	s20 =	smov.u32 s28;
	v15 =	vld [tilespmem:s5+$0xD280];
	[tilespmem:s30+$0x15200] =	vst v11;
	v7 =	vadd.f32 v16, v4;
	v4 =	vmov v9  }
0x320: {  	s7 =	smov.u32 s19;
	s19 =	smov.u32 s29;
	v9 =	vld [tilespmem:s5+$0xD300];
	[tilespmem:s3+$0x15200] =	vst v10;
	s3 =	smov.u32 s26  }
0x321: {  	s29 =	smov.u32 s24;
	v10 =	vld [tilespmem:s5+$0xD380];
	[tilespmem:s22+$0x15200] =	vst v7  }
0x322: {  	p0 =	por !p0, !p0;
	s0 =	simm.s32 $0x1;
	v7 =	vld [tilespmem:s15+$0x0];
	v11 =	vadd.f32 v12, v6;
	v6 =	vmov v13  }
0x323: {  	s0 =	simm.s32 @!p0 $0x0;
	v12 =	vld [tilespmem:s14+$0xD200];
	v13 =	vadd.f32 v14, v6  }
0x324: {  	s0 =	sshll.u32 s0, $0x6;
	v14 =	vld [tilespmem:s14+$0xD280];
	v15 =	vadd.f32 v15, v6;
	[tilespmem:s16+$0x15200] =	vst v11  }
0x325: {  	s8 =	sadd.s32 s0, s18;
	v11 =	vld [tilespmem:s14+$0xD300];
	[tilespmem:s5+$0x15200] =	vst v13;
	v13 =	vadd.f32 v9, v6  }
0x326: {  	s31 =	sadd.s32 $0x30, s8;
	v16 =	vld [tilespmem:s14+$0xD380];
	[tilespmem:s5+$0x15280] =	vst v15;
	v10 =	vadd.f32 v10, v6  }
0x327: {  	s11 =	sor.u32 $0x200, s8;
	s22 =	sadd.s32 $0x10, s8;
	v9 =	vld [tilespmem:s2+$0x0];
	s2 =	sadd.s32 $0x20, s8;
	[tilespmem:s5+$0x15300] =	vst v13  }
0x328: {  	s4 =	sor.u32 $0x200, s31;
	s0 =	sor.u32 $0x200, s22;
	v12 =	vadd.f32 v12, v7;
	v13 =	vld [tilespmem:s13+$0xD200];
	s15 =	sor.u32 $0x200, s2;
	[tilespmem:s5+$0x15380] =	vst v10  }
0x329: {  	s28 =	sor.u32 $0x300, s8;
	s10 =	sor.u32 $0x280, s22;
	s30 =	sor.u32 $0x280, s2;
	v10 =	vadd.f32 v14, v7;
	v14 =	vld [tilespmem:s4+$0xD200]  }
0x32a: {  	s16 =	sor.u32 $0x300, s22;
	s5 =	sor.u32 $0x280, s8;
	s1 =	sor.u32 $0x300, s2;
	[tilespmem:s14+$0x15200] =	vst v12;
	v11 =	vadd.f32 v11, v7;
	v12 =	vld [tilespmem:s13+$0xD280]  }
0x32b: {  	s26 =	sor.u32 $0x380, s22;
	s22 =	smov.u32 s29;
	s24 =	sor.u32 $0x380, s2;
	[tilespmem:s14+$0x15280] =	vst v10;
	v10 =	vadd.f32 v16, v7;
	v15 =	vld [tilespmem:s13+$0xD300]  }
0x32c: {  	s29 =	sor.u32 $0x380, s8;
	[tilespmem:s14+$0x15300] =	vst v11;
	v11 =	vld [tilespmem:s13+$0xD380]  }
0x32d: {  	v16 =	vld [tilespmem:s12+$0xD200];
	[tilespmem:s14+$0x15380] =	vst v10;
	v10 =	vadd.f32 v13, v9  }
0x32e: {  	v13 =	vld [tilespmem:s12+$0xD280];
	v14 =	vadd.f32 v14, v6  }
0x32f: {  	v17 =	vld [tilespmem:s12+$0xD300];
	[tilespmem:s13+$0x15200] =	vst v10;
	v10 =	vadd.f32 v12, v9  }
0x330: {  	s2 =	sor.u32 $0x280, s31;
	v12 =	vld [tilespmem:s12+$0xD380];
	v15 =	vadd.f32 v15, v9;
	[tilespmem:s4+$0x15200] =	vst v14  }
0x331: {  	[tilespmem:s13+$0x15280] =	vst v10;
	v10 =	vadd.f32 v11, v9;
	v11 =	vld [tilespmem:s2+$0xD200]  }
0x332: {  	v14 =	vadd.f32 v16, v8;
	v16 =	vld [tilespmem:s0+$0xD200];
	[tilespmem:s13+$0x15300] =	vst v15  }
0x333: {  	v13 =	vadd.f32 v13, v8;
	[tilespmem:s13+$0x15380] =	vst v10;
	v10 =	vld [tilespmem:s17+$0xD200]  }
0x334: {  	[tilespmem:s12+$0x15200] =	vst v14;
	v14 =	vadd.f32 v17, v8;
	v15 =	vld [tilespmem:s15+$0xD200]  }
0x335: {  	[tilespmem:s12+$0x15280] =	vst v13;
	v12 =	vadd.f32 v12, v8;
	v17 =	vld [tilespmem:s6+$0xD200]  }
0x336: {  	[tilespmem:s12+$0x15300] =	vst v14;
	v11 =	vadd.f32 v11, v6;
	v14 =	vld [tilespmem:s25+$0xD200]  }
0x337: {  	[tilespmem:s12+$0x15380] =	vst v12;
	v13 =	vadd.f32 v16, v7;
	v18 =	vld [tilespmem:s7+$0xD200]  }
.Ltmp3:
0x338: {  	s12 =	sor.u32 $0x300, s31;
	v12 =	vld [tilespmem:s11+$0xD200];
	[tilespmem:s2+$0x15200] =	vst v11;
	v11 =	vadd.f32 v10, v5;
	(pc) =	sbr.rel @p1 .LBB2_9-.Ltmp3, $4  }
0x339: {  	[tilespmem:s0+$0x15200] =	vst v13;
	v15 =	vadd.f32 v15, v9;
	v10 =	vld [tilespmem:s12+$0xD200]  }
0x33a: {  	v13 =	vld [tilespmem:s10+$0xD200];
	[tilespmem:s17+$0x15200] =	vst v11;
	v17 =	vadd.f32 v17, v3;
	s17 =	smov.u32 s5  }
0x33b: {  	[tilespmem:s15+$0x15200] =	vst v15;
	v11 =	vld [tilespmem:s20+$0xD200];
	v16 =	vadd.f32 v14, v4  }
0x33c: {  	s21 =	sadd.s32 $0x40, s21;
	v15 =	vld [tilespmem:s30+$0xD200];
	[tilespmem:s6+$0x15200] =	vst v17;
	v14 =	vadd.f32 v18, v2;
	v2 =	vmov v5;
	v5 =	vmov v8;
	s6 =	smov.u32 s16  }
0x33d: {  	v8 =	vadd.f32 v12, v5;
	_ =	sdelay $0x1  }
0x33e: {  	[tilespmem:s11+$0x15200] =	vst v8  }
0x33f: {  	v8 =	vld [tilespmem:s17+$0xD200];
	_ =	sdelay $0x2  }
0x340: {  	v12 =	vadd.f32 v13, v7  }
0x341: {  	v13 =	vadd.f32 v15, v9  }
0x342: {  	[tilespmem:s10+$0x15200] =	vst v12;
	v8 =	vadd.f32 v8, v5  }
0x343: {  	v12 =	vld [tilespmem:s6+$0xD200];
	[tilespmem:s30+$0x15200] =	vst v13  }
0x344: {  	v13 =	vld [tilespmem:s1+$0xD200];
	[tilespmem:s17+$0x15200] =	vst v8  }
0x345: {  	v8 =	vld [tilespmem:s28+$0xD200]  }
0x346: {  	v10 =	vadd.f32 v10, v6  }
0x347: {  	[tilespmem:s25+$0x15200] =	vst v16;
	v11 =	vadd.f32 v11, v2;
	v15 =	vld [tilespmem:s3+$0xD200]  }
0x348: {  	s0 =	sor.u32 $0x380, s31;
	v16 =	vld [tilespmem:s22+$0xD200];
	[tilespmem:s12+$0x15200] =	vst v10;
	v10 =	vadd.f32 v12, v7  }
0x349: {  	[tilespmem:s20+$0x15200] =	vst v11;
	v12 =	vld [tilespmem:s0+$0xD200];
	v11 =	vadd.f32 v13, v9  }
0x34a: {  	v13 =	vld [tilespmem:s19+$0xD200];
	[tilespmem:s6+$0x15200] =	vst v10;
	v8 =	vadd.f32 v8, v5  }
0x34b: {  	v10 =	vld [tilespmem:s26+$0xD200];
	[tilespmem:s1+$0x15200] =	vst v11  }
0x34c: {  	v3 =	vadd.f32 v15, v3;
	v11 =	vld [tilespmem:s24+$0xD200];
	[tilespmem:s28+$0x15200] =	vst v8  }
0x34d: {  	[tilespmem:s7+$0x15200] =	vst v14;
	v4 =	vadd.f32 v16, v4;
	v8 =	vld [tilespmem:s29+$0xD200]  }
0x34e: {  	[tilespmem:s3+$0x15200] =	vst v3;
	v3 =	vadd.f32 v12, v6  }
0x34f: {  	[tilespmem:s22+$0x15200] =	vst v4;
	v2 =	vadd.f32 v13, v2  }
0x350: {  	[tilespmem:s0+$0x15200] =	vst v3;
	v3 =	vadd.f32 v10, v7  }
0x351: {  	[tilespmem:s19+$0x15200] =	vst v2;
	v2 =	vadd.f32 v11, v9  }
0x352: {  	[tilespmem:s26+$0x15200] =	vst v3;
	v3 =	vadd.f32 v8, v5  }
0x353: {  	[tilespmem:s24+$0x15200] =	vst v2  }
0x354: {  	[tilespmem:s29+$0x15200] =	vst v3  }
0x355: {  	s13 =	simm.s32 $0x0;
	s0 =	rddreg [dreg:$0x18]  }
0x356: {  	s2 =	simm.s32 $0x15200;
	s14 =	rddreg [dreg:$0x16];
	s0 =	sadd.s32 $0x1800, s0  }
0x357: {  	[hbm4b:s0+s13] =	stream.linear.scatter [tilespmem:s2], [sflag:$0x8], $0x4000, $0x38;
	[tilespmem:$0x19200] =	vst v63  }
0x358: {  	v2 =	vld.msk [tilespmem:s14+$0x38], $0xff;
	_ =	sdelay $0x4  }
0x359: {  	v3 =	vshll.u32 v2, $0x4  }
0x35a: {  	v2 =	vand.u32 $0x7, v2;
	v3 =	vand.u32 $0xFFFFFF80, v3  }
0x35b: {  	v2 =	vor.u32 v2, v3  }
0x35c: {  	v2 =	vperm.xlane v2, v0;
	_ =	sdelay $0x1  }
0x35d: {  	v2 =	vadd.s32 v1, v2  }
0x35e: {  	s15 =	rddreg [dreg:$0x1]  }
0x35f: {  	s17 =	rddreg [dreg:$0x9]  }
0x360: {  	s19 =	rddreg [dreg:$0xa]  }
0x361: {  	s16 =	simm.s32 $0xD200;
	s21 =	rddreg [dreg:$0xb]  }
0x362: {  	[tilespmem:s16], [sflag:$0x6] =	stream.indirect_vreg.gather [hbm4b:s15+s13], $0x80, v2, vm0, $0xb8;
	[tilespmem:$0x19200] =	vst v63  }
0x363: {  	s18 =	simm.s32 $0xDA00;
	s23 =	rddreg [dreg:$0xc]  }
0x364: {  	[tilespmem:s18], [sflag:$0x6] =	stream.indirect_vreg.gather [hbm4b:s17+s13], $0x80, v2, vm0, $0xb8;
	[tilespmem:$0x19200] =	vst v63  }
0x365: {  	s20 =	simm.s32 $0xE200;
	s25 =	rddreg [dreg:$0xd]  }
0x366: {  	[tilespmem:s20], [sflag:$0x6] =	stream.indirect_vreg.gather [hbm4b:s19+s13], $0x80, v2, vm0, $0xb8;
	[tilespmem:$0x19200] =	vst v63  }
0x367: {  	s22 =	simm.s32 $0xEA00;
	s30 =	rddreg [dreg:$0xe]  }
0x368: {  	[tilespmem:s22], [sflag:$0x6] =	stream.indirect_vreg.gather [hbm4b:s21+s13], $0x80, v2, vm0, $0xb8;
	[tilespmem:$0x19200] =	vst v63  }
0x369: {  	s24 =	simm.s32 $0xF200;
	s5 =	rddreg [dreg:$0x13]  }
0x36a: {  	[tilespmem:s24], [sflag:$0x6] =	stream.indirect_vreg.gather [hbm4b:s23+s13], $0x80, v2, vm0, $0xb8;
	[tilespmem:$0x19200] =	vst v63  }
0x36b: {  	s31 =	simm.s32 $0x10200;
	s26 =	simm.s32 $0xFA00;
	s1 =	rddreg [dreg:$0x14]  }
0x36c: {  	[tilespmem:s26], [sflag:$0x6] =	stream.indirect_vreg.gather [hbm4b:s25+s13], $0x80, v2, vm0, $0xb8;
	[tilespmem:$0x19200] =	vst v63  }
0x36d: {  	s4 =	simm.s32 $0x10A00;
	p0 =	seq.s32 s5, $0x7;
	s0 =	rddreg [dreg:$0x6]  }
0x36e: {  	[tilespmem:s31], [sflag:$0x6] =	stream.indirect_vreg.gather [hbm4b:s30+s13], $0x80, v2, vm0, $0xb8;
	[tilespmem:$0x19200] =	vst v63  }
0x36f: {  	s6 =	simm.s32 $0x2;
	s3 =	rddreg [dreg:$0xf];
	s0 =	sor.u32 @!p0 s0, s1  }
0x370: {  	[tilespmem:s4], [sflag:$0x6] =	stream.indirect_vreg.gather [hbm4b:s3+s13], $0x80, v2, vm0, $0xb8;
	[tilespmem:$0x19200] =	vst v63  }
0x371: {  	s7 =	simm.s32 $0x3;
	s0 =	sadd.s32 @!p0 $0x1, s0;
	_ =	swait.ge [sflag:s6], $0x800  }
0x372: {  	s1 =	sshll.u32 @!p0 s0, $0x4;
	s0 =	sshll.u32 @!p0 s0, $0x8;
	[sflag:s6] =	ssyncset.done $0x0  }
0x373: {  	s1 =	sand.u32 @!p0 $0x60, s1;
	s0 =	sand.u32 @!p0 $0xFFFF800, s0;
	s2 =	rddreg [dreg:$0x2]  }
0x374: {  	s3 =	simm.s32 @!p0 $0x200;
	[sflag:s6] =	ssyncadd.s32 $0xFFFFF800;
	s1 =	sadd.s32 @!p0 s2, s1  }
0x375: {  	s2 =	simm.s32 @!p0 $0x400;
	s0 =	sadd.s32 @!p0 s0, s1;
	s1 =	simm.s32 @!p0 $0x80  }
0x376: {  	[tilespmem:s3], [sflag:$0x1] =	stream.strided.gather @!p0 [hbm4b:s0+s1], $0x800, s2, s1, $0x38;
	[tilespmem:$0x19200] =	vst v63  }
0x377: {  	_ =	swait.ge [sflag:s7], $0x4000  }
0x378: {  	[sflag:s7] =	ssyncset.done $0x0  }
0x379: {  	s8 =	simm.s32 $0x0;
	s4 =	simm.s32 $0x7;
	[sflag:s7] =	ssyncadd.s32 $0xFFFFC000  }
0x37a: {  	s9 =	sand.u32 $0x40, s8;
	s10 =	sand.u32 $0x780, s8;
	_ =	swait.ge [sflag:s4], $0x4000  }
0x37b: {  	s11 =	sor.u32 $0x30, s9;
	s2 =	sadd.s32 $0xA00, s10;
	[sflag:s4] =	ssyncset.done $0x0  }
0x37c: {  	s0 =	sand.u32 $0x3C00, s8;
	s12 =	sor.u32 s11, s2;
	[sflag:s4] =	ssyncadd.s32 $0xFFFFC000  }
0x37d: {  	s3 =	sor.u32 s0, s11;
	v10 =	vld [tilespmem:s12+$0x0]  }
0x37e: {  	v2 =	vld [tilespmem:s3+$0x1200]  }
0x37f: {  	v3 =	vld [tilespmem:s3+$0x1280]  }
0x380: {  	s13 =	sor.u32 $0x10, s9;
	v4 =	vld [tilespmem:s3+$0x1300]  }
0x381: {  	s5 =	sor.u32 s13, s2;
	v5 =	vld [tilespmem:s3+$0x1380]  }
0x382: {  	s26 =	simm.s32 $0x40;
	s4 =	sor.u32 s0, s13;
	v7 =	vld [tilespmem:s5+$0x0]  }
0x383: {  	s30 =	sand.u32 $0x40, s26;
	v6 =	vld [tilespmem:s4+$0x1200]  }
0x384: {  	s14 =	sor.u32 $0x20, s9;
	s31 =	sor.u32 $0x30, s30;
	p0 =	por $0x0, $0x0;
	v8 =	vld [tilespmem:s4+$0x1280]  }
0x385: {  	s2 =	sor.u32 s14, s2;
	s5 =	simm.s32 $0x1;
	v11 =	vld [tilespmem:s4+$0x1300];
	s12 =	simm.s32 $0x200;
	v2 =	vadd.f32 v2, v10  }
0x386: {  	s15 =	sor.u32 s0, s14;
	v9 =	vld [tilespmem:s2+$0x0];
	s5 =	simm.s32 @!p0 $0x0;
	s11 =	sand.u32 $0x3C00, s12;
	v3 =	vadd.f32 v3, v10  }
0x387: {  	v12 =	vld [tilespmem:s15+$0x1280];
	s5 =	sshll.u32 s5, $0x6;
	s14 =	sor.u32 s11, s31;
	[tilespmem:s3+$0x11200] =	vst v2;
	v2 =	vadd.f32 v4, v10  }
0x388: {  	s18 =	sadd.s32 $0x0, s5;
	v13 =	vld [tilespmem:s14+$0x1200];
	[tilespmem:s3+$0x11280] =	vst v3;
	v3 =	vadd.f32 v5, v10  }
0x389: {  	s6 =	sadd.s32 $0x30, s18;
	v4 =	vld [tilespmem:s4+$0x1380];
	[tilespmem:s3+$0x11300] =	vst v2  }
0x38a: {  	s16 =	sor.u32 $0x200, s6;
	v2 =	vld [tilespmem:s15+$0x1200];
	[tilespmem:s3+$0x11380] =	vst v3  }
0x38b: {  	s17 =	simm.s32 $0xA00;
	v3 =	vadd.f32 v6, v7;
	v5 =	vld [tilespmem:s16+$0x1200]  }
0x38c: {  	v6 =	vadd.f32 v8, v7;
	v8 =	vld [tilespmem:s17+$0x0]  }
0x38d: {  	[tilespmem:s4+$0x11200] =	vst v3;
	v3 =	vadd.f32 v11, v7;
	v11 =	vld [tilespmem:s15+$0x1300]  }
0x38e: {  	s0 =	sor.u32 s9, s0;
	[tilespmem:s4+$0x11280] =	vst v6;
	v6 =	vld [tilespmem:s15+$0x1380];
	v4 =	vadd.f32 v4, v7  }
0x38f: {  	[tilespmem:s4+$0x11300] =	vst v3;
	v3 =	vld [tilespmem:s0+$0x1200];
	v2 =	vadd.f32 v2, v9  }
0x390: {  	[tilespmem:s4+$0x11380] =	vst v4;
	v4 =	vadd.f32 v5, v10;
	v5 =	vld [tilespmem:s0+$0x1280]  }
0x391: {  	[tilespmem:s15+$0x11200] =	vst v2;
	v2 =	vadd.f32 v12, v9;
	v12 =	vld [tilespmem:s0+$0x1300]  }
0x392: {  	s7 =	sadd.s32 $0x10, s18;
	s19 =	sor.u32 $0x280, s6;
	v11 =	vadd.f32 v11, v9;
	[tilespmem:s16+$0x11200] =	vst v4;
	v4 =	vld [tilespmem:s0+$0x1380]  }
0x393: {  	s20 =	sor.u32 $0x200, s7;
	[tilespmem:s15+$0x11280] =	vst v2;
	v2 =	vadd.f32 v6, v9;
	v6 =	vld [tilespmem:s19+$0x1200]  }
0x394: {  	s8 =	sadd.s32 $0x20, s18;
	[tilespmem:s15+$0x11300] =	vst v11;
	v3 =	vadd.f32 v3, v8;
	v11 =	vld [tilespmem:s20+$0x1200]  }
0x395: {  	v14 =	vld [tilespmem:s14+$0x1280];
	s21 =	sor.u32 $0x200, s8;
	[tilespmem:s15+$0x11380] =	vst v2;
	v2 =	vadd.f32 v5, v8  }
0x396: {  	s2 =	sand.u32 $0x780, s26;
	[tilespmem:s0+$0x11200] =	vst v3;
	v5 =	vld [tilespmem:s21+$0x1200];
	v3 =	vadd.f32 v12, v8  }
0x397: {  	s2 =	sadd.s32 $0xA00, s2;
	v15 =	vld [tilespmem:s14+$0x1300];
	[tilespmem:s0+$0x11280] =	vst v2;
	v2 =	vadd.f32 v4, v8  }
0x398: {  	s13 =	sor.u32 s31, s2;
	v16 =	vld [tilespmem:s14+$0x1380];
	[tilespmem:s0+$0x11300] =	vst v3;
	v3 =	vadd.f32 v6, v10  }
0x399: {  	s22 =	sor.u32 $0x200, s18;
	[tilespmem:s0+$0x11380] =	vst v2;
	v2 =	vadd.f32 v11, v7;
	v11 =	vld [tilespmem:s13+$0x0]  }
0x39a: {  	s23 =	sor.u32 $0x300, s6;
	s15 =	sor.u32 $0x10, s30;
	v4 =	vld [tilespmem:s22+$0x1200];
	[tilespmem:s19+$0x11200] =	vst v3  }
0x39b: {  	s13 =	sor.u32 s11, s15;
	v3 =	vadd.f32 v5, v9;
	v5 =	vld [tilespmem:s23+$0x1200]  }
0x39c: {  	v17 =	vld [tilespmem:s13+$0x1200]  }
0x39d: {  	s9 =	simm.s32 $0xA40;
	v18 =	vld [tilespmem:s13+$0x1380]  }
0x39e: {  	s24 =	sor.u32 $0x280, s7;
	[tilespmem:s20+$0x11200] =	vst v2;
	v2 =	vld [tilespmem:s9+$0x0];
	v15 =	vadd.f32 v15, v11  }
0x39f: {  	s25 =	sor.u32 $0x280, s8;
	v6 =	vld [tilespmem:s24+$0x1200];
	[tilespmem:s21+$0x11200] =	vst v3;
	v4 =	vadd.f32 v4, v8  }
0x3a0: {  	p0 =	por !p0, !p0;
	s4 =	simm.s32 $0x1;
	s16 =	sor.u32 s15, s2;
	v12 =	vld [tilespmem:s25+$0x1200];
	v5 =	vadd.f32 v5, v10;
	[tilespmem:s14+$0x11300] =	vst v15  }
0x3a1: {  	s4 =	simm.s32 @!p0 $0x0;
	v3 =	vld [tilespmem:s16+$0x0];
	[tilespmem:s22+$0x11200] =	vst v4;
	v4 =	vadd.f32 v13, v11;
	v13 =	vadd.f32 v14, v11  }
0x3a2: {  	s17 =	sor.u32 $0x20, s30;
	s4 =	sshll.u32 s4, $0x6;
	[tilespmem:s23+$0x11200] =	vst v5;
	v5 =	vld [tilespmem:s13+$0x1280]  }
0x3a3: {  	s4 =	sadd.s32 $0x200, s4;
	s0 =	sor.u32 s11, s17;
	v14 =	vld [tilespmem:s13+$0x1300];
	[tilespmem:s14+$0x11280] =	vst v13;
	v13 =	vadd.f32 v16, v11  }
0x3a4: {  	s10 =	sadd.s32 $0x30, s4;
	s2 =	sor.u32 s17, s2;
	v15 =	vld [tilespmem:s0+$0x1200];
	v6 =	vadd.f32 v6, v7;
	[tilespmem:s14+$0x11200] =	vst v4  }
0x3a5: {  	s19 =	sor.u32 $0x200, s10;
	v4 =	vld [tilespmem:s2+$0x0];
	v12 =	vadd.f32 v12, v9;
	[tilespmem:s14+$0x11380] =	vst v13  }
0x3a6: {  	[tilespmem:s24+$0x11200] =	vst v6;
	v6 =	vadd.f32 v17, v3;
	v13 =	vld [tilespmem:s19+$0x1200]  }
0x3a7: {  	[tilespmem:s25+$0x11200] =	vst v12;
	v12 =	vld [tilespmem:s0+$0x1280];
	v5 =	vadd.f32 v5, v3  }
0x3a8: {  	[tilespmem:s13+$0x11200] =	vst v6;
	v6 =	vadd.f32 v14, v3;
	v14 =	vld [tilespmem:s0+$0x1300]  }
0x3a9: {  	s20 =	sor.u32 s30, s11;
	v16 =	vld [tilespmem:s0+$0x1380];
	[tilespmem:s13+$0x11280] =	vst v5;
	v5 =	vadd.f32 v18, v3  }
0x3aa: {  	[tilespmem:s13+$0x11300] =	vst v6;
	v6 =	vld [tilespmem:s20+$0x1200];
	v15 =	vadd.f32 v15, v4  }
0x3ab: {  	[tilespmem:s13+$0x11380] =	vst v5;
	v5 =	vld [tilespmem:s20+$0x1280];
	v13 =	vadd.f32 v13, v11  }
0x3ac: {  	v17 =	vld [tilespmem:s20+$0x1300];
	[tilespmem:s0+$0x11200] =	vst v15;
	v12 =	vadd.f32 v12, v4  }
0x3ad: {  	s3 =	sadd.s32 $0x10, s4;
	s21 =	sor.u32 $0x280, s10;
	v15 =	vld [tilespmem:s20+$0x1380];
	v14 =	vadd.f32 v14, v4;
	[tilespmem:s19+$0x11200] =	vst v13  }
0x3ae: {  	s22 =	sor.u32 $0x200, s3;
	[tilespmem:s0+$0x11280] =	vst v12;
	v12 =	vadd.f32 v16, v4;
	v13 =	vld [tilespmem:s21+$0x1200]  }
0x3af: {  	s1 =	sadd.s32 $0x20, s4;
	s23 =	sor.u32 $0x280, s18;
	v16 =	vld [tilespmem:s22+$0x1200];
	v6 =	vadd.f32 v6, v2;
	[tilespmem:s0+$0x11300] =	vst v14  }
0x3b0: {  	s24 =	sor.u32 $0x200, s1;
	[tilespmem:s0+$0x11380] =	vst v12;
	v12 =	vld [tilespmem:s23+$0x1200];
	v5 =	vadd.f32 v5, v2  }
0x3b1: {  	s6 =	sor.u32 $0x380, s6;
	[tilespmem:s20+$0x11200] =	vst v6;
	v6 =	vadd.f32 v17, v2;
	v14 =	vld [tilespmem:s24+$0x1200]  }
0x3b2: {  	s25 =	sor.u32 $0x300, s7;
	v17 =	vld [tilespmem:s6+$0x1200];
	[tilespmem:s20+$0x11280] =	vst v5;
	v5 =	vadd.f32 v15, v2  }
0x3b3: {  	s26 =	sor.u32 $0x300, s8;
	[tilespmem:s20+$0x11300] =	vst v6;
	v15 =	vld [tilespmem:s25+$0x1200];
	v6 =	vadd.f32 v13, v11  }
0x3b4: {  	s14 =	sor.u32 $0x200, s4;
	v13 =	vld [tilespmem:s26+$0x1200];
	[tilespmem:s20+$0x11380] =	vst v5;
	v5 =	vadd.f32 v16, v3  }
0x3b5: {  	s30 =	sor.u32 $0x300, s10;
	v16 =	vld [tilespmem:s14+$0x1200];
	[tilespmem:s21+$0x11200] =	vst v6;
	v6 =	vadd.f32 v12, v8  }
0x3b6: {  	s31 =	simm.s32 $0x80;
	s15 =	sor.u32 $0x280, s3;
	[tilespmem:s22+$0x11200] =	vst v5;
	v5 =	vadd.f32 v14, v4;
	v12 =	vld [tilespmem:s30+$0x1200]  }
0x3b7: {  	s9 =	sand.u32 $0x780, s31;
	s16 =	sor.u32 $0x300, s18;
	s19 =	sand.u32 $0x40, s31;
	v14 =	vld [tilespmem:s15+$0x1200];
	[tilespmem:s23+$0x11200] =	vst v6  }
0x3b8: {  	s5 =	sor.u32 $0x280, s1;
	s20 =	sadd.s32 $0xA00, s9;
	s21 =	sor.u32 $0x30, s19;
	v6 =	vadd.f32 v15, v7;
	[tilespmem:s24+$0x11200] =	vst v5;
	v15 =	vld [tilespmem:s16+$0x1200]  }
0x3b9: {  	s22 =	sor.u32 s21, s20;
	v5 =	vadd.f32 v13, v9;
	v13 =	vld [tilespmem:s5+$0x1200]  }
0x3ba: {  	s7 =	sor.u32 $0x380, s7;
	s9 =	simm.s32 $0x400;
	[tilespmem:s25+$0x11200] =	vst v6;
	v6 =	vld [tilespmem:s22+$0x0]  }
0x3bb: {  	s0 =	sor.u32 $0x380, s8;
	s8 =	simm.s32 $0xA80;
	s23 =	sand.u32 $0x3C00, s9;
	v18 =	vld [tilespmem:s7+$0x1200]  }
0x3bc: {  	v10 =	vadd.f32 v17, v10;
	s25 =	sor.u32 s23, s21;
	[tilespmem:s26+$0x11200] =	vst v5;
	v5 =	vld [tilespmem:s8+$0x0]  }
0x3bd: {  	v16 =	vadd.f32 v16, v2;
	v17 =	vld [tilespmem:s25+$0x1200]  }
0x3be: {  	[tilespmem:s6+$0x11200] =	vst v10;
	v12 =	vadd.f32 v12, v11;
	v19 =	vld [tilespmem:s0+$0x1200]  }
0x3bf: {  	v10 =	vadd.f32 v14, v3;
	v14 =	vld [tilespmem:s25+$0x1280];
	[tilespmem:s14+$0x11200] =	vst v16  }
0x3c0: {  	s24 =	sor.u32 $0x380, s10;
	v16 =	vld [tilespmem:s25+$0x1300];
	[tilespmem:s30+$0x11200] =	vst v12  }
0x3c1: {  	s26 =	sor.u32 $0x10, s19;
	v15 =	vadd.f32 v15, v8;
	v12 =	vld [tilespmem:s24+$0x1200]  }
0x3c2: {  	s30 =	sor.u32 s26, s20;
	[tilespmem:s15+$0x11200] =	vst v10;
	v10 =	vadd.f32 v13, v4;
	v13 =	vld [tilespmem:s25+$0x1380]  }
0x3c3: {  	s31 =	sor.u32 $0x20, s19;
	s6 =	sor.u32 s23, s26;
	[tilespmem:s16+$0x11200] =	vst v15;
	v15 =	vadd.f32 v18, v7;
	v7 =	vld [tilespmem:s30+$0x0]  }
0x3c4: {  	p0 =	por !p0, !p0;
	s11 =	simm.s32 $0x1;
	s12 =	sor.u32 s31, s20;
	v17 =	vadd.f32 v17, v6;
	[tilespmem:s5+$0x11200] =	vst v10;
	v10 =	vld [tilespmem:s6+$0x1200]  }
0x3c5: {  	s11 =	simm.s32 @!p0 $0x0;
	v18 =	vadd.f32 v19, v9;
	v9 =	vld [tilespmem:s12+$0x0];
	[tilespmem:s7+$0x11200] =	vst v15;
	v14 =	vadd.f32 v14, v6  }
0x3c6: {  	s11 =	sshll.u32 s11, $0x6;
	v15 =	vld [tilespmem:s6+$0x1280];
	[tilespmem:s25+$0x11200] =	vst v17;
	v16 =	vadd.f32 v16, v6  }
0x3c7: {  	s13 =	sadd.s32 $0x400, s11;
	v17 =	vld [tilespmem:s6+$0x1300];
	[tilespmem:s25+$0x11280] =	vst v14;
	v13 =	vadd.f32 v13, v6  }
0x3c8: {  	s20 =	sadd.s32 $0x30, s13;
	s7 =	sor.u32 s23, s31;
	v14 =	vld [tilespmem:s6+$0x1380];
	[tilespmem:s25+$0x11300] =	vst v16  }
0x3c9: {  	s14 =	sor.u32 $0x200, s20;
	v11 =	vadd.f32 v12, v11;
	v12 =	vld [tilespmem:s7+$0x1200];
	[tilespmem:s25+$0x11380] =	vst v13  }
0x3ca: {  	[tilespmem:s0+$0x11200] =	vst v18;
	v10 =	vadd.f32 v10, v7;
	v13 =	vld [tilespmem:s14+$0x1200]  }
0x3cb: {  	[tilespmem:s24+$0x11200] =	vst v11;
	v11 =	vadd.f32 v15, v7;
	v15 =	vld [tilespmem:s7+$0x1280]  }
0x3cc: {  	v16 =	vld [tilespmem:s7+$0x1300];
	[tilespmem:s6+$0x11200] =	vst v10;
	v10 =	vadd.f32 v17, v7  }
0x3cd: {  	s0 =	sor.u32 s19, s23;
	[tilespmem:s6+$0x11280] =	vst v11;
	v11 =	vadd.f32 v14, v7;
	v14 =	vld [tilespmem:s7+$0x1380]  }
0x3ce: {  	v12 =	vadd.f32 v12, v9;
	[tilespmem:s6+$0x11300] =	vst v10;
	v10 =	vld [tilespmem:s0+$0x1200]  }
0x3cf: {  	[tilespmem:s6+$0x11380] =	vst v11;
	v11 =	vld [tilespmem:s0+$0x1280];
	v13 =	vadd.f32 v13, v6  }
0x3d0: {  	v17 =	vld [tilespmem:s0+$0x1300];
	[tilespmem:s7+$0x11200] =	vst v12;
	v12 =	vadd.f32 v15, v9  }
0x3d1: {  	s15 =	sadd.s32 $0x10, s13;
	s24 =	sor.u32 $0x280, s20;
	v16 =	vadd.f32 v16, v9;
	v15 =	vld [tilespmem:s0+$0x1380];
	[tilespmem:s14+$0x11200] =	vst v13  }
0x3d2: {  	s25 =	sor.u32 $0x200, s15;
	[tilespmem:s7+$0x11280] =	vst v12;
	v12 =	vadd.f32 v14, v9;
	v13 =	vld [tilespmem:s24+$0x1200]  }
0x3d3: {  	s26 =	sor.u32 $0x280, s4;
	s30 =	sadd.s32 $0x20, s13;
	[tilespmem:s7+$0x11300] =	vst v16;
	v14 =	vld [tilespmem:s25+$0x1200];
	v10 =	vadd.f32 v10, v5  }
0x3d4: {  	s31 =	sor.u32 $0x200, s30;
	v16 =	vld [tilespmem:s26+$0x1200];
	v11 =	vadd.f32 v11, v5;
	[tilespmem:s7+$0x11380] =	vst v12  }
0x3d5: {  	s21 =	sor.u32 $0x300, s3;
	[tilespmem:s0+$0x11200] =	vst v10;
	v10 =	vadd.f32 v17, v5;
	v17 =	vld [tilespmem:s31+$0x1200]  }
0x3d6: {  	s23 =	sor.u32 $0x300, s1;
	[tilespmem:s0+$0x11280] =	vst v11;
	v11 =	vadd.f32 v15, v5;
	v15 =	vld [tilespmem:s21+$0x1200]  }
0x3d7: {  	v18 =	vld [tilespmem:s23+$0x1200];
	s7 =	sor.u32 $0x380, s18;
	[tilespmem:s0+$0x11300] =	vst v10;
	v10 =	vadd.f32 v13, v6  }
0x3d8: {  	s11 =	sor.u32 $0x200, s13;
	s17 =	sor.u32 $0x280, s13;
	[tilespmem:s0+$0x11380] =	vst v11;
	v11 =	vadd.f32 v14, v7;
	v14 =	vld [tilespmem:s7+$0x1200]  }
0x3d9: {  	s28 =	sor.u32 $0x300, s13;
	s3 =	sor.u32 $0x380, s3;
	s12 =	sor.u32 $0x300, s20;
	v16 =	vadd.f32 v16, v2;
	v12 =	vld [tilespmem:s11+$0x1200];
	[tilespmem:s24+$0x11200] =	vst v10  }
0x3da: {  	s22 =	simm.s32 $0x8;
	s10 =	sor.u32 $0x280, s15;
	s29 =	sor.u32 $0x280, s30;
	[tilespmem:s25+$0x11200] =	vst v11;
	v11 =	vadd.f32 v17, v9;
	v10 =	vld [tilespmem:s12+$0x1200]  }
0x3db: {  	s19 =	sor.u32 $0x300, s4;
	s4 =	sor.u32 $0x380, s4;
	s6 =	sor.u32 $0x300, s15;
	[tilespmem:s26+$0x11200] =	vst v16;
	v13 =	vld [tilespmem:s10+$0x1200];
	v17 =	vadd.f32 v15, v3  }
0x3dc: {  	s18 =	sor.u32 $0x380, s1;
	s1 =	sor.u32 $0x300, s30;
	s26 =	sor.u32 $0x380, s13;
	v16 =	vadd.f32 v18, v4;
	[tilespmem:s31+$0x11200] =	vst v11;
	v11 =	vld [tilespmem:s19+$0x1200]  }
0x3dd: {  	s25 =	sor.u32 $0x380, s15;
	s24 =	sor.u32 $0x380, s30;
	v15 =	vld [tilespmem:s29+$0x1200];
	[tilespmem:s21+$0x11200] =	vst v17;
	s21 =	simm.s32 $0xC0;
	v14 =	vadd.f32 v14, v8  }
.LBB2_11:
0x3de: {  	s0 =	sand.u32 $0x40, s21;
	s2 =	sand.u32 $0x780, s21;
	v12 =	vadd.f32 v12, v5;
	s8 =	sadd.s32 $0x40, s8;
	v17 =	vld [tilespmem:s3+$0x1200];
	[tilespmem:s23+$0x11200] =	vst v16  }
0x3df: {  	s5 =	sor.u32 $0x10, s0;
	s2 =	sadd.s32 $0xA00, s2;
	s13 =	sor.u32 $0x30, s0;
	v10 =	vadd.f32 v10, v6;
	v16 =	vld [tilespmem:s18+$0x1200];
	[tilespmem:s7+$0x11200] =	vst v14  }
0x3e0: {  	s9 =	sadd.s32 $0x200, s9;
	s7 =	sor.u32 $0x20, s0;
	v8 =	vld [tilespmem:s8+$0x0];
	s14 =	sor.u32 s13, s2;
	[tilespmem:s11+$0x11200] =	vst v12;
	v12 =	vadd.f32 v13, v7  }
0x3e1: {  	s16 =	sor.u32 $0x380, s20;
	s11 =	sand.u32 $0x3C00, s9;
	s15 =	sor.u32 s5, s2;
	v13 =	vld [tilespmem:s14+$0x0];
	[tilespmem:s12+$0x11200] =	vst v10;
	v10 =	vadd.f32 v11, v2  }
0x3e2: {  	s2 =	sor.u32 s7, s2;
	s14 =	sor.u32 s11, s5;
	s5 =	sor.u32 s11, s13;
	[tilespmem:s10+$0x11200] =	vst v12;
	v11 =	vadd.f32 v15, v9;
	v12 =	vld [tilespmem:s16+$0x1200]  }
0x3e3: {  	s22 =	sadd.s32 $0x4, s22;
	s12 =	sor.u32 s0, s11;
	s13 =	sor.u32 s11, s7;
	v14 =	vld [tilespmem:s5+$0x1200];
	[tilespmem:s19+$0x11200] =	vst v10;
	v10 =	vadd.f32 v17, v3;
	v3 =	vmov v7  }
0x3e4: {  	s23 =	smov.u32 s1;
	p1 =	slt.u32 s22, $0x7C;
	s19 =	smov.u32 s28;
	v15 =	vld [tilespmem:s5+$0x1280];
	[tilespmem:s29+$0x11200] =	vst v11;
	v7 =	vadd.f32 v16, v4;
	v4 =	vmov v9  }
0x3e5: {  	s7 =	smov.u32 s4;
	s4 =	smov.u32 s26;
	v9 =	vld [tilespmem:s5+$0x1300];
	[tilespmem:s3+$0x11200] =	vst v10;
	s3 =	smov.u32 s25  }
0x3e6: {  	v10 =	vld [tilespmem:s5+$0x1380];
	[tilespmem:s18+$0x11200] =	vst v7;
	s18 =	smov.u32 s24  }
0x3e7: {  	v7 =	vld [tilespmem:s15+$0x0];
	v11 =	vadd.f32 v12, v6;
	v6 =	vmov v13  }
0x3e8: {  	p0 =	por !p0, !p0;
	s0 =	simm.s32 $0x1;
	v12 =	vld [tilespmem:s14+$0x1200];
	v13 =	vadd.f32 v14, v6  }
0x3e9: {  	s0 =	simm.s32 @!p0 $0x0;
	v14 =	vld [tilespmem:s14+$0x1280];
	v15 =	vadd.f32 v15, v6;
	[tilespmem:s16+$0x11200] =	vst v11  }
0x3ea: {  	s0 =	sshll.u32 s0, $0x6;
	v11 =	vld [tilespmem:s14+$0x1300];
	[tilespmem:s5+$0x11200] =	vst v13;
	v13 =	vadd.f32 v9, v6  }
0x3eb: {  	s26 =	sadd.s32 s0, s9;
	v16 =	vld [tilespmem:s14+$0x1380];
	[tilespmem:s5+$0x11280] =	vst v15;
	v10 =	vadd.f32 v10, v6  }
0x3ec: {  	s20 =	sadd.s32 $0x30, s26;
	s24 =	sadd.s32 $0x10, s26;
	v9 =	vld [tilespmem:s2+$0x0];
	s2 =	sadd.s32 $0x20, s26;
	[tilespmem:s5+$0x11300] =	vst v13  }
0x3ed: {  	s30 =	sor.u32 $0x200, s20;
	s0 =	sor.u32 $0x200, s24;
	v12 =	vadd.f32 v12, v7;
	v13 =	vld [tilespmem:s13+$0x1200];
	s15 =	sor.u32 $0x200, s2;
	[tilespmem:s5+$0x11380] =	vst v10  }
0x3ee: {  	s11 =	sor.u32 $0x200, s26;
	s10 =	sor.u32 $0x280, s24;
	s29 =	sor.u32 $0x280, s2;
	v10 =	vadd.f32 v14, v7;
	v14 =	vld [tilespmem:s30+$0x1200]  }
0x3ef: {  	s16 =	sor.u32 $0x300, s24;
	s5 =	sor.u32 $0x280, s26;
	s1 =	sor.u32 $0x300, s2;
	[tilespmem:s14+$0x11200] =	vst v12;
	v11 =	vadd.f32 v11, v7;
	v12 =	vld [tilespmem:s13+$0x1280]  }
0x3f0: {  	s28 =	sor.u32 $0x300, s26;
	s25 =	sor.u32 $0x380, s24;
	s24 =	sor.u32 $0x380, s2;
	[tilespmem:s14+$0x11280] =	vst v10;
	v10 =	vadd.f32 v16, v7;
	v15 =	vld [tilespmem:s13+$0x1300]  }
0x3f1: {  	s26 =	sor.u32 $0x380, s26;
	[tilespmem:s14+$0x11300] =	vst v11;
	v11 =	vld [tilespmem:s13+$0x1380]  }
0x3f2: {  	v16 =	vld [tilespmem:s12+$0x1200];
	[tilespmem:s14+$0x11380] =	vst v10;
	v10 =	vadd.f32 v13, v9  }
0x3f3: {  	v13 =	vld [tilespmem:s12+$0x1280];
	v14 =	vadd.f32 v14, v6  }
0x3f4: {  	v17 =	vld [tilespmem:s12+$0x1300];
	[tilespmem:s13+$0x11200] =	vst v10;
	v10 =	vadd.f32 v12, v9  }
0x3f5: {  	s2 =	sor.u32 $0x280, s20;
	v12 =	vld [tilespmem:s12+$0x1380];
	v15 =	vadd.f32 v15, v9;
	[tilespmem:s30+$0x11200] =	vst v14  }
0x3f6: {  	[tilespmem:s13+$0x11280] =	vst v10;
	v10 =	vadd.f32 v11, v9;
	v11 =	vld [tilespmem:s2+$0x1200]  }
0x3f7: {  	v14 =	vadd.f32 v16, v8;
	v16 =	vld [tilespmem:s0+$0x1200];
	[tilespmem:s13+$0x11300] =	vst v15  }
0x3f8: {  	v13 =	vadd.f32 v13, v8;
	[tilespmem:s13+$0x11380] =	vst v10;
	v10 =	vld [tilespmem:s17+$0x1200]  }
0x3f9: {  	[tilespmem:s12+$0x11200] =	vst v14;
	v14 =	vadd.f32 v17, v8;
	v15 =	vld [tilespmem:s15+$0x1200]  }
0x3fa: {  	[tilespmem:s12+$0x11280] =	vst v13;
	v12 =	vadd.f32 v12, v8;
	v17 =	vld [tilespmem:s6+$0x1200]  }
0x3fb: {  	[tilespmem:s12+$0x11300] =	vst v14;
	v11 =	vadd.f32 v11, v6;
	v14 =	vld [tilespmem:s23+$0x1200]  }
0x3fc: {  	[tilespmem:s12+$0x11380] =	vst v12;
	v13 =	vadd.f32 v16, v7;
	v18 =	vld [tilespmem:s7+$0x1200]  }
.Ltmp4:
0x3fd: {  	s12 =	sor.u32 $0x300, s20;
	v12 =	vld [tilespmem:s11+$0x1200];
	[tilespmem:s2+$0x11200] =	vst v11;
	v11 =	vadd.f32 v10, v5;
	(pc) =	sbr.rel @p1 .LBB2_11-.Ltmp4, $4  }
0x3fe: {  	[tilespmem:s0+$0x11200] =	vst v13;
	v15 =	vadd.f32 v15, v9;
	v10 =	vld [tilespmem:s12+$0x1200]  }
0x3ff: {  	v13 =	vld [tilespmem:s10+$0x1200];
	[tilespmem:s17+$0x11200] =	vst v11;
	v17 =	vadd.f32 v17, v3;
	s17 =	smov.u32 s5  }
0x400: {  	[tilespmem:s15+$0x11200] =	vst v15;
	v11 =	vld [tilespmem:s19+$0x1200];
	v16 =	vadd.f32 v14, v4  }
0x401: {  	s21 =	sadd.s32 $0x40, s21;
	v15 =	vld [tilespmem:s29+$0x1200];
	[tilespmem:s6+$0x11200] =	vst v17;
	v14 =	vadd.f32 v18, v2;
	v2 =	vmov v5;
	v5 =	vmov v8;
	s6 =	smov.u32 s16  }
0x402: {  	v8 =	vadd.f32 v12, v5;
	_ =	sdelay $0x1  }
0x403: {  	[tilespmem:s11+$0x11200] =	vst v8  }
0x404: {  	v8 =	vld [tilespmem:s17+$0x1200];
	_ =	sdelay $0x2  }
0x405: {  	v12 =	vadd.f32 v13, v7  }
0x406: {  	v13 =	vadd.f32 v15, v9  }
0x407: {  	[tilespmem:s10+$0x11200] =	vst v12;
	v8 =	vadd.f32 v8, v5  }
0x408: {  	v12 =	vld [tilespmem:s6+$0x1200];
	[tilespmem:s29+$0x11200] =	vst v13  }
0x409: {  	v13 =	vld [tilespmem:s1+$0x1200];
	[tilespmem:s17+$0x11200] =	vst v8  }
0x40a: {  	v8 =	vld [tilespmem:s28+$0x1200]  }
0x40b: {  	v10 =	vadd.f32 v10, v6  }
0x40c: {  	[tilespmem:s23+$0x11200] =	vst v16;
	v11 =	vadd.f32 v11, v2;
	v15 =	vld [tilespmem:s3+$0x1200]  }
0x40d: {  	s0 =	sor.u32 $0x380, s20;
	v16 =	vld [tilespmem:s18+$0x1200];
	[tilespmem:s12+$0x11200] =	vst v10;
	v10 =	vadd.f32 v12, v7  }
0x40e: {  	[tilespmem:s19+$0x11200] =	vst v11;
	v12 =	vld [tilespmem:s0+$0x1200];
	v11 =	vadd.f32 v13, v9  }
0x40f: {  	v13 =	vld [tilespmem:s4+$0x1200];
	[tilespmem:s6+$0x11200] =	vst v10;
	v8 =	vadd.f32 v8, v5  }
0x410: {  	v10 =	vld [tilespmem:s25+$0x1200];
	[tilespmem:s1+$0x11200] =	vst v11  }
0x411: {  	v3 =	vadd.f32 v15, v3;
	v11 =	vld [tilespmem:s24+$0x1200];
	[tilespmem:s28+$0x11200] =	vst v8  }
0x412: {  	[tilespmem:s7+$0x11200] =	vst v14;
	v4 =	vadd.f32 v16, v4;
	v8 =	vld [tilespmem:s26+$0x1200]  }
0x413: {  	[tilespmem:s3+$0x11200] =	vst v3;
	v3 =	vadd.f32 v12, v6  }
0x414: {  	[tilespmem:s18+$0x11200] =	vst v4;
	v2 =	vadd.f32 v13, v2  }
0x415: {  	[tilespmem:s0+$0x11200] =	vst v3;
	v3 =	vadd.f32 v10, v7  }
0x416: {  	[tilespmem:s4+$0x11200] =	vst v2;
	v2 =	vadd.f32 v11, v9  }
0x417: {  	[tilespmem:s25+$0x11200] =	vst v3;
	v3 =	vadd.f32 v8, v5  }
0x418: {  	[tilespmem:s24+$0x11200] =	vst v2  }
0x419: {  	s3 =	rddreg [dreg:$0x14];
	[tilespmem:s26+$0x11200] =	vst v3  }
0x41a: {  	s22 =	sshll.u32 s3, $0xD;
	s1 =	rddreg [dreg:$0x10]  }
0x41b: {  	s23 =	simm.s32 $0x0;
	s2 =	simm.s32 $0x11200;
	s0 =	sadd.s32 s22, s1  }
0x41c: {  	[hbm4b:s0+s23] =	stream.linear.scatter [tilespmem:s2], [sflag:$0x7], $0x4000, $0x38;
	[tilespmem:$0x19200] =	vst v63  }
0x41d: {  	p0 =	sgt.u32 s3, $0xE;
	s0 =	sshll.u32 s3, $0x7  }
0x41e: {  	s0 =	sshrl.u32 @!p0 s0, $0x2  }
0x41f: {  	v2 =	vld.msk @!p0 [tilespmem:s0+$0x20], $0xff;
	_ =	sdelay $0x4  }
0x420: {  	v3 =	vshll.u32 @!p0 v2, $0x4  }
0x421: {  	v4 =	vlaneseq.u32 @!p0;
	v2 =	vand.u32 @!p0 $0x7, v2;
	v3 =	vand.u32 @!p0 $0xFFFFFF80, v3  }
0x422: {  	v2 =	vor.u32 @!p0 v2, v3;
	v3 =	vand.u32 @!p0 $0x7, v4;
	v4 =	vshrl.u32 @!p0 v4, $0x3  }
0x423: {  	v2 =	vperm.xlane @!p0 v2, v3;
	v3 =	vmul.u32 @!p0 $0x8, v4;
	_ =	sdelay $0x1  }
0x424: {  	v2 =	vadd.s32 @!p0 v3, v2;
	_ =	sdelay $0x2  }
0x425: {  	s2 =	rddreg [dreg:$0x1]  }
0x426: {  	vm1 =	vmmov @!p0 $0xffff;
	s1 =	simm.s32 @!p0 $0x1200;
	[dreg:$0x15] =	wrdreg s0;
	s0 =	simm.s32 @!p0 $0x0  }
0x427: {  	[tilespmem:s1], [sflag:$0x3] =	stream.indirect_vreg.gather @!p0 [hbm4b:s2+s0], $0x80, v2, vm1, $0xb8;
	[tilespmem:$0x19200] =	vst v63  }
0x428: {  	s1 =	simm.s32 @!p0 $0x1A00;
	s2 =	rddreg [dreg:$0x9]  }
0x429: {  	[tilespmem:s1], [sflag:$0x3] =	stream.indirect_vreg.gather @!p0 [hbm4b:s2+s0], $0x80, v2, vm1, $0xb8;
	[tilespmem:$0x19200] =	vst v63  }
0x42a: {  	s1 =	simm.s32 @!p0 $0x2200;
	s2 =	rddreg [dreg:$0xa]  }
0x42b: {  	[tilespmem:s1], [sflag:$0x3] =	stream.indirect_vreg.gather @!p0 [hbm4b:s2+s0], $0x80, v2, vm1, $0xb8;
	[tilespmem:$0x19200] =	vst v63  }
0x42c: {  	s1 =	simm.s32 @!p0 $0x2A00;
	s2 =	rddreg [dreg:$0xb]  }
0x42d: {  	[tilespmem:s1], [sflag:$0x3] =	stream.indirect_vreg.gather @!p0 [hbm4b:s2+s0], $0x80, v2, vm1, $0xb8;
	[tilespmem:$0x19200] =	vst v63  }
0x42e: {  	s1 =	simm.s32 @!p0 $0x3200;
	s2 =	rddreg [dreg:$0xc]  }
0x42f: {  	[tilespmem:s1], [sflag:$0x3] =	stream.indirect_vreg.gather @!p0 [hbm4b:s2+s0], $0x80, v2, vm1, $0xb8;
	[tilespmem:$0x19200] =	vst v63  }
0x430: {  	s1 =	simm.s32 @!p0 $0x3A00;
	s2 =	rddreg [dreg:$0xd]  }
0x431: {  	[tilespmem:s1], [sflag:$0x3] =	stream.indirect_vreg.gather @!p0 [hbm4b:s2+s0], $0x80, v2, vm1, $0xb8;
	[tilespmem:$0x19200] =	vst v63  }
0x432: {  	s1 =	simm.s32 @!p0 $0x4200;
	s2 =	rddreg [dreg:$0xe]  }
0x433: {  	[tilespmem:s1], [sflag:$0x3] =	stream.indirect_vreg.gather @!p0 [hbm4b:s2+s0], $0x80, v2, vm1, $0xb8;
	[tilespmem:$0x19200] =	vst v63  }
0x434: {  	s24 =	simm.s32 $0x4;
	s1 =	simm.s32 @!p0 $0x4A00;
	s2 =	rddreg [dreg:$0xf]  }
0x435: {  	[tilespmem:s1], [sflag:$0x3] =	stream.indirect_vreg.gather @!p0 [hbm4b:s2+s0], $0x80, v2, vm1, $0xb8;
	[tilespmem:$0x19200] =	vst v63  }
0x436: {  	_ =	swait.ge [sflag:s24], $0x4000  }
0x437: {  	[sflag:s24] =	ssyncset.done $0x0  }
0x438: {  	s25 =	simm.s32 $0x0;
	s26 =	simm.s32 $0x8;
	[sflag:s24] =	ssyncadd.s32 $0xFFFFC000  }
0x439: {  	s30 =	sand.u32 $0x40, s25;
	s6 =	sand.u32 $0x780, s25;
	_ =	swait.ge [sflag:s26], $0x4000  }
0x43a: {  	s7 =	sor.u32 $0x30, s30;
	s2 =	sadd.s32 $0xA00, s6;
	[sflag:s26] =	ssyncset.done $0x0  }
0x43b: {  	s0 =	sand.u32 $0x3C00, s25;
	s8 =	sor.u32 s7, s2;
	[sflag:s26] =	ssyncadd.s32 $0xFFFFC000  }
0x43c: {  	s3 =	sor.u32 s0, s7;
	v10 =	vld [tilespmem:s8+$0x0]  }
0x43d: {  	v2 =	vld [tilespmem:s3+$0x5200]  }
0x43e: {  	v3 =	vld [tilespmem:s3+$0x5280]  }
0x43f: {  	s9 =	sor.u32 $0x10, s30;
	v4 =	vld [tilespmem:s3+$0x5300]  }
0x440: {  	s5 =	sor.u32 s9, s2;
	v5 =	vld [tilespmem:s3+$0x5380]  }
0x441: {  	s10 =	sor.u32 s0, s9;
	v7 =	vld [tilespmem:s5+$0x0]  }
0x442: {  	p1 =	por $0x0, $0x0;
	s4 =	simm.s32 $0x1;
	v6 =	vld [tilespmem:s10+$0x5200]  }
0x443: {  	s21 =	simm.s32 $0x40;
	s4 =	simm.s32 @!p1 $0x0;
	s11 =	sor.u32 $0x20, s30;
	v8 =	vld [tilespmem:s10+$0x5280]  }
0x444: {  	s22 =	sand.u32 $0x40, s21;
	s25 =	simm.s32 $0x200;
	s2 =	sor.u32 s11, s2;
	v11 =	vld [tilespmem:s10+$0x5300];
	v2 =	vadd.f32 v2, v10  }
0x445: {  	s24 =	sor.u32 $0x30, s22;
	s5 =	sor.u32 s0, s11;
	v9 =	vld [tilespmem:s2+$0x0];
	s11 =	sand.u32 $0x3C00, s25;
	v3 =	vadd.f32 v3, v10  }
0x446: {  	s4 =	sshll.u32 s4, $0x6;
	s0 =	sor.u32 s30, s0;
	v12 =	vld [tilespmem:s5+$0x5280];
	s30 =	sor.u32 s11, s24;
	[tilespmem:s3+$0x15200] =	vst v2;
	v2 =	vadd.f32 v4, v10  }
0x447: {  	s18 =	sadd.s32 $0x0, s4;
	v13 =	vld [tilespmem:s30+$0x5200];
	[tilespmem:s3+$0x15280] =	vst v3;
	v3 =	vadd.f32 v5, v10  }
0x448: {  	s4 =	sadd.s32 $0x30, s18;
	v4 =	vld [tilespmem:s10+$0x5380];
	[tilespmem:s3+$0x15300] =	vst v2  }
0x449: {  	s12 =	sor.u32 $0x200, s4;
	v2 =	vld [tilespmem:s5+$0x5200];
	[tilespmem:s3+$0x15380] =	vst v3  }
0x44a: {  	s13 =	simm.s32 $0xA00;
	v3 =	vadd.f32 v6, v7;
	v5 =	vld [tilespmem:s12+$0x5200]  }
0x44b: {  	v6 =	vadd.f32 v8, v7;
	v8 =	vld [tilespmem:s13+$0x0]  }
0x44c: {  	[tilespmem:s10+$0x15200] =	vst v3;
	v3 =	vadd.f32 v11, v7;
	v11 =	vld [tilespmem:s5+$0x5300]  }
0x44d: {  	[tilespmem:s10+$0x15280] =	vst v6;
	v6 =	vld [tilespmem:s5+$0x5380];
	v4 =	vadd.f32 v4, v7  }
0x44e: {  	[tilespmem:s10+$0x15300] =	vst v3;
	v3 =	vld [tilespmem:s0+$0x5200];
	v2 =	vadd.f32 v2, v9  }
0x44f: {  	[tilespmem:s10+$0x15380] =	vst v4;
	v4 =	vadd.f32 v5, v10;
	v5 =	vld [tilespmem:s0+$0x5280]  }
0x450: {  	[tilespmem:s5+$0x15200] =	vst v2;
	v2 =	vadd.f32 v12, v9;
	v12 =	vld [tilespmem:s0+$0x5300]  }
0x451: {  	s14 =	sor.u32 $0x280, s4;
	s7 =	sadd.s32 $0x10, s18;
	v11 =	vadd.f32 v11, v9;
	[tilespmem:s12+$0x15200] =	vst v4;
	v4 =	vld [tilespmem:s0+$0x5380]  }
0x452: {  	s15 =	sor.u32 $0x200, s7;
	[tilespmem:s5+$0x15280] =	vst v2;
	v2 =	vadd.f32 v6, v9;
	v6 =	vld [tilespmem:s14+$0x5200]  }
0x453: {  	s8 =	sadd.s32 $0x20, s18;
	[tilespmem:s5+$0x15300] =	vst v11;
	v3 =	vadd.f32 v3, v8;
	v11 =	vld [tilespmem:s15+$0x5200]  }
0x454: {  	s16 =	sor.u32 $0x200, s8;
	v14 =	vld [tilespmem:s30+$0x5280];
	[tilespmem:s5+$0x15380] =	vst v2;
	v2 =	vadd.f32 v5, v8  }
0x455: {  	s2 =	sand.u32 $0x780, s21;
	[tilespmem:s0+$0x15200] =	vst v3;
	v5 =	vld [tilespmem:s16+$0x5200];
	v3 =	vadd.f32 v12, v8  }
0x456: {  	s2 =	sadd.s32 $0xA00, s2;
	v15 =	vld [tilespmem:s30+$0x5300];
	[tilespmem:s0+$0x15280] =	vst v2;
	v2 =	vadd.f32 v4, v8  }
0x457: {  	s26 =	sor.u32 s24, s2;
	v16 =	vld [tilespmem:s30+$0x5380];
	[tilespmem:s0+$0x15300] =	vst v3;
	v3 =	vadd.f32 v6, v10  }
0x458: {  	s17 =	sor.u32 $0x200, s18;
	[tilespmem:s0+$0x15380] =	vst v2;
	v2 =	vadd.f32 v11, v7;
	v11 =	vld [tilespmem:s26+$0x0]  }
0x459: {  	s19 =	sor.u32 $0x300, s4;
	v4 =	vld [tilespmem:s17+$0x5200];
	[tilespmem:s14+$0x15200] =	vst v3  }
0x45a: {  	s23 =	simm.s32 $0xA40;
	v3 =	vadd.f32 v5, v9;
	v5 =	vld [tilespmem:s19+$0x5200]  }
0x45b: {  	s20 =	sor.u32 $0x280, s7;
	s14 =	sor.u32 $0x10, s22;
	[tilespmem:s15+$0x15200] =	vst v2;
	v2 =	vld [tilespmem:s23+$0x0]  }
0x45c: {  	s13 =	sor.u32 s11, s14;
	v6 =	vld [tilespmem:s20+$0x5200]  }
0x45d: {  	v17 =	vld [tilespmem:s13+$0x5200];
	v15 =	vadd.f32 v15, v11  }
0x45e: {  	s9 =	sor.u32 $0x280, s8;
	v18 =	vld [tilespmem:s13+$0x5380];
	[tilespmem:s16+$0x15200] =	vst v3;
	v4 =	vadd.f32 v4, v8  }
0x45f: {  	p1 =	por !p1, !p1;
	s5 =	simm.s32 $0x1;
	s15 =	sor.u32 s14, s2;
	v12 =	vld [tilespmem:s9+$0x5200];
	v5 =	vadd.f32 v5, v10;
	[tilespmem:s30+$0x15300] =	vst v15  }
0x460: {  	s5 =	simm.s32 @!p1 $0x0;
	v3 =	vld [tilespmem:s15+$0x0];
	[tilespmem:s17+$0x15200] =	vst v4;
	v4 =	vadd.f32 v13, v11;
	v13 =	vadd.f32 v14, v11  }
0x461: {  	s5 =	sshll.u32 s5, $0x6;
	s16 =	sor.u32 $0x20, s22;
	[tilespmem:s19+$0x15200] =	vst v5;
	v5 =	vld [tilespmem:s13+$0x5280]  }
0x462: {  	s6 =	sadd.s32 $0x200, s5;
	s0 =	sor.u32 s11, s16;
	v14 =	vld [tilespmem:s13+$0x5300];
	[tilespmem:s30+$0x15280] =	vst v13;
	v13 =	vadd.f32 v16, v11  }
0x463: {  	s10 =	sadd.s32 $0x30, s6;
	s2 =	sor.u32 s16, s2;
	v15 =	vld [tilespmem:s0+$0x5200];
	v6 =	vadd.f32 v6, v7;
	[tilespmem:s30+$0x15200] =	vst v4  }
0x464: {  	s17 =	sor.u32 $0x200, s10;
	v4 =	vld [tilespmem:s2+$0x0];
	v12 =	vadd.f32 v12, v9;
	[tilespmem:s30+$0x15380] =	vst v13  }
0x465: {  	[tilespmem:s20+$0x15200] =	vst v6;
	v6 =	vadd.f32 v17, v3;
	v13 =	vld [tilespmem:s17+$0x5200]  }
0x466: {  	[tilespmem:s9+$0x15200] =	vst v12;
	v12 =	vld [tilespmem:s0+$0x5280];
	v5 =	vadd.f32 v5, v3  }
0x467: {  	[tilespmem:s13+$0x15200] =	vst v6;
	v6 =	vadd.f32 v14, v3;
	v14 =	vld [tilespmem:s0+$0x5300]  }
0x468: {  	s19 =	sor.u32 s22, s11;
	v16 =	vld [tilespmem:s0+$0x5380];
	[tilespmem:s13+$0x15280] =	vst v5;
	v5 =	vadd.f32 v18, v3  }
0x469: {  	[tilespmem:s13+$0x15300] =	vst v6;
	v6 =	vld [tilespmem:s19+$0x5200];
	v15 =	vadd.f32 v15, v4  }
0x46a: {  	[tilespmem:s13+$0x15380] =	vst v5;
	v5 =	vld [tilespmem:s19+$0x5280];
	v13 =	vadd.f32 v13, v11  }
0x46b: {  	v17 =	vld [tilespmem:s19+$0x5300];
	[tilespmem:s0+$0x15200] =	vst v15;
	v12 =	vadd.f32 v12, v4  }
0x46c: {  	s3 =	sadd.s32 $0x10, s6;
	s20 =	sor.u32 $0x280, s10;
	v15 =	vld [tilespmem:s19+$0x5380];
	v14 =	vadd.f32 v14, v4;
	[tilespmem:s17+$0x15200] =	vst v13  }
0x46d: {  	s21 =	sor.u32 $0x200, s3;
	[tilespmem:s0+$0x15280] =	vst v12;
	v12 =	vadd.f32 v16, v4;
	v13 =	vld [tilespmem:s20+$0x5200]  }
0x46e: {  	s1 =	sadd.s32 $0x20, s6;
	s22 =	sor.u32 $0x280, s18;
	v16 =	vld [tilespmem:s21+$0x5200];
	v6 =	vadd.f32 v6, v2;
	[tilespmem:s0+$0x15300] =	vst v14  }
0x46f: {  	s23 =	sor.u32 $0x200, s1;
	[tilespmem:s0+$0x15380] =	vst v12;
	v12 =	vld [tilespmem:s22+$0x5200];
	v5 =	vadd.f32 v5, v2  }
0x470: {  	s14 =	sor.u32 $0x380, s4;
	[tilespmem:s19+$0x15200] =	vst v6;
	v6 =	vadd.f32 v17, v2;
	v14 =	vld [tilespmem:s23+$0x5200]  }
0x471: {  	s24 =	sor.u32 $0x300, s7;
	v17 =	vld [tilespmem:s14+$0x5200];
	[tilespmem:s19+$0x15280] =	vst v5;
	v5 =	vadd.f32 v15, v2  }
0x472: {  	s25 =	sor.u32 $0x300, s8;
	[tilespmem:s19+$0x15300] =	vst v6;
	v15 =	vld [tilespmem:s24+$0x5200];
	v6 =	vadd.f32 v13, v11  }
0x473: {  	s15 =	sor.u32 $0x200, s6;
	v13 =	vld [tilespmem:s25+$0x5200];
	[tilespmem:s19+$0x15380] =	vst v5;
	v5 =	vadd.f32 v16, v3  }
0x474: {  	s26 =	sor.u32 $0x300, s10;
	v16 =	vld [tilespmem:s15+$0x5200];
	[tilespmem:s20+$0x15200] =	vst v6;
	v6 =	vadd.f32 v12, v8  }
0x475: {  	s30 =	sor.u32 $0x280, s3;
	s17 =	simm.s32 $0x80;
	[tilespmem:s21+$0x15200] =	vst v5;
	v5 =	vadd.f32 v14, v4;
	v12 =	vld [tilespmem:s26+$0x5200]  }
0x476: {  	s16 =	sor.u32 $0x300, s18;
	s0 =	sand.u32 $0x40, s17;
	s9 =	sand.u32 $0x780, s17;
	v14 =	vld [tilespmem:s30+$0x5200];
	[tilespmem:s22+$0x15200] =	vst v6  }
0x477: {  	s11 =	sor.u32 $0x280, s1;
	s19 =	sadd.s32 $0xA00, s9;
	s20 =	sor.u32 $0x30, s0;
	v6 =	vadd.f32 v15, v7;
	[tilespmem:s23+$0x15200] =	vst v5;
	v15 =	vld [tilespmem:s16+$0x5200]  }
0x478: {  	s21 =	sor.u32 s20, s19;
	v5 =	vadd.f32 v13, v9;
	v13 =	vld [tilespmem:s11+$0x5200]  }
0x479: {  	s7 =	sor.u32 $0x380, s7;
	s9 =	simm.s32 $0x400;
	[tilespmem:s24+$0x15200] =	vst v6;
	v6 =	vld [tilespmem:s21+$0x0]  }
0x47a: {  	s4 =	sor.u32 $0x380, s8;
	s8 =	simm.s32 $0xA80;
	s22 =	sand.u32 $0x3C00, s9;
	v18 =	vld [tilespmem:s7+$0x5200]  }
0x47b: {  	v10 =	vadd.f32 v17, v10;
	s24 =	sor.u32 s22, s20;
	[tilespmem:s25+$0x15200] =	vst v5;
	v5 =	vld [tilespmem:s8+$0x0]  }
0x47c: {  	v16 =	vadd.f32 v16, v2;
	v17 =	vld [tilespmem:s24+$0x5200]  }
0x47d: {  	[tilespmem:s14+$0x15200] =	vst v10;
	v12 =	vadd.f32 v12, v11;
	v19 =	vld [tilespmem:s4+$0x5200]  }
0x47e: {  	v10 =	vadd.f32 v14, v3;
	v14 =	vld [tilespmem:s24+$0x5280];
	[tilespmem:s15+$0x15200] =	vst v16  }
0x47f: {  	s23 =	sor.u32 $0x380, s10;
	v16 =	vld [tilespmem:s24+$0x5300];
	[tilespmem:s26+$0x15200] =	vst v12  }
0x480: {  	s25 =	sor.u32 $0x10, s0;
	v15 =	vadd.f32 v15, v8;
	v12 =	vld [tilespmem:s23+$0x5200]  }
0x481: {  	s26 =	sor.u32 s25, s19;
	[tilespmem:s30+$0x15200] =	vst v10;
	v10 =	vadd.f32 v13, v4;
	v13 =	vld [tilespmem:s24+$0x5380]  }
0x482: {  	s14 =	sor.u32 $0x20, s0;
	s30 =	sor.u32 s22, s25;
	[tilespmem:s16+$0x15200] =	vst v15;
	v15 =	vadd.f32 v18, v7;
	v7 =	vld [tilespmem:s26+$0x0]  }
0x483: {  	p1 =	por !p1, !p1;
	s12 =	sor.u32 s14, s19;
	v17 =	vadd.f32 v17, v6;
	[tilespmem:s11+$0x15200] =	vst v10;
	v10 =	vld [tilespmem:s30+$0x5200];
	s11 =	simm.s32 $0x1  }
0x484: {  	v18 =	vadd.f32 v19, v9;
	v9 =	vld [tilespmem:s12+$0x0];
	[tilespmem:s7+$0x15200] =	vst v15;
	s11 =	simm.s32 @!p1 $0x0;
	v14 =	vadd.f32 v14, v6  }
0x485: {  	v15 =	vld [tilespmem:s30+$0x5280];
	[tilespmem:s24+$0x15200] =	vst v17;
	v16 =	vadd.f32 v16, v6;
	s11 =	sshll.u32 s11, $0x6  }
0x486: {  	v17 =	vld [tilespmem:s30+$0x5300];
	s13 =	sadd.s32 $0x400, s11;
	[tilespmem:s24+$0x15280] =	vst v14;
	v13 =	vadd.f32 v13, v6  }
0x487: {  	s7 =	sor.u32 s22, s14;
	v14 =	vld [tilespmem:s30+$0x5380];
	[tilespmem:s24+$0x15300] =	vst v16;
	s20 =	sadd.s32 $0x30, s13  }
0x488: {  	v11 =	vadd.f32 v12, v11;
	v12 =	vld [tilespmem:s7+$0x5200];
	[tilespmem:s24+$0x15380] =	vst v13;
	s15 =	sor.u32 $0x200, s20  }
0x489: {  	[tilespmem:s4+$0x15200] =	vst v18;
	v10 =	vadd.f32 v10, v7;
	v13 =	vld [tilespmem:s15+$0x5200]  }
0x48a: {  	[tilespmem:s23+$0x15200] =	vst v11;
	v11 =	vadd.f32 v15, v7;
	v15 =	vld [tilespmem:s7+$0x5280]  }
0x48b: {  	v16 =	vld [tilespmem:s7+$0x5300];
	[tilespmem:s30+$0x15200] =	vst v10;
	v10 =	vadd.f32 v17, v7  }
0x48c: {  	s0 =	sor.u32 s0, s22;
	[tilespmem:s30+$0x15280] =	vst v11;
	v11 =	vadd.f32 v14, v7;
	v14 =	vld [tilespmem:s7+$0x5380]  }
0x48d: {  	v12 =	vadd.f32 v12, v9;
	[tilespmem:s30+$0x15300] =	vst v10;
	v10 =	vld [tilespmem:s0+$0x5200]  }
0x48e: {  	[tilespmem:s30+$0x15380] =	vst v11;
	v11 =	vld [tilespmem:s0+$0x5280];
	v13 =	vadd.f32 v13, v6  }
0x48f: {  	v17 =	vld [tilespmem:s0+$0x5300];
	[tilespmem:s7+$0x15200] =	vst v12;
	v12 =	vadd.f32 v15, v9  }
0x490: {  	s16 =	sadd.s32 $0x10, s13;
	s19 =	sor.u32 $0x280, s20;
	v16 =	vadd.f32 v16, v9;
	v15 =	vld [tilespmem:s0+$0x5380];
	[tilespmem:s15+$0x15200] =	vst v13  }
0x491: {  	s22 =	sor.u32 $0x200, s16;
	[tilespmem:s7+$0x15280] =	vst v12;
	v12 =	vadd.f32 v14, v9;
	v13 =	vld [tilespmem:s19+$0x5200]  }
0x492: {  	s26 =	sadd.s32 $0x20, s13;
	s24 =	sor.u32 $0x280, s6;
	[tilespmem:s7+$0x15300] =	vst v16;
	v14 =	vld [tilespmem:s22+$0x5200];
	v10 =	vadd.f32 v10, v5  }
0x493: {  	s21 =	sor.u32 $0x200, s26;
	v16 =	vld [tilespmem:s24+$0x5200];
	v11 =	vadd.f32 v11, v5;
	[tilespmem:s7+$0x15380] =	vst v12  }
0x494: {  	s30 =	sor.u32 $0x300, s3;
	[tilespmem:s0+$0x15200] =	vst v10;
	v10 =	vadd.f32 v17, v5;
	v17 =	vld [tilespmem:s21+$0x5200]  }
0x495: {  	s25 =	sor.u32 $0x300, s1;
	[tilespmem:s0+$0x15280] =	vst v11;
	v11 =	vadd.f32 v15, v5;
	v15 =	vld [tilespmem:s30+$0x5200]  }
0x496: {  	v18 =	vld [tilespmem:s25+$0x5200];
	s7 =	sor.u32 $0x380, s18;
	[tilespmem:s0+$0x15300] =	vst v10;
	v10 =	vadd.f32 v13, v6  }
0x497: {  	s4 =	sor.u32 $0x300, s6;
	s11 =	sor.u32 $0x200, s13;
	[tilespmem:s0+$0x15380] =	vst v11;
	v11 =	vadd.f32 v14, v7;
	v14 =	vld [tilespmem:s7+$0x5200]  }
0x498: {  	s17 =	sor.u32 $0x280, s13;
	s28 =	sor.u32 $0x300, s13;
	s12 =	sor.u32 $0x300, s20;
	v16 =	vadd.f32 v16, v2;
	v12 =	vld [tilespmem:s11+$0x5200];
	[tilespmem:s19+$0x15200] =	vst v10  }
0x499: {  	s23 =	simm.s32 $0x8;
	s10 =	sor.u32 $0x280, s16;
	s29 =	sor.u32 $0x280, s26;
	[tilespmem:s22+$0x15200] =	vst v11;
	v11 =	vadd.f32 v17, v9;
	v10 =	vld [tilespmem:s12+$0x5200]  }
0x49a: {  	s31 =	sor.u32 $0x380, s26;
	s3 =	sor.u32 $0x380, s3;
	s18 =	sor.u32 $0x380, s1;
	[tilespmem:s24+$0x15200] =	vst v16;
	v13 =	vld [tilespmem:s10+$0x5200];
	v17 =	vadd.f32 v15, v3  }
0x49b: {  	s1 =	sor.u32 $0x300, s26;
	s26 =	sor.u32 $0x380, s13;
	s24 =	sor.u32 $0x380, s16;
	v16 =	vadd.f32 v18, v4;
	[tilespmem:s21+$0x15200] =	vst v11;
	v11 =	vld [tilespmem:s4+$0x5200]  }
0x49c: {  	s19 =	sor.u32 $0x380, s6;
	s6 =	sor.u32 $0x300, s16;
	s21 =	simm.s32 $0xC0;
	v15 =	vld [tilespmem:s29+$0x5200];
	[tilespmem:s30+$0x15200] =	vst v17;
	v14 =	vadd.f32 v14, v8  }
.LBB2_13:
0x49d: {  	s0 =	sand.u32 $0x40, s21;
	s2 =	sand.u32 $0x780, s21;
	v12 =	vadd.f32 v12, v5;
	s8 =	sadd.s32 $0x40, s8;
	v17 =	vld [tilespmem:s3+$0x5200];
	[tilespmem:s25+$0x15200] =	vst v16  }
0x49e: {  	s5 =	sor.u32 $0x10, s0;
	s2 =	sadd.s32 $0xA00, s2;
	s13 =	sor.u32 $0x30, s0;
	v10 =	vadd.f32 v10, v6;
	v16 =	vld [tilespmem:s18+$0x5200];
	[tilespmem:s7+$0x15200] =	vst v14  }
0x49f: {  	s9 =	sadd.s32 $0x200, s9;
	s7 =	sor.u32 $0x20, s0;
	v8 =	vld [tilespmem:s8+$0x0];
	s14 =	sor.u32 s13, s2;
	[tilespmem:s11+$0x15200] =	vst v12;
	v12 =	vadd.f32 v13, v7  }
0x4a0: {  	s16 =	sor.u32 $0x380, s20;
	s11 =	sand.u32 $0x3C00, s9;
	s15 =	sor.u32 s5, s2;
	v13 =	vld [tilespmem:s14+$0x0];
	[tilespmem:s12+$0x15200] =	vst v10;
	v10 =	vadd.f32 v11, v2  }
0x4a1: {  	s2 =	sor.u32 s7, s2;
	s14 =	sor.u32 s11, s5;
	s5 =	sor.u32 s11, s13;
	[tilespmem:s10+$0x15200] =	vst v12;
	v11 =	vadd.f32 v15, v9;
	v12 =	vld [tilespmem:s16+$0x5200]  }
0x4a2: {  	s23 =	sadd.s32 $0x4, s23;
	s12 =	sor.u32 s0, s11;
	s13 =	sor.u32 s11, s7;
	v14 =	vld [tilespmem:s5+$0x5200];
	[tilespmem:s4+$0x15200] =	vst v10;
	v10 =	vadd.f32 v17, v3;
	v3 =	vmov v7  }
0x4a3: {  	s25 =	smov.u32 s1;
	p2 =	slt.u32 s23, $0x7C;
	s4 =	smov.u32 s28;
	v15 =	vld [tilespmem:s5+$0x5280];
	[tilespmem:s29+$0x15200] =	vst v11;
	v7 =	vadd.f32 v16, v4;
	v4 =	vmov v9  }
0x4a4: {  	s7 =	smov.u32 s19;
	s19 =	smov.u32 s26;
	v9 =	vld [tilespmem:s5+$0x5300];
	[tilespmem:s3+$0x15200] =	vst v10;
	s3 =	smov.u32 s24  }
0x4a5: {  	v10 =	vld [tilespmem:s5+$0x5380];
	[tilespmem:s18+$0x15200] =	vst v7;
	s18 =	smov.u32 s31  }
0x4a6: {  	v7 =	vld [tilespmem:s15+$0x0];
	v11 =	vadd.f32 v12, v6;
	v6 =	vmov v13  }
0x4a7: {  	p1 =	por !p1, !p1;
	s0 =	simm.s32 $0x1;
	v12 =	vld [tilespmem:s14+$0x5200];
	v13 =	vadd.f32 v14, v6  }
0x4a8: {  	s0 =	simm.s32 @!p1 $0x0;
	v14 =	vld [tilespmem:s14+$0x5280];
	v15 =	vadd.f32 v15, v6;
	[tilespmem:s16+$0x15200] =	vst v11  }
0x4a9: {  	s0 =	sshll.u32 s0, $0x6;
	v11 =	vld [tilespmem:s14+$0x5300];
	[tilespmem:s5+$0x15200] =	vst v13;
	v13 =	vadd.f32 v9, v6  }
0x4aa: {  	s26 =	sadd.s32 s0, s9;
	v16 =	vld [tilespmem:s14+$0x5380];
	[tilespmem:s5+$0x15280] =	vst v15;
	v10 =	vadd.f32 v10, v6  }
0x4ab: {  	s24 =	sadd.s32 $0x10, s26;
	s20 =	sadd.s32 $0x30, s26;
	v9 =	vld [tilespmem:s2+$0x0];
	s2 =	sadd.s32 $0x20, s26;
	[tilespmem:s5+$0x15300] =	vst v13  }
0x4ac: {  	s0 =	sor.u32 $0x200, s24;
	s30 =	sor.u32 $0x200, s20;
	v12 =	vadd.f32 v12, v7;
	v13 =	vld [tilespmem:s13+$0x5200];
	s15 =	sor.u32 $0x200, s2;
	[tilespmem:s5+$0x15380] =	vst v10  }
0x4ad: {  	s11 =	sor.u32 $0x200, s26;
	s10 =	sor.u32 $0x280, s24;
	s29 =	sor.u32 $0x280, s2;
	v10 =	vadd.f32 v14, v7;
	v14 =	vld [tilespmem:s30+$0x5200]  }
0x4ae: {  	s16 =	sor.u32 $0x300, s24;
	s5 =	sor.u32 $0x280, s26;
	s1 =	sor.u32 $0x300, s2;
	[tilespmem:s14+$0x15200] =	vst v12;
	v11 =	vadd.f32 v11, v7;
	v12 =	vld [tilespmem:s13+$0x5280]  }
0x4af: {  	s28 =	sor.u32 $0x300, s26;
	s24 =	sor.u32 $0x380, s24;
	s31 =	sor.u32 $0x380, s2;
	[tilespmem:s14+$0x15280] =	vst v10;
	v10 =	vadd.f32 v16, v7;
	v15 =	vld [tilespmem:s13+$0x5300]  }
0x4b0: {  	s26 =	sor.u32 $0x380, s26;
	[tilespmem:s14+$0x15300] =	vst v11;
	v11 =	vld [tilespmem:s13+$0x5380]  }
0x4b1: {  	v16 =	vld [tilespmem:s12+$0x5200];
	[tilespmem:s14+$0x15380] =	vst v10;
	v10 =	vadd.f32 v13, v9  }
0x4b2: {  	v13 =	vld [tilespmem:s12+$0x5280];
	v14 =	vadd.f32 v14, v6  }
0x4b3: {  	v17 =	vld [tilespmem:s12+$0x5300];
	[tilespmem:s13+$0x15200] =	vst v10;
	v10 =	vadd.f32 v12, v9  }
0x4b4: {  	s2 =	sor.u32 $0x280, s20;
	v12 =	vld [tilespmem:s12+$0x5380];
	v15 =	vadd.f32 v15, v9;
	[tilespmem:s30+$0x15200] =	vst v14  }
0x4b5: {  	[tilespmem:s13+$0x15280] =	vst v10;
	v10 =	vadd.f32 v11, v9;
	v11 =	vld [tilespmem:s2+$0x5200]  }
0x4b6: {  	v14 =	vadd.f32 v16, v8;
	v16 =	vld [tilespmem:s0+$0x5200];
	[tilespmem:s13+$0x15300] =	vst v15  }
0x4b7: {  	v13 =	vadd.f32 v13, v8;
	[tilespmem:s13+$0x15380] =	vst v10;
	v10 =	vld [tilespmem:s17+$0x5200]  }
0x4b8: {  	[tilespmem:s12+$0x15200] =	vst v14;
	v14 =	vadd.f32 v17, v8;
	v15 =	vld [tilespmem:s15+$0x5200]  }
0x4b9: {  	[tilespmem:s12+$0x15280] =	vst v13;
	v12 =	vadd.f32 v12, v8;
	v17 =	vld [tilespmem:s6+$0x5200]  }
0x4ba: {  	[tilespmem:s12+$0x15300] =	vst v14;
	v11 =	vadd.f32 v11, v6;
	v14 =	vld [tilespmem:s25+$0x5200]  }
0x4bb: {  	[tilespmem:s12+$0x15380] =	vst v12;
	v13 =	vadd.f32 v16, v7;
	v18 =	vld [tilespmem:s7+$0x5200]  }
.Ltmp5:
0x4bc: {  	s12 =	sor.u32 $0x300, s20;
	v12 =	vld [tilespmem:s11+$0x5200];
	[tilespmem:s2+$0x15200] =	vst v11;
	v11 =	vadd.f32 v10, v5;
	(pc) =	sbr.rel @p2 .LBB2_13-.Ltmp5, $4  }
0x4bd: {  	[tilespmem:s0+$0x15200] =	vst v13;
	v15 =	vadd.f32 v15, v9;
	v10 =	vld [tilespmem:s12+$0x5200]  }
0x4be: {  	v13 =	vld [tilespmem:s10+$0x5200];
	[tilespmem:s17+$0x15200] =	vst v11;
	v17 =	vadd.f32 v17, v3;
	s17 =	smov.u32 s5  }
0x4bf: {  	[tilespmem:s15+$0x15200] =	vst v15;
	v11 =	vld [tilespmem:s4+$0x5200];
	v16 =	vadd.f32 v14, v4  }
0x4c0: {  	s21 =	sadd.s32 $0x40, s21;
	v15 =	vld [tilespmem:s29+$0x5200];
	[tilespmem:s6+$0x15200] =	vst v17;
	v14 =	vadd.f32 v18, v2;
	v2 =	vmov v5;
	v5 =	vmov v8;
	s6 =	smov.u32 s16  }
0x4c1: {  	v8 =	vadd.f32 v12, v5;
	_ =	sdelay $0x1  }
0x4c2: {  	[tilespmem:s11+$0x15200] =	vst v8  }
0x4c3: {  	v8 =	vld [tilespmem:s17+$0x5200];
	_ =	sdelay $0x2  }
0x4c4: {  	v12 =	vadd.f32 v13, v7  }
0x4c5: {  	v13 =	vadd.f32 v15, v9  }
0x4c6: {  	[tilespmem:s10+$0x15200] =	vst v12;
	v8 =	vadd.f32 v8, v5  }
0x4c7: {  	v12 =	vld [tilespmem:s6+$0x5200];
	[tilespmem:s29+$0x15200] =	vst v13  }
0x4c8: {  	v13 =	vld [tilespmem:s1+$0x5200];
	[tilespmem:s17+$0x15200] =	vst v8  }
0x4c9: {  	v10 =	vadd.f32 v10, v6;
	v8 =	vld [tilespmem:s28+$0x5200]  }
0x4ca: {  	[tilespmem:s25+$0x15200] =	vst v16;
	v11 =	vadd.f32 v11, v2;
	v15 =	vld [tilespmem:s3+$0x5200]  }
0x4cb: {  	s0 =	sor.u32 $0x380, s20;
	v16 =	vld [tilespmem:s18+$0x5200];
	[tilespmem:s12+$0x15200] =	vst v10  }
0x4cc: {  	[tilespmem:s4+$0x15200] =	vst v11;
	v10 =	vadd.f32 v12, v7;
	v12 =	vld [tilespmem:s0+$0x5200]  }
0x4cd: {  	[tilespmem:s7+$0x15200] =	vst v14;
	v11 =	vadd.f32 v13, v9;
	v13 =	vld [tilespmem:s19+$0x5200]  }
0x4ce: {  	[tilespmem:s6+$0x15200] =	vst v10;
	v8 =	vadd.f32 v8, v5  }
0x4cf: {  	v3 =	vadd.f32 v15, v3;
	v10 =	vld [tilespmem:s24+$0x5200];
	[tilespmem:s1+$0x15200] =	vst v11  }
0x4d0: {  	v4 =	vadd.f32 v16, v4;
	v11 =	vld [tilespmem:s31+$0x5200];
	[tilespmem:s28+$0x15200] =	vst v8  }
0x4d1: {  	[tilespmem:s3+$0x15200] =	vst v3;
	v3 =	vadd.f32 v12, v6;
	v8 =	vld [tilespmem:s26+$0x5200]  }
0x4d2: {  	[tilespmem:s18+$0x15200] =	vst v4;
	v2 =	vadd.f32 v13, v2  }
0x4d3: {  	[tilespmem:s0+$0x15200] =	vst v3  }
0x4d4: {  	v3 =	vadd.f32 v10, v7;
	s0 =	rddreg [dreg:$0x14];
	[tilespmem:s19+$0x15200] =	vst v2  }
0x4d5: {  	s0 =	sshll.u32 s0, $0x5;
	v2 =	vadd.f32 v11, v9;
	s1 =	rddreg [dreg:$0x5]  }
0x4d6: {  	[tilespmem:s24+$0x15200] =	vst v3;
	s0 =	sadd.s32 s0, s1;
	v3 =	vadd.f32 v8, v5  }
0x4d7: {  	s22 =	rddreg [dreg:$0x3];
	s0 =	sshll.u32 s0, $0x8;
	[tilespmem:s31+$0x15200] =	vst v2  }
0x4d8: {  	s23 =	simm.s32 $0x0;
	s0 =	sadd.s32 s22, s0;
	[tilespmem:s26+$0x15200] =	vst v3  }
0x4d9: {  	s2 =	simm.s32 $0x15200;
	s1 =	sadd.s32 $0x800, s0;
	[dreg:$0x17] =	wrdreg s0  }
0x4da: {  	[hbm4b:s1+s23] =	stream.linear.scatter [tilespmem:s2], [sflag:$0x8], $0x4000, $0x38;
	[tilespmem:$0x19200] =	vst v63  }
0x4db: {  	s0 =	rddreg [dreg:$0x15]  }
0x4dc: {  	v2 =	vld.msk @!p0 [tilespmem:s0+$0x28], $0xff;
	_ =	sdelay $0x4  }
0x4dd: {  	v3 =	vshll.u32 @!p0 v2, $0x4  }
0x4de: {  	v4 =	vlaneseq.u32 @!p0;
	v2 =	vand.u32 @!p0 $0x7, v2;
	v3 =	vand.u32 @!p0 $0xFFFFFF80, v3  }
0x4df: {  	v2 =	vor.u32 @!p0 v2, v3;
	v3 =	vand.u32 @!p0 $0x7, v4;
	v4 =	vshrl.u32 @!p0 v4, $0x3  }
0x4e0: {  	v2 =	vperm.xlane @!p0 v2, v3;
	v3 =	vmul.u32 @!p0 $0x8, v4;
	_ =	sdelay $0x1  }
0x4e1: {  	v2 =	vadd.s32 @!p0 v3, v2;
	_ =	sdelay $0x3  }
0x4e2: {  	s1 =	simm.s32 @!p0 $0x0;
	s2 =	simm.s32 @!p0 $0x5200;
	s0 =	rddreg [dreg:$0x1]  }
0x4e3: {  	[tilespmem:s2], [sflag:$0x4] =	stream.indirect_vreg.gather @!p0 [hbm4b:s0+s1], $0x80, v2, vm1, $0xb8;
	[tilespmem:$0x19200] =	vst v63  }
0x4e4: {  	s2 =	simm.s32 @!p0 $0x5A00;
	s0 =	rddreg [dreg:$0x9]  }
0x4e5: {  	[tilespmem:s2], [sflag:$0x4] =	stream.indirect_vreg.gather @!p0 [hbm4b:s0+s1], $0x80, v2, vm1, $0xb8;
	[tilespmem:$0x19200] =	vst v63  }
0x4e6: {  	s2 =	simm.s32 @!p0 $0x6200;
	s0 =	rddreg [dreg:$0xa]  }
0x4e7: {  	[tilespmem:s2], [sflag:$0x4] =	stream.indirect_vreg.gather @!p0 [hbm4b:s0+s1], $0x80, v2, vm1, $0xb8;
	[tilespmem:$0x19200] =	vst v63  }
0x4e8: {  	s2 =	simm.s32 @!p0 $0x6A00;
	s0 =	rddreg [dreg:$0xb]  }
0x4e9: {  	[tilespmem:s2], [sflag:$0x4] =	stream.indirect_vreg.gather @!p0 [hbm4b:s0+s1], $0x80, v2, vm1, $0xb8;
	[tilespmem:$0x19200] =	vst v63  }
0x4ea: {  	s2 =	simm.s32 @!p0 $0x7200;
	s0 =	rddreg [dreg:$0xc]  }
0x4eb: {  	[tilespmem:s2], [sflag:$0x4] =	stream.indirect_vreg.gather @!p0 [hbm4b:s0+s1], $0x80, v2, vm1, $0xb8;
	[tilespmem:$0x19200] =	vst v63  }
0x4ec: {  	s2 =	simm.s32 @!p0 $0x7A00;
	s0 =	rddreg [dreg:$0xd]  }
0x4ed: {  	[tilespmem:s2], [sflag:$0x4] =	stream.indirect_vreg.gather @!p0 [hbm4b:s0+s1], $0x80, v2, vm1, $0xb8;
	[tilespmem:$0x19200] =	vst v63  }
0x4ee: {  	s2 =	simm.s32 @!p0 $0x8200;
	s0 =	rddreg [dreg:$0xe]  }
0x4ef: {  	[tilespmem:s2], [sflag:$0x4] =	stream.indirect_vreg.gather @!p0 [hbm4b:s0+s1], $0x80, v2, vm1, $0xb8;
	[tilespmem:$0x19200] =	vst v63  }
0x4f0: {  	s24 =	simm.s32 $0x5;
	s2 =	simm.s32 @!p0 $0x8A00;
	s0 =	rddreg [dreg:$0xf]  }
0x4f1: {  	[tilespmem:s2], [sflag:$0x4] =	stream.indirect_vreg.gather @!p0 [hbm4b:s0+s1], $0x80, v2, vm1, $0xb8;
	[tilespmem:$0x19200] =	vst v63  }
0x4f2: {  	_ =	swait.ge [sflag:s24], $0x4000  }
0x4f3: {  	[sflag:s24] =	ssyncset.done $0x0  }
0x4f4: {  	s25 =	simm.s32 $0x0;
	s26 =	simm.s32 $0x7;
	[sflag:s24] =	ssyncadd.s32 $0xFFFFC000  }
0x4f5: {  	s8 =	sand.u32 $0x780, s25;
	s31 =	sand.u32 $0x40, s25;
	_ =	swait.ge [sflag:s26], $0x4000  }
0x4f6: {  	s3 =	sadd.s32 $0xA00, s8;
	s9 =	sor.u32 $0x30, s31;
	[sflag:s26] =	ssyncset.done $0x0  }
0x4f7: {  	s5 =	sor.u32 s9, s3;
	s1 =	sand.u32 $0x3C00, s25;
	[sflag:s26] =	ssyncadd.s32 $0xFFFFC000  }
0x4f8: {  	s4 =	sor.u32 s1, s9;
	v10 =	vld [tilespmem:s5+$0x0]  }
0x4f9: {  	v2 =	vld [tilespmem:s4+$0x9200]  }
0x4fa: {  	v3 =	vld [tilespmem:s4+$0x9280]  }
0x4fb: {  	s10 =	sor.u32 $0x10, s31;
	v4 =	vld [tilespmem:s4+$0x9300]  }
0x4fc: {  	s12 =	sor.u32 $0x20, s31;
	s11 =	sor.u32 s10, s3;
	v5 =	vld [tilespmem:s4+$0x9380]  }
0x4fd: {  	s3 =	sor.u32 s12, s3;
	v7 =	vld [tilespmem:s11+$0x0]  }
0x4fe: {  	s5 =	sor.u32 s1, s10;
	v9 =	vld [tilespmem:s3+$0x0]  }
0x4ff: {  	p1 =	por $0x0, $0x0;
	s6 =	simm.s32 $0x1;
	v6 =	vld [tilespmem:s5+$0x9200]  }
0x500: {  	s6 =	simm.s32 @!p1 $0x0;
	s9 =	sor.u32 s1, s12;
	v8 =	vld [tilespmem:s5+$0x9280];
	v2 =	vadd.f32 v2, v10  }
0x501: {  	s6 =	sshll.u32 s6, $0x6;
	v12 =	vld [tilespmem:s9+$0x9280];
	v3 =	vadd.f32 v3, v10  }
0x502: {  	s18 =	sadd.s32 $0x0, s6;
	v11 =	vld [tilespmem:s5+$0x9300];
	[tilespmem:s4+$0x11200] =	vst v2;
	v2 =	vadd.f32 v4, v10  }
0x503: {  	s14 =	simm.s32 $0xA00;
	s21 =	simm.s32 $0x40;
	s6 =	sadd.s32 $0x30, s18;
	v4 =	vld [tilespmem:s5+$0x9380];
	[tilespmem:s4+$0x11280] =	vst v3;
	v3 =	vadd.f32 v5, v10  }
0x504: {  	s13 =	sor.u32 $0x200, s6;
	s22 =	sand.u32 $0x40, s21;
	s25 =	simm.s32 $0x200;
	[tilespmem:s4+$0x11300] =	vst v2;
	v2 =	vld [tilespmem:s9+$0x9200]  }
0x505: {  	s12 =	sand.u32 $0x3C00, s25;
	s1 =	sor.u32 s31, s1;
	s31 =	sor.u32 $0x10, s22;
	[tilespmem:s4+$0x11380] =	vst v3;
	v3 =	vadd.f32 v6, v7;
	v6 =	vadd.f32 v8, v7;
	v8 =	vld [tilespmem:s14+$0x0]  }
0x506: {  	s14 =	sor.u32 s12, s31;
	v5 =	vld [tilespmem:s13+$0x9200]  }
0x507: {  	v17 =	vld [tilespmem:s14+$0x9200]  }
0x508: {  	[tilespmem:s5+$0x11200] =	vst v3;
	v3 =	vadd.f32 v11, v7;
	v11 =	vld [tilespmem:s9+$0x9300]  }
0x509: {  	[tilespmem:s5+$0x11280] =	vst v6;
	v6 =	vld [tilespmem:s9+$0x9380];
	v4 =	vadd.f32 v4, v7  }
0x50a: {  	[tilespmem:s5+$0x11300] =	vst v3;
	v3 =	vld [tilespmem:s1+$0x9200];
	v2 =	vadd.f32 v2, v9  }
0x50b: {  	[tilespmem:s5+$0x11380] =	vst v4;
	v4 =	vadd.f32 v5, v10;
	v5 =	vld [tilespmem:s1+$0x9280]  }
0x50c: {  	[tilespmem:s9+$0x11200] =	vst v2;
	v2 =	vadd.f32 v12, v9;
	v12 =	vld [tilespmem:s1+$0x9300]  }
0x50d: {  	s7 =	sadd.s32 $0x10, s18;
	s15 =	sor.u32 $0x280, s6;
	v11 =	vadd.f32 v11, v9;
	[tilespmem:s13+$0x11200] =	vst v4;
	v4 =	vld [tilespmem:s1+$0x9380]  }
0x50e: {  	s16 =	sor.u32 $0x200, s7;
	[tilespmem:s9+$0x11280] =	vst v2;
	v2 =	vadd.f32 v6, v9;
	v6 =	vld [tilespmem:s15+$0x9200]  }
0x50f: {  	s8 =	sadd.s32 $0x20, s18;
	[tilespmem:s9+$0x11300] =	vst v11;
	v3 =	vadd.f32 v3, v8;
	v11 =	vld [tilespmem:s16+$0x9200]  }
0x510: {  	s17 =	sor.u32 $0x200, s8;
	s24 =	sor.u32 $0x30, s22;
	v18 =	vld [tilespmem:s14+$0x9380];
	[tilespmem:s9+$0x11380] =	vst v2;
	v2 =	vadd.f32 v5, v8  }
0x511: {  	s3 =	sand.u32 $0x780, s21;
	s13 =	sor.u32 s12, s24;
	[tilespmem:s1+$0x11200] =	vst v3;
	v5 =	vld [tilespmem:s17+$0x9200];
	v3 =	vadd.f32 v12, v8  }
0x512: {  	s3 =	sadd.s32 $0xA00, s3;
	v13 =	vld [tilespmem:s13+$0x9200];
	[tilespmem:s1+$0x11280] =	vst v2;
	v2 =	vadd.f32 v4, v8  }
0x513: {  	s26 =	sor.u32 s24, s3;
	v15 =	vld [tilespmem:s13+$0x9300];
	[tilespmem:s1+$0x11300] =	vst v3;
	v3 =	vadd.f32 v6, v10  }
0x514: {  	s19 =	sor.u32 $0x200, s18;
	[tilespmem:s1+$0x11380] =	vst v2;
	v2 =	vadd.f32 v11, v7;
	v11 =	vld [tilespmem:s26+$0x0]  }
0x515: {  	s9 =	sor.u32 $0x300, s6;
	v4 =	vld [tilespmem:s19+$0x9200];
	[tilespmem:s15+$0x11200] =	vst v3  }
0x516: {  	v3 =	vadd.f32 v5, v9;
	v5 =	vld [tilespmem:s9+$0x9200]  }
0x517: {  	v14 =	vld [tilespmem:s13+$0x9280]  }
0x518: {  	s23 =	simm.s32 $0xA40;
	v16 =	vld [tilespmem:s13+$0x9380]  }
0x519: {  	s11 =	sor.u32 $0x280, s7;
	[tilespmem:s16+$0x11200] =	vst v2;
	v2 =	vld [tilespmem:s23+$0x0];
	v15 =	vadd.f32 v15, v11  }
0x51a: {  	s20 =	sor.u32 $0x280, s8;
	v6 =	vld [tilespmem:s11+$0x9200];
	[tilespmem:s17+$0x11200] =	vst v3;
	v4 =	vadd.f32 v4, v8  }
0x51b: {  	p1 =	por !p1, !p1;
	s0 =	sor.u32 s31, s3;
	s4 =	simm.s32 $0x1;
	v12 =	vld [tilespmem:s20+$0x9200];
	v5 =	vadd.f32 v5, v10;
	[tilespmem:s13+$0x11300] =	vst v15  }
0x51c: {  	s4 =	simm.s32 @!p1 $0x0;
	v3 =	vld [tilespmem:s0+$0x0];
	[tilespmem:s19+$0x11200] =	vst v4;
	v4 =	vadd.f32 v13, v11;
	v13 =	vadd.f32 v14, v11  }
0x51d: {  	s4 =	sshll.u32 s4, $0x6;
	s15 =	sor.u32 $0x20, s22;
	[tilespmem:s9+$0x11200] =	vst v5;
	v5 =	vld [tilespmem:s14+$0x9280]  }
0x51e: {  	s4 =	sadd.s32 $0x200, s4;
	s16 =	sor.u32 s12, s15;
	v14 =	vld [tilespmem:s14+$0x9300];
	[tilespmem:s13+$0x11280] =	vst v13;
	v13 =	vadd.f32 v16, v11  }
0x51f: {  	s3 =	sor.u32 s15, s3;
	s17 =	sadd.s32 $0x30, s4;
	v15 =	vld [tilespmem:s16+$0x9200];
	v6 =	vadd.f32 v6, v7;
	[tilespmem:s13+$0x11200] =	vst v4  }
0x520: {  	s19 =	sor.u32 $0x200, s17;
	v4 =	vld [tilespmem:s3+$0x0];
	v12 =	vadd.f32 v12, v9;
	[tilespmem:s13+$0x11380] =	vst v13  }
0x521: {  	[tilespmem:s11+$0x11200] =	vst v6;
	v6 =	vadd.f32 v17, v3;
	v13 =	vld [tilespmem:s19+$0x9200]  }
0x522: {  	[tilespmem:s20+$0x11200] =	vst v12;
	v12 =	vld [tilespmem:s16+$0x9280];
	v5 =	vadd.f32 v5, v3  }
0x523: {  	[tilespmem:s14+$0x11200] =	vst v6;
	v6 =	vadd.f32 v14, v3;
	v14 =	vld [tilespmem:s16+$0x9300]  }
0x524: {  	v16 =	vld [tilespmem:s16+$0x9380];
	s20 =	sor.u32 s22, s12;
	[tilespmem:s14+$0x11280] =	vst v5;
	v5 =	vadd.f32 v18, v3  }
0x525: {  	[tilespmem:s14+$0x11300] =	vst v6;
	v6 =	vld [tilespmem:s20+$0x9200];
	v15 =	vadd.f32 v15, v4  }
0x526: {  	[tilespmem:s14+$0x11380] =	vst v5;
	v5 =	vld [tilespmem:s20+$0x9280];
	v13 =	vadd.f32 v13, v11  }
0x527: {  	v17 =	vld [tilespmem:s20+$0x9300];
	[tilespmem:s16+$0x11200] =	vst v15;
	v12 =	vadd.f32 v12, v4  }
0x528: {  	s21 =	sor.u32 $0x280, s17;
	s3 =	sadd.s32 $0x10, s4;
	v15 =	vld [tilespmem:s20+$0x9380];
	v14 =	vadd.f32 v14, v4;
	[tilespmem:s19+$0x11200] =	vst v13  }
0x529: {  	s22 =	sor.u32 $0x200, s3;
	[tilespmem:s16+$0x11280] =	vst v12;
	v12 =	vadd.f32 v16, v4;
	v13 =	vld [tilespmem:s21+$0x9200]  }
0x52a: {  	s1 =	sadd.s32 $0x20, s4;
	s23 =	sor.u32 $0x280, s18;
	v16 =	vld [tilespmem:s22+$0x9200];
	v6 =	vadd.f32 v6, v2;
	[tilespmem:s16+$0x11300] =	vst v14  }
0x52b: {  	s24 =	sor.u32 $0x200, s1;
	[tilespmem:s16+$0x11380] =	vst v12;
	v12 =	vld [tilespmem:s23+$0x9200];
	v5 =	vadd.f32 v5, v2  }
0x52c: {  	s25 =	sor.u32 $0x300, s7;
	[tilespmem:s20+$0x11200] =	vst v6;
	v6 =	vadd.f32 v17, v2;
	v14 =	vld [tilespmem:s24+$0x9200]  }
0x52d: {  	s15 =	sor.u32 $0x380, s6;
	[tilespmem:s20+$0x11280] =	vst v5;
	v5 =	vadd.f32 v15, v2;
	v15 =	vld [tilespmem:s25+$0x9200]  }
0x52e: {  	s26 =	sor.u32 $0x300, s8;
	v17 =	vld [tilespmem:s15+$0x9200];
	[tilespmem:s20+$0x11300] =	vst v6;
	v6 =	vadd.f32 v13, v11  }
0x52f: {  	s16 =	sor.u32 $0x200, s4;
	v13 =	vld [tilespmem:s26+$0x9200];
	[tilespmem:s20+$0x11380] =	vst v5;
	v5 =	vadd.f32 v16, v3  }
0x530: {  	s31 =	sor.u32 $0x300, s17;
	v16 =	vld [tilespmem:s16+$0x9200];
	[tilespmem:s21+$0x11200] =	vst v6;
	v6 =	vadd.f32 v12, v8  }
0x531: {  	s6 =	sor.u32 $0x280, s3;
	[tilespmem:s22+$0x11200] =	vst v5;
	v5 =	vadd.f32 v14, v4;
	v12 =	vld [tilespmem:s31+$0x9200]  }
0x532: {  	s20 =	sor.u32 $0x300, s18;
	v14 =	vld [tilespmem:s6+$0x9200];
	[tilespmem:s23+$0x11200] =	vst v6;
	v6 =	vadd.f32 v15, v7  }
0x533: {  	s22 =	sor.u32 $0x280, s1;
	[tilespmem:s24+$0x11200] =	vst v5;
	v15 =	vld [tilespmem:s20+$0x9200]  }
0x534: {  	s7 =	sor.u32 $0x380, s7;
	s5 =	sor.u32 $0x380, s8;
	s0 =	simm.s32 $0x80;
	v5 =	vadd.f32 v13, v9;
	v13 =	vld [tilespmem:s22+$0x9200];
	[tilespmem:s25+$0x11200] =	vst v6  }
0x535: {  	s8 =	simm.s32 $0xA80;
	s9 =	sand.u32 $0x780, s0;
	s23 =	sand.u32 $0x40, s0;
	v18 =	vld [tilespmem:s7+$0x9200]  }
0x536: {  	s24 =	sadd.s32 $0xA00, s9;
	s9 =	simm.s32 $0x400;
	s25 =	sor.u32 $0x30, s23;
	[tilespmem:s26+$0x11200] =	vst v5;
	v5 =	vld [tilespmem:s8+$0x0]  }
0x537: {  	v10 =	vadd.f32 v17, v10;
	s21 =	sand.u32 $0x3C00, s9;
	s26 =	sor.u32 s25, s24;
	v19 =	vld [tilespmem:s5+$0x9200]  }
0x538: {  	s0 =	sor.u32 s21, s25;
	v16 =	vadd.f32 v16, v2;
	v6 =	vld [tilespmem:s26+$0x0]  }
0x539: {  	[tilespmem:s15+$0x11200] =	vst v10;
	v12 =	vadd.f32 v12, v11;
	v17 =	vld [tilespmem:s0+$0x9200]  }
0x53a: {  	v10 =	vadd.f32 v14, v3;
	v14 =	vld [tilespmem:s0+$0x9280];
	[tilespmem:s16+$0x11200] =	vst v16  }
0x53b: {  	v16 =	vld [tilespmem:s0+$0x9300];
	[tilespmem:s31+$0x11200] =	vst v12;
	s31 =	sor.u32 $0x380, s17  }
0x53c: {  	s15 =	sor.u32 $0x10, s23;
	v15 =	vadd.f32 v15, v8;
	v12 =	vld [tilespmem:s31+$0x9200]  }
0x53d: {  	s16 =	sor.u32 s15, s24;
	[tilespmem:s6+$0x11200] =	vst v10;
	v10 =	vadd.f32 v13, v4;
	v13 =	vld [tilespmem:s0+$0x9380]  }
0x53e: {  	s19 =	sor.u32 $0x20, s23;
	s17 =	sor.u32 s21, s15;
	[tilespmem:s20+$0x11200] =	vst v15;
	v15 =	vadd.f32 v18, v7;
	v7 =	vld [tilespmem:s16+$0x0]  }
0x53f: {  	p1 =	por !p1, !p1;
	s12 =	simm.s32 $0x1;
	s20 =	sor.u32 s19, s24;
	[tilespmem:s22+$0x11200] =	vst v10;
	v10 =	vld [tilespmem:s17+$0x9200];
	v17 =	vadd.f32 v17, v6  }
0x540: {  	s12 =	simm.s32 @!p1 $0x0;
	v18 =	vadd.f32 v19, v9;
	v9 =	vld [tilespmem:s20+$0x0];
	[tilespmem:s7+$0x11200] =	vst v15;
	v14 =	vadd.f32 v14, v6  }
0x541: {  	s12 =	sshll.u32 s12, $0x6;
	v15 =	vld [tilespmem:s17+$0x9280];
	v16 =	vadd.f32 v16, v6;
	[tilespmem:s0+$0x11200] =	vst v17  }
0x542: {  	s13 =	sadd.s32 $0x400, s12;
	v17 =	vld [tilespmem:s17+$0x9300];
	[tilespmem:s0+$0x11280] =	vst v14;
	v13 =	vadd.f32 v13, v6  }
0x543: {  	s20 =	sadd.s32 $0x30, s13;
	s7 =	sor.u32 s21, s19;
	v14 =	vld [tilespmem:s17+$0x9380];
	[tilespmem:s0+$0x11300] =	vst v16  }
0x544: {  	s22 =	sor.u32 $0x200, s20;
	v11 =	vadd.f32 v12, v11;
	v12 =	vld [tilespmem:s7+$0x9200];
	[tilespmem:s0+$0x11380] =	vst v13  }
0x545: {  	[tilespmem:s5+$0x11200] =	vst v18;
	v10 =	vadd.f32 v10, v7;
	v13 =	vld [tilespmem:s22+$0x9200]  }
0x546: {  	[tilespmem:s31+$0x11200] =	vst v11;
	v11 =	vadd.f32 v15, v7;
	v15 =	vld [tilespmem:s7+$0x9280]  }
0x547: {  	v16 =	vld [tilespmem:s7+$0x9300];
	[tilespmem:s17+$0x11200] =	vst v10;
	v10 =	vadd.f32 v17, v7  }
0x548: {  	s23 =	sor.u32 s23, s21;
	[tilespmem:s17+$0x11280] =	vst v11;
	v11 =	vadd.f32 v14, v7;
	v14 =	vld [tilespmem:s7+$0x9380]  }
0x549: {  	v12 =	vadd.f32 v12, v9;
	[tilespmem:s17+$0x11300] =	vst v10;
	v10 =	vld [tilespmem:s23+$0x9200]  }
0x54a: {  	[tilespmem:s17+$0x11380] =	vst v11;
	v11 =	vld [tilespmem:s23+$0x9280];
	v13 =	vadd.f32 v13, v6  }
0x54b: {  	v17 =	vld [tilespmem:s23+$0x9300];
	[tilespmem:s7+$0x11200] =	vst v12;
	v12 =	vadd.f32 v15, v9  }
0x54c: {  	s26 =	sadd.s32 $0x10, s13;
	s16 =	sor.u32 $0x280, s20;
	v16 =	vadd.f32 v16, v9;
	v15 =	vld [tilespmem:s23+$0x9380];
	[tilespmem:s22+$0x11200] =	vst v13  }
0x54d: {  	s17 =	sor.u32 $0x200, s26;
	[tilespmem:s7+$0x11280] =	vst v12;
	v12 =	vadd.f32 v14, v9;
	v13 =	vld [tilespmem:s16+$0x9200]  }
0x54e: {  	s24 =	sadd.s32 $0x20, s13;
	s21 =	sor.u32 $0x280, s4;
	[tilespmem:s7+$0x11300] =	vst v16;
	v14 =	vld [tilespmem:s17+$0x9200];
	v10 =	vadd.f32 v10, v5  }
0x54f: {  	s0 =	sor.u32 $0x200, s24;
	v16 =	vld [tilespmem:s21+$0x9200];
	v11 =	vadd.f32 v11, v5;
	[tilespmem:s7+$0x11380] =	vst v12  }
0x550: {  	s22 =	sor.u32 $0x300, s3;
	[tilespmem:s23+$0x11200] =	vst v10;
	v10 =	vadd.f32 v17, v5;
	v17 =	vld [tilespmem:s0+$0x9200]  }
0x551: {  	s25 =	sor.u32 $0x300, s1;
	[tilespmem:s23+$0x11280] =	vst v11;
	v11 =	vadd.f32 v15, v5;
	v15 =	vld [tilespmem:s22+$0x9200]  }
0x552: {  	v18 =	vld [tilespmem:s25+$0x9200];
	s7 =	sor.u32 $0x380, s18;
	[tilespmem:s23+$0x11300] =	vst v10;
	v10 =	vadd.f32 v13, v6  }
0x553: {  	s11 =	sor.u32 $0x200, s13;
	s28 =	sor.u32 $0x300, s13;
	[tilespmem:s23+$0x11380] =	vst v11;
	v11 =	vadd.f32 v14, v7;
	v14 =	vld [tilespmem:s7+$0x9200]  }
0x554: {  	s29 =	sor.u32 $0x380, s13;
	s10 =	sor.u32 $0x280, s26;
	s12 =	sor.u32 $0x300, s20;
	v16 =	vadd.f32 v16, v2;
	v12 =	vld [tilespmem:s11+$0x9200];
	[tilespmem:s16+$0x11200] =	vst v10  }
0x555: {  	s6 =	sor.u32 $0x300, s26;
	s30 =	sor.u32 $0x280, s24;
	s19 =	sor.u32 $0x300, s4;
	[tilespmem:s17+$0x11200] =	vst v11;
	v11 =	vadd.f32 v17, v9;
	v10 =	vld [tilespmem:s12+$0x9200]  }
0x556: {  	s4 =	sor.u32 $0x380, s4;
	s26 =	sor.u32 $0x380, s26;
	s3 =	sor.u32 $0x380, s3;
	[tilespmem:s21+$0x11200] =	vst v16;
	v13 =	vld [tilespmem:s10+$0x9200];
	v17 =	vadd.f32 v15, v3  }
0x557: {  	s18 =	sor.u32 $0x380, s1;
	s1 =	sor.u32 $0x300, s24;
	s24 =	sor.u32 $0x380, s24;
	v16 =	vadd.f32 v18, v4;
	[tilespmem:s0+$0x11200] =	vst v11;
	v11 =	vld [tilespmem:s19+$0x9200]  }
0x558: {  	s21 =	simm.s32 $0xC0;
	s23 =	simm.s32 $0x8;
	s17 =	sor.u32 $0x280, s13;
	v15 =	vld [tilespmem:s30+$0x9200];
	[tilespmem:s22+$0x11200] =	vst v17;
	v14 =	vadd.f32 v14, v8  }
.LBB2_15:
0x559: {  	s2 =	sand.u32 $0x40, s21;
	s5 =	sand.u32 $0x780, s21;
	v12 =	vadd.f32 v12, v5;
	s8 =	sadd.s32 $0x40, s8;
	v17 =	vld [tilespmem:s3+$0x9200];
	[tilespmem:s25+$0x11200] =	vst v16  }
0x55a: {  	s13 =	sor.u32 $0x10, s2;
	s5 =	sadd.s32 $0xA00, s5;
	s15 =	sor.u32 $0x30, s2;
	v10 =	vadd.f32 v10, v6;
	v16 =	vld [tilespmem:s18+$0x9200];
	[tilespmem:s7+$0x11200] =	vst v14  }
0x55b: {  	s9 =	sadd.s32 $0x200, s9;
	s7 =	sor.u32 $0x20, s2;
	v8 =	vld [tilespmem:s8+$0x0];
	s14 =	sor.u32 s15, s5;
	[tilespmem:s11+$0x11200] =	vst v12;
	v12 =	vadd.f32 v13, v7  }
0x55c: {  	s20 =	sor.u32 $0x380, s20;
	s11 =	sand.u32 $0x3C00, s9;
	s16 =	sor.u32 s13, s5;
	v13 =	vld [tilespmem:s14+$0x0];
	[tilespmem:s12+$0x11200] =	vst v10;
	v10 =	vadd.f32 v11, v2  }
0x55d: {  	s31 =	sor.u32 s7, s5;
	s14 =	sor.u32 s11, s13;
	s5 =	sor.u32 s11, s15;
	[tilespmem:s10+$0x11200] =	vst v12;
	v11 =	vadd.f32 v15, v9;
	v12 =	vld [tilespmem:s20+$0x9200]  }
0x55e: {  	s23 =	sadd.s32 $0x4, s23;
	s12 =	sor.u32 s2, s11;
	s13 =	sor.u32 s11, s7;
	v14 =	vld [tilespmem:s5+$0x9200];
	[tilespmem:s19+$0x11200] =	vst v10;
	v10 =	vadd.f32 v17, v3;
	v3 =	vmov v7  }
0x55f: {  	s25 =	smov.u32 s1;
	p2 =	slt.u32 s23, $0x7C;
	s19 =	smov.u32 s28;
	v15 =	vld [tilespmem:s5+$0x9280];
	[tilespmem:s30+$0x11200] =	vst v11;
	v7 =	vadd.f32 v16, v4;
	v4 =	vmov v9  }
0x560: {  	s7 =	smov.u32 s4;
	s4 =	smov.u32 s29;
	v9 =	vld [tilespmem:s5+$0x9300];
	[tilespmem:s3+$0x11200] =	vst v10;
	s3 =	smov.u32 s26  }
0x561: {  	v10 =	vld [tilespmem:s5+$0x9380];
	[tilespmem:s18+$0x11200] =	vst v7;
	s18 =	smov.u32 s24  }
0x562: {  	v7 =	vld [tilespmem:s16+$0x0];
	v11 =	vadd.f32 v12, v6;
	v6 =	vmov v13  }
0x563: {  	p1 =	por !p1, !p1;
	s1 =	simm.s32 $0x1;
	v12 =	vld [tilespmem:s14+$0x9200];
	v13 =	vadd.f32 v14, v6  }
0x564: {  	s1 =	simm.s32 @!p1 $0x0;
	v14 =	vld [tilespmem:s14+$0x9280];
	v15 =	vadd.f32 v15, v6;
	[tilespmem:s20+$0x11200] =	vst v11  }
0x565: {  	s1 =	sshll.u32 s1, $0x6;
	v11 =	vld [tilespmem:s14+$0x9300];
	[tilespmem:s5+$0x11200] =	vst v13;
	v13 =	vadd.f32 v9, v6  }
0x566: {  	s2 =	sadd.s32 s1, s9;
	v16 =	vld [tilespmem:s14+$0x9380];
	[tilespmem:s5+$0x11280] =	vst v15;
	v10 =	vadd.f32 v10, v6  }
0x567: {  	s29 =	sadd.s32 $0x20, s2;
	s24 =	sadd.s32 $0x10, s2;
	s20 =	sadd.s32 $0x30, s2;
	v9 =	vld [tilespmem:s31+$0x0];
	[tilespmem:s5+$0x11300] =	vst v13  }
0x568: {  	s15 =	sor.u32 $0x200, s29;
	s22 =	sor.u32 $0x200, s20;
	s31 =	sor.u32 $0x200, s24;
	v12 =	vadd.f32 v12, v7;
	v13 =	vld [tilespmem:s13+$0x9200];
	[tilespmem:s5+$0x11380] =	vst v10  }
0x569: {  	s11 =	sor.u32 $0x200, s2;
	s30 =	sor.u32 $0x280, s29;
	s10 =	sor.u32 $0x280, s24;
	v10 =	vadd.f32 v14, v7;
	v14 =	vld [tilespmem:s22+$0x9200]  }
0x56a: {  	s1 =	sor.u32 $0x300, s29;
	s16 =	sor.u32 $0x300, s24;
	s5 =	sor.u32 $0x280, s2;
	[tilespmem:s14+$0x11200] =	vst v12;
	v11 =	vadd.f32 v11, v7;
	v12 =	vld [tilespmem:s13+$0x9280]  }
0x56b: {  	s28 =	sor.u32 $0x300, s2;
	s26 =	sor.u32 $0x380, s24;
	s24 =	sor.u32 $0x380, s29;
	[tilespmem:s14+$0x11280] =	vst v10;
	v10 =	vadd.f32 v16, v7;
	v15 =	vld [tilespmem:s13+$0x9300]  }
0x56c: {  	s29 =	sor.u32 $0x380, s2;
	[tilespmem:s14+$0x11300] =	vst v11;
	v11 =	vld [tilespmem:s13+$0x9380]  }
0x56d: {  	v16 =	vld [tilespmem:s12+$0x9200];
	[tilespmem:s14+$0x11380] =	vst v10;
	v10 =	vadd.f32 v13, v9  }
0x56e: {  	v13 =	vld [tilespmem:s12+$0x9280];
	v14 =	vadd.f32 v14, v6  }
0x56f: {  	v17 =	vld [tilespmem:s12+$0x9300];
	[tilespmem:s13+$0x11200] =	vst v10;
	v10 =	vadd.f32 v12, v9  }
0x570: {  	s2 =	sor.u32 $0x280, s20;
	v12 =	vld [tilespmem:s12+$0x9380];
	v15 =	vadd.f32 v15, v9;
	[tilespmem:s22+$0x11200] =	vst v14  }
0x571: {  	[tilespmem:s13+$0x11280] =	vst v10;
	v10 =	vadd.f32 v11, v9;
	v11 =	vld [tilespmem:s2+$0x9200]  }
0x572: {  	v14 =	vadd.f32 v16, v8;
	v16 =	vld [tilespmem:s31+$0x9200];
	[tilespmem:s13+$0x11300] =	vst v15  }
0x573: {  	v13 =	vadd.f32 v13, v8;
	[tilespmem:s13+$0x11380] =	vst v10;
	v10 =	vld [tilespmem:s17+$0x9200]  }
0x574: {  	[tilespmem:s12+$0x11200] =	vst v14;
	v14 =	vadd.f32 v17, v8;
	v15 =	vld [tilespmem:s15+$0x9200]  }
0x575: {  	[tilespmem:s12+$0x11280] =	vst v13;
	v12 =	vadd.f32 v12, v8;
	v17 =	vld [tilespmem:s6+$0x9200]  }
0x576: {  	[tilespmem:s12+$0x11300] =	vst v14;
	v11 =	vadd.f32 v11, v6;
	v14 =	vld [tilespmem:s25+$0x9200]  }
0x577: {  	[tilespmem:s12+$0x11380] =	vst v12;
	v13 =	vadd.f32 v16, v7;
	v18 =	vld [tilespmem:s7+$0x9200]  }
.Ltmp6:
0x578: {  	s12 =	sor.u32 $0x300, s20;
	v12 =	vld [tilespmem:s11+$0x9200];
	[tilespmem:s2+$0x11200] =	vst v11;
	v11 =	vadd.f32 v10, v5;
	(pc) =	sbr.rel @p2 .LBB2_15-.Ltmp6, $4  }
0x579: {  	[tilespmem:s31+$0x11200] =	vst v13;
	v15 =	vadd.f32 v15, v9;
	v10 =	vld [tilespmem:s12+$0x9200]  }
0x57a: {  	v13 =	vld [tilespmem:s10+$0x9200];
	[tilespmem:s17+$0x11200] =	vst v11;
	v17 =	vadd.f32 v17, v3;
	s17 =	smov.u32 s5  }
0x57b: {  	[tilespmem:s15+$0x11200] =	vst v15;
	v11 =	vld [tilespmem:s19+$0x9200];
	v16 =	vadd.f32 v14, v4  }
0x57c: {  	s21 =	sadd.s32 $0x40, s21;
	v15 =	vld [tilespmem:s30+$0x9200];
	[tilespmem:s6+$0x11200] =	vst v17;
	v14 =	vadd.f32 v18, v2;
	v2 =	vmov v5;
	v5 =	vmov v8;
	s6 =	smov.u32 s16  }
0x57d: {  	v8 =	vadd.f32 v12, v5;
	_ =	sdelay $0x1  }
0x57e: {  	[tilespmem:s11+$0x11200] =	vst v8  }
0x57f: {  	v8 =	vld [tilespmem:s17+$0x9200];
	_ =	sdelay $0x2  }
0x580: {  	v12 =	vadd.f32 v13, v7  }
0x581: {  	v13 =	vadd.f32 v15, v9  }
0x582: {  	[tilespmem:s10+$0x11200] =	vst v12;
	v8 =	vadd.f32 v8, v5  }
0x583: {  	v12 =	vld [tilespmem:s6+$0x9200];
	[tilespmem:s30+$0x11200] =	vst v13  }
0x584: {  	v13 =	vld [tilespmem:s1+$0x9200];
	[tilespmem:s17+$0x11200] =	vst v8  }
0x585: {  	v8 =	vld [tilespmem:s28+$0x9200]  }
0x586: {  	v10 =	vadd.f32 v10, v6  }
0x587: {  	[tilespmem:s25+$0x11200] =	vst v16;
	v11 =	vadd.f32 v11, v2;
	v15 =	vld [tilespmem:s3+$0x9200]  }
0x588: {  	s2 =	sor.u32 $0x380, s20;
	v16 =	vld [tilespmem:s18+$0x9200];
	[tilespmem:s12+$0x11200] =	vst v10;
	v10 =	vadd.f32 v12, v7  }
0x589: {  	[tilespmem:s19+$0x11200] =	vst v11;
	v12 =	vld [tilespmem:s2+$0x9200];
	v11 =	vadd.f32 v13, v9  }
0x58a: {  	v13 =	vld [tilespmem:s4+$0x9200];
	[tilespmem:s6+$0x11200] =	vst v10;
	v8 =	vadd.f32 v8, v5  }
0x58b: {  	v10 =	vld [tilespmem:s26+$0x9200];
	[tilespmem:s1+$0x11200] =	vst v11  }
0x58c: {  	v3 =	vadd.f32 v15, v3;
	v11 =	vld [tilespmem:s24+$0x9200];
	[tilespmem:s28+$0x11200] =	vst v8  }
0x58d: {  	[tilespmem:s7+$0x11200] =	vst v14;
	v4 =	vadd.f32 v16, v4;
	v8 =	vld [tilespmem:s29+$0x9200]  }
0x58e: {  	[tilespmem:s3+$0x11200] =	vst v3;
	v3 =	vadd.f32 v12, v6  }
0x58f: {  	[tilespmem:s18+$0x11200] =	vst v4;
	v2 =	vadd.f32 v13, v2  }
0x590: {  	[tilespmem:s2+$0x11200] =	vst v3;
	v3 =	vadd.f32 v10, v7  }
0x591: {  	[tilespmem:s4+$0x11200] =	vst v2;
	v2 =	vadd.f32 v11, v9  }
0x592: {  	[tilespmem:s26+$0x11200] =	vst v3;
	v3 =	vadd.f32 v8, v5  }
0x593: {  	[tilespmem:s24+$0x11200] =	vst v2  }
0x594: {  	[tilespmem:s29+$0x11200] =	vst v3  }
0x595: {  	s22 =	simm.s32 $0x0;
	s0 =	rddreg [dreg:$0x17]  }
0x596: {  	s23 =	simm.s32 $0x11200;
	s21 =	sadd.s32 $0x1000, s0;
	s0 =	rddreg [dreg:$0x15]  }
0x597: {  	[hbm4b:s21+s22] =	stream.linear.scatter [tilespmem:s23], [sflag:$0x7], $0x4000, $0x38;
	[tilespmem:$0x19200] =	vst v63  }
0x598: {  	v2 =	vld.msk @!p0 [tilespmem:s0+$0x30], $0xff;
	_ =	sdelay $0x4  }
0x599: {  	v3 =	vshll.u32 @!p0 v2, $0x4  }
0x59a: {  	v4 =	vlaneseq.u32 @!p0;
	v2 =	vand.u32 @!p0 $0x7, v2;
	v3 =	vand.u32 @!p0 $0xFFFFFF80, v3  }
0x59b: {  	v2 =	vor.u32 @!p0 v2, v3;
	v3 =	vand.u32 @!p0 $0x7, v4;
	v4 =	vshrl.u32 @!p0 v4, $0x3  }
0x59c: {  	v2 =	vperm.xlane @!p0 v2, v3;
	v3 =	vmul.u32 @!p0 $0x8, v4;
	_ =	sdelay $0x1  }
0x59d: {  	v2 =	vadd.s32 @!p0 v3, v2;
	_ =	sdelay $0x3  }
0x59e: {  	s1 =	simm.s32 @!p0 $0x0;
	s2 =	simm.s32 @!p0 $0x9200;
	s0 =	rddreg [dreg:$0x1]  }
0x59f: {  	[tilespmem:s2], [sflag:$0x5] =	stream.indirect_vreg.gather @!p0 [hbm4b:s0+s1], $0x80, v2, vm1, $0xb8;
	[tilespmem:$0x19200] =	vst v63  }
0x5a0: {  	s2 =	simm.s32 @!p0 $0x9A00;
	s0 =	rddreg [dreg:$0x9]  }
0x5a1: {  	[tilespmem:s2], [sflag:$0x5] =	stream.indirect_vreg.gather @!p0 [hbm4b:s0+s1], $0x80, v2, vm1, $0xb8;
	[tilespmem:$0x19200] =	vst v63  }
0x5a2: {  	s2 =	simm.s32 @!p0 $0xA200;
	s0 =	rddreg [dreg:$0xa]  }
0x5a3: {  	[tilespmem:s2], [sflag:$0x5] =	stream.indirect_vreg.gather @!p0 [hbm4b:s0+s1], $0x80, v2, vm1, $0xb8;
	[tilespmem:$0x19200] =	vst v63  }
0x5a4: {  	s2 =	simm.s32 @!p0 $0xAA00;
	s0 =	rddreg [dreg:$0xb]  }
0x5a5: {  	[tilespmem:s2], [sflag:$0x5] =	stream.indirect_vreg.gather @!p0 [hbm4b:s0+s1], $0x80, v2, vm1, $0xb8;
	[tilespmem:$0x19200] =	vst v63  }
0x5a6: {  	s2 =	simm.s32 @!p0 $0xB200;
	s0 =	rddreg [dreg:$0xc]  }
0x5a7: {  	[tilespmem:s2], [sflag:$0x5] =	stream.indirect_vreg.gather @!p0 [hbm4b:s0+s1], $0x80, v2, vm1, $0xb8;
	[tilespmem:$0x19200] =	vst v63  }
0x5a8: {  	s2 =	simm.s32 @!p0 $0xBA00;
	s0 =	rddreg [dreg:$0xd]  }
0x5a9: {  	[tilespmem:s2], [sflag:$0x5] =	stream.indirect_vreg.gather @!p0 [hbm4b:s0+s1], $0x80, v2, vm1, $0xb8;
	[tilespmem:$0x19200] =	vst v63  }
0x5aa: {  	s2 =	simm.s32 @!p0 $0xC200;
	s0 =	rddreg [dreg:$0xe]  }
0x5ab: {  	[tilespmem:s2], [sflag:$0x5] =	stream.indirect_vreg.gather @!p0 [hbm4b:s0+s1], $0x80, v2, vm1, $0xb8;
	[tilespmem:$0x19200] =	vst v63  }
0x5ac: {  	s24 =	simm.s32 $0x6;
	s2 =	simm.s32 @!p0 $0xCA00;
	s0 =	rddreg [dreg:$0xf]  }
0x5ad: {  	[tilespmem:s2], [sflag:$0x5] =	stream.indirect_vreg.gather @!p0 [hbm4b:s0+s1], $0x80, v2, vm1, $0xb8;
	[tilespmem:$0x19200] =	vst v63  }
0x5ae: {  	_ =	swait.ge [sflag:s24], $0x4000  }
0x5af: {  	[sflag:s24] =	ssyncset.done $0x0  }
0x5b0: {  	s25 =	simm.s32 $0x0;
	s26 =	simm.s32 $0x8;
	[sflag:s24] =	ssyncadd.s32 $0xFFFFC000  }
0x5b1: {  	s31 =	sand.u32 $0x40, s25;
	s6 =	sand.u32 $0x780, s25;
	_ =	swait.ge [sflag:s26], $0x4000  }
0x5b2: {  	s7 =	sor.u32 $0x30, s31;
	s3 =	sadd.s32 $0xA00, s6;
	[sflag:s26] =	ssyncset.done $0x0  }
0x5b3: {  	s5 =	sor.u32 s7, s3;
	s1 =	sand.u32 $0x3C00, s25;
	[sflag:s26] =	ssyncadd.s32 $0xFFFFC000  }
0x5b4: {  	s4 =	sor.u32 s1, s7;
	v10 =	vld [tilespmem:s5+$0x0]  }
0x5b5: {  	v2 =	vld [tilespmem:s4+$0xD200]  }
0x5b6: {  	v3 =	vld [tilespmem:s4+$0xD280]  }
0x5b7: {  	s8 =	sor.u32 $0x10, s31;
	v4 =	vld [tilespmem:s4+$0xD300]  }
0x5b8: {  	s10 =	sor.u32 $0x20, s31;
	s9 =	sor.u32 s8, s3;
	v5 =	vld [tilespmem:s4+$0xD380]  }
0x5b9: {  	s3 =	sor.u32 s10, s3;
	v7 =	vld [tilespmem:s9+$0x0]  }
0x5ba: {  	s5 =	sor.u32 s1, s8;
	v9 =	vld [tilespmem:s3+$0x0]  }
0x5bb: {  	p1 =	por $0x0, $0x0;
	s6 =	simm.s32 $0x1;
	v6 =	vld [tilespmem:s5+$0xD200];
	v2 =	vadd.f32 v2, v10  }
0x5bc: {  	s6 =	simm.s32 @!p1 $0x0;
	v8 =	vld [tilespmem:s5+$0xD280];
	v3 =	vadd.f32 v3, v10  }
0x5bd: {  	s6 =	sshll.u32 s6, $0x6;
	s9 =	sor.u32 s1, s10;
	v11 =	vld [tilespmem:s5+$0xD300];
	[tilespmem:s4+$0x15200] =	vst v2;
	v2 =	vadd.f32 v4, v10  }
0x5be: {  	s18 =	sadd.s32 $0x0, s6;
	v12 =	vld [tilespmem:s9+$0xD280];
	[tilespmem:s4+$0x15280] =	vst v3;
	v3 =	vadd.f32 v5, v10  }
0x5bf: {  	s6 =	sadd.s32 $0x30, s18;
	v4 =	vld [tilespmem:s5+$0xD380];
	[tilespmem:s4+$0x15300] =	vst v2  }
0x5c0: {  	s11 =	sor.u32 $0x200, s6;
	v2 =	vld [tilespmem:s9+$0xD200];
	[tilespmem:s4+$0x15380] =	vst v3  }
0x5c1: {  	s12 =	simm.s32 $0xA00;
	v3 =	vadd.f32 v6, v7;
	v5 =	vld [tilespmem:s11+$0xD200]  }
0x5c2: {  	v6 =	vadd.f32 v8, v7;
	v8 =	vld [tilespmem:s12+$0x0]  }
0x5c3: {  	[tilespmem:s5+$0x15200] =	vst v3;
	v3 =	vadd.f32 v11, v7;
	v11 =	vld [tilespmem:s9+$0xD300]  }
0x5c4: {  	s1 =	sor.u32 s31, s1;
	[tilespmem:s5+$0x15280] =	vst v6;
	v6 =	vld [tilespmem:s9+$0xD380];
	v4 =	vadd.f32 v4, v7  }
0x5c5: {  	[tilespmem:s5+$0x15300] =	vst v3;
	v3 =	vld [tilespmem:s1+$0xD200];
	v2 =	vadd.f32 v2, v9  }
0x5c6: {  	[tilespmem:s5+$0x15380] =	vst v4;
	v4 =	vadd.f32 v5, v10;
	v5 =	vld [tilespmem:s1+$0xD280]  }
0x5c7: {  	[tilespmem:s9+$0x15200] =	vst v2;
	v2 =	vadd.f32 v12, v9;
	v12 =	vld [tilespmem:s1+$0xD300]  }
0x5c8: {  	s13 =	sor.u32 $0x280, s6;
	s7 =	sadd.s32 $0x10, s18;
	v11 =	vadd.f32 v11, v9;
	[tilespmem:s11+$0x15200] =	vst v4;
	v4 =	vld [tilespmem:s1+$0xD380]  }
0x5c9: {  	s14 =	sor.u32 $0x200, s7;
	[tilespmem:s9+$0x15280] =	vst v2;
	v2 =	vadd.f32 v6, v9;
	v6 =	vld [tilespmem:s13+$0xD200]  }
0x5ca: {  	s8 =	sadd.s32 $0x20, s18;
	[tilespmem:s9+$0x15300] =	vst v11;
	v3 =	vadd.f32 v3, v8;
	v11 =	vld [tilespmem:s14+$0xD200]  }
0x5cb: {  	s21 =	simm.s32 $0x40;
	s15 =	sor.u32 $0x200, s8;
	[tilespmem:s9+$0x15380] =	vst v2;
	v2 =	vadd.f32 v5, v8  }
0x5cc: {  	s22 =	sand.u32 $0x40, s21;
	s3 =	sand.u32 $0x780, s21;
	[tilespmem:s1+$0x15200] =	vst v3;
	v5 =	vld [tilespmem:s15+$0xD200];
	v3 =	vadd.f32 v12, v8  }
0x5cd: {  	s24 =	sor.u32 $0x30, s22;
	s3 =	sadd.s32 $0xA00, s3;
	[tilespmem:s1+$0x15280] =	vst v2;
	v2 =	vadd.f32 v4, v8  }
0x5ce: {  	s26 =	sor.u32 s24, s3;
	[tilespmem:s1+$0x15300] =	vst v3;
	v3 =	vadd.f32 v6, v10  }
0x5cf: {  	s16 =	sor.u32 $0x200, s18;
	[tilespmem:s1+$0x15380] =	vst v2;
	v2 =	vadd.f32 v11, v7;
	v11 =	vld [tilespmem:s26+$0x0]  }
0x5d0: {  	s17 =	sor.u32 $0x300, s6;
	s25 =	simm.s32 $0x200;
	v4 =	vld [tilespmem:s16+$0xD200];
	[tilespmem:s13+$0x15200] =	vst v3  }
0x5d1: {  	s23 =	simm.s32 $0xA40;
	s12 =	sand.u32 $0x3C00, s25;
	v3 =	vadd.f32 v5, v9;
	v5 =	vld [tilespmem:s17+$0xD200]  }
0x5d2: {  	s13 =	sor.u32 s12, s24;
	[tilespmem:s14+$0x15200] =	vst v2;
	v2 =	vld [tilespmem:s23+$0x0]  }
0x5d3: {  	v13 =	vld [tilespmem:s13+$0xD200]  }
0x5d4: {  	v14 =	vld [tilespmem:s13+$0xD280]  }
0x5d5: {  	v15 =	vld [tilespmem:s13+$0xD300]  }
0x5d6: {  	s19 =	sor.u32 $0x280, s7;
	s31 =	sor.u32 $0x10, s22;
	v16 =	vld [tilespmem:s13+$0xD380]  }
0x5d7: {  	s14 =	sor.u32 s12, s31;
	v6 =	vld [tilespmem:s19+$0xD200]  }
0x5d8: {  	v17 =	vld [tilespmem:s14+$0xD200];
	v4 =	vadd.f32 v4, v8  }
0x5d9: {  	s20 =	sor.u32 $0x280, s8;
	v18 =	vld [tilespmem:s14+$0xD380];
	[tilespmem:s15+$0x15200] =	vst v3;
	v5 =	vadd.f32 v5, v10  }
0x5da: {  	p1 =	por !p1, !p1;
	s0 =	sor.u32 s31, s3;
	s4 =	simm.s32 $0x1;
	v12 =	vld [tilespmem:s20+$0xD200];
	v15 =	vadd.f32 v15, v11;
	[tilespmem:s16+$0x15200] =	vst v4  }
0x5db: {  	s4 =	simm.s32 @!p1 $0x0;
	v3 =	vld [tilespmem:s0+$0x0];
	v4 =	vadd.f32 v13, v11;
	v13 =	vadd.f32 v14, v11;
	[tilespmem:s17+$0x15200] =	vst v5  }
0x5dc: {  	s4 =	sshll.u32 s4, $0x6;
	s15 =	sor.u32 $0x20, s22;
	v5 =	vld [tilespmem:s14+$0xD280];
	[tilespmem:s13+$0x15300] =	vst v15  }
0x5dd: {  	s4 =	sadd.s32 $0x200, s4;
	v14 =	vld [tilespmem:s14+$0xD300];
	s16 =	sor.u32 s12, s15;
	[tilespmem:s13+$0x15280] =	vst v13;
	v13 =	vadd.f32 v16, v11  }
0x5de: {  	s10 =	sadd.s32 $0x30, s4;
	s3 =	sor.u32 s15, s3;
	v6 =	vadd.f32 v6, v7;
	v15 =	vld [tilespmem:s16+$0xD200];
	[tilespmem:s13+$0x15200] =	vst v4  }
0x5df: {  	s17 =	sor.u32 $0x200, s10;
	v4 =	vld [tilespmem:s3+$0x0];
	v12 =	vadd.f32 v12, v9;
	[tilespmem:s13+$0x15380] =	vst v13  }
0x5e0: {  	[tilespmem:s19+$0x15200] =	vst v6;
	v6 =	vadd.f32 v17, v3;
	v13 =	vld [tilespmem:s17+$0xD200]  }
0x5e1: {  	[tilespmem:s20+$0x15200] =	vst v12;
	v12 =	vld [tilespmem:s16+$0xD280];
	v5 =	vadd.f32 v5, v3  }
0x5e2: {  	[tilespmem:s14+$0x15200] =	vst v6;
	v6 =	vadd.f32 v14, v3;
	v14 =	vld [tilespmem:s16+$0xD300]  }
0x5e3: {  	s19 =	sor.u32 s22, s12;
	v16 =	vld [tilespmem:s16+$0xD380];
	[tilespmem:s14+$0x15280] =	vst v5;
	v5 =	vadd.f32 v18, v3  }
0x5e4: {  	[tilespmem:s14+$0x15300] =	vst v6;
	v6 =	vld [tilespmem:s19+$0xD200];
	v15 =	vadd.f32 v15, v4  }
0x5e5: {  	[tilespmem:s14+$0x15380] =	vst v5;
	v5 =	vld [tilespmem:s19+$0xD280];
	v13 =	vadd.f32 v13, v11  }
0x5e6: {  	v17 =	vld [tilespmem:s19+$0xD300];
	[tilespmem:s16+$0x15200] =	vst v15;
	v12 =	vadd.f32 v12, v4  }
0x5e7: {  	s3 =	sadd.s32 $0x10, s4;
	s20 =	sor.u32 $0x280, s10;
	v15 =	vld [tilespmem:s19+$0xD380];
	v14 =	vadd.f32 v14, v4;
	[tilespmem:s17+$0x15200] =	vst v13  }
0x5e8: {  	s21 =	sor.u32 $0x200, s3;
	[tilespmem:s16+$0x15280] =	vst v12;
	v12 =	vadd.f32 v16, v4;
	v13 =	vld [tilespmem:s20+$0xD200]  }
0x5e9: {  	s1 =	sadd.s32 $0x20, s4;
	s22 =	sor.u32 $0x280, s18;
	v16 =	vld [tilespmem:s21+$0xD200];
	v6 =	vadd.f32 v6, v2;
	[tilespmem:s16+$0x15300] =	vst v14  }
0x5ea: {  	s23 =	sor.u32 $0x200, s1;
	[tilespmem:s16+$0x15380] =	vst v12;
	v12 =	vld [tilespmem:s22+$0xD200];
	v5 =	vadd.f32 v5, v2  }
0x5eb: {  	s15 =	sor.u32 $0x380, s6;
	[tilespmem:s19+$0x15200] =	vst v6;
	v6 =	vadd.f32 v17, v2;
	v14 =	vld [tilespmem:s23+$0xD200]  }
0x5ec: {  	s24 =	sor.u32 $0x300, s7;
	v17 =	vld [tilespmem:s15+$0xD200];
	[tilespmem:s19+$0x15280] =	vst v5;
	v5 =	vadd.f32 v15, v2  }
0x5ed: {  	s25 =	sor.u32 $0x300, s8;
	[tilespmem:s19+$0x15300] =	vst v6;
	v15 =	vld [tilespmem:s24+$0xD200];
	v6 =	vadd.f32 v13, v11  }
0x5ee: {  	s16 =	sor.u32 $0x200, s4;
	v13 =	vld [tilespmem:s25+$0xD200];
	[tilespmem:s19+$0x15380] =	vst v5;
	v5 =	vadd.f32 v16, v3  }
0x5ef: {  	s26 =	sor.u32 $0x300, s10;
	v16 =	vld [tilespmem:s16+$0xD200];
	[tilespmem:s20+$0x15200] =	vst v6;
	v6 =	vadd.f32 v12, v8  }
0x5f0: {  	s17 =	sor.u32 $0x280, s3;
	s19 =	simm.s32 $0x80;
	[tilespmem:s21+$0x15200] =	vst v5;
	v5 =	vadd.f32 v14, v4;
	v12 =	vld [tilespmem:s26+$0xD200]  }
0x5f1: {  	s31 =	sor.u32 $0x300, s18;
	s5 =	sand.u32 $0x40, s19;
	s9 =	sand.u32 $0x780, s19;
	v14 =	vld [tilespmem:s17+$0xD200];
	[tilespmem:s22+$0x15200] =	vst v6  }
0x5f2: {  	s0 =	sor.u32 $0x280, s1;
	s13 =	sadd.s32 $0xA00, s9;
	s20 =	sor.u32 $0x30, s5;
	v6 =	vadd.f32 v15, v7;
	[tilespmem:s23+$0x15200] =	vst v5;
	v15 =	vld [tilespmem:s31+$0xD200]  }
0x5f3: {  	s21 =	sor.u32 s20, s13;
	v5 =	vadd.f32 v13, v9;
	v13 =	vld [tilespmem:s0+$0xD200]  }
0x5f4: {  	s7 =	sor.u32 $0x380, s7;
	s9 =	simm.s32 $0x400;
	[tilespmem:s24+$0x15200] =	vst v6;
	v6 =	vld [tilespmem:s21+$0x0]  }
0x5f5: {  	s6 =	sor.u32 $0x380, s8;
	s8 =	simm.s32 $0xA80;
	s22 =	sand.u32 $0x3C00, s9;
	v18 =	vld [tilespmem:s7+$0xD200]  }
0x5f6: {  	v10 =	vadd.f32 v17, v10;
	s24 =	sor.u32 s22, s20;
	[tilespmem:s25+$0x15200] =	vst v5;
	v5 =	vld [tilespmem:s8+$0x0]  }
0x5f7: {  	v16 =	vadd.f32 v16, v2;
	v17 =	vld [tilespmem:s24+$0xD200]  }
0x5f8: {  	[tilespmem:s15+$0x15200] =	vst v10;
	v12 =	vadd.f32 v12, v11;
	v19 =	vld [tilespmem:s6+$0xD200]  }
0x5f9: {  	v10 =	vadd.f32 v14, v3;
	v14 =	vld [tilespmem:s24+$0xD280];
	[tilespmem:s16+$0x15200] =	vst v16  }
0x5fa: {  	s23 =	sor.u32 $0x380, s10;
	v16 =	vld [tilespmem:s24+$0xD300];
	[tilespmem:s26+$0x15200] =	vst v12  }
0x5fb: {  	s25 =	sor.u32 $0x10, s5;
	v15 =	vadd.f32 v15, v8;
	v12 =	vld [tilespmem:s23+$0xD200]  }
0x5fc: {  	s26 =	sor.u32 s25, s13;
	[tilespmem:s17+$0x15200] =	vst v10;
	v10 =	vadd.f32 v13, v4;
	v13 =	vld [tilespmem:s24+$0xD380]  }
0x5fd: {  	[tilespmem:s31+$0x15200] =	vst v15;
	s31 =	sor.u32 s22, s25;
	v15 =	vadd.f32 v18, v7;
	v7 =	vld [tilespmem:s26+$0x0]  }
0x5fe: {  	p1 =	por !p1, !p1;
	s12 =	simm.s32 $0x1;
	v17 =	vadd.f32 v17, v6;
	[tilespmem:s0+$0x15200] =	vst v10;
	v10 =	vld [tilespmem:s31+$0xD200]  }
0x5ff: {  	s12 =	simm.s32 @!p1 $0x0;
	s0 =	sor.u32 $0x20, s5;
	[tilespmem:s7+$0x15200] =	vst v15;
	v15 =	vld [tilespmem:s31+$0xD280];
	v14 =	vadd.f32 v14, v6  }
0x600: {  	s12 =	sshll.u32 s12, $0x6;
	[tilespmem:s24+$0x15200] =	vst v17;
	v17 =	vld [tilespmem:s31+$0xD300];
	v16 =	vadd.f32 v16, v6;
	s13 =	sor.u32 s0, s13  }
0x601: {  	s12 =	sadd.s32 $0x400, s12;
	v18 =	vadd.f32 v19, v9;
	v9 =	vld [tilespmem:s13+$0x0];
	[tilespmem:s24+$0x15280] =	vst v14;
	v13 =	vadd.f32 v13, v6  }
0x602: {  	s19 =	sadd.s32 $0x30, s12;
	s7 =	sor.u32 s22, s0;
	v14 =	vld [tilespmem:s31+$0xD380];
	[tilespmem:s24+$0x15300] =	vst v16  }
0x603: {  	s14 =	sor.u32 $0x200, s19;
	v11 =	vadd.f32 v12, v11;
	v12 =	vld [tilespmem:s7+$0xD200];
	[tilespmem:s24+$0x15380] =	vst v13  }
0x604: {  	[tilespmem:s6+$0x15200] =	vst v18;
	v10 =	vadd.f32 v10, v7;
	v13 =	vld [tilespmem:s14+$0xD200]  }
0x605: {  	[tilespmem:s23+$0x15200] =	vst v11;
	v11 =	vadd.f32 v15, v7;
	v15 =	vld [tilespmem:s7+$0xD280]  }
0x606: {  	v16 =	vld [tilespmem:s7+$0xD300];
	[tilespmem:s31+$0x15200] =	vst v10;
	v10 =	vadd.f32 v17, v7  }
0x607: {  	s15 =	sor.u32 s5, s22;
	[tilespmem:s31+$0x15280] =	vst v11;
	v11 =	vadd.f32 v14, v7;
	v14 =	vld [tilespmem:s7+$0xD380]  }
0x608: {  	v12 =	vadd.f32 v12, v9;
	[tilespmem:s31+$0x15300] =	vst v10;
	v10 =	vld [tilespmem:s15+$0xD200]  }
0x609: {  	[tilespmem:s31+$0x15380] =	vst v11;
	v11 =	vld [tilespmem:s15+$0xD280];
	v13 =	vadd.f32 v13, v6  }
0x60a: {  	v17 =	vld [tilespmem:s15+$0xD300];
	[tilespmem:s7+$0x15200] =	vst v12;
	v12 =	vadd.f32 v15, v9  }
0x60b: {  	s16 =	sadd.s32 $0x10, s12;
	s23 =	sor.u32 $0x280, s19;
	v16 =	vadd.f32 v16, v9;
	v15 =	vld [tilespmem:s15+$0xD380];
	[tilespmem:s14+$0x15200] =	vst v13  }
0x60c: {  	s24 =	sor.u32 $0x200, s16;
	[tilespmem:s7+$0x15280] =	vst v12;
	v12 =	vadd.f32 v14, v9;
	v13 =	vld [tilespmem:s23+$0xD200]  }
0x60d: {  	s26 =	sor.u32 $0x280, s4;
	s31 =	sadd.s32 $0x20, s12;
	[tilespmem:s7+$0x15300] =	vst v16;
	v14 =	vld [tilespmem:s24+$0xD200];
	v10 =	vadd.f32 v10, v5  }
0x60e: {  	v16 =	vld [tilespmem:s26+$0xD200];
	s21 =	sor.u32 $0x200, s31;
	v11 =	vadd.f32 v11, v5;
	[tilespmem:s7+$0x15380] =	vst v12  }
0x60f: {  	s22 =	sor.u32 $0x300, s3;
	[tilespmem:s15+$0x15200] =	vst v10;
	v10 =	vadd.f32 v17, v5;
	v17 =	vld [tilespmem:s21+$0xD200]  }
0x610: {  	s25 =	sor.u32 $0x300, s1;
	[tilespmem:s15+$0x15280] =	vst v11;
	v11 =	vadd.f32 v15, v5;
	v15 =	vld [tilespmem:s22+$0xD200]  }
0x611: {  	v18 =	vld [tilespmem:s25+$0xD200];
	s7 =	sor.u32 $0x380, s18;
	[tilespmem:s15+$0x15300] =	vst v10;
	v10 =	vadd.f32 v13, v6  }
0x612: {  	s11 =	sor.u32 $0x200, s12;
	s28 =	sor.u32 $0x300, s12;
	[tilespmem:s15+$0x15380] =	vst v11;
	v11 =	vadd.f32 v14, v7;
	v14 =	vld [tilespmem:s7+$0xD200]  }
0x613: {  	s29 =	sor.u32 $0x380, s12;
	s20 =	sor.u32 $0x300, s4;
	s13 =	sor.u32 $0x300, s19;
	v16 =	vadd.f32 v16, v2;
	v12 =	vld [tilespmem:s11+$0xD200];
	[tilespmem:s23+$0x15200] =	vst v10  }
0x614: {  	s10 =	sor.u32 $0x280, s16;
	s17 =	sor.u32 $0x280, s12;
	s4 =	sor.u32 $0x380, s4;
	[tilespmem:s24+$0x15200] =	vst v11;
	v11 =	vadd.f32 v17, v9;
	v10 =	vld [tilespmem:s13+$0xD200]  }
0x615: {  	s3 =	sor.u32 $0x380, s3;
	s6 =	sor.u32 $0x300, s16;
	s30 =	sor.u32 $0x280, s31;
	[tilespmem:s26+$0x15200] =	vst v16;
	v13 =	vld [tilespmem:s10+$0xD200];
	v17 =	vadd.f32 v15, v3  }
0x616: {  	s18 =	sor.u32 $0x380, s1;
	s1 =	sor.u32 $0x300, s31;
	s26 =	sor.u32 $0x380, s16;
	v16 =	vadd.f32 v18, v4;
	[tilespmem:s21+$0x15200] =	vst v11;
	v11 =	vld [tilespmem:s20+$0xD200]  }
0x617: {  	s23 =	simm.s32 $0x8;
	s24 =	sor.u32 $0x380, s31;
	s21 =	simm.s32 $0xC0;
	v15 =	vld [tilespmem:s30+$0xD200];
	[tilespmem:s22+$0x15200] =	vst v17;
	v14 =	vadd.f32 v14, v8  }
.LBB2_17:
0x618: {  	s2 =	sand.u32 $0x40, s21;
	s5 =	sand.u32 $0x780, s21;
	v12 =	vadd.f32 v12, v5;
	s8 =	sadd.s32 $0x40, s8;
	v17 =	vld [tilespmem:s3+$0xD200];
	[tilespmem:s25+$0x15200] =	vst v16  }
0x619: {  	s12 =	sor.u32 $0x10, s2;
	s5 =	sadd.s32 $0xA00, s5;
	s15 =	sor.u32 $0x30, s2;
	v10 =	vadd.f32 v10, v6;
	v16 =	vld [tilespmem:s18+$0xD200];
	[tilespmem:s7+$0x15200] =	vst v14  }
0x61a: {  	s9 =	sadd.s32 $0x200, s9;
	s7 =	sor.u32 $0x20, s2;
	v8 =	vld [tilespmem:s8+$0x0];
	s14 =	sor.u32 s15, s5;
	[tilespmem:s11+$0x15200] =	vst v12;
	v12 =	vadd.f32 v13, v7  }
0x61b: {  	s19 =	sor.u32 $0x380, s19;
	s11 =	sand.u32 $0x3C00, s9;
	s16 =	sor.u32 s12, s5;
	v13 =	vld [tilespmem:s14+$0x0];
	[tilespmem:s13+$0x15200] =	vst v10;
	v10 =	vadd.f32 v11, v2  }
0x61c: {  	s22 =	sor.u32 s7, s5;
	s14 =	sor.u32 s11, s12;
	s5 =	sor.u32 s11, s15;
	[tilespmem:s10+$0x15200] =	vst v12;
	v11 =	vadd.f32 v15, v9;
	v12 =	vld [tilespmem:s19+$0xD200]  }
0x61d: {  	s23 =	sadd.s32 $0x4, s23;
	s12 =	sor.u32 s2, s11;
	s13 =	sor.u32 s11, s7;
	v14 =	vld [tilespmem:s5+$0xD200];
	[tilespmem:s20+$0x15200] =	vst v10;
	v10 =	vadd.f32 v17, v3;
	v3 =	vmov v7  }
0x61e: {  	s25 =	smov.u32 s1;
	p2 =	slt.u32 s23, $0x7C;
	s20 =	smov.u32 s28;
	v15 =	vld [tilespmem:s5+$0xD280];
	[tilespmem:s30+$0x15200] =	vst v11;
	v7 =	vadd.f32 v16, v4;
	v4 =	vmov v9  }
0x61f: {  	s7 =	smov.u32 s4;
	s4 =	smov.u32 s29;
	v9 =	vld [tilespmem:s5+$0xD300];
	[tilespmem:s3+$0x15200] =	vst v10;
	s3 =	smov.u32 s26  }
0x620: {  	v10 =	vld [tilespmem:s5+$0xD380];
	[tilespmem:s18+$0x15200] =	vst v7;
	s18 =	smov.u32 s24  }
0x621: {  	v7 =	vld [tilespmem:s16+$0x0];
	v11 =	vadd.f32 v12, v6;
	v6 =	vmov v13  }
0x622: {  	p1 =	por !p1, !p1;
	s1 =	simm.s32 $0x1;
	v12 =	vld [tilespmem:s14+$0xD200];
	v13 =	vadd.f32 v14, v6  }
0x623: {  	s1 =	simm.s32 @!p1 $0x0;
	v14 =	vld [tilespmem:s14+$0xD280];
	v15 =	vadd.f32 v15, v6;
	[tilespmem:s19+$0x15200] =	vst v11  }
0x624: {  	s1 =	sshll.u32 s1, $0x6;
	v11 =	vld [tilespmem:s14+$0xD300];
	[tilespmem:s5+$0x15200] =	vst v13;
	v13 =	vadd.f32 v9, v6  }
0x625: {  	s2 =	sadd.s32 s1, s9;
	v16 =	vld [tilespmem:s14+$0xD380];
	[tilespmem:s5+$0x15280] =	vst v15;
	v10 =	vadd.f32 v10, v6  }
0x626: {  	s24 =	sadd.s32 $0x10, s2;
	s19 =	sadd.s32 $0x30, s2;
	v9 =	vld [tilespmem:s22+$0x0];
	s22 =	sadd.s32 $0x20, s2;
	[tilespmem:s5+$0x15300] =	vst v13  }
0x627: {  	s31 =	sor.u32 $0x200, s24;
	s0 =	sor.u32 $0x200, s19;
	v12 =	vadd.f32 v12, v7;
	v13 =	vld [tilespmem:s13+$0xD200];
	s15 =	sor.u32 $0x200, s22;
	[tilespmem:s5+$0x15380] =	vst v10  }
0x628: {  	s11 =	sor.u32 $0x200, s2;
	s10 =	sor.u32 $0x280, s24;
	s30 =	sor.u32 $0x280, s22;
	v10 =	vadd.f32 v14, v7;
	v14 =	vld [tilespmem:s0+$0xD200]  }
0x629: {  	s16 =	sor.u32 $0x300, s24;
	s5 =	sor.u32 $0x280, s2;
	s1 =	sor.u32 $0x300, s22;
	[tilespmem:s14+$0x15200] =	vst v12;
	v11 =	vadd.f32 v11, v7;
	v12 =	vld [tilespmem:s13+$0xD280]  }
0x62a: {  	s28 =	sor.u32 $0x300, s2;
	s26 =	sor.u32 $0x380, s24;
	s24 =	sor.u32 $0x380, s22;
	[tilespmem:s14+$0x15280] =	vst v10;
	v10 =	vadd.f32 v16, v7;
	v15 =	vld [tilespmem:s13+$0xD300]  }
0x62b: {  	s29 =	sor.u32 $0x380, s2;
	[tilespmem:s14+$0x15300] =	vst v11;
	v11 =	vld [tilespmem:s13+$0xD380]  }
0x62c: {  	v16 =	vld [tilespmem:s12+$0xD200];
	[tilespmem:s14+$0x15380] =	vst v10;
	v10 =	vadd.f32 v13, v9  }
0x62d: {  	v13 =	vld [tilespmem:s12+$0xD280];
	v14 =	vadd.f32 v14, v6  }
0x62e: {  	v17 =	vld [tilespmem:s12+$0xD300];
	[tilespmem:s13+$0x15200] =	vst v10;
	v10 =	vadd.f32 v12, v9  }
0x62f: {  	v12 =	vld [tilespmem:s12+$0xD380];
	v15 =	vadd.f32 v15, v9;
	[tilespmem:s0+$0x15200] =	vst v14;
	s0 =	sor.u32 $0x280, s19  }
0x630: {  	[tilespmem:s13+$0x15280] =	vst v10;
	v10 =	vadd.f32 v11, v9;
	v11 =	vld [tilespmem:s0+$0xD200]  }
0x631: {  	v14 =	vadd.f32 v16, v8;
	v16 =	vld [tilespmem:s31+$0xD200];
	[tilespmem:s13+$0x15300] =	vst v15  }
0x632: {  	v13 =	vadd.f32 v13, v8;
	[tilespmem:s13+$0x15380] =	vst v10;
	v10 =	vld [tilespmem:s17+$0xD200]  }
0x633: {  	[tilespmem:s12+$0x15200] =	vst v14;
	v14 =	vadd.f32 v17, v8;
	v15 =	vld [tilespmem:s15+$0xD200]  }
0x634: {  	[tilespmem:s12+$0x15280] =	vst v13;
	v12 =	vadd.f32 v12, v8;
	v17 =	vld [tilespmem:s6+$0xD200]  }
0x635: {  	[tilespmem:s12+$0x15300] =	vst v14;
	v11 =	vadd.f32 v11, v6;
	v14 =	vld [tilespmem:s25+$0xD200]  }
0x636: {  	[tilespmem:s12+$0x15380] =	vst v12;
	v13 =	vadd.f32 v16, v7;
	v18 =	vld [tilespmem:s7+$0xD200]  }
.Ltmp7:
0x637: {  	s13 =	sor.u32 $0x300, s19;
	v12 =	vld [tilespmem:s11+$0xD200];
	[tilespmem:s0+$0x15200] =	vst v11;
	v11 =	vadd.f32 v10, v5;
	(pc) =	sbr.rel @p2 .LBB2_17-.Ltmp7, $4  }
0x638: {  	[tilespmem:s31+$0x15200] =	vst v13;
	v15 =	vadd.f32 v15, v9;
	v10 =	vld [tilespmem:s13+$0xD200]  }
0x639: {  	v13 =	vld [tilespmem:s10+$0xD200];
	[tilespmem:s17+$0x15200] =	vst v11;
	v17 =	vadd.f32 v17, v3;
	s17 =	smov.u32 s5  }
0x63a: {  	[tilespmem:s15+$0x15200] =	vst v15;
	v11 =	vld [tilespmem:s20+$0xD200];
	v16 =	vadd.f32 v14, v4  }
0x63b: {  	s21 =	sadd.s32 $0x40, s21;
	v15 =	vld [tilespmem:s30+$0xD200];
	[tilespmem:s6+$0x15200] =	vst v17;
	v14 =	vadd.f32 v18, v2;
	v2 =	vmov v5;
	v5 =	vmov v8;
	s6 =	smov.u32 s16  }
0x63c: {  	v8 =	vadd.f32 v12, v5;
	_ =	sdelay $0x1  }
0x63d: {  	[tilespmem:s11+$0x15200] =	vst v8  }
0x63e: {  	v8 =	vld [tilespmem:s17+$0xD200];
	_ =	sdelay $0x2  }
0x63f: {  	v53 =	vadd.f32 v13, v7  }
0x640: {  	v54 =	vadd.f32 v15, v9  }
0x641: {  	[tilespmem:s10+$0x15200] =	vst v53;
	v8 =	vadd.f32 v8, v5  }
0x642: {  	v12 =	vld [tilespmem:s6+$0xD200];
	[tilespmem:s30+$0x15200] =	vst v54  }
0x643: {  	v55 =	vld [tilespmem:s1+$0xD200];
	[tilespmem:s17+$0x15200] =	vst v8  }
0x644: {  	v56 =	vld [tilespmem:s28+$0xD200]  }
0x645: {  	v10 =	vadd.f32 v10, v6  }
0x646: {  	[tilespmem:s25+$0x15200] =	vst v16;
	v57 =	vld [tilespmem:s3+$0xD200];
	v11 =	vadd.f32 v11, v2  }
0x647: {  	s0 =	sor.u32 $0x380, s19;
	v58 =	vld [tilespmem:s18+$0xD200];
	[tilespmem:s13+$0x15200] =	vst v10;
	v12 =	vadd.f32 v12, v7  }
0x648: {  	v59 =	vld [tilespmem:s0+$0xD200];
	[tilespmem:s20+$0x15200] =	vst v11;
	v8 =	vadd.f32 v55, v9  }
0x649: {  	v60 =	vld [tilespmem:s4+$0xD200];
	[tilespmem:s6+$0x15200] =	vst v12;
	v13 =	vadd.f32 v56, v5  }
0x64a: {  	v61 =	vld [tilespmem:s26+$0xD200];
	[tilespmem:s1+$0x15200] =	vst v8  }
0x64b: {  	v3 =	vadd.f32 v57, v3;
	v62 =	vld [tilespmem:s24+$0xD200];
	[tilespmem:s28+$0x15200] =	vst v13  }
0x64c: {  	[tilespmem:s7+$0x15200] =	vst v14;
	v4 =	vadd.f32 v58, v4;
	v63 =	vld [tilespmem:s29+$0xD200]  }
0x64d: {  	[tilespmem:s3+$0x15200] =	vst v3;
	v3 =	vadd.f32 v59, v6  }
0x64e: {  	[tilespmem:s18+$0x15200] =	vst v4;
	v2 =	vadd.f32 v60, v2  }
0x64f: {  	[tilespmem:s0+$0x15200] =	vst v3;
	v3 =	vadd.f32 v61, v7  }
0x650: {  	[tilespmem:s4+$0x15200] =	vst v2;
	v2 =	vadd.f32 v62, v9  }
0x651: {  	[tilespmem:s26+$0x15200] =	vst v3;
	v3 =	vadd.f32 v63, v5  }
0x652: {  	[tilespmem:s24+$0x15200] =	vst v2  }
0x653: {  	[tilespmem:s29+$0x15200] =	vst v3  }
0x654: {  	s0 =	rddreg [dreg:$0x17]  }
0x655: {  	s31 =	simm.s32 $0x0;
	s2 =	simm.s32 $0x15200;
	s0 =	sadd.s32 $0x1800, s0  }
0x656: {  	[hbm4b:s0+s31] =	stream.linear.scatter [tilespmem:s2], [sflag:$0x8], $0x4000, $0x38;
	[tilespmem:$0x19200] =	vst v63  }
0x657: {  	s0 =	rddreg [dreg:$0x15]  }
0x658: {  	v2 =	vld.msk @!p0 [tilespmem:s0+$0x38], $0xff;
	_ =	sdelay $0x4  }
0x659: {  	v3 =	vshll.u32 @!p0 v2, $0x4  }
0x65a: {  	v4 =	vlaneseq.u32 @!p0;
	v2 =	vand.u32 @!p0 $0x7, v2;
	v3 =	vand.u32 @!p0 $0xFFFFFF80, v3  }
0x65b: {  	v2 =	vor.u32 @!p0 v2, v3;
	v3 =	vand.u32 @!p0 $0x7, v4;
	v4 =	vshrl.u32 @!p0 v4, $0x3  }
0x65c: {  	v2 =	vperm.xlane @!p0 v2, v3;
	v3 =	vmul.u32 @!p0 $0x8, v4;
	_ =	sdelay $0x1  }
0x65d: {  	v2 =	vadd.s32 @!p0 v3, v2;
	_ =	sdelay $0x2  }
0x65e: {  	s22 =	rddreg [dreg:$0x13]  }
0x65f: {  	s1 =	simm.s32 @!p0 $0xD200;
	s2 =	rddreg [dreg:$0x1];
	s0 =	simm.s32 @!p0 $0x0  }
0x660: {  	[tilespmem:s1], [sflag:$0x6] =	stream.indirect_vreg.gather @!p0 [hbm4b:s2+s0], $0x80, v2, vm1, $0xb8;
	[tilespmem:$0x19200] =	vst v63  }
0x661: {  	s1 =	simm.s32 @!p0 $0xDA00;
	s2 =	rddreg [dreg:$0x9]  }
0x662: {  	[tilespmem:s1], [sflag:$0x6] =	stream.indirect_vreg.gather @!p0 [hbm4b:s2+s0], $0x80, v2, vm1, $0xb8;
	[tilespmem:$0x19200] =	vst v63  }
0x663: {  	s1 =	simm.s32 @!p0 $0xE200;
	s2 =	rddreg [dreg:$0xa]  }
0x664: {  	[tilespmem:s1], [sflag:$0x6] =	stream.indirect_vreg.gather @!p0 [hbm4b:s2+s0], $0x80, v2, vm1, $0xb8;
	[tilespmem:$0x19200] =	vst v63  }
0x665: {  	s1 =	simm.s32 @!p0 $0xEA00;
	s2 =	rddreg [dreg:$0xb]  }
0x666: {  	[tilespmem:s1], [sflag:$0x6] =	stream.indirect_vreg.gather @!p0 [hbm4b:s2+s0], $0x80, v2, vm1, $0xb8;
	[tilespmem:$0x19200] =	vst v63  }
0x667: {  	s1 =	simm.s32 @!p0 $0xF200;
	s2 =	rddreg [dreg:$0xc]  }
0x668: {  	[tilespmem:s1], [sflag:$0x6] =	stream.indirect_vreg.gather @!p0 [hbm4b:s2+s0], $0x80, v2, vm1, $0xb8;
	[tilespmem:$0x19200] =	vst v63  }
0x669: {  	s1 =	simm.s32 @!p0 $0xFA00;
	s2 =	rddreg [dreg:$0xd]  }
0x66a: {  	[tilespmem:s1], [sflag:$0x6] =	stream.indirect_vreg.gather @!p0 [hbm4b:s2+s0], $0x80, v2, vm1, $0xb8;
	[tilespmem:$0x19200] =	vst v63  }
0x66b: {  	s1 =	simm.s32 @!p0 $0x10200;
	s2 =	rddreg [dreg:$0xe]  }
0x66c: {  	[tilespmem:s1], [sflag:$0x6] =	stream.indirect_vreg.gather @!p0 [hbm4b:s2+s0], $0x80, v2, vm1, $0xb8;
	[tilespmem:$0x19200] =	vst v63  }
0x66d: {  	s22 =	sadd.s32 $0x1, s22;
	s1 =	simm.s32 @!p0 $0x10A00;
	s2 =	rddreg [dreg:$0xf]  }
0x66e: {  	[tilespmem:s1], [sflag:$0x6] =	stream.indirect_vreg.gather @!p0 [hbm4b:s2+s0], $0x80, v2, vm1, $0xb8;
	[tilespmem:$0x19200] =	vst v63  }
0x66f: {  	p0 =	sne.s32 s22, $0x8  }
.Ltmp8:
0x670: {  	_ = 	snop;
	(pc) =	sbr.rel @p0 .LBB2_2-.Ltmp8, $1  }
0x671: {  	_ =	sdelay $0x3  }
0x672: {  	s0 =	simm.s32 $0x7  }
0x673: {  	_ =	swait.ge [sflag:s0], $0x4000  }
0x674: {  	[sflag:s0] =	ssyncset.done $0x0  }
0x675: {  	s1 =	simm.s32 $0x8;
	[sflag:s0] =	ssyncadd.s32 $0xFFFFC000  }
0x676: {  	_ =	swait.ge [sflag:s1], $0x4000  }
0x677: {  	s2 =	rddreg [dreg:$0x12]  }
0x678: {  	s31 =	rddreg [dreg:$0x11];
	s2 =	sadd.s32 $0x1, s2  }
0x679: {  	p0 =	sne.s32 s2, s31  }
.Ltmp9:
0x67a: {  	_ = 	snop;
	(pc) =	sbr.rel @p0 .LBB2_1-.Ltmp9, $3  }
0x67b: {  	_ =	sdelay $0x1  }
0x67c: {  	[sflag:s1] =	ssyncset.done $0x0  }
0x67d: {  	[sflag:s1] =	ssyncadd.s32 $0xFFFFC000  }
0x67e: {  	_ =	sfence.sel $0x180000  }
0x67f: {  	[bflag:$0x0] =	sbarrier.arrive $0xFFFF  }
0x680: {  	_ =	strace $0x90000047  }
0x681: {  	s0 =	stileid.u32;
	[bflag:$0x2] =	sbarrier.arrive $0xFFFF  }
0x682: {  	p0 =	sne.s32 s0, $0x0;
	s0 =	rddreg [dreg:$0x4]  }
0x683: {  	s0 =	sadd.s32 @!p0 $0x100000, s0  }
0x684: {  	[sflag:s0] =	ssyncadd.tile.s32 @!p0 $0x1;
	_ =	shalt  }
.Lfunc_end2:
_tile_overlayer_lowered:
.L_overlay_start_2:
0x685: {  	(tag) =	ssettag $0x2  }
0x686: {  	s0 =	rddreg [dreg:$0x0];
	s2 =	stileid.u32  }
0x687: {  	s1 =	rddreg [dreg:$0x1];
	p0 =	sne.s32 s2, $0x0  }
0x688: {  	s3 =	rddreg [dreg:$0x2];
	[bflag:$0x3] =	sbarrier.arrive $0xFFFF;
	s2 =	simm.s32 @!p0 $0x1C09  }
0x689: {  	[timem:s3], [sflag:s2] =	dma.local @!p0 [hbm:s0], s1  }
0x68a: {  	s0 =	simm.s32 @!p0 $0x9  }
0x68b: {  	_ =	swait.ge @!p0 [sflag:s0], s1  }
0x68c: {  	s1 =	ssub.s32 @!p0 $0x0, s1;
	[sflag:s0] =	ssyncset.done @!p0 $0x0  }
0x68d: {  	[sflag:s0] =	ssyncadd.s32 @!p0 s1  }
0x68e: {  	[bflag:$0x3] =	sbarrier.arrive $0xFFFF  }
0x68f: {  	_ =	shalt  }

</sc_bundles>
